<compile_context>
chip_gen: v7x
topology: tpu7x:2x2x1
jax: 0.10.2.dev20260603
libtpu: 0.0.44.dev20260713+nightly
codegen_flags: <defaults>
</compile_context>

<pallas_src>
import functools

import jax
import jax.numpy as jnp
from jax import lax
from jax.experimental import pallas as pl
from jax.experimental.pallas import tpu as pltpu
from jax.experimental.pallas import tpu_sc as plsc

N = 10000
E = 160000
D = 128
R = 8
NB = 4

NC = 2
NS = 16
NW = NC * NS
L = 16

CH = 320
NCHUNK = E // CH
WITER = -(-NCHUNK // NW)
NPT = 624
NGRP = CH // L
NSTREAM = 4
SB = CH // NSTREAM
NCHP = 512
WITER2 = NCHP // NW

_mesh = plsc.VectorSubcoreMesh(core_axis_name="c", subcore_axis_name="s")


def _cnt_body(dst_hbm, et_hbm, out_hbm, histv, dstv, etv):
    cid = lax.axis_index("c")
    sid = lax.axis_index("s")
    wid = sid * NC + cid

    def _zero(i, _):
        histv[pl.ds(i * L, L)] = jnp.zeros((L,), jnp.float32)
        return 0

    lax.fori_loop(0, (N * R) // L, _zero, 0)

    ones = jnp.ones((L,), jnp.float32)

    def _chunk(k, _):
        cidx = k * NW + wid

        @pl.when(cidx < NCHUNK)
        def _():
            base = cidx * CH
            pltpu.sync_copy(dst_hbm.at[pl.ds(base, CH)], dstv)
            pltpu.sync_copy(et_hbm.at[pl.ds(base, CH)], etv)
            for g in range(NGRP):
                d16 = dstv[pl.ds(g * L, L)]
                t16 = etv[pl.ds(g * L, L)]
                idx = d16 * R + t16
                plsc.addupdate_scatter(histv, [idx], ones)

        return 0

    lax.fori_loop(0, WITER, _chunk, 0)
    pltpu.sync_copy(histv, out_hbm.at[pl.ds(wid * (N * R), N * R)])


_cnt_kernel = pl.kernel(
    _cnt_body,
    out_type=jax.ShapeDtypeStruct((NW * N * R,), jnp.float32),
    mesh=_mesh,
    scratch_types=[
        pltpu.VMEM((N * R,), jnp.float32),
        pltpu.VMEM((CH,), jnp.int32),
        pltpu.VMEM((CH,), jnp.int32),
    ],
    compiler_params=pltpu.CompilerParams(needs_layout_passes=False),
)


def _inv_body(dst_hbm, et_hbm, inv_hbm, out_hbm, invv, dstv, etv, outv):
    cid = lax.axis_index("c")
    sid = lax.axis_index("s")
    wid = sid * NC + cid
    pltpu.sync_copy(inv_hbm, invv)

    def _chunk(k, _):
        cidx = k * NW + wid
        base = cidx * CH

        @pl.when(cidx < NCHUNK)
        def _():
            pltpu.sync_copy(dst_hbm.at[pl.ds(base, CH)], dstv)
            pltpu.sync_copy(et_hbm.at[pl.ds(base, CH)], etv)
            for g in range(NGRP):
                d16 = dstv[pl.ds(g * L, L)]
                t16 = etv[pl.ds(g * L, L)]
                outv[pl.ds(g * L, L)] = plsc.load_gather(invv, [d16 * R + t16])
            pltpu.sync_copy(outv, out_hbm.at[pl.ds(base, CH)])

        @pl.when(cidx >= NCHUNK)
        def _():
            for g in range(NGRP):
                outv[pl.ds(g * L, L)] = jnp.zeros((L,), jnp.float32)
            pltpu.sync_copy(outv, out_hbm.at[pl.ds(base, CH)])

        return 0

    lax.fori_loop(0, WITER, _chunk, 0)


_inv_kernel = pl.kernel(
    _inv_body,
    out_type=jax.ShapeDtypeStruct((NCHP * CH,), jnp.float32),
    mesh=_mesh,
    scratch_types=[
        pltpu.VMEM((N * R,), jnp.float32),
        pltpu.VMEM((CH,), jnp.int32),
        pltpu.VMEM((CH,), jnp.int32),
        pltpu.VMEM((CH,), jnp.float32),
    ],
    compiler_params=pltpu.CompilerParams(needs_layout_passes=False),
)


def _edge_body(y_hbm, src_hbm, dst_hbm, et_hbm, inve_hbm, out_hbm,
               srcv, dstv, etv, gidx, didx, fbuf, rows, agg_sh, sem, sem2):
    cid = lax.axis_index("c")
    sid = lax.axis_index("s")
    wid = sid * NC + cid

    def _zrow(zr, _):
        for j in range(D // L):
            rows[zr, pl.ds(j * L, L)] = jnp.zeros((L,), jnp.float32)
        return 0

    lax.fori_loop(0, 104, _zrow, 0)
    for q in range(NPT // 104):
        pltpu.sync_copy(rows.at[pl.ds(0, 104)],
                        agg_sh.at[pl.ds(sid * NPT + q * 104, 104)])

    @pl.when(sid == NS - 1)
    def _():
        pltpu.sync_copy(rows.at[pl.ds(0, N - NS * NPT)],
                        agg_sh.at[pl.ds(NS * NPT, N - NS * NPT)])

    plsc.subcore_barrier()

    def _wait_scatter():
        for j in range(NSTREAM):
            pltpu.make_async_copy(rows.at[pl.ds(j * SB, SB)],
                                  agg_sh.at[didx.at[j]], sem2).wait()

    def _chunk(k, _):
        cidx = k * NW + wid
        base = cidx * CH
        pltpu.sync_copy(src_hbm.at[pl.ds(base, CH)], srcv)
        pltpu.sync_copy(dst_hbm.at[pl.ds(base, CH)], dstv)
        pltpu.sync_copy(et_hbm.at[pl.ds(base, CH)], etv)
        pltpu.sync_copy(inve_hbm.at[pl.ds(base, CH)], fbuf)

        @pl.when(k > 0)
        def _():
            _wait_scatter()

        for g in range(NGRP):
            s16 = srcv[pl.ds(g * L, L)]
            t16 = etv[pl.ds(g * L, L)]
            d16 = dstv[pl.ds(g * L, L)]
            gidx[g // (NGRP // NSTREAM),
                 pl.ds((g % (NGRP // NSTREAM)) * L, L)] = s16 * R + t16
            didx[g // (NGRP // NSTREAM),
                 pl.ds((g % (NGRP // NSTREAM)) * L, L)] = d16
        cps = [pltpu.async_copy(y_hbm.at[gidx.at[j]],
                                rows.at[pl.ds(j * SB, SB)], sem)
               for j in range(NSTREAM)]
        for cp in cps:
            cp.wait()

        @plsc.parallel_loop(0, CH, 1, unroll=8)
        def _scale(e):
            fv = plsc.load_gather(fbuf, [jnp.full((L,), e, jnp.int32)])
            for j in range(D // L):
                rows[e, pl.ds(j * L, L)] = rows[e, pl.ds(j * L, L)] * fv

        for j in range(NSTREAM):
            pltpu.async_copy(rows.at[pl.ds(j * SB, SB)],
                             agg_sh.at[didx.at[j]], sem2, add=True)
        return 0

    lax.fori_loop(0, WITER2, _chunk, 0)
    _wait_scatter()
    plsc.subcore_barrier()
    pltpu.sync_copy(agg_sh.at[pl.ds(sid * NPT, NPT)],
                    out_hbm.at[pl.ds(cid * N + sid * NPT, NPT)])

    @pl.when(sid == NS - 1)
    def _():
        pltpu.sync_copy(agg_sh.at[pl.ds(NS * NPT, N - NS * NPT)],
                        out_hbm.at[pl.ds(cid * N + NS * NPT, N - NS * NPT)])


_edge_kernel = pl.kernel(
    _edge_body,
    out_type=jax.ShapeDtypeStruct((NC * N, D), jnp.float32),
    mesh=_mesh,
    scratch_types=[
        pltpu.VMEM((CH,), jnp.int32),
        pltpu.VMEM((CH,), jnp.int32),
        pltpu.VMEM((CH,), jnp.int32),
        pltpu.VMEM((NSTREAM, SB), jnp.int32),
        pltpu.VMEM((NSTREAM, SB), jnp.int32),
        pltpu.VMEM((CH,), jnp.float32),
        pltpu.VMEM((CH, D), jnp.float32),
        pltpu.VMEM_SHARED((N, D), jnp.float32),
        pltpu.SemaphoreType.DMA,
        pltpu.SemaphoreType.DMA,
    ],
    compiler_params=pltpu.CompilerParams(needs_layout_passes=False),
)


NBLK = 25
BR = N // NBLK


def _wcat(comp_ref, bases_ref, r):
    c = comp_ref[...]
    b = bases_ref[...]
    w = c[r, 0] * b[0]
    for q in range(1, NB):
        w = w + c[r, q] * b[q]
    return w


def _prep_body(x_ref, imp_ref, cnt_ref, comp_ref, bases_ref,
               x0_ref, y_ref, inv_ref):
    x0 = x_ref[...] * imp_ref[...]
    x0_ref[...] = x0
    for r in range(R):
        w = _wcat(comp_ref, bases_ref, r)
        y_ref[:, r * D:(r + 1) * D] = jnp.dot(
            x0, w, preferred_element_type=jnp.float32)
    cnt = jnp.sum(cnt_ref[...], axis=0)
    inv_ref[...] = 1.0 / jnp.maximum(cnt, 1.0)


_prep_kernel = pl.pallas_call(
    _prep_body,
    grid=(NBLK,),
    in_specs=[
        pl.BlockSpec((BR, D), lambda i: (i, 0)),
        pl.BlockSpec((BR, 1), lambda i: (i, 0)),
        pl.BlockSpec((NW, BR, R), lambda i: (0, i, 0)),
        pl.BlockSpec((R, NB), lambda i: (0, 0)),
        pl.BlockSpec((NB, D, D), lambda i: (0, 0, 0)),
    ],
    out_specs=[
        pl.BlockSpec((BR, D), lambda i: (i, 0)),
        pl.BlockSpec((BR, R * D), lambda i: (i, 0)),
        pl.BlockSpec((BR, R), lambda i: (i, 0)),
    ],
    out_shape=[
        jax.ShapeDtypeStruct((N, D), jnp.float32),
        jax.ShapeDtypeStruct((N, R * D), jnp.float32),
        jax.ShapeDtypeStruct((N, R), jnp.float32),
    ],
)


def _layer_tail(aggp, xin, root, bias, gamma, beta, mean, var):
    agg = aggp[0] + aggp[1]
    h = agg + jnp.dot(xin, root, preferred_element_type=jnp.float32) + bias
    h = jnp.maximum(h, 0.0)
    return (h - mean) * lax.rsqrt(var + 1e-5) * gamma + beta


def _mid_body(aggp_ref, x0_ref, root_ref, bias_ref, g_ref, b_ref, m_ref,
              v_ref, comp_ref, bases_ref, x1_ref, y_ref):
    x1 = _layer_tail(aggp_ref[...], x0_ref[...], root_ref[...], bias_ref[...],
                     g_ref[...], b_ref[...], m_ref[...], v_ref[...])
    x1_ref[...] = x1
    for r in range(R):
        w = _wcat(comp_ref, bases_ref, r)
        y_ref[:, r * D:(r + 1) * D] = jnp.dot(
            x1, w, preferred_element_type=jnp.float32)


_mid_kernel = pl.pallas_call(
    _mid_body,
    grid=(NBLK,),
    in_specs=[
        pl.BlockSpec((NC, BR, D), lambda i: (0, i, 0)),
        pl.BlockSpec((BR, D), lambda i: (i, 0)),
        pl.BlockSpec((D, D), lambda i: (0, 0)),
        pl.BlockSpec((1, D), lambda i: (0, 0)),
        pl.BlockSpec((1, D), lambda i: (0, 0)),
        pl.BlockSpec((1, D), lambda i: (0, 0)),
        pl.BlockSpec((1, D), lambda i: (0, 0)),
        pl.BlockSpec((1, D), lambda i: (0, 0)),
        pl.BlockSpec((R, NB), lambda i: (0, 0)),
        pl.BlockSpec((NB, D, D), lambda i: (0, 0, 0)),
    ],
    out_specs=[
        pl.BlockSpec((BR, D), lambda i: (i, 0)),
        pl.BlockSpec((BR, R * D), lambda i: (i, 0)),
    ],
    out_shape=[
        jax.ShapeDtypeStruct((N, D), jnp.float32),
        jax.ShapeDtypeStruct((N, R * D), jnp.float32),
    ],
)


def _final_body(aggp_ref, x1_ref, root_ref, bias_ref, g_ref, b_ref, m_ref,
                v_ref, out_ref):
    out_ref[...] = _layer_tail(
        aggp_ref[...], x1_ref[...], root_ref[...], bias_ref[...],
        g_ref[...], b_ref[...], m_ref[...], v_ref[...])


_final_kernel = pl.pallas_call(
    _final_body,
    grid=(NBLK,),
    in_specs=[
        pl.BlockSpec((NC, BR, D), lambda i: (0, i, 0)),
        pl.BlockSpec((BR, D), lambda i: (i, 0)),
        pl.BlockSpec((D, D), lambda i: (0, 0)),
        pl.BlockSpec((1, D), lambda i: (0, 0)),
        pl.BlockSpec((1, D), lambda i: (0, 0)),
        pl.BlockSpec((1, D), lambda i: (0, 0)),
        pl.BlockSpec((1, D), lambda i: (0, 0)),
        pl.BlockSpec((1, D), lambda i: (0, 0)),
    ],
    out_specs=pl.BlockSpec((BR, D), lambda i: (i, 0)),
    out_shape=jax.ShapeDtypeStruct((N, D), jnp.float32),
)


@jax.jit
def kernel(X, X_importance, edge_index, edge_type, index,
           comp0, bases0, root0, bias0, gamma0, beta0, mean0, var0,
           comp1, bases1, root1, bias1, gamma1, beta1, mean1, var1):
    del index
    epad = NCHP * CH - E
    pad_ids = jnp.arange(epad, dtype=jnp.int32)
    srcp = jnp.concatenate([edge_index[0], pad_ids % N])
    dstp = jnp.concatenate([edge_index[1], pad_ids % N])
    etp = jnp.concatenate([edge_type, pad_ids % R])

    cnt = _cnt_kernel(dstp, etp).reshape(NW, N, R)
    x0, y0, inv = _prep_kernel(X, X_importance, cnt, comp0, bases0)
    invp = _inv_kernel(dstp, etp, inv.reshape(N * R))

    aggp0 = _edge_kernel(y0.reshape(N * R, D), srcp, dstp, etp,
                         invp).reshape(NC, N, D)
    x1, y1 = _mid_kernel(aggp0, x0, root0, bias0.reshape(1, D),
                         gamma0.reshape(1, D), beta0.reshape(1, D),
                         mean0.reshape(1, D), var0.reshape(1, D),
                         comp1, bases1)
    aggp1 = _edge_kernel(y1.reshape(N * R, D), srcp, dstp, etp,
                         invp).reshape(NC, N, D)
    out = _final_kernel(aggp1, x1, root1, bias1.reshape(1, D),
                        gamma1.reshape(1, D), beta1.reshape(1, D),
                        mean1.reshape(1, D), var1.reshape(1, D))
    return out

# --- scband reference (transcript-rebuilt; emitter-appended) ---
"""Pipeline reference for scband-rgcn-46059229283036 (READ-ONLY COPY).

The authoritative reference and input builder live on the scoring server;
editing this copy changes nothing except your own understanding.
"""

import jax, jax.numpy as jnp
import numpy as np

N = 10000
E = 160000
D = 128
R = 8
NB = 4


def setup_inputs(seed: int = 0) -> dict:
    key = jax.random.key(seed)
    ks = jax.random.split(key, 16)
    inp = {}
    inp["X"] = jax.random.normal(ks[0], (N, D), dtype=jnp.float32)
    inp["X_importance"] = jax.random.uniform(ks[1], (N, 1), dtype=jnp.float32)
    inp["edge_index"] = jax.random.randint(ks[2], (2, E), 0, N, dtype=jnp.int32)
    inp["edge_type"] = jax.random.randint(ks[3], (E,), 0, R, dtype=jnp.int32)
    inp["index"] = jax.random.randint(ks[4], (N,), 0, N, dtype=jnp.int32)
    for li in range(2):
        kc, kb, kr = jax.random.split(ks[5 + li], 3)
        inp[f"comp{li}"] = jax.random.normal(kc, (R, NB), dtype=jnp.float32) * 0.1
        inp[f"bases{li}"] = jax.random.normal(kb, (NB, D, D), dtype=jnp.float32) * 0.05
        inp[f"root{li}"] = jax.random.normal(kr, (D, D), dtype=jnp.float32) * 0.05
        inp[f"bias{li}"] = jnp.zeros((D,), dtype=jnp.float32)
        inp[f"gamma{li}"] = jnp.ones((D,), dtype=jnp.float32)
        inp[f"beta{li}"] = jnp.zeros((D,), dtype=jnp.float32)
        inp[f"mean{li}"] = jnp.zeros((D,), dtype=jnp.float32)
        inp[f"var{li}"] = jnp.ones((D,), dtype=jnp.float32)
    return inp


def _fast_rgcn_layer(x, src, dst, edge_type, comp, bases, root, bias):
    # weight[r] = sum_b comp[r,b] * bases[b]
    weight = jnp.einsum('rb,bio->rio', comp, bases)
    num_rel = weight.shape[0]
    x_src = x[src]  # gather [E, in]
    msgs = jnp.zeros((src.shape[0], weight.shape[2]), dtype=x.dtype)
    for r in range(num_rel):
        msgs = msgs + jnp.where((edge_type == r)[:, None], x_src @ weight[r], 0.0)
    # FastRGCNConv 'mean' aggregation: normalize by per-(dst, relation) edge count
    oh = jax.nn.one_hot(edge_type, num_rel, dtype=x.dtype)
    cnt = jax.ops.segment_sum(oh, dst, num_segments=x.shape[0])  # [N, R]
    norm = jnp.take_along_axis(cnt[dst], edge_type[:, None].astype(jnp.int32), axis=1)  # [E, 1]
    msgs = msgs / jnp.clip(norm, 1.0, None)
    agg = jax.ops.segment_sum(msgs, dst, num_segments=x.shape[0])  # scatter-add [N, out]
    return agg + x @ root + bias


def _bn(x, gamma, beta, mean, var):
    # PyG BatchNorm in eval mode: running stats
    return (x - mean) / jnp.sqrt(var + 1e-5) * gamma + beta


def reference(X, X_importance, edge_index, edge_type, index,
              comp0, bases0, root0, bias0, gamma0, beta0, mean0, var0,
              comp1, bases1, root1, bias1, gamma1, beta1, mean1, var1):
    src = edge_index[0]
    dst = edge_index[1]
    # node_encoder = identity
    x = X * X_importance
    # layer 0
    x = _fast_rgcn_layer(x, src, dst, edge_type, comp0, bases0, root0, bias0)
    x = jax.nn.relu(x)
    x = _bn(x, gamma0, beta0, mean0, var0)
    # dropout: eval mode no-op
    # layer 1
    x = _fast_rgcn_layer(x, src, dst, edge_type, comp1, bases1, root1, bias1)
    x = jax.nn.relu(x)
    x = _bn(x, gamma1, beta1, mean1, var1)
    return x

if __name__ == "__main__":
    import jax
    _d = setup_inputs()
    print(jax.jit(kernel)(*tuple(_d.values())))

</pallas_src>

<mosaic_0001>
#map = affine_map<(d0, d1) -> (0)>
module attributes {stable_mosaic.version = 14 : i64} {
  func.func @_cnt_body(%arg0: i32, %arg1: i32, %arg2: memref<163840xi32, #tpu.memory_space<hbm>>, %arg3: memref<163840xi32, #tpu.memory_space<hbm>>, %arg4: memref<2560000xf32, #tpu.memory_space<hbm>>, %arg5: memref<80000xf32, #tpu.memory_space<vmem>>, %arg6: memref<320xi32, #tpu.memory_space<vmem>>, %arg7: memref<320xi32, #tpu.memory_space<vmem>>) attributes {dimension_semantics = [#tpu.dimension_semantics<core_parallel>, #tpu.dimension_semantics<subcore_parallel>], iteration_bounds = array<i64: 2, 16>, scalar_prefetch = 0 : i64, scratch_operands = 3 : i64, tpu.core_type = #tpu.core_type<sc_vector_subcore>, window_params = [{transform_indices = #map}, {transform_indices = #map}, {transform_indices = #map}]} {
    %mul3A = arith.constant 2 : i32
    %mul3A_0 = arith.muli %arg1, %mul3A : i32
    %add3A = arith.addi %mul3A_0, %arg0 : i32
    %scan3A = arith.constant 0 : i32
    %scan3A_1 = arith.constant 0 : i32
    %scan3A_2 = arith.constant 5000 : i32
    %scan3A_3 = arith.addi %scan3A_1, %scan3A_2 : i32
    %scan3A_4 = arith.constant 1 : i32
    %scan3A_5 = scf.for %scan3A_17 = %scan3A_1 to %scan3A_3 step %scan3A_4 iter_args(%scan3A_18 = %scan3A) -> (i32)  : i32 {
      %broadcast_in_dim3A_19 = arith.constant 0.000000e+00 : f32
      %broadcast_in_dim3A_20 = vector.broadcast %broadcast_in_dim3A_19 : f32 to vector<16xf32>
      %mul3A_21 = arith.constant 16 : i32
      %mul3A_22 = arith.muli %scan3A_17, %mul3A_21 : i32
      %swap3A = arith.index_cast %mul3A_22 : i32 to index
      %swap3A_23 = tpu.vector_load %arg5[%swap3A] {strides = array<i32>} : memref<80000xf32, #tpu.memory_space<vmem>>, vector<16xf32>,
      tpu.vector_store %arg5[%swap3A], %broadcast_in_dim3A_20 {strides = array<i32>} : memref<80000xf32, #tpu.memory_space<vmem>>, vector<16xf32>,
      %scan3A_24 = arith.constant 0 : i32
      scf.yield %scan3A_24 : i32
    }
    %scan3A_6 = arith.constant 5000 : i32
    %broadcast_in_dim3A = arith.constant 1.000000e+00 : f32
    %broadcast_in_dim3A_7 = vector.broadcast %broadcast_in_dim3A : f32 to vector<16xf32>
    %scan3A_8 = arith.constant 0 : i32
    %scan3A_9 = arith.constant 0 : i32
    %scan3A_10 = arith.constant 16 : i32
    %scan3A_11 = arith.addi %scan3A_9, %scan3A_10 : i32
    %scan3A_12 = arith.constant 1 : i32
    %scan3A_13 = scf.for %scan3A_17 = %scan3A_9 to %scan3A_11 step %scan3A_12 iter_args(%scan3A_18 = %scan3A_8) -> (i32)  : i32 {
      %mul3A_19 = arith.constant 32 : i32
      %mul3A_20 = arith.muli %scan3A_17, %mul3A_19 : i32
      %add3A_21 = arith.addi %mul3A_20, %add3A : i32
      %lt3A = arith.constant 500 : i32
      %lt3A_22 = arith.cmpi slt, %add3A_21, %lt3A : i32
      %convert_element_type3A = arith.extui %lt3A_22 : i1 to i32
      %cond3A = arith.constant 0 : i32
      %cond3A_23 = arith.cmpi ne, %convert_element_type3A, %cond3A : i32
      scf.if %cond3A_23 {
        %mul3A_25 = arith.constant 320 : i32
        %mul3A_26 = arith.muli %add3A_21, %mul3A_25 : i32
        "tpu.region"() ({
          %run_scoped3A = tpu.sem_alloc : memref<!tpu.dma_semaphore, #tpu.memory_space<semaphore_mem>>
          %dma_start3A = tpu.memref_slice %arg2[%mul3A_26] : memref<163840xi32, #tpu.memory_space<hbm>> -> memref<320xi32, #tpu.memory_space<hbm>>
          %dma_start3A_186 = tpu.memref_slice %arg2[%mul3A_26] : memref<163840xi32, #tpu.memory_space<hbm>> -> memref<320xi32, #tpu.memory_space<hbm>>
          tpu.enqueue_dma source(%dma_start3A_186 : memref<320xi32, #tpu.memory_space<hbm>>) target(%arg6 : memref<320xi32, #tpu.memory_space<vmem>>) target_semaphore(%run_scoped3A : memref<!tpu.dma_semaphore, #tpu.memory_space<semaphore_mem>>)
          %dma_wait3A = tpu.memref_slice %arg2[%mul3A_26] : memref<163840xi32, #tpu.memory_space<hbm>> -> memref<320xi32, #tpu.memory_space<hbm>>
          %dma_wait3A_187 = tpu.memref_slice %arg2[%mul3A_26] : memref<163840xi32, #tpu.memory_space<hbm>> -> memref<320xi32, #tpu.memory_space<hbm>>
          tpu.wait_dma2 semaphore(%run_scoped3A : memref<!tpu.dma_semaphore, #tpu.memory_space<semaphore_mem>>) src(%dma_wait3A_187 : memref<320xi32, #tpu.memory_space<hbm>>) dst(%arg6 : memref<320xi32, #tpu.memory_space<vmem>>)
          tpu.yield
        }) : () -> ()
        "tpu.region"() ({
          %run_scoped3A = tpu.sem_alloc : memref<!tpu.dma_semaphore, #tpu.memory_space<semaphore_mem>>
          %dma_start3A = tpu.memref_slice %arg3[%mul3A_26] : memref<163840xi32, #tpu.memory_space<hbm>> -> memref<320xi32, #tpu.memory_space<hbm>>
          %dma_start3A_186 = tpu.memref_slice %arg3[%mul3A_26] : memref<163840xi32, #tpu.memory_space<hbm>> -> memref<320xi32, #tpu.memory_space<hbm>>
          tpu.enqueue_dma source(%dma_start3A_186 : memref<320xi32, #tpu.memory_space<hbm>>) target(%arg7 : memref<320xi32, #tpu.memory_space<vmem>>) target_semaphore(%run_scoped3A : memref<!tpu.dma_semaphore, #tpu.memory_space<semaphore_mem>>)
          %dma_wait3A = tpu.memref_slice %arg3[%mul3A_26] : memref<163840xi32, #tpu.memory_space<hbm>> -> memref<320xi32, #tpu.memory_space<hbm>>
          %dma_wait3A_187 = tpu.memref_slice %arg3[%mul3A_26] : memref<163840xi32, #tpu.memory_space<hbm>> -> memref<320xi32, #tpu.memory_space<hbm>>
          tpu.wait_dma2 semaphore(%run_scoped3A : memref<!tpu.dma_semaphore, #tpu.memory_space<semaphore_mem>>) src(%dma_wait3A_187 : memref<320xi32, #tpu.memory_space<hbm>>) dst(%arg7 : memref<320xi32, #tpu.memory_space<vmem>>)
          tpu.yield
        }) : () -> ()
        %get3A = arith.constant 0 : index
        %get3A_27 = tpu.vector_load %arg6[%get3A] {strides = array<i32>} : memref<320xi32, #tpu.memory_space<vmem>>, vector<16xi32>,
        %get3A_28 = arith.constant 0 : index
        %get3A_29 = tpu.vector_load %arg7[%get3A_28] {strides = array<i32>} : memref<320xi32, #tpu.memory_space<vmem>>, vector<16xi32>,
        %mul3A_30 = arith.constant 8 : i32
        %mul3A_31 = vector.broadcast %mul3A_30 : i32 to vector<16xi32>
        %mul3A_32 = arith.muli %get3A_27, %mul3A_31 : vector<16xi32>
        %add3A_33 = arith.addi %mul3A_32, %get3A_29 : vector<16xi32>
        tpu.vector_store_idx %arg5[%add3A_33], %broadcast_in_dim3A_7 {add = true} : memref<80000xf32, #tpu.memory_space<vmem>>[vector<16xi32>], vector<16xf32>,
        %get3A_34 = arith.constant 16 : index
        %get3A_35 = tpu.vector_load %arg6[%get3A_34] {strides = array<i32>} : memref<320xi32, #tpu.memory_space<vmem>>, vector<16xi32>,
        %get3A_36 = arith.constant 16 : index
        %get3A_37 = tpu.vector_load %arg7[%get3A_36] {strides = array<i32>} : memref<320xi32, #tpu.memory_space<vmem>>, vector<16xi32>,
        %mul3A_38 = arith.constant 8 : i32
        %mul3A_39 = vector.broadcast %mul3A_38 : i32 to vector<16xi32>
        %mul3A_40 = arith.muli %get3A_35, %mul3A_39 : vector<16xi32>
        %add3A_41 = arith.addi %mul3A_40, %get3A_37 : vector<16xi32>
        tpu.vector_store_idx %arg5[%add3A_41], %broadcast_in_dim3A_7 {add = true} : memref<80000xf32, #tpu.memory_space<vmem>>[vector<16xi32>], vector<16xf32>,
        %get3A_42 = arith.constant 32 : index
        %get3A_43 = tpu.vector_load %arg6[%get3A_42] {strides = array<i32>} : memref<320xi32, #tpu.memory_space<vmem>>, vector<16xi32>,
        %get3A_44 = arith.constant 32 : index
        %get3A_45 = tpu.vector_load %arg7[%get3A_44] {strides = array<i32>} : memref<320xi32, #tpu.memory_space<vmem>>, vector<16xi32>,
        %mul3A_46 = arith.constant 8 : i32
        %mul3A_47 = vector.broadcast %mul3A_46 : i32 to vector<16xi32>
        %mul3A_48 = arith.muli %get3A_43, %mul3A_47 : vector<16xi32>
        %add3A_49 = arith.addi %mul3A_48, %get3A_45 : vector<16xi32>
        tpu.vector_store_idx %arg5[%add3A_49], %broadcast_in_dim3A_7 {add = true} : memref<80000xf32, #tpu.memory_space<vmem>>[vector<16xi32>], vector<16xf32>,
        %get3A_50 = arith.constant 48 : index
        %get3A_51 = tpu.vector_load %arg6[%get3A_50] {strides = array<i32>} : memref<320xi32, #tpu.memory_space<vmem>>, vector<16xi32>,
        %get3A_52 = arith.constant 48 : index
        %get3A_53 = tpu.vector_load %arg7[%get3A_52] {strides = array<i32>} : memref<320xi32, #tpu.memory_space<vmem>>, vector<16xi32>,
        %mul3A_54 = arith.constant 8 : i32
        %mul3A_55 = vector.broadcast %mul3A_54 : i32 to vector<16xi32>
        %mul3A_56 = arith.muli %get3A_51, %mul3A_55 : vector<16xi32>
        %add3A_57 = arith.addi %mul3A_56, %get3A_53 : vector<16xi32>
        tpu.vector_store_idx %arg5[%add3A_57], %broadcast_in_dim3A_7 {add = true} : memref<80000xf32, #tpu.memory_space<vmem>>[vector<16xi32>], vector<16xf32>,
        %get3A_58 = arith.constant 64 : index
        %get3A_59 = tpu.vector_load %arg6[%get3A_58] {strides = array<i32>} : memref<320xi32, #tpu.memory_space<vmem>>, vector<16xi32>,
        %get3A_60 = arith.constant 64 : index
        %get3A_61 = tpu.vector_load %arg7[%get3A_60] {strides = array<i32>} : memref<320xi32, #tpu.memory_space<vmem>>, vector<16xi32>,
        %mul3A_62 = arith.constant 8 : i32
        %mul3A_63 = vector.broadcast %mul3A_62 : i32 to vector<16xi32>
        %mul3A_64 = arith.muli %get3A_59, %mul3A_63 : vector<16xi32>
        %add3A_65 = arith.addi %mul3A_64, %get3A_61 : vector<16xi32>
        tpu.vector_store_idx %arg5[%add3A_65], %broadcast_in_dim3A_7 {add = true} : memref<80000xf32, #tpu.memory_space<vmem>>[vector<16xi32>], vector<16xf32>,
        %get3A_66 = arith.constant 80 : index
        %get3A_67 = tpu.vector_load %arg6[%get3A_66] {strides = array<i32>} : memref<320xi32, #tpu.memory_space<vmem>>, vector<16xi32>,
        %get3A_68 = arith.constant 80 : index
        %get3A_69 = tpu.vector_load %arg7[%get3A_68] {strides = array<i32>} : memref<320xi32, #tpu.memory_space<vmem>>, vector<16xi32>,
        %mul3A_70 = arith.constant 8 : i32
        %mul3A_71 = vector.broadcast %mul3A_70 : i32 to vector<16xi32>
        %mul3A_72 = arith.muli %get3A_67, %mul3A_71 : vector<16xi32>
        %add3A_73 = arith.addi %mul3A_72, %get3A_69 : vector<16xi32>
        tpu.vector_store_idx %arg5[%add3A_73], %broadcast_in_dim3A_7 {add = true} : memref<80000xf32, #tpu.memory_space<vmem>>[vector<16xi32>], vector<16xf32>,
        %get3A_74 = arith.constant 96 : index
        %get3A_75 = tpu.vector_load %arg6[%get3A_74] {strides = array<i32>} : memref<320xi32, #tpu.memory_space<vmem>>, vector<16xi32>,
        %get3A_76 = arith.constant 96 : index
        %get3A_77 = tpu.vector_load %arg7[%get3A_76] {strides = array<i32>} : memref<320xi32, #tpu.memory_space<vmem>>, vector<16xi32>,
        %mul3A_78 = arith.constant 8 : i32
        %mul3A_79 = vector.broadcast %mul3A_78 : i32 to vector<16xi32>
        %mul3A_80 = arith.muli %get3A_75, %mul3A_79 : vector<16xi32>
        %add3A_81 = arith.addi %mul3A_80, %get3A_77 : vector<16xi32>
        tpu.vector_store_idx %arg5[%add3A_81], %broadcast_in_dim3A_7 {add = true} : memref<80000xf32, #tpu.memory_space<vmem>>[vector<16xi32>], vector<16xf32>,
        %get3A_82 = arith.constant 112 : index
        %get3A_83 = tpu.vector_load %arg6[%get3A_82] {strides = array<i32>} : memref<320xi32, #tpu.memory_space<vmem>>, vector<16xi32>,
        %get3A_84 = arith.constant 112 : index
        %get3A_85 = tpu.vector_load %arg7[%get3A_84] {strides = array<i32>} : memref<320xi32, #tpu.memory_space<vmem>>, vector<16xi32>,
        %mul3A_86 = arith.constant 8 : i32
        %mul3A_87 = vector.broadcast %mul3A_86 : i32 to vector<16xi32>
        %mul3A_88 = arith.muli %get3A_83, %mul3A_87 : vector<16xi32>
        %add3A_89 = arith.addi %mul3A_88, %get3A_85 : vector<16xi32>
        tpu.vector_store_idx %arg5[%add3A_89], %broadcast_in_dim3A_7 {add = true} : memref<80000xf32, #tpu.memory_space<vmem>>[vector<16xi32>], vector<16xf32>,
        %get3A_90 = arith.constant 128 : index
        %get3A_91 = tpu.vector_load %arg6[%get3A_90] {strides = array<i32>} : memref<320xi32, #tpu.memory_space<vmem>>, vector<16xi32>,
        %get3A_92 = arith.constant 128 : index
        %get3A_93 = tpu.vector_load %arg7[%get3A_92] {strides = array<i32>} : memref<320xi32, #tpu.memory_space<vmem>>, vector<16xi32>,
        %mul3A_94 = arith.constant 8 : i32
        %mul3A_95 = vector.broadcast %mul3A_94 : i32 to vector<16xi32>
        %mul3A_96 = arith.muli %get3A_91, %mul3A_95 : vector<16xi32>
        %add3A_97 = arith.addi %mul3A_96, %get3A_93 : vector<16xi32>
        tpu.vector_store_idx %arg5[%add3A_97], %broadcast_in_dim3A_7 {add = true} : memref<80000xf32, #tpu.memory_space<vmem>>[vector<16xi32>], vector<16xf32>,
        %get3A_98 = arith.constant 144 : index
        %get3A_99 = tpu.vector_load %arg6[%get3A_98] {strides = array<i32>} : memref<320xi32, #tpu.memory_space<vmem>>, vector<16xi32>,
        %get3A_100 = arith.constant 144 : index
        %get3A_101 = tpu.vector_load %arg7[%get3A_100] {strides = array<i32>} : memref<320xi32, #tpu.memory_space<vmem>>, vector<16xi32>,
        %mul3A_102 = arith.constant 8 : i32
        %mul3A_103 = vector.broadcast %mul3A_102 : i32 to vector<16xi32>
        %mul3A_104 = arith.muli %get3A_99, %mul3A_103 : vector<16xi32>
        %add3A_105 = arith.addi %mul3A_104, %get3A_101 : vector<16xi32>
        tpu.vector_store_idx %arg5[%add3A_105], %broadcast_in_dim3A_7 {add = true} : memref<80000xf32, #tpu.memory_space<vmem>>[vector<16xi32>], vector<16xf32>,
        %get3A_106 = arith.constant 160 : index
        %get3A_107 = tpu.vector_load %arg6[%get3A_106] {strides = array<i32>} : memref<320xi32, #tpu.memory_space<vmem>>, vector<16xi32>,
        %get3A_108 = arith.constant 160 : index
        %get3A_109 = tpu.vector_load %arg7[%get3A_108] {strides = array<i32>} : memref<320xi32, #tpu.memory_space<vmem>>, vector<16xi32>,
        %mul3A_110 = arith.constant 8 : i32
        %mul3A_111 = vector.broadcast %mul3A_110 : i32 to vector<16xi32>
        %mul3A_112 = arith.muli %get3A_107, %mul3A_111 : vector<16xi32>
        %add3A_113 = arith.addi %mul3A_112, %get3A_109 : vector<16xi32>
        tpu.vector_store_idx %arg5[%add3A_113], %broadcast_in_dim3A_7 {add = true} : memref<80000xf32, #tpu.memory_space<vmem>>[vector<16xi32>], vector<16xf32>,
        %get3A_114 = arith.constant 176 : index
        %get3A_115 = tpu.vector_load %arg6[%get3A_114] {strides = array<i32>} : memref<320xi32, #tpu.memory_space<vmem>>, vector<16xi32>,
        %get3A_116 = arith.constant 176 : index
        %get3A_117 = tpu.vector_load %arg7[%get3A_116] {strides = array<i32>} : memref<320xi32, #tpu.memory_space<vmem>>, vector<16xi32>,
        %mul3A_118 = arith.constant 8 : i32
        %mul3A_119 = vector.broadcast %mul3A_118 : i32 to vector<16xi32>
        %mul3A_120 = arith.muli %get3A_115, %mul3A_119 : vector<16xi32>
        %add3A_121 = arith.addi %mul3A_120, %get3A_117 : vector<16xi32>
        tpu.vector_store_idx %arg5[%add3A_121], %broadcast_in_dim3A_7 {add = true} : memref<80000xf32, #tpu.memory_space<vmem>>[vector<16xi32>], vector<16xf32>,
        %get3A_122 = arith.constant 192 : index
        %get3A_123 = tpu.vector_load %arg6[%get3A_122] {strides = array<i32>} : memref<320xi32, #tpu.memory_space<vmem>>, vector<16xi32>,
        %get3A_124 = arith.constant 192 : index
        %get3A_125 = tpu.vector_load %arg7[%get3A_124] {strides = array<i32>} : memref<320xi32, #tpu.memory_space<vmem>>, vector<16xi32>,
        %mul3A_126 = arith.constant 8 : i32
        %mul3A_127 = vector.broadcast %mul3A_126 : i32 to vector<16xi32>
        %mul3A_128 = arith.muli %get3A_123, %mul3A_127 : vector<16xi32>
        %add3A_129 = arith.addi %mul3A_128, %get3A_125 : vector<16xi32>
        tpu.vector_store_idx %arg5[%add3A_129], %broadcast_in_dim3A_7 {add = true} : memref<80000xf32, #tpu.memory_space<vmem>>[vector<16xi32>], vector<16xf32>,
        %get3A_130 = arith.constant 208 : index
        %get3A_131 = tpu.vector_load %arg6[%get3A_130] {strides = array<i32>} : memref<320xi32, #tpu.memory_space<vmem>>, vector<16xi32>,
        %get3A_132 = arith.constant 208 : index
        %get3A_133 = tpu.vector_load %arg7[%get3A_132] {strides = array<i32>} : memref<320xi32, #tpu.memory_space<vmem>>, vector<16xi32>,
        %mul3A_134 = arith.constant 8 : i32
        %mul3A_135 = vector.broadcast %mul3A_134 : i32 to vector<16xi32>
        %mul3A_136 = arith.muli %get3A_131, %mul3A_135 : vector<16xi32>
        %add3A_137 = arith.addi %mul3A_136, %get3A_133 : vector<16xi32>
        tpu.vector_store_idx %arg5[%add3A_137], %broadcast_in_dim3A_7 {add = true} : memref<80000xf32, #tpu.memory_space<vmem>>[vector<16xi32>], vector<16xf32>,
        %get3A_138 = arith.constant 224 : index
        %get3A_139 = tpu.vector_load %arg6[%get3A_138] {strides = array<i32>} : memref<320xi32, #tpu.memory_space<vmem>>, vector<16xi32>,
        %get3A_140 = arith.constant 224 : index
        %get3A_141 = tpu.vector_load %arg7[%get3A_140] {strides = array<i32>} : memref<320xi32, #tpu.memory_space<vmem>>, vector<16xi32>,
        %mul3A_142 = arith.constant 8 : i32
        %mul3A_143 = vector.broadcast %mul3A_142 : i32 to vector<16xi32>
        %mul3A_144 = arith.muli %get3A_139, %mul3A_143 : vector<16xi32>
        %add3A_145 = arith.addi %mul3A_144, %get3A_141 : vector<16xi32>
        tpu.vector_store_idx %arg5[%add3A_145], %broadcast_in_dim3A_7 {add = true} : memref<80000xf32, #tpu.memory_space<vmem>>[vector<16xi32>], vector<16xf32>,
        %get3A_146 = arith.constant 240 : index
        %get3A_147 = tpu.vector_load %arg6[%get3A_146] {strides = array<i32>} : memref<320xi32, #tpu.memory_space<vmem>>, vector<16xi32>,
        %get3A_148 = arith.constant 240 : index
        %get3A_149 = tpu.vector_load %arg7[%get3A_148] {strides = array<i32>} : memref<320xi32, #tpu.memory_space<vmem>>, vector<16xi32>,
        %mul3A_150 = arith.constant 8 : i32
        %mul3A_151 = vector.broadcast %mul3A_150 : i32 to vector<16xi32>
        %mul3A_152 = arith.muli %get3A_147, %mul3A_151 : vector<16xi32>
        %add3A_153 = arith.addi %mul3A_152, %get3A_149 : vector<16xi32>
        tpu.vector_store_idx %arg5[%add3A_153], %broadcast_in_dim3A_7 {add = true} : memref<80000xf32, #tpu.memory_space<vmem>>[vector<16xi32>], vector<16xf32>,
        %get3A_154 = arith.constant 256 : index
        %get3A_155 = tpu.vector_load %arg6[%get3A_154] {strides = array<i32>} : memref<320xi32, #tpu.memory_space<vmem>>, vector<16xi32>,
        %get3A_156 = arith.constant 256 : index
        %get3A_157 = tpu.vector_load %arg7[%get3A_156] {strides = array<i32>} : memref<320xi32, #tpu.memory_space<vmem>>, vector<16xi32>,
        %mul3A_158 = arith.constant 8 : i32
        %mul3A_159 = vector.broadcast %mul3A_158 : i32 to vector<16xi32>
        %mul3A_160 = arith.muli %get3A_155, %mul3A_159 : vector<16xi32>
        %add3A_161 = arith.addi %mul3A_160, %get3A_157 : vector<16xi32>
        tpu.vector_store_idx %arg5[%add3A_161], %broadcast_in_dim3A_7 {add = true} : memref<80000xf32, #tpu.memory_space<vmem>>[vector<16xi32>], vector<16xf32>,
        %get3A_162 = arith.constant 272 : index
        %get3A_163 = tpu.vector_load %arg6[%get3A_162] {strides = array<i32>} : memref<320xi32, #tpu.memory_space<vmem>>, vector<16xi32>,
        %get3A_164 = arith.constant 272 : index
        %get3A_165 = tpu.vector_load %arg7[%get3A_164] {strides = array<i32>} : memref<320xi32, #tpu.memory_space<vmem>>, vector<16xi32>,
        %mul3A_166 = arith.constant 8 : i32
        %mul3A_167 = vector.broadcast %mul3A_166 : i32 to vector<16xi32>
        %mul3A_168 = arith.muli %get3A_163, %mul3A_167 : vector<16xi32>
        %add3A_169 = arith.addi %mul3A_168, %get3A_165 : vector<16xi32>
        tpu.vector_store_idx %arg5[%add3A_169], %broadcast_in_dim3A_7 {add = true} : memref<80000xf32, #tpu.memory_space<vmem>>[vector<16xi32>], vector<16xf32>,
        %get3A_170 = arith.constant 288 : index
        %get3A_171 = tpu.vector_load %arg6[%get3A_170] {strides = array<i32>} : memref<320xi32, #tpu.memory_space<vmem>>, vector<16xi32>,
        %get3A_172 = arith.constant 288 : index
        %get3A_173 = tpu.vector_load %arg7[%get3A_172] {strides = array<i32>} : memref<320xi32, #tpu.memory_space<vmem>>, vector<16xi32>,
        %mul3A_174 = arith.constant 8 : i32
        %mul3A_175 = vector.broadcast %mul3A_174 : i32 to vector<16xi32>
        %mul3A_176 = arith.muli %get3A_171, %mul3A_175 : vector<16xi32>
        %add3A_177 = arith.addi %mul3A_176, %get3A_173 : vector<16xi32>
        tpu.vector_store_idx %arg5[%add3A_177], %broadcast_in_dim3A_7 {add = true} : memref<80000xf32, #tpu.memory_space<vmem>>[vector<16xi32>], vector<16xf32>,
        %get3A_178 = arith.constant 304 : index
        %get3A_179 = tpu.vector_load %arg6[%get3A_178] {strides = array<i32>} : memref<320xi32, #tpu.memory_space<vmem>>, vector<16xi32>,
        %get3A_180 = arith.constant 304 : index
        %get3A_181 = tpu.vector_load %arg7[%get3A_180] {strides = array<i32>} : memref<320xi32, #tpu.memory_space<vmem>>, vector<16xi32>,
        %mul3A_182 = arith.constant 8 : i32
        %mul3A_183 = vector.broadcast %mul3A_182 : i32 to vector<16xi32>
        %mul3A_184 = arith.muli %get3A_179, %mul3A_183 : vector<16xi32>
        %add3A_185 = arith.addi %mul3A_184, %get3A_181 : vector<16xi32>
        tpu.vector_store_idx %arg5[%add3A_185], %broadcast_in_dim3A_7 {add = true} : memref<80000xf32, #tpu.memory_space<vmem>>[vector<16xi32>], vector<16xf32>,
      } else {
      }
      %scan3A_24 = arith.constant 0 : i32
      scf.yield %scan3A_24 : i32
    }
    %scan3A_14 = arith.constant 16 : i32
    %mul3A_15 = arith.constant 80000 : i32
    %mul3A_16 = arith.muli %add3A, %mul3A_15 : i32
    "tpu.region"() ({
      %run_scoped3A = tpu.sem_alloc : memref<!tpu.dma_semaphore, #tpu.memory_space<semaphore_mem>>
      %dma_start3A = tpu.memref_slice %arg4[%mul3A_16] : memref<2560000xf32, #tpu.memory_space<hbm>> -> memref<80000xf32, #tpu.memory_space<hbm>>
      %dma_start3A_17 = tpu.memref_slice %arg4[%mul3A_16] : memref<2560000xf32, #tpu.memory_space<hbm>> -> memref<80000xf32, #tpu.memory_space<hbm>>
      tpu.enqueue_dma source(%arg5 : memref<80000xf32, #tpu.memory_space<vmem>>) target(%dma_start3A_17 : memref<80000xf32, #tpu.memory_space<hbm>>) target_semaphore(%run_scoped3A : memref<!tpu.dma_semaphore, #tpu.memory_space<semaphore_mem>>)
      %dma_wait3A = tpu.memref_slice %arg4[%mul3A_16] : memref<2560000xf32, #tpu.memory_space<hbm>> -> memref<80000xf32, #tpu.memory_space<hbm>>
      %dma_wait3A_18 = tpu.memref_slice %arg4[%mul3A_16] : memref<2560000xf32, #tpu.memory_space<hbm>> -> memref<80000xf32, #tpu.memory_space<hbm>>
      tpu.wait_dma2 semaphore(%run_scoped3A : memref<!tpu.dma_semaphore, #tpu.memory_space<semaphore_mem>>) src(%arg5 : memref<80000xf32, #tpu.memory_space<vmem>>) dst(%dma_wait3A_18 : memref<80000xf32, #tpu.memory_space<hbm>>)
      tpu.yield
    }) : () -> ()
    return
  }
}

#map = affine_map<(d0, d1) -> (0, 0)>
#map1 = affine_map<(d0, d1) -> (0)>
module attributes {stable_mosaic.version = 14 : i64} {
  func.func @_edge_body(%arg0: i32, %arg1: i32, %arg2: memref<80000x128xf32, #tpu.memory_space<hbm>>, %arg3: memref<163840xi32, #tpu.memory_space<hbm>>, %arg4: memref<163840xi32, #tpu.memory_space<hbm>>, %arg5: memref<163840xi32, #tpu.memory_space<hbm>>, %arg6: memref<163840xf32, #tpu.memory_space<hbm>>, %arg7: memref<20000x128xf32, #tpu.memory_space<hbm>>, %arg8: memref<320xi32, #tpu.memory_space<vmem>>, %arg9: memref<320xi32, #tpu.memory_space<vmem>>, %arg10: memref<320xi32, #tpu.memory_space<vmem>>, %arg11: memref<4x80xi32, #tpu.memory_space<vmem>>, %arg12: memref<4x80xi32, #tpu.memory_space<vmem>>, %arg13: memref<320xf32, #tpu.memory_space<vmem>>, %arg14: memref<320x128xf32, #tpu.memory_space<vmem>>, %arg15: memref<10000x128xf32, #tpu.memory_space<vmem_shared>>, %arg16: memref<!tpu.dma_semaphore, #tpu.memory_space<semaphore_mem>>, %arg17: memref<!tpu.dma_semaphore, #tpu.memory_space<semaphore_mem>>) attributes {dimension_semantics = [#tpu.dimension_semantics<core_parallel>, #tpu.dimension_semantics<subcore_parallel>], iteration_bounds = array<i64: 2, 16>, scalar_prefetch = 0 : i64, scratch_operands = 10 : i64, tpu.core_type = #tpu.core_type<sc_vector_subcore>, window_params = [{transform_indices = #map}, {transform_indices = #map1}, {transform_indices = #map1}, {transform_indices = #map1}, {transform_indices = #map1}, {transform_indices = #map}]} {
    %mul3A = arith.constant 2 : i32
    %mul3A_0 = arith.muli %arg1, %mul3A : i32
    %add3A = arith.addi %mul3A_0, %arg0 : i32
    %scan3A = arith.constant 0 : i32
    %scan3A_1 = arith.constant 0 : i32
    %scan3A_2 = arith.constant 104 : i32
    %scan3A_3 = arith.addi %scan3A_1, %scan3A_2 : i32
    %scan3A_4 = arith.constant 1 : i32
    %scan3A_5 = scf.for %scan3A_92 = %scan3A_1 to %scan3A_3 step %scan3A_4 iter_args(%scan3A_93 = %scan3A) -> (i32)  : i32 {
      %broadcast_in_dim3A = arith.constant 0.000000e+00 : f32
      %broadcast_in_dim3A_94 = vector.broadcast %broadcast_in_dim3A : f32 to vector<16xf32>
      %swap3A = arith.index_cast %scan3A_92 : i32 to index
      %swap3A_95 = arith.constant 0 : index
      %swap3A_96 = tpu.vector_load %arg14[%swap3A, %swap3A_95] {strides = array<i32>} : memref<320x128xf32, #tpu.memory_space<vmem>>, vector<16xf32>,
      tpu.vector_store %arg14[%swap3A, %swap3A_95], %broadcast_in_dim3A_94 {strides = array<i32>} : memref<320x128xf32, #tpu.memory_space<vmem>>, vector<16xf32>,
      %broadcast_in_dim3A_97 = arith.constant 0.000000e+00 : f32
      %broadcast_in_dim3A_98 = vector.broadcast %broadcast_in_dim3A_97 : f32 to vector<16xf32>
      %swap3A_99 = arith.index_cast %scan3A_92 : i32 to index
      %swap3A_100 = arith.constant 16 : index
      %swap3A_101 = tpu.vector_load %arg14[%swap3A_99, %swap3A_100] {strides = array<i32>} : memref<320x128xf32, #tpu.memory_space<vmem>>, vector<16xf32>,
      tpu.vector_store %arg14[%swap3A_99, %swap3A_100], %broadcast_in_dim3A_98 {strides = array<i32>} : memref<320x128xf32, #tpu.memory_space<vmem>>, vector<16xf32>,
      %broadcast_in_dim3A_102 = arith.constant 0.000000e+00 : f32
      %broadcast_in_dim3A_103 = vector.broadcast %broadcast_in_dim3A_102 : f32 to vector<16xf32>
      %swap3A_104 = arith.index_cast %scan3A_92 : i32 to index
      %swap3A_105 = arith.constant 32 : index
      %swap3A_106 = tpu.vector_load %arg14[%swap3A_104, %swap3A_105] {strides = array<i32>} : memref<320x128xf32, #tpu.memory_space<vmem>>, vector<16xf32>,
      tpu.vector_store %arg14[%swap3A_104, %swap3A_105], %broadcast_in_dim3A_103 {strides = array<i32>} : memref<320x128xf32, #tpu.memory_space<vmem>>, vector<16xf32>,
      %broadcast_in_dim3A_107 = arith.constant 0.000000e+00 : f32
      %broadcast_in_dim3A_108 = vector.broadcast %broadcast_in_dim3A_107 : f32 to vector<16xf32>
      %swap3A_109 = arith.index_cast %scan3A_92 : i32 to index
      %swap3A_110 = arith.constant 48 : index
      %swap3A_111 = tpu.vector_load %arg14[%swap3A_109, %swap3A_110] {strides = array<i32>} : memref<320x128xf32, #tpu.memory_space<vmem>>, vector<16xf32>,
      tpu.vector_store %arg14[%swap3A_109, %swap3A_110], %broadcast_in_dim3A_108 {strides = array<i32>} : memref<320x128xf32, #tpu.memory_space<vmem>>, vector<16xf32>,
      %broadcast_in_dim3A_112 = arith.constant 0.000000e+00 : f32
      %broadcast_in_dim3A_113 = vector.broadcast %broadcast_in_dim3A_112 : f32 to vector<16xf32>
      %swap3A_114 = arith.index_cast %scan3A_92 : i32 to index
      %swap3A_115 = arith.constant 64 : index
      %swap3A_116 = tpu.vector_load %arg14[%swap3A_114, %swap3A_115] {strides = array<i32>} : memref<320x128xf32, #tpu.memory_space<vmem>>, vector<16xf32>,
      tpu.vector_store %arg14[%swap3A_114, %swap3A_115], %broadcast_in_dim3A_113 {strides = array<i32>} : memref<320x128xf32, #tpu.memory_space<vmem>>, vector<16xf32>,
      %broadcast_in_dim3A_117 = arith.constant 0.000000e+00 : f32
      %broadcast_in_dim3A_118 = vector.broadcast %broadcast_in_dim3A_117 : f32 to vector<16xf32>
      %swap3A_119 = arith.index_cast %scan3A_92 : i32 to index
      %swap3A_120 = arith.constant 80 : index
      %swap3A_121 = tpu.vector_load %arg14[%swap3A_119, %swap3A_120] {strides = array<i32>} : memref<320x128xf32, #tpu.memory_space<vmem>>, vector<16xf32>,
      tpu.vector_store %arg14[%swap3A_119, %swap3A_120], %broadcast_in_dim3A_118 {strides = array<i32>} : memref<320x128xf32, #tpu.memory_space<vmem>>, vector<16xf32>,
      %broadcast_in_dim3A_122 = arith.constant 0.000000e+00 : f32
      %broadcast_in_dim3A_123 = vector.broadcast %broadcast_in_dim3A_122 : f32 to vector<16xf32>
      %swap3A_124 = arith.index_cast %scan3A_92 : i32 to index
      %swap3A_125 = arith.constant 96 : index
      %swap3A_126 = tpu.vector_load %arg14[%swap3A_124, %swap3A_125] {strides = array<i32>} : memref<320x128xf32, #tpu.memory_space<vmem>>, vector<16xf32>,
      tpu.vector_store %arg14[%swap3A_124, %swap3A_125], %broadcast_in_dim3A_123 {strides = array<i32>} : memref<320x128xf32, #tpu.memory_space<vmem>>, vector<16xf32>,
      %broadcast_in_dim3A_127 = arith.constant 0.000000e+00 : f32
      %broadcast_in_dim3A_128 = vector.broadcast %broadcast_in_dim3A_127 : f32 to vector<16xf32>
      %swap3A_129 = arith.index_cast %scan3A_92 : i32 to index
      %swap3A_130 = arith.constant 112 : index
      %swap3A_131 = tpu.vector_load %arg14[%swap3A_129, %swap3A_130] {strides = array<i32>} : memref<320x128xf32, #tpu.memory_space<vmem>>, vector<16xf32>,
      tpu.vector_store %arg14[%swap3A_129, %swap3A_130], %broadcast_in_dim3A_128 {strides = array<i32>} : memref<320x128xf32, #tpu.memory_space<vmem>>, vector<16xf32>,
      %scan3A_132 = arith.constant 0 : i32
      scf.yield %scan3A_132 : i32
    }
    %scan3A_6 = arith.constant 104 : i32
    %mul3A_7 = arith.constant 624 : i32
    %mul3A_8 = arith.muli %arg1, %mul3A_7 : i32
    %add3A_9 = arith.constant 0 : i32
    %add3A_10 = arith.addi %mul3A_8, %add3A_9 : i32
    "tpu.region"() ({
      %run_scoped3A = tpu.sem_alloc : memref<!tpu.dma_semaphore, #tpu.memory_space<semaphore_mem>>
      %dma_start3A = arith.constant 0 : i32
      %dma_start3A_92 = arith.constant 0 : i32
      %dma_start3A_93 = tpu.memref_slice %arg14[%dma_start3A, %dma_start3A_92] : memref<320x128xf32, #tpu.memory_space<vmem>> -> memref<104x128xf32, #tpu.memory_space<vmem>>
      %dma_start3A_94 = arith.constant 0 : i32
      %dma_start3A_95 = tpu.memref_slice %arg15[%add3A_10, %dma_start3A_94] : memref<10000x128xf32, #tpu.memory_space<vmem_shared>> -> memref<104x128xf32, #tpu.memory_space<vmem_shared>>
      %dma_start3A_96 = arith.constant 0 : i32
      %dma_start3A_97 = tpu.memref_slice %arg15[%add3A_10, %dma_start3A_96] : memref<10000x128xf32, #tpu.memory_space<vmem_shared>> -> memref<104x128xf32, #tpu.memory_space<vmem_shared>>
      %dma_start3A_98 = arith.constant 0 : i32
      %dma_start3A_99 = arith.constant 0 : i32
      %dma_start3A_100 = tpu.memref_slice %arg14[%dma_start3A_98, %dma_start3A_99] : memref<320x128xf32, #tpu.memory_space<vmem>> -> memref<104x128xf32, #tpu.memory_space<vmem>>
      tpu.enqueue_dma source(%dma_start3A_100 : memref<104x128xf32, #tpu.memory_space<vmem>>) target(%dma_start3A_97 : memref<104x128xf32, #tpu.memory_space<vmem_shared>>) target_semaphore(%run_scoped3A : memref<!tpu.dma_semaphore, #tpu.memory_space<semaphore_mem>>)
      %dma_wait3A_101 = arith.constant 0 : i32
      %dma_wait3A_102 = arith.constant 0 : i32
      %dma_wait3A_103 = tpu.memref_slice %arg14[%dma_wait3A_101, %dma_wait3A_102] : memref<320x128xf32, #tpu.memory_space<vmem>> -> memref<104x128xf32, #tpu.memory_space<vmem>>
      %dma_wait3A_104 = arith.constant 0 : i32
      %dma_wait3A_105 = tpu.memref_slice %arg15[%add3A_10, %dma_wait3A_104] : memref<10000x128xf32, #tpu.memory_space<vmem_shared>> -> memref<104x128xf32, #tpu.memory_space<vmem_shared>>
      %dma_wait3A_106 = arith.constant 0 : i32
      %dma_wait3A_107 = tpu.memref_slice %arg15[%add3A_10, %dma_wait3A_106] : memref<10000x128xf32, #tpu.memory_space<vmem_shared>> -> memref<104x128xf32, #tpu.memory_space<vmem_shared>>
      %dma_wait3A_108 = arith.constant 0 : i32
      %dma_wait3A_109 = arith.constant 0 : i32
      %dma_wait3A_110 = tpu.memref_slice %arg14[%dma_wait3A_108, %dma_wait3A_109] : memref<320x128xf32, #tpu.memory_space<vmem>> -> memref<104x128xf32, #tpu.memory_space<vmem>>
      tpu.wait_dma2 semaphore(%run_scoped3A : memref<!tpu.dma_semaphore, #tpu.memory_space<semaphore_mem>>) src(%dma_wait3A_110 : memref<104x128xf32, #tpu.memory_space<vmem>>) dst(%dma_wait3A_107 : memref<104x128xf32, #tpu.memory_space<vmem_shared>>)
      tpu.yield
    }) : () -> ()
    %mul3A_11 = arith.constant 624 : i32
    %mul3A_12 = arith.muli %arg1, %mul3A_11 : i32
    %add3A_13 = arith.constant 104 : i32
    %add3A_14 = arith.addi %mul3A_12, %add3A_13 : i32
    "tpu.region"() ({
      %run_scoped3A = tpu.sem_alloc : memref<!tpu.dma_semaphore, #tpu.memory_space<semaphore_mem>>
      %dma_start3A = arith.constant 0 : i32
      %dma_start3A_92 = arith.constant 0 : i32
      %dma_start3A_93 = tpu.memref_slice %arg14[%dma_start3A, %dma_start3A_92] : memref<320x128xf32, #tpu.memory_space<vmem>> -> memref<104x128xf32, #tpu.memory_space<vmem>>
      %dma_start3A_94 = arith.constant 0 : i32
      %dma_start3A_95 = tpu.memref_slice %arg15[%add3A_14, %dma_start3A_94] : memref<10000x128xf32, #tpu.memory_space<vmem_shared>> -> memref<104x128xf32, #tpu.memory_space<vmem_shared>>
      %dma_start3A_96 = arith.constant 0 : i32
      %dma_start3A_97 = tpu.memref_slice %arg15[%add3A_14, %dma_start3A_96] : memref<10000x128xf32, #tpu.memory_space<vmem_shared>> -> memref<104x128xf32, #tpu.memory_space<vmem_shared>>
      %dma_start3A_98 = arith.constant 0 : i32
      %dma_start3A_99 = arith.constant 0 : i32
      %dma_start3A_100 = tpu.memref_slice %arg14[%dma_start3A_98, %dma_start3A_99] : memref<320x128xf32, #tpu.memory_space<vmem>> -> memref<104x128xf32, #tpu.memory_space<vmem>>
      tpu.enqueue_dma source(%dma_start3A_100 : memref<104x128xf32, #tpu.memory_space<vmem>>) target(%dma_start3A_97 : memref<104x128xf32, #tpu.memory_space<vmem_shared>>) target_semaphore(%run_scoped3A : memref<!tpu.dma_semaphore, #tpu.memory_space<semaphore_mem>>)
      %dma_wait3A_101 = arith.constant 0 : i32
      %dma_wait3A_102 = arith.constant 0 : i32
      %dma_wait3A_103 = tpu.memref_slice %arg14[%dma_wait3A_101, %dma_wait3A_102] : memref<320x128xf32, #tpu.memory_space<vmem>> -> memref<104x128xf32, #tpu.memory_space<vmem>>
      %dma_wait3A_104 = arith.constant 0 : i32
      %dma_wait3A_105 = tpu.memref_slice %arg15[%add3A_14, %dma_wait3A_104] : memref<10000x128xf32, #tpu.memory_space<vmem_shared>> -> memref<104x128xf32, #tpu.memory_space<vmem_shared>>
      %dma_wait3A_106 = arith.constant 0 : i32
      %dma_wait3A_107 = tpu.memref_slice %arg15[%add3A_14, %dma_wait3A_106] : memref<10000x128xf32, #tpu.memory_space<vmem_shared>> -> memref<104x128xf32, #tpu.memory_space<vmem_shared>>
      %dma_wait3A_108 = arith.constant 0 : i32
      %dma_wait3A_109 = arith.constant 0 : i32
      %dma_wait3A_110 = tpu.memref_slice %arg14[%dma_wait3A_108, %dma_wait3A_109] : memref<320x128xf32, #tpu.memory_space<vmem>> -> memref<104x128xf32, #tpu.memory_space<vmem>>
      tpu.wait_dma2 semaphore(%run_scoped3A : memref<!tpu.dma_semaphore, #tpu.memory_space<semaphore_mem>>) src(%dma_wait3A_110 : memref<104x128xf32, #tpu.memory_space<vmem>>) dst(%dma_wait3A_107 : memref<104x128xf32, #tpu.memory_space<vmem_shared>>)
      tpu.yield
    }) : () -> ()
    %mul3A_15 = arith.constant 624 : i32
    %mul3A_16 = arith.muli %arg1, %mul3A_15 : i32
    %add3A_17 = arith.constant 208 : i32
    %add3A_18 = arith.addi %mul3A_16, %add3A_17 : i32
    "tpu.region"() ({
      %run_scoped3A = tpu.sem_alloc : memref<!tpu.dma_semaphore, #tpu.memory_space<semaphore_mem>>
      %dma_start3A = arith.constant 0 : i32
      %dma_start3A_92 = arith.constant 0 : i32
      %dma_start3A_93 = tpu.memref_slice %arg14[%dma_start3A, %dma_start3A_92] : memref<320x128xf32, #tpu.memory_space<vmem>> -> memref<104x128xf32, #tpu.memory_space<vmem>>
      %dma_start3A_94 = arith.constant 0 : i32
      %dma_start3A_95 = tpu.memref_slice %arg15[%add3A_18, %dma_start3A_94] : memref<10000x128xf32, #tpu.memory_space<vmem_shared>> -> memref<104x128xf32, #tpu.memory_space<vmem_shared>>
      %dma_start3A_96 = arith.constant 0 : i32
      %dma_start3A_97 = tpu.memref_slice %arg15[%add3A_18, %dma_start3A_96] : memref<10000x128xf32, #tpu.memory_space<vmem_shared>> -> memref<104x128xf32, #tpu.memory_space<vmem_shared>>
      %dma_start3A_98 = arith.constant 0 : i32
      %dma_start3A_99 = arith.constant 0 : i32
      %dma_start3A_100 = tpu.memref_slice %arg14[%dma_start3A_98, %dma_start3A_99] : memref<320x128xf32, #tpu.memory_space<vmem>> -> memref<104x128xf32, #tpu.memory_space<vmem>>
      tpu.enqueue_dma source(%dma_start3A_100 : memref<104x128xf32, #tpu.memory_space<vmem>>) target(%dma_start3A_97 : memref<104x128xf32, #tpu.memory_space<vmem_shared>>) target_semaphore(%run_scoped3A : memref<!tpu.dma_semaphore, #tpu.memory_space<semaphore_mem>>)
      %dma_wait3A_101 = arith.constant 0 : i32
      %dma_wait3A_102 = arith.constant 0 : i32
      %dma_wait3A_103 = tpu.memref_slice %arg14[%dma_wait3A_101, %dma_wait3A_102] : memref<320x128xf32, #tpu.memory_space<vmem>> -> memref<104x128xf32, #tpu.memory_space<vmem>>
      %dma_wait3A_104 = arith.constant 0 : i32
      %dma_wait3A_105 = tpu.memref_slice %arg15[%add3A_18, %dma_wait3A_104] : memref<10000x128xf32, #tpu.memory_space<vmem_shared>> -> memref<104x128xf32, #tpu.memory_space<vmem_shared>>
      %dma_wait3A_106 = arith.constant 0 : i32
      %dma_wait3A_107 = tpu.memref_slice %arg15[%add3A_18, %dma_wait3A_106] : memref<10000x128xf32, #tpu.memory_space<vmem_shared>> -> memref<104x128xf32, #tpu.memory_space<vmem_shared>>
      %dma_wait3A_108 = arith.constant 0 : i32
      %dma_wait3A_109 = arith.constant 0 : i32
      %dma_wait3A_110 = tpu.memref_slice %arg14[%dma_wait3A_108, %dma_wait3A_109] : memref<320x128xf32, #tpu.memory_space<vmem>> -> memref<104x128xf32, #tpu.memory_space<vmem>>
      tpu.wait_dma2 semaphore(%run_scoped3A : memref<!tpu.dma_semaphore, #tpu.memory_space<semaphore_mem>>) src(%dma_wait3A_110 : memref<104x128xf32, #tpu.memory_space<vmem>>) dst(%dma_wait3A_107 : memref<104x128xf32, #tpu.memory_space<vmem_shared>>)
      tpu.yield
    }) : () -> ()
    %mul3A_19 = arith.constant 624 : i32
    %mul3A_20 = arith.muli %arg1, %mul3A_19 : i32
    %add3A_21 = arith.constant 312 : i32
    %add3A_22 = arith.addi %mul3A_20, %add3A_21 : i32
    "tpu.region"() ({
      %run_scoped3A = tpu.sem_alloc : memref<!tpu.dma_semaphore, #tpu.memory_space<semaphore_mem>>
      %dma_start3A = arith.constant 0 : i32
      %dma_start3A_92 = arith.constant 0 : i32
      %dma_start3A_93 = tpu.memref_slice %arg14[%dma_start3A, %dma_start3A_92] : memref<320x128xf32, #tpu.memory_space<vmem>> -> memref<104x128xf32, #tpu.memory_space<vmem>>
      %dma_start3A_94 = arith.constant 0 : i32
      %dma_start3A_95 = tpu.memref_slice %arg15[%add3A_22, %dma_start3A_94] : memref<10000x128xf32, #tpu.memory_space<vmem_shared>> -> memref<104x128xf32, #tpu.memory_space<vmem_shared>>
      %dma_start3A_96 = arith.constant 0 : i32
      %dma_start3A_97 = tpu.memref_slice %arg15[%add3A_22, %dma_start3A_96] : memref<10000x128xf32, #tpu.memory_space<vmem_shared>> -> memref<104x128xf32, #tpu.memory_space<vmem_shared>>
      %dma_start3A_98 = arith.constant 0 : i32
      %dma_start3A_99 = arith.constant 0 : i32
      %dma_start3A_100 = tpu.memref_slice %arg14[%dma_start3A_98, %dma_start3A_99] : memref<320x128xf32, #tpu.memory_space<vmem>> -> memref<104x128xf32, #tpu.memory_space<vmem>>
      tpu.enqueue_dma source(%dma_start3A_100 : memref<104x128xf32, #tpu.memory_space<vmem>>) target(%dma_start3A_97 : memref<104x128xf32, #tpu.memory_space<vmem_shared>>) target_semaphore(%run_scoped3A : memref<!tpu.dma_semaphore, #tpu.memory_space<semaphore_mem>>)
      %dma_wait3A_101 = arith.constant 0 : i32
      %dma_wait3A_102 = arith.constant 0 : i32
      %dma_wait3A_103 = tpu.memref_slice %arg14[%dma_wait3A_101, %dma_wait3A_102] : memref<320x128xf32, #tpu.memory_space<vmem>> -> memref<104x128xf32, #tpu.memory_space<vmem>>
      %dma_wait3A_104 = arith.constant 0 : i32
      %dma_wait3A_105 = tpu.memref_slice %arg15[%add3A_22, %dma_wait3A_104] : memref<10000x128xf32, #tpu.memory_space<vmem_shared>> -> memref<104x128xf32, #tpu.memory_space<vmem_shared>>
      %dma_wait3A_106 = arith.constant 0 : i32
      %dma_wait3A_107 = tpu.memref_slice %arg15[%add3A_22, %dma_wait3A_106] : memref<10000x128xf32, #tpu.memory_space<vmem_shared>> -> memref<104x128xf32, #tpu.memory_space<vmem_shared>>
      %dma_wait3A_108 = arith.constant 0 : i32
      %dma_wait3A_109 = arith.constant 0 : i32
      %dma_wait3A_110 = tpu.memref_slice %arg14[%dma_wait3A_108, %dma_wait3A_109] : memref<320x128xf32, #tpu.memory_space<vmem>> -> memref<104x128xf32, #tpu.memory_space<vmem>>
      tpu.wait_dma2 semaphore(%run_scoped3A : memref<!tpu.dma_semaphore, #tpu.memory_space<semaphore_mem>>) src(%dma_wait3A_110 : memref<104x128xf32, #tpu.memory_space<vmem>>) dst(%dma_wait3A_107 : memref<104x128xf32, #tpu.memory_space<vmem_shared>>)
      tpu.yield
    }) : () -> ()
    %mul3A_23 = arith.constant 624 : i32
    %mul3A_24 = arith.muli %arg1, %mul3A_23 : i32
    %add3A_25 = arith.constant 416 : i32
    %add3A_26 = arith.addi %mul3A_24, %add3A_25 : i32
    "tpu.region"() ({
      %run_scoped3A = tpu.sem_alloc : memref<!tpu.dma_semaphore, #tpu.memory_space<semaphore_mem>>
      %dma_start3A = arith.constant 0 : i32
      %dma_start3A_92 = arith.constant 0 : i32
      %dma_start3A_93 = tpu.memref_slice %arg14[%dma_start3A, %dma_start3A_92] : memref<320x128xf32, #tpu.memory_space<vmem>> -> memref<104x128xf32, #tpu.memory_space<vmem>>
      %dma_start3A_94 = arith.constant 0 : i32
      %dma_start3A_95 = tpu.memref_slice %arg15[%add3A_26, %dma_start3A_94] : memref<10000x128xf32, #tpu.memory_space<vmem_shared>> -> memref<104x128xf32, #tpu.memory_space<vmem_shared>>
      %dma_start3A_96 = arith.constant 0 : i32
      %dma_start3A_97 = tpu.memref_slice %arg15[%add3A_26, %dma_start3A_96] : memref<10000x128xf32, #tpu.memory_space<vmem_shared>> -> memref<104x128xf32, #tpu.memory_space<vmem_shared>>
      %dma_start3A_98 = arith.constant 0 : i32
      %dma_start3A_99 = arith.constant 0 : i32
      %dma_start3A_100 = tpu.memref_slice %arg14[%dma_start3A_98, %dma_start3A_99] : memref<320x128xf32, #tpu.memory_space<vmem>> -> memref<104x128xf32, #tpu.memory_space<vmem>>
      tpu.enqueue_dma source(%dma_start3A_100 : memref<104x128xf32, #tpu.memory_space<vmem>>) target(%dma_start3A_97 : memref<104x128xf32, #tpu.memory_space<vmem_shared>>) target_semaphore(%run_scoped3A : memref<!tpu.dma_semaphore, #tpu.memory_space<semaphore_mem>>)
      %dma_wait3A_101 = arith.constant 0 : i32
      %dma_wait3A_102 = arith.constant 0 : i32
      %dma_wait3A_103 = tpu.memref_slice %arg14[%dma_wait3A_101, %dma_wait3A_102] : memref<320x128xf32, #tpu.memory_space<vmem>> -> memref<104x128xf32, #tpu.memory_space<vmem>>
      %dma_wait3A_104 = arith.constant 0 : i32
      %dma_wait3A_105 = tpu.memref_slice %arg15[%add3A_26, %dma_wait3A_104] : memref<10000x128xf32, #tpu.memory_space<vmem_shared>> -> memref<104x128xf32, #tpu.memory_space<vmem_shared>>
      %dma_wait3A_106 = arith.constant 0 : i32
      %dma_wait3A_107 = tpu.memref_slice %arg15[%add3A_26, %dma_wait3A_106] : memref<10000x128xf32, #tpu.memory_space<vmem_shared>> -> memref<104x128xf32, #tpu.memory_space<vmem_shared>>
      %dma_wait3A_108 = arith.constant 0 : i32
      %dma_wait3A_109 = arith.constant 0 : i32
      %dma_wait3A_110 = tpu.memref_slice %arg14[%dma_wait3A_108, %dma_wait3A_109] : memref<320x128xf32, #tpu.memory_space<vmem>> -> memref<104x128xf32, #tpu.memory_space<vmem>>
      tpu.wait_dma2 semaphore(%run_scoped3A : memref<!tpu.dma_semaphore, #tpu.memory_space<semaphore_mem>>) src(%dma_wait3A_110 : memref<104x128xf32, #tpu.memory_space<vmem>>) dst(%dma_wait3A_107 : memref<104x128xf32, #tpu.memory_space<vmem_shared>>)
      tpu.yield
    }) : () -> ()
    %mul3A_27 = arith.constant 624 : i32
    %mul3A_28 = arith.muli %arg1, %mul3A_27 : i32
    %add3A_29 = arith.constant 520 : i32
    %add3A_30 = arith.addi %mul3A_28, %add3A_29 : i32
    "tpu.region"() ({
      %run_scoped3A = tpu.sem_alloc : memref<!tpu.dma_semaphore, #tpu.memory_space<semaphore_mem>>
      %dma_start3A = arith.constant 0 : i32
      %dma_start3A_92 = arith.constant 0 : i32
      %dma_start3A_93 = tpu.memref_slice %arg14[%dma_start3A, %dma_start3A_92] : memref<320x128xf32, #tpu.memory_space<vmem>> -> memref<104x128xf32, #tpu.memory_space<vmem>>
      %dma_start3A_94 = arith.constant 0 : i32
      %dma_start3A_95 = tpu.memref_slice %arg15[%add3A_30, %dma_start3A_94] : memref<10000x128xf32, #tpu.memory_space<vmem_shared>> -> memref<104x128xf32, #tpu.memory_space<vmem_shared>>
      %dma_start3A_96 = arith.constant 0 : i32
      %dma_start3A_97 = tpu.memref_slice %arg15[%add3A_30, %dma_start3A_96] : memref<10000x128xf32, #tpu.memory_space<vmem_shared>> -> memref<104x128xf32, #tpu.memory_space<vmem_shared>>
      %dma_start3A_98 = arith.constant 0 : i32
      %dma_start3A_99 = arith.constant 0 : i32
      %dma_start3A_100 = tpu.memref_slice %arg14[%dma_start3A_98, %dma_start3A_99] : memref<320x128xf32, #tpu.memory_space<vmem>> -> memref<104x128xf32, #tpu.memory_space<vmem>>
      tpu.enqueue_dma source(%dma_start3A_100 : memref<104x128xf32, #tpu.memory_space<vmem>>) target(%dma_start3A_97 : memref<104x128xf32, #tpu.memory_space<vmem_shared>>) target_semaphore(%run_scoped3A : memref<!tpu.dma_semaphore, #tpu.memory_space<semaphore_mem>>)
      %dma_wait3A_101 = arith.constant 0 : i32
      %dma_wait3A_102 = arith.constant 0 : i32
      %dma_wait3A_103 = tpu.memref_slice %arg14[%dma_wait3A_101, %dma_wait3A_102] : memref<320x128xf32, #tpu.memory_space<vmem>> -> memref<104x128xf32, #tpu.memory_space<vmem>>
      %dma_wait3A_104 = arith.constant 0 : i32
      %dma_wait3A_105 = tpu.memref_slice %arg15[%add3A_30, %dma_wait3A_104] : memref<10000x128xf32, #tpu.memory_space<vmem_shared>> -> memref<104x128xf32, #tpu.memory_space<vmem_shared>>
      %dma_wait3A_106 = arith.constant 0 : i32
      %dma_wait3A_107 = tpu.memref_slice %arg15[%add3A_30, %dma_wait3A_106] : memref<10000x128xf32, #tpu.memory_space<vmem_shared>> -> memref<104x128xf32, #tpu.memory_space<vmem_shared>>
      %dma_wait3A_108 = arith.constant 0 : i32
      %dma_wait3A_109 = arith.constant 0 : i32
      %dma_wait3A_110 = tpu.memref_slice %arg14[%dma_wait3A_108, %dma_wait3A_109] : memref<320x128xf32, #tpu.memory_space<vmem>> -> memref<104x128xf32, #tpu.memory_space<vmem>>
      tpu.wait_dma2 semaphore(%run_scoped3A : memref<!tpu.dma_semaphore, #tpu.memory_space<semaphore_mem>>) src(%dma_wait3A_110 : memref<104x128xf32, #tpu.memory_space<vmem>>) dst(%dma_wait3A_107 : memref<104x128xf32, #tpu.memory_space<vmem_shared>>)
      tpu.yield
    }) : () -> ()
    %eq3A = arith.constant 15 : i32
    %eq3A_31 = arith.cmpi eq, %arg1, %eq3A : i32
    %convert_element_type3A = arith.extui %eq3A_31 : i1 to i32
    %cond3A = arith.constant 0 : i32
    %cond3A_32 = arith.cmpi ne, %convert_element_type3A, %cond3A : i32
    scf.if %cond3A_32 {
      "tpu.region"() ({
        %run_scoped3A = tpu.sem_alloc : memref<!tpu.dma_semaphore, #tpu.memory_space<semaphore_mem>>
        %dma_start3A = arith.constant 0 : i32
        %dma_start3A_92 = arith.constant 0 : i32
        %dma_start3A_93 = tpu.memref_slice %arg14[%dma_start3A, %dma_start3A_92] : memref<320x128xf32, #tpu.memory_space<vmem>> -> memref<16x128xf32, #tpu.memory_space<vmem>>
        %dma_start3A_94 = arith.constant 9984 : i32
        %dma_start3A_95 = arith.constant 0 : i32
        %dma_start3A_96 = tpu.memref_slice %arg15[%dma_start3A_94, %dma_start3A_95] : memref<10000x128xf32, #tpu.memory_space<vmem_shared>> -> memref<16x128xf32, #tpu.memory_space<vmem_shared>>
        %dma_start3A_97 = arith.constant 9984 : i32
        %dma_start3A_98 = arith.constant 0 : i32
        %dma_start3A_99 = tpu.memref_slice %arg15[%dma_start3A_97, %dma_start3A_98] : memref<10000x128xf32, #tpu.memory_space<vmem_shared>> -> memref<16x128xf32, #tpu.memory_space<vmem_shared>>
        %dma_start3A_100 = arith.constant 0 : i32
        %dma_start3A_101 = arith.constant 0 : i32
        %dma_start3A_102 = tpu.memref_slice %arg14[%dma_start3A_100, %dma_start3A_101] : memref<320x128xf32, #tpu.memory_space<vmem>> -> memref<16x128xf32, #tpu.memory_space<vmem>>
        tpu.enqueue_dma source(%dma_start3A_102 : memref<16x128xf32, #tpu.memory_space<vmem>>) target(%dma_start3A_99 : memref<16x128xf32, #tpu.memory_space<vmem_shared>>) target_semaphore(%run_scoped3A : memref<!tpu.dma_semaphore, #tpu.memory_space<semaphore_mem>>)
        %dma_wait3A_103 = arith.constant 0 : i32
        %dma_wait3A_104 = arith.constant 0 : i32
        %dma_wait3A_105 = tpu.memref_slice %arg14[%dma_wait3A_103, %dma_wait3A_104] : memref<320x128xf32, #tpu.memory_space<vmem>> -> memref<16x128xf32, #tpu.memory_space<vmem>>
        %dma_wait3A_106 = arith.constant 9984 : i32
        %dma_wait3A_107 = arith.constant 0 : i32
        %dma_wait3A_108 = tpu.memref_slice %arg15[%dma_wait3A_106, %dma_wait3A_107] : memref<10000x128xf32, #tpu.memory_space<vmem_shared>> -> memref<16x128xf32, #tpu.memory_space<vmem_shared>>
        %dma_wait3A_109 = arith.constant 9984 : i32
        %dma_wait3A_110 = arith.constant 0 : i32
        %dma_wait3A_111 = tpu.memref_slice %arg15[%dma_wait3A_109, %dma_wait3A_110] : memref<10000x128xf32, #tpu.memory_space<vmem_shared>> -> memref<16x128xf32, #tpu.memory_space<vmem_shared>>
        %dma_wait3A_112 = arith.constant 0 : i32
        %dma_wait3A_113 = arith.constant 0 : i32
        %dma_wait3A_114 = tpu.memref_slice %arg14[%dma_wait3A_112, %dma_wait3A_113] : memref<320x128xf32, #tpu.memory_space<vmem>> -> memref<16x128xf32, #tpu.memory_space<vmem>>
        tpu.wait_dma2 semaphore(%run_scoped3A : memref<!tpu.dma_semaphore, #tpu.memory_space<semaphore_mem>>) src(%dma_wait3A_114 : memref<16x128xf32, #tpu.memory_space<vmem>>) dst(%dma_wait3A_111 : memref<16x128xf32, #tpu.memory_space<vmem_shared>>)
        tpu.yield
      }) : () -> ()
    } else {
    }
    %barrier3A = arith.constant 0 : index
    tpu.barrier barrier_id(%barrier3A)
    %scan3A_33 = arith.constant 0 : i32
    %scan3A_34 = arith.constant 0 : i32
    %scan3A_35 = arith.constant 16 : i32
    %scan3A_36 = arith.addi %scan3A_34, %scan3A_35 : i32
    %scan3A_37 = arith.constant 1 : i32
    %scan3A_38 = scf.for %scan3A_92 = %scan3A_34 to %scan3A_36 step %scan3A_37 iter_args(%scan3A_93 = %scan3A_33) -> (i32)  : i32 {
      %mul3A_94 = arith.constant 32 : i32
      %mul3A_95 = arith.muli %scan3A_92, %mul3A_94 : i32
      %add3A_96 = arith.addi %mul3A_95, %add3A : i32
      %mul3A_97 = arith.constant 320 : i32
      %mul3A_98 = arith.muli %add3A_96, %mul3A_97 : i32
      "tpu.region"() ({
        %run_scoped3A = tpu.sem_alloc : memref<!tpu.dma_semaphore, #tpu.memory_space<semaphore_mem>>
        %dma_start3A_583 = tpu.memref_slice %arg3[%mul3A_98] : memref<163840xi32, #tpu.memory_space<hbm>> -> memref<320xi32, #tpu.memory_space<hbm>>
        %dma_start3A_584 = tpu.memref_slice %arg3[%mul3A_98] : memref<163840xi32, #tpu.memory_space<hbm>> -> memref<320xi32, #tpu.memory_space<hbm>>
        tpu.enqueue_dma source(%dma_start3A_584 : memref<320xi32, #tpu.memory_space<hbm>>) target(%arg8 : memref<320xi32, #tpu.memory_space<vmem>>) target_semaphore(%run_scoped3A : memref<!tpu.dma_semaphore, #tpu.memory_space<semaphore_mem>>)
        %dma_wait3A_585 = tpu.memref_slice %arg3[%mul3A_98] : memref<163840xi32, #tpu.memory_space<hbm>> -> memref<320xi32, #tpu.memory_space<hbm>>
        %dma_wait3A_586 = tpu.memref_slice %arg3[%mul3A_98] : memref<163840xi32, #tpu.memory_space<hbm>> -> memref<320xi32, #tpu.memory_space<hbm>>
        tpu.wait_dma2 semaphore(%run_scoped3A : memref<!tpu.dma_semaphore, #tpu.memory_space<semaphore_mem>>) src(%dma_wait3A_586 : memref<320xi32, #tpu.memory_space<hbm>>) dst(%arg8 : memref<320xi32, #tpu.memory_space<vmem>>)
        tpu.yield
      }) : () -> ()
      "tpu.region"() ({
        %run_scoped3A = tpu.sem_alloc : memref<!tpu.dma_semaphore, #tpu.memory_space<semaphore_mem>>
        %dma_start3A_583 = tpu.memref_slice %arg4[%mul3A_98] : memref<163840xi32, #tpu.memory_space<hbm>> -> memref<320xi32, #tpu.memory_space<hbm>>
        %dma_start3A_584 = tpu.memref_slice %arg4[%mul3A_98] : memref<163840xi32, #tpu.memory_space<hbm>> -> memref<320xi32, #tpu.memory_space<hbm>>
        tpu.enqueue_dma source(%dma_start3A_584 : memref<320xi32, #tpu.memory_space<hbm>>) target(%arg9 : memref<320xi32, #tpu.memory_space<vmem>>) target_semaphore(%run_scoped3A : memref<!tpu.dma_semaphore, #tpu.memory_space<semaphore_mem>>)
        %dma_wait3A_585 = tpu.memref_slice %arg4[%mul3A_98] : memref<163840xi32, #tpu.memory_space<hbm>> -> memref<320xi32, #tpu.memory_space<hbm>>
        %dma_wait3A_586 = tpu.memref_slice %arg4[%mul3A_98] : memref<163840xi32, #tpu.memory_space<hbm>> -> memref<320xi32, #tpu.memory_space<hbm>>
        tpu.wait_dma2 semaphore(%run_scoped3A : memref<!tpu.dma_semaphore, #tpu.memory_space<semaphore_mem>>) src(%dma_wait3A_586 : memref<320xi32, #tpu.memory_space<hbm>>) dst(%arg9 : memref<320xi32, #tpu.memory_space<vmem>>)
        tpu.yield
      }) : () -> ()
      "tpu.region"() ({
        %run_scoped3A = tpu.sem_alloc : memref<!tpu.dma_semaphore, #tpu.memory_space<semaphore_mem>>
        %dma_start3A_583 = tpu.memref_slice %arg5[%mul3A_98] : memref<163840xi32, #tpu.memory_space<hbm>> -> memref<320xi32, #tpu.memory_space<hbm>>
        %dma_start3A_584 = tpu.memref_slice %arg5[%mul3A_98] : memref<163840xi32, #tpu.memory_space<hbm>> -> memref<320xi32, #tpu.memory_space<hbm>>
        tpu.enqueue_dma source(%dma_start3A_584 : memref<320xi32, #tpu.memory_space<hbm>>) target(%arg10 : memref<320xi32, #tpu.memory_space<vmem>>) target_semaphore(%run_scoped3A : memref<!tpu.dma_semaphore, #tpu.memory_space<semaphore_mem>>)
        %dma_wait3A_585 = tpu.memref_slice %arg5[%mul3A_98] : memref<163840xi32, #tpu.memory_space<hbm>> -> memref<320xi32, #tpu.memory_space<hbm>>
        %dma_wait3A_586 = tpu.memref_slice %arg5[%mul3A_98] : memref<163840xi32, #tpu.memory_space<hbm>> -> memref<320xi32, #tpu.memory_space<hbm>>
        tpu.wait_dma2 semaphore(%run_scoped3A : memref<!tpu.dma_semaphore, #tpu.memory_space<semaphore_mem>>) src(%dma_wait3A_586 : memref<320xi32, #tpu.memory_space<hbm>>) dst(%arg10 : memref<320xi32, #tpu.memory_space<vmem>>)
        tpu.yield
      }) : () -> ()
      "tpu.region"() ({
        %run_scoped3A = tpu.sem_alloc : memref<!tpu.dma_semaphore, #tpu.memory_space<semaphore_mem>>
        %dma_start3A_583 = tpu.memref_slice %arg6[%mul3A_98] : memref<163840xf32, #tpu.memory_space<hbm>> -> memref<320xf32, #tpu.memory_space<hbm>>
        %dma_start3A_584 = tpu.memref_slice %arg6[%mul3A_98] : memref<163840xf32, #tpu.memory_space<hbm>> -> memref<320xf32, #tpu.memory_space<hbm>>
        tpu.enqueue_dma source(%dma_start3A_584 : memref<320xf32, #tpu.memory_space<hbm>>) target(%arg13 : memref<320xf32, #tpu.memory_space<vmem>>) target_semaphore(%run_scoped3A : memref<!tpu.dma_semaphore, #tpu.memory_space<semaphore_mem>>)
        %dma_wait3A_585 = tpu.memref_slice %arg6[%mul3A_98] : memref<163840xf32, #tpu.memory_space<hbm>> -> memref<320xf32, #tpu.memory_space<hbm>>
        %dma_wait3A_586 = tpu.memref_slice %arg6[%mul3A_98] : memref<163840xf32, #tpu.memory_space<hbm>> -> memref<320xf32, #tpu.memory_space<hbm>>
        tpu.wait_dma2 semaphore(%run_scoped3A : memref<!tpu.dma_semaphore, #tpu.memory_space<semaphore_mem>>) src(%dma_wait3A_586 : memref<320xf32, #tpu.memory_space<hbm>>) dst(%arg13 : memref<320xf32, #tpu.memory_space<vmem>>)
        tpu.yield
      }) : () -> ()
      %gt3A = arith.constant 0 : i32
      %gt3A_99 = arith.cmpi sgt, %scan3A_92, %gt3A : i32
      %convert_element_type3A_100 = arith.extui %gt3A_99 : i1 to i32
      %cond3A_101 = arith.constant 0 : i32
      %cond3A_102 = arith.cmpi ne, %convert_element_type3A_100, %cond3A_101 : i32
      scf.if %cond3A_102 {
        %dma_wait3A_583 = arith.constant 0 : i32
        %dma_wait3A_584 = arith.constant 0 : i32
        %dma_wait3A_585 = arith.constant 0 : i32
        %dma_wait3A_586 = tpu.memref_slice %arg14[%dma_wait3A_584, %dma_wait3A_585] : memref<320x128xf32, #tpu.memory_space<vmem>> -> memref<80x128xf32, #tpu.memory_space<vmem>>
        %dma_wait3A_587 = arith.constant 0 : i32
        %dma_wait3A_588 = tpu.memref_slice %arg12[%dma_wait3A_583, %dma_wait3A_587] : memref<4x80xi32, #tpu.memory_space<vmem>> -> memref<1x80xi32, #tpu.memory_space<vmem>>
        %dma_wait3A_589 = tpu.memref_squeeze %dma_wait3A_588 : memref<1x80xi32, #tpu.memory_space<vmem>> -> memref<80xi32, #tpu.memory_space<vmem>>
        %dma_wait3A_590 = arith.constant 0 : i32
        %dma_wait3A_591 = arith.constant 0 : i32
        %dma_wait3A_592 = tpu.memref_slice %arg15[%dma_wait3A_590, %dma_wait3A_591] : memref<10000x128xf32, #tpu.memory_space<vmem_shared>> -> memref<10000x128xf32, #tpu.memory_space<vmem_shared>>
        tpu.wait_indirect_dma semaphore(%arg17 : memref<!tpu.dma_semaphore, #tpu.memory_space<semaphore_mem>>) src(%dma_wait3A_586 : memref<80x128xf32, #tpu.memory_space<vmem>>) dst(%dma_wait3A_592 : memref<10000x128xf32, #tpu.memory_space<vmem_shared>>)
        %dma_wait3A_593 = arith.constant 1 : i32
        %dma_wait3A_594 = arith.constant 80 : i32
        %dma_wait3A_595 = arith.constant 0 : i32
        %dma_wait3A_596 = tpu.memref_slice %arg14[%dma_wait3A_594, %dma_wait3A_595] : memref<320x128xf32, #tpu.memory_space<vmem>> -> memref<80x128xf32, #tpu.memory_space<vmem>>
        %dma_wait3A_597 = arith.constant 0 : i32
        %dma_wait3A_598 = tpu.memref_slice %arg12[%dma_wait3A_593, %dma_wait3A_597] : memref<4x80xi32, #tpu.memory_space<vmem>> -> memref<1x80xi32, #tpu.memory_space<vmem>>
        %dma_wait3A_599 = tpu.memref_squeeze %dma_wait3A_598 : memref<1x80xi32, #tpu.memory_space<vmem>> -> memref<80xi32, #tpu.memory_space<vmem>>
        %dma_wait3A_600 = arith.constant 0 : i32
        %dma_wait3A_601 = arith.constant 0 : i32
        %dma_wait3A_602 = tpu.memref_slice %arg15[%dma_wait3A_600, %dma_wait3A_601] : memref<10000x128xf32, #tpu.memory_space<vmem_shared>> -> memref<10000x128xf32, #tpu.memory_space<vmem_shared>>
        tpu.wait_indirect_dma semaphore(%arg17 : memref<!tpu.dma_semaphore, #tpu.memory_space<semaphore_mem>>) src(%dma_wait3A_596 : memref<80x128xf32, #tpu.memory_space<vmem>>) dst(%dma_wait3A_602 : memref<10000x128xf32, #tpu.memory_space<vmem_shared>>)
        %dma_wait3A_603 = arith.constant 2 : i32
        %dma_wait3A_604 = arith.constant 160 : i32
        %dma_wait3A_605 = arith.constant 0 : i32
        %dma_wait3A_606 = tpu.memref_slice %arg14[%dma_wait3A_604, %dma_wait3A_605] : memref<320x128xf32, #tpu.memory_space<vmem>> -> memref<80x128xf32, #tpu.memory_space<vmem>>
        %dma_wait3A_607 = arith.constant 0 : i32
        %dma_wait3A_608 = tpu.memref_slice %arg12[%dma_wait3A_603, %dma_wait3A_607] : memref<4x80xi32, #tpu.memory_space<vmem>> -> memref<1x80xi32, #tpu.memory_space<vmem>>
        %dma_wait3A_609 = tpu.memref_squeeze %dma_wait3A_608 : memref<1x80xi32, #tpu.memory_space<vmem>> -> memref<80xi32, #tpu.memory_space<vmem>>
        %dma_wait3A_610 = arith.constant 0 : i32
        %dma_wait3A_611 = arith.constant 0 : i32
        %dma_wait3A_612 = tpu.memref_slice %arg15[%dma_wait3A_610, %dma_wait3A_611] : memref<10000x128xf32, #tpu.memory_space<vmem_shared>> -> memref<10000x128xf32, #tpu.memory_space<vmem_shared>>
        tpu.wait_indirect_dma semaphore(%arg17 : memref<!tpu.dma_semaphore, #tpu.memory_space<semaphore_mem>>) src(%dma_wait3A_606 : memref<80x128xf32, #tpu.memory_space<vmem>>) dst(%dma_wait3A_612 : memref<10000x128xf32, #tpu.memory_space<vmem_shared>>)
        %dma_wait3A_613 = arith.constant 3 : i32
        %dma_wait3A_614 = arith.constant 240 : i32
        %dma_wait3A_615 = arith.constant 0 : i32
        %dma_wait3A_616 = tpu.memref_slice %arg14[%dma_wait3A_614, %dma_wait3A_615] : memref<320x128xf32, #tpu.memory_space<vmem>> -> memref<80x128xf32, #tpu.memory_space<vmem>>
        %dma_wait3A_617 = arith.constant 0 : i32
        %dma_wait3A_618 = tpu.memref_slice %arg12[%dma_wait3A_613, %dma_wait3A_617] : memref<4x80xi32, #tpu.memory_space<vmem>> -> memref<1x80xi32, #tpu.memory_space<vmem>>
        %dma_wait3A_619 = tpu.memref_squeeze %dma_wait3A_618 : memref<1x80xi32, #tpu.memory_space<vmem>> -> memref<80xi32, #tpu.memory_space<vmem>>
        %dma_wait3A_620 = arith.constant 0 : i32
        %dma_wait3A_621 = arith.constant 0 : i32
        %dma_wait3A_622 = tpu.memref_slice %arg15[%dma_wait3A_620, %dma_wait3A_621] : memref<10000x128xf32, #tpu.memory_space<vmem_shared>> -> memref<10000x128xf32, #tpu.memory_space<vmem_shared>>
        tpu.wait_indirect_dma semaphore(%arg17 : memref<!tpu.dma_semaphore, #tpu.memory_space<semaphore_mem>>) src(%dma_wait3A_616 : memref<80x128xf32, #tpu.memory_space<vmem>>) dst(%dma_wait3A_622 : memref<10000x128xf32, #tpu.memory_space<vmem_shared>>)
      } else {
      }
      %get3A = arith.constant 0 : index
      %get3A_103 = tpu.vector_load %arg8[%get3A] {strides = array<i32>} : memref<320xi32, #tpu.memory_space<vmem>>, vector<16xi32>,
      %get3A_104 = arith.constant 0 : index
      %get3A_105 = tpu.vector_load %arg10[%get3A_104] {strides = array<i32>} : memref<320xi32, #tpu.memory_space<vmem>>, vector<16xi32>,
      %get3A_106 = arith.constant 0 : index
      %get3A_107 = tpu.vector_load %arg9[%get3A_106] {strides = array<i32>} : memref<320xi32, #tpu.memory_space<vmem>>, vector<16xi32>,
      %mul3A_108 = arith.constant 8 : i32
      %mul3A_109 = vector.broadcast %mul3A_108 : i32 to vector<16xi32>
      %mul3A_110 = arith.muli %get3A_103, %mul3A_109 : vector<16xi32>
      %add3A_111 = arith.addi %mul3A_110, %get3A_105 : vector<16xi32>
      %swap3A = arith.constant 0 : i32
      %swap3A_112 = arith.index_cast %swap3A : i32 to index
      %swap3A_113 = arith.constant 0 : index
      %swap3A_114 = tpu.vector_load %arg11[%swap3A_112, %swap3A_113] {strides = array<i32>} : memref<4x80xi32, #tpu.memory_space<vmem>>, vector<16xi32>,
      tpu.vector_store %arg11[%swap3A_112, %swap3A_113], %add3A_111 {strides = array<i32>} : memref<4x80xi32, #tpu.memory_space<vmem>>, vector<16xi32>,
      %swap3A_115 = arith.constant 0 : i32
      %swap3A_116 = arith.index_cast %swap3A_115 : i32 to index
      %swap3A_117 = arith.constant 0 : index
      %swap3A_118 = tpu.vector_load %arg12[%swap3A_116, %swap3A_117] {strides = array<i32>} : memref<4x80xi32, #tpu.memory_space<vmem>>, vector<16xi32>,
      tpu.vector_store %arg12[%swap3A_116, %swap3A_117], %get3A_107 {strides = array<i32>} : memref<4x80xi32, #tpu.memory_space<vmem>>, vector<16xi32>,
      %get3A_119 = arith.constant 16 : index
      %get3A_120 = tpu.vector_load %arg8[%get3A_119] {strides = array<i32>} : memref<320xi32, #tpu.memory_space<vmem>>, vector<16xi32>,
      %get3A_121 = arith.constant 16 : index
      %get3A_122 = tpu.vector_load %arg10[%get3A_121] {strides = array<i32>} : memref<320xi32, #tpu.memory_space<vmem>>, vector<16xi32>,
      %get3A_123 = arith.constant 16 : index
      %get3A_124 = tpu.vector_load %arg9[%get3A_123] {strides = array<i32>} : memref<320xi32, #tpu.memory_space<vmem>>, vector<16xi32>,
      %mul3A_125 = arith.constant 8 : i32
      %mul3A_126 = vector.broadcast %mul3A_125 : i32 to vector<16xi32>
      %mul3A_127 = arith.muli %get3A_120, %mul3A_126 : vector<16xi32>
      %add3A_128 = arith.addi %mul3A_127, %get3A_122 : vector<16xi32>
      %swap3A_129 = arith.constant 0 : i32
      %swap3A_130 = arith.index_cast %swap3A_129 : i32 to index
      %swap3A_131 = arith.constant 16 : index
      %swap3A_132 = tpu.vector_load %arg11[%swap3A_130, %swap3A_131] {strides = array<i32>} : memref<4x80xi32, #tpu.memory_space<vmem>>, vector<16xi32>,
      tpu.vector_store %arg11[%swap3A_130, %swap3A_131], %add3A_128 {strides = array<i32>} : memref<4x80xi32, #tpu.memory_space<vmem>>, vector<16xi32>,
      %swap3A_133 = arith.constant 0 : i32
      %swap3A_134 = arith.index_cast %swap3A_133 : i32 to index
      %swap3A_135 = arith.constant 16 : index
      %swap3A_136 = tpu.vector_load %arg12[%swap3A_134, %swap3A_135] {strides = array<i32>} : memref<4x80xi32, #tpu.memory_space<vmem>>, vector<16xi32>,
      tpu.vector_store %arg12[%swap3A_134, %swap3A_135], %get3A_124 {strides = array<i32>} : memref<4x80xi32, #tpu.memory_space<vmem>>, vector<16xi32>,
      %get3A_137 = arith.constant 32 : index
      %get3A_138 = tpu.vector_load %arg8[%get3A_137] {strides = array<i32>} : memref<320xi32, #tpu.memory_space<vmem>>, vector<16xi32>,
      %get3A_139 = arith.constant 32 : index
      %get3A_140 = tpu.vector_load %arg10[%get3A_139] {strides = array<i32>} : memref<320xi32, #tpu.memory_space<vmem>>, vector<16xi32>,
      %get3A_141 = arith.constant 32 : index
      %get3A_142 = tpu.vector_load %arg9[%get3A_141] {strides = array<i32>} : memref<320xi32, #tpu.memory_space<vmem>>, vector<16xi32>,
      %mul3A_143 = arith.constant 8 : i32
      %mul3A_144 = vector.broadcast %mul3A_143 : i32 to vector<16xi32>
      %mul3A_145 = arith.muli %get3A_138, %mul3A_144 : vector<16xi32>
      %add3A_146 = arith.addi %mul3A_145, %get3A_140 : vector<16xi32>
      %swap3A_147 = arith.constant 0 : i32
      %swap3A_148 = arith.index_cast %swap3A_147 : i32 to index
      %swap3A_149 = arith.constant 32 : index
      %swap3A_150 = tpu.vector_load %arg11[%swap3A_148, %swap3A_149] {strides = array<i32>} : memref<4x80xi32, #tpu.memory_space<vmem>>, vector<16xi32>,
      tpu.vector_store %arg11[%swap3A_148, %swap3A_149], %add3A_146 {strides = array<i32>} : memref<4x80xi32, #tpu.memory_space<vmem>>, vector<16xi32>,
      %swap3A_151 = arith.constant 0 : i32
      %swap3A_152 = arith.index_cast %swap3A_151 : i32 to index
      %swap3A_153 = arith.constant 32 : index
      %swap3A_154 = tpu.vector_load %arg12[%swap3A_152, %swap3A_153] {strides = array<i32>} : memref<4x80xi32, #tpu.memory_space<vmem>>, vector<16xi32>,
      tpu.vector_store %arg12[%swap3A_152, %swap3A_153], %get3A_142 {strides = array<i32>} : memref<4x80xi32, #tpu.memory_space<vmem>>, vector<16xi32>,
      %get3A_155 = arith.constant 48 : index
      %get3A_156 = tpu.vector_load %arg8[%get3A_155] {strides = array<i32>} : memref<320xi32, #tpu.memory_space<vmem>>, vector<16xi32>,
      %get3A_157 = arith.constant 48 : index
      %get3A_158 = tpu.vector_load %arg10[%get3A_157] {strides = array<i32>} : memref<320xi32, #tpu.memory_space<vmem>>, vector<16xi32>,
      %get3A_159 = arith.constant 48 : index
      %get3A_160 = tpu.vector_load %arg9[%get3A_159] {strides = array<i32>} : memref<320xi32, #tpu.memory_space<vmem>>, vector<16xi32>,
      %mul3A_161 = arith.constant 8 : i32
      %mul3A_162 = vector.broadcast %mul3A_161 : i32 to vector<16xi32>
      %mul3A_163 = arith.muli %get3A_156, %mul3A_162 : vector<16xi32>
      %add3A_164 = arith.addi %mul3A_163, %get3A_158 : vector<16xi32>
      %swap3A_165 = arith.constant 0 : i32
      %swap3A_166 = arith.index_cast %swap3A_165 : i32 to index
      %swap3A_167 = arith.constant 48 : index
      %swap3A_168 = tpu.vector_load %arg11[%swap3A_166, %swap3A_167] {strides = array<i32>} : memref<4x80xi32, #tpu.memory_space<vmem>>, vector<16xi32>,
      tpu.vector_store %arg11[%swap3A_166, %swap3A_167], %add3A_164 {strides = array<i32>} : memref<4x80xi32, #tpu.memory_space<vmem>>, vector<16xi32>,
      %swap3A_169 = arith.constant 0 : i32
      %swap3A_170 = arith.index_cast %swap3A_169 : i32 to index
      %swap3A_171 = arith.constant 48 : index
      %swap3A_172 = tpu.vector_load %arg12[%swap3A_170, %swap3A_171] {strides = array<i32>} : memref<4x80xi32, #tpu.memory_space<vmem>>, vector<16xi32>,
      tpu.vector_store %arg12[%swap3A_170, %swap3A_171], %get3A_160 {strides = array<i32>} : memref<4x80xi32, #tpu.memory_space<vmem>>, vector<16xi32>,
      %get3A_173 = arith.constant 64 : index
      %get3A_174 = tpu.vector_load %arg8[%get3A_173] {strides = array<i32>} : memref<320xi32, #tpu.memory_space<vmem>>, vector<16xi32>,
      %get3A_175 = arith.constant 64 : index
      %get3A_176 = tpu.vector_load %arg10[%get3A_175] {strides = array<i32>} : memref<320xi32, #tpu.memory_space<vmem>>, vector<16xi32>,
      %get3A_177 = arith.constant 64 : index
      %get3A_178 = tpu.vector_load %arg9[%get3A_177] {strides = array<i32>} : memref<320xi32, #tpu.memory_space<vmem>>, vector<16xi32>,
      %mul3A_179 = arith.constant 8 : i32
      %mul3A_180 = vector.broadcast %mul3A_179 : i32 to vector<16xi32>
      %mul3A_181 = arith.muli %get3A_174, %mul3A_180 : vector<16xi32>
      %add3A_182 = arith.addi %mul3A_181, %get3A_176 : vector<16xi32>
      %swap3A_183 = arith.constant 0 : i32
      %swap3A_184 = arith.index_cast %swap3A_183 : i32 to index
      %swap3A_185 = arith.constant 64 : index
      %swap3A_186 = tpu.vector_load %arg11[%swap3A_184, %swap3A_185] {strides = array<i32>} : memref<4x80xi32, #tpu.memory_space<vmem>>, vector<16xi32>,
      tpu.vector_store %arg11[%swap3A_184, %swap3A_185], %add3A_182 {strides = array<i32>} : memref<4x80xi32, #tpu.memory_space<vmem>>, vector<16xi32>,
      %swap3A_187 = arith.constant 0 : i32
      %swap3A_188 = arith.index_cast %swap3A_187 : i32 to index
      %swap3A_189 = arith.constant 64 : index
      %swap3A_190 = tpu.vector_load %arg12[%swap3A_188, %swap3A_189] {strides = array<i32>} : memref<4x80xi32, #tpu.memory_space<vmem>>, vector<16xi32>,
      tpu.vector_store %arg12[%swap3A_188, %swap3A_189], %get3A_178 {strides = array<i32>} : memref<4x80xi32, #tpu.memory_space<vmem>>, vector<16xi32>,
      %get3A_191 = arith.constant 80 : index
      %get3A_192 = tpu.vector_load %arg8[%get3A_191] {strides = array<i32>} : memref<320xi32, #tpu.memory_space<vmem>>, vector<16xi32>,
      %get3A_193 = arith.constant 80 : index
      %get3A_194 = tpu.vector_load %arg10[%get3A_193] {strides = array<i32>} : memref<320xi32, #tpu.memory_space<vmem>>, vector<16xi32>,
      %get3A_195 = arith.constant 80 : index
      %get3A_196 = tpu.vector_load %arg9[%get3A_195] {strides = array<i32>} : memref<320xi32, #tpu.memory_space<vmem>>, vector<16xi32>,
      %mul3A_197 = arith.constant 8 : i32
      %mul3A_198 = vector.broadcast %mul3A_197 : i32 to vector<16xi32>
      %mul3A_199 = arith.muli %get3A_192, %mul3A_198 : vector<16xi32>
      %add3A_200 = arith.addi %mul3A_199, %get3A_194 : vector<16xi32>
      %swap3A_201 = arith.constant 1 : i32
      %swap3A_202 = arith.index_cast %swap3A_201 : i32 to index
      %swap3A_203 = arith.constant 0 : index
      %swap3A_204 = tpu.vector_load %arg11[%swap3A_202, %swap3A_203] {strides = array<i32>} : memref<4x80xi32, #tpu.memory_space<vmem>>, vector<16xi32>,
      tpu.vector_store %arg11[%swap3A_202, %swap3A_203], %add3A_200 {strides = array<i32>} : memref<4x80xi32, #tpu.memory_space<vmem>>, vector<16xi32>,
      %swap3A_205 = arith.constant 1 : i32
      %swap3A_206 = arith.index_cast %swap3A_205 : i32 to index
      %swap3A_207 = arith.constant 0 : index
      %swap3A_208 = tpu.vector_load %arg12[%swap3A_206, %swap3A_207] {strides = array<i32>} : memref<4x80xi32, #tpu.memory_space<vmem>>, vector<16xi32>,
      tpu.vector_store %arg12[%swap3A_206, %swap3A_207], %get3A_196 {strides = array<i32>} : memref<4x80xi32, #tpu.memory_space<vmem>>, vector<16xi32>,
      %get3A_209 = arith.constant 96 : index
      %get3A_210 = tpu.vector_load %arg8[%get3A_209] {strides = array<i32>} : memref<320xi32, #tpu.memory_space<vmem>>, vector<16xi32>,
      %get3A_211 = arith.constant 96 : index
      %get3A_212 = tpu.vector_load %arg10[%get3A_211] {strides = array<i32>} : memref<320xi32, #tpu.memory_space<vmem>>, vector<16xi32>,
      %get3A_213 = arith.constant 96 : index
      %get3A_214 = tpu.vector_load %arg9[%get3A_213] {strides = array<i32>} : memref<320xi32, #tpu.memory_space<vmem>>, vector<16xi32>,
      %mul3A_215 = arith.constant 8 : i32
      %mul3A_216 = vector.broadcast %mul3A_215 : i32 to vector<16xi32>
      %mul3A_217 = arith.muli %get3A_210, %mul3A_216 : vector<16xi32>
      %add3A_218 = arith.addi %mul3A_217, %get3A_212 : vector<16xi32>
      %swap3A_219 = arith.constant 1 : i32
      %swap3A_220 = arith.index_cast %swap3A_219 : i32 to index
      %swap3A_221 = arith.constant 16 : index
      %swap3A_222 = tpu.vector_load %arg11[%swap3A_220, %swap3A_221] {strides = array<i32>} : memref<4x80xi32, #tpu.memory_space<vmem>>, vector<16xi32>,
      tpu.vector_store %arg11[%swap3A_220, %swap3A_221], %add3A_218 {strides = array<i32>} : memref<4x80xi32, #tpu.memory_space<vmem>>, vector<16xi32>,
      %swap3A_223 = arith.constant 1 : i32
      %swap3A_224 = arith.index_cast %swap3A_223 : i32 to index
      %swap3A_225 = arith.constant 16 : index
      %swap3A_226 = tpu.vector_load %arg12[%swap3A_224, %swap3A_225] {strides = array<i32>} : memref<4x80xi32, #tpu.memory_space<vmem>>, vector<16xi32>,
      tpu.vector_store %arg12[%swap3A_224, %swap3A_225], %get3A_214 {strides = array<i32>} : memref<4x80xi32, #tpu.memory_space<vmem>>, vector<16xi32>,
      %get3A_227 = arith.constant 112 : index
      %get3A_228 = tpu.vector_load %arg8[%get3A_227] {strides = array<i32>} : memref<320xi32, #tpu.memory_space<vmem>>, vector<16xi32>,
      %get3A_229 = arith.constant 112 : index
      %get3A_230 = tpu.vector_load %arg10[%get3A_229] {strides = array<i32>} : memref<320xi32, #tpu.memory_space<vmem>>, vector<16xi32>,
      %get3A_231 = arith.constant 112 : index
      %get3A_232 = tpu.vector_load %arg9[%get3A_231] {strides = array<i32>} : memref<320xi32, #tpu.memory_space<vmem>>, vector<16xi32>,
      %mul3A_233 = arith.constant 8 : i32
      %mul3A_234 = vector.broadcast %mul3A_233 : i32 to vector<16xi32>
      %mul3A_235 = arith.muli %get3A_228, %mul3A_234 : vector<16xi32>
      %add3A_236 = arith.addi %mul3A_235, %get3A_230 : vector<16xi32>
      %swap3A_237 = arith.constant 1 : i32
      %swap3A_238 = arith.index_cast %swap3A_237 : i32 to index
      %swap3A_239 = arith.constant 32 : index
      %swap3A_240 = tpu.vector_load %arg11[%swap3A_238, %swap3A_239] {strides = array<i32>} : memref<4x80xi32, #tpu.memory_space<vmem>>, vector<16xi32>,
      tpu.vector_store %arg11[%swap3A_238, %swap3A_239], %add3A_236 {strides = array<i32>} : memref<4x80xi32, #tpu.memory_space<vmem>>, vector<16xi32>,
      %swap3A_241 = arith.constant 1 : i32
      %swap3A_242 = arith.index_cast %swap3A_241 : i32 to index
      %swap3A_243 = arith.constant 32 : index
      %swap3A_244 = tpu.vector_load %arg12[%swap3A_242, %swap3A_243] {strides = array<i32>} : memref<4x80xi32, #tpu.memory_space<vmem>>, vector<16xi32>,
      tpu.vector_store %arg12[%swap3A_242, %swap3A_243], %get3A_232 {strides = array<i32>} : memref<4x80xi32, #tpu.memory_space<vmem>>, vector<16xi32>,
      %get3A_245 = arith.constant 128 : index
      %get3A_246 = tpu.vector_load %arg8[%get3A_245] {strides = array<i32>} : memref<320xi32, #tpu.memory_space<vmem>>, vector<16xi32>,
      %get3A_247 = arith.constant 128 : index
      %get3A_248 = tpu.vector_load %arg10[%get3A_247] {strides = array<i32>} : memref<320xi32, #tpu.memory_space<vmem>>, vector<16xi32>,
      %get3A_249 = arith.constant 128 : index
      %get3A_250 = tpu.vector_load %arg9[%get3A_249] {strides = array<i32>} : memref<320xi32, #tpu.memory_space<vmem>>, vector<16xi32>,
      %mul3A_251 = arith.constant 8 : i32
      %mul3A_252 = vector.broadcast %mul3A_251 : i32 to vector<16xi32>
      %mul3A_253 = arith.muli %get3A_246, %mul3A_252 : vector<16xi32>
      %add3A_254 = arith.addi %mul3A_253, %get3A_248 : vector<16xi32>
      %swap3A_255 = arith.constant 1 : i32
      %swap3A_256 = arith.index_cast %swap3A_255 : i32 to index
      %swap3A_257 = arith.constant 48 : index
      %swap3A_258 = tpu.vector_load %arg11[%swap3A_256, %swap3A_257] {strides = array<i32>} : memref<4x80xi32, #tpu.memory_space<vmem>>, vector<16xi32>,
      tpu.vector_store %arg11[%swap3A_256, %swap3A_257], %add3A_254 {strides = array<i32>} : memref<4x80xi32, #tpu.memory_space<vmem>>, vector<16xi32>,
      %swap3A_259 = arith.constant 1 : i32
      %swap3A_260 = arith.index_cast %swap3A_259 : i32 to index
      %swap3A_261 = arith.constant 48 : index
      %swap3A_262 = tpu.vector_load %arg12[%swap3A_260, %swap3A_261] {strides = array<i32>} : memref<4x80xi32, #tpu.memory_space<vmem>>, vector<16xi32>,
      tpu.vector_store %arg12[%swap3A_260, %swap3A_261], %get3A_250 {strides = array<i32>} : memref<4x80xi32, #tpu.memory_space<vmem>>, vector<16xi32>,
      %get3A_263 = arith.constant 144 : index
      %get3A_264 = tpu.vector_load %arg8[%get3A_263] {strides = array<i32>} : memref<320xi32, #tpu.memory_space<vmem>>, vector<16xi32>,
      %get3A_265 = arith.constant 144 : index
      %get3A_266 = tpu.vector_load %arg10[%get3A_265] {strides = array<i32>} : memref<320xi32, #tpu.memory_space<vmem>>, vector<16xi32>,
      %get3A_267 = arith.constant 144 : index
      %get3A_268 = tpu.vector_load %arg9[%get3A_267] {strides = array<i32>} : memref<320xi32, #tpu.memory_space<vmem>>, vector<16xi32>,
      %mul3A_269 = arith.constant 8 : i32
      %mul3A_270 = vector.broadcast %mul3A_269 : i32 to vector<16xi32>
      %mul3A_271 = arith.muli %get3A_264, %mul3A_270 : vector<16xi32>
      %add3A_272 = arith.addi %mul3A_271, %get3A_266 : vector<16xi32>
      %swap3A_273 = arith.constant 1 : i32
      %swap3A_274 = arith.index_cast %swap3A_273 : i32 to index
      %swap3A_275 = arith.constant 64 : index
      %swap3A_276 = tpu.vector_load %arg11[%swap3A_274, %swap3A_275] {strides = array<i32>} : memref<4x80xi32, #tpu.memory_space<vmem>>, vector<16xi32>,
      tpu.vector_store %arg11[%swap3A_274, %swap3A_275], %add3A_272 {strides = array<i32>} : memref<4x80xi32, #tpu.memory_space<vmem>>, vector<16xi32>,
      %swap3A_277 = arith.constant 1 : i32
      %swap3A_278 = arith.index_cast %swap3A_277 : i32 to index
      %swap3A_279 = arith.constant 64 : index
      %swap3A_280 = tpu.vector_load %arg12[%swap3A_278, %swap3A_279] {strides = array<i32>} : memref<4x80xi32, #tpu.memory_space<vmem>>, vector<16xi32>,
      tpu.vector_store %arg12[%swap3A_278, %swap3A_279], %get3A_268 {strides = array<i32>} : memref<4x80xi32, #tpu.memory_space<vmem>>, vector<16xi32>,
      %get3A_281 = arith.constant 160 : index
      %get3A_282 = tpu.vector_load %arg8[%get3A_281] {strides = array<i32>} : memref<320xi32, #tpu.memory_space<vmem>>, vector<16xi32>,
      %get3A_283 = arith.constant 160 : index
      %get3A_284 = tpu.vector_load %arg10[%get3A_283] {strides = array<i32>} : memref<320xi32, #tpu.memory_space<vmem>>, vector<16xi32>,
      %get3A_285 = arith.constant 160 : index
      %get3A_286 = tpu.vector_load %arg9[%get3A_285] {strides = array<i32>} : memref<320xi32, #tpu.memory_space<vmem>>, vector<16xi32>,
      %mul3A_287 = arith.constant 8 : i32
      %mul3A_288 = vector.broadcast %mul3A_287 : i32 to vector<16xi32>
      %mul3A_289 = arith.muli %get3A_282, %mul3A_288 : vector<16xi32>
      %add3A_290 = arith.addi %mul3A_289, %get3A_284 : vector<16xi32>
      %swap3A_291 = arith.constant 2 : i32
      %swap3A_292 = arith.index_cast %swap3A_291 : i32 to index
      %swap3A_293 = arith.constant 0 : index
      %swap3A_294 = tpu.vector_load %arg11[%swap3A_292, %swap3A_293] {strides = array<i32>} : memref<4x80xi32, #tpu.memory_space<vmem>>, vector<16xi32>,
      tpu.vector_store %arg11[%swap3A_292, %swap3A_293], %add3A_290 {strides = array<i32>} : memref<4x80xi32, #tpu.memory_space<vmem>>, vector<16xi32>,
      %swap3A_295 = arith.constant 2 : i32
      %swap3A_296 = arith.index_cast %swap3A_295 : i32 to index
      %swap3A_297 = arith.constant 0 : index
      %swap3A_298 = tpu.vector_load %arg12[%swap3A_296, %swap3A_297] {strides = array<i32>} : memref<4x80xi32, #tpu.memory_space<vmem>>, vector<16xi32>,
      tpu.vector_store %arg12[%swap3A_296, %swap3A_297], %get3A_286 {strides = array<i32>} : memref<4x80xi32, #tpu.memory_space<vmem>>, vector<16xi32>,
      %get3A_299 = arith.constant 176 : index
      %get3A_300 = tpu.vector_load %arg8[%get3A_299] {strides = array<i32>} : memref<320xi32, #tpu.memory_space<vmem>>, vector<16xi32>,
      %get3A_301 = arith.constant 176 : index
      %get3A_302 = tpu.vector_load %arg10[%get3A_301] {strides = array<i32>} : memref<320xi32, #tpu.memory_space<vmem>>, vector<16xi32>,
      %get3A_303 = arith.constant 176 : index
      %get3A_304 = tpu.vector_load %arg9[%get3A_303] {strides = array<i32>} : memref<320xi32, #tpu.memory_space<vmem>>, vector<16xi32>,
      %mul3A_305 = arith.constant 8 : i32
      %mul3A_306 = vector.broadcast %mul3A_305 : i32 to vector<16xi32>
      %mul3A_307 = arith.muli %get3A_300, %mul3A_306 : vector<16xi32>
      %add3A_308 = arith.addi %mul3A_307, %get3A_302 : vector<16xi32>
      %swap3A_309 = arith.constant 2 : i32
      %swap3A_310 = arith.index_cast %swap3A_309 : i32 to index
      %swap3A_311 = arith.constant 16 : index
      %swap3A_312 = tpu.vector_load %arg11[%swap3A_310, %swap3A_311] {strides = array<i32>} : memref<4x80xi32, #tpu.memory_space<vmem>>, vector<16xi32>,
      tpu.vector_store %arg11[%swap3A_310, %swap3A_311], %add3A_308 {strides = array<i32>} : memref<4x80xi32, #tpu.memory_space<vmem>>, vector<16xi32>,
      %swap3A_313 = arith.constant 2 : i32
      %swap3A_314 = arith.index_cast %swap3A_313 : i32 to index
      %swap3A_315 = arith.constant 16 : index
      %swap3A_316 = tpu.vector_load %arg12[%swap3A_314, %swap3A_315] {strides = array<i32>} : memref<4x80xi32, #tpu.memory_space<vmem>>, vector<16xi32>,
      tpu.vector_store %arg12[%swap3A_314, %swap3A_315], %get3A_304 {strides = array<i32>} : memref<4x80xi32, #tpu.memory_space<vmem>>, vector<16xi32>,
      %get3A_317 = arith.constant 192 : index
      %get3A_318 = tpu.vector_load %arg8[%get3A_317] {strides = array<i32>} : memref<320xi32, #tpu.memory_space<vmem>>, vector<16xi32>,
      %get3A_319 = arith.constant 192 : index
      %get3A_320 = tpu.vector_load %arg10[%get3A_319] {strides = array<i32>} : memref<320xi32, #tpu.memory_space<vmem>>, vector<16xi32>,
      %get3A_321 = arith.constant 192 : index
      %get3A_322 = tpu.vector_load %arg9[%get3A_321] {strides = array<i32>} : memref<320xi32, #tpu.memory_space<vmem>>, vector<16xi32>,
      %mul3A_323 = arith.constant 8 : i32
      %mul3A_324 = vector.broadcast %mul3A_323 : i32 to vector<16xi32>
      %mul3A_325 = arith.muli %get3A_318, %mul3A_324 : vector<16xi32>
      %add3A_326 = arith.addi %mul3A_325, %get3A_320 : vector<16xi32>
      %swap3A_327 = arith.constant 2 : i32
      %swap3A_328 = arith.index_cast %swap3A_327 : i32 to index
      %swap3A_329 = arith.constant 32 : index
      %swap3A_330 = tpu.vector_load %arg11[%swap3A_328, %swap3A_329] {strides = array<i32>} : memref<4x80xi32, #tpu.memory_space<vmem>>, vector<16xi32>,
      tpu.vector_store %arg11[%swap3A_328, %swap3A_329], %add3A_326 {strides = array<i32>} : memref<4x80xi32, #tpu.memory_space<vmem>>, vector<16xi32>,
      %swap3A_331 = arith.constant 2 : i32
      %swap3A_332 = arith.index_cast %swap3A_331 : i32 to index
      %swap3A_333 = arith.constant 32 : index
      %swap3A_334 = tpu.vector_load %arg12[%swap3A_332, %swap3A_333] {strides = array<i32>} : memref<4x80xi32, #tpu.memory_space<vmem>>, vector<16xi32>,
      tpu.vector_store %arg12[%swap3A_332, %swap3A_333], %get3A_322 {strides = array<i32>} : memref<4x80xi32, #tpu.memory_space<vmem>>, vector<16xi32>,
      %get3A_335 = arith.constant 208 : index
      %get3A_336 = tpu.vector_load %arg8[%get3A_335] {strides = array<i32>} : memref<320xi32, #tpu.memory_space<vmem>>, vector<16xi32>,
      %get3A_337 = arith.constant 208 : index
      %get3A_338 = tpu.vector_load %arg10[%get3A_337] {strides = array<i32>} : memref<320xi32, #tpu.memory_space<vmem>>, vector<16xi32>,
      %get3A_339 = arith.constant 208 : index
      %get3A_340 = tpu.vector_load %arg9[%get3A_339] {strides = array<i32>} : memref<320xi32, #tpu.memory_space<vmem>>, vector<16xi32>,
      %mul3A_341 = arith.constant 8 : i32
      %mul3A_342 = vector.broadcast %mul3A_341 : i32 to vector<16xi32>
      %mul3A_343 = arith.muli %get3A_336, %mul3A_342 : vector<16xi32>
      %add3A_344 = arith.addi %mul3A_343, %get3A_338 : vector<16xi32>
      %swap3A_345 = arith.constant 2 : i32
      %swap3A_346 = arith.index_cast %swap3A_345 : i32 to index
      %swap3A_347 = arith.constant 48 : index
      %swap3A_348 = tpu.vector_load %arg11[%swap3A_346, %swap3A_347] {strides = array<i32>} : memref<4x80xi32, #tpu.memory_space<vmem>>, vector<16xi32>,
      tpu.vector_store %arg11[%swap3A_346, %swap3A_347], %add3A_344 {strides = array<i32>} : memref<4x80xi32, #tpu.memory_space<vmem>>, vector<16xi32>,
      %swap3A_349 = arith.constant 2 : i32
      %swap3A_350 = arith.index_cast %swap3A_349 : i32 to index
      %swap3A_351 = arith.constant 48 : index
      %swap3A_352 = tpu.vector_load %arg12[%swap3A_350, %swap3A_351] {strides = array<i32>} : memref<4x80xi32, #tpu.memory_space<vmem>>, vector<16xi32>,
      tpu.vector_store %arg12[%swap3A_350, %swap3A_351], %get3A_340 {strides = array<i32>} : memref<4x80xi32, #tpu.memory_space<vmem>>, vector<16xi32>,
      %get3A_353 = arith.constant 224 : index
      %get3A_354 = tpu.vector_load %arg8[%get3A_353] {strides = array<i32>} : memref<320xi32, #tpu.memory_space<vmem>>, vector<16xi32>,
      %get3A_355 = arith.constant 224 : index
      %get3A_356 = tpu.vector_load %arg10[%get3A_355] {strides = array<i32>} : memref<320xi32, #tpu.memory_space<vmem>>, vector<16xi32>,
      %get3A_357 = arith.constant 224 : index
      %get3A_358 = tpu.vector_load %arg9[%get3A_357] {strides = array<i32>} : memref<320xi32, #tpu.memory_space<vmem>>, vector<16xi32>,
      %mul3A_359 = arith.constant 8 : i32
      %mul3A_360 = vector.broadcast %mul3A_359 : i32 to vector<16xi32>
      %mul3A_361 = arith.muli %get3A_354, %mul3A_360 : vector<16xi32>
      %add3A_362 = arith.addi %mul3A_361, %get3A_356 : vector<16xi32>
      %swap3A_363 = arith.constant 2 : i32
      %swap3A_364 = arith.index_cast %swap3A_363 : i32 to index
      %swap3A_365 = arith.constant 64 : index
      %swap3A_366 = tpu.vector_load %arg11[%swap3A_364, %swap3A_365] {strides = array<i32>} : memref<4x80xi32, #tpu.memory_space<vmem>>, vector<16xi32>,
      tpu.vector_store %arg11[%swap3A_364, %swap3A_365], %add3A_362 {strides = array<i32>} : memref<4x80xi32, #tpu.memory_space<vmem>>, vector<16xi32>,
      %swap3A_367 = arith.constant 2 : i32
      %swap3A_368 = arith.index_cast %swap3A_367 : i32 to index
      %swap3A_369 = arith.constant 64 : index
      %swap3A_370 = tpu.vector_load %arg12[%swap3A_368, %swap3A_369] {strides = array<i32>} : memref<4x80xi32, #tpu.memory_space<vmem>>, vector<16xi32>,
      tpu.vector_store %arg12[%swap3A_368, %swap3A_369], %get3A_358 {strides = array<i32>} : memref<4x80xi32, #tpu.memory_space<vmem>>, vector<16xi32>,
      %get3A_371 = arith.constant 240 : index
      %get3A_372 = tpu.vector_load %arg8[%get3A_371] {strides = array<i32>} : memref<320xi32, #tpu.memory_space<vmem>>, vector<16xi32>,
      %get3A_373 = arith.constant 240 : index
      %get3A_374 = tpu.vector_load %arg10[%get3A_373] {strides = array<i32>} : memref<320xi32, #tpu.memory_space<vmem>>, vector<16xi32>,
      %get3A_375 = arith.constant 240 : index
      %get3A_376 = tpu.vector_load %arg9[%get3A_375] {strides = array<i32>} : memref<320xi32, #tpu.memory_space<vmem>>, vector<16xi32>,
      %mul3A_377 = arith.constant 8 : i32
      %mul3A_378 = vector.broadcast %mul3A_377 : i32 to vector<16xi32>
      %mul3A_379 = arith.muli %get3A_372, %mul3A_378 : vector<16xi32>
      %add3A_380 = arith.addi %mul3A_379, %get3A_374 : vector<16xi32>
      %swap3A_381 = arith.constant 3 : i32
      %swap3A_382 = arith.index_cast %swap3A_381 : i32 to index
      %swap3A_383 = arith.constant 0 : index
      %swap3A_384 = tpu.vector_load %arg11[%swap3A_382, %swap3A_383] {strides = array<i32>} : memref<4x80xi32, #tpu.memory_space<vmem>>, vector<16xi32>,
      tpu.vector_store %arg11[%swap3A_382, %swap3A_383], %add3A_380 {strides = array<i32>} : memref<4x80xi32, #tpu.memory_space<vmem>>, vector<16xi32>,
      %swap3A_385 = arith.constant 3 : i32
      %swap3A_386 = arith.index_cast %swap3A_385 : i32 to index
      %swap3A_387 = arith.constant 0 : index
      %swap3A_388 = tpu.vector_load %arg12[%swap3A_386, %swap3A_387] {strides = array<i32>} : memref<4x80xi32, #tpu.memory_space<vmem>>, vector<16xi32>,
      tpu.vector_store %arg12[%swap3A_386, %swap3A_387], %get3A_376 {strides = array<i32>} : memref<4x80xi32, #tpu.memory_space<vmem>>, vector<16xi32>,
      %get3A_389 = arith.constant 256 : index
      %get3A_390 = tpu.vector_load %arg8[%get3A_389] {strides = array<i32>} : memref<320xi32, #tpu.memory_space<vmem>>, vector<16xi32>,
      %get3A_391 = arith.constant 256 : index
      %get3A_392 = tpu.vector_load %arg10[%get3A_391] {strides = array<i32>} : memref<320xi32, #tpu.memory_space<vmem>>, vector<16xi32>,
      %get3A_393 = arith.constant 256 : index
      %get3A_394 = tpu.vector_load %arg9[%get3A_393] {strides = array<i32>} : memref<320xi32, #tpu.memory_space<vmem>>, vector<16xi32>,
      %mul3A_395 = arith.constant 8 : i32
      %mul3A_396 = vector.broadcast %mul3A_395 : i32 to vector<16xi32>
      %mul3A_397 = arith.muli %get3A_390, %mul3A_396 : vector<16xi32>
      %add3A_398 = arith.addi %mul3A_397, %get3A_392 : vector<16xi32>
      %swap3A_399 = arith.constant 3 : i32
      %swap3A_400 = arith.index_cast %swap3A_399 : i32 to index
      %swap3A_401 = arith.constant 16 : index
      %swap3A_402 = tpu.vector_load %arg11[%swap3A_400, %swap3A_401] {strides = array<i32>} : memref<4x80xi32, #tpu.memory_space<vmem>>, vector<16xi32>,
      tpu.vector_store %arg11[%swap3A_400, %swap3A_401], %add3A_398 {strides = array<i32>} : memref<4x80xi32, #tpu.memory_space<vmem>>, vector<16xi32>,
      %swap3A_403 = arith.constant 3 : i32
      %swap3A_404 = arith.index_cast %swap3A_403 : i32 to index
      %swap3A_405 = arith.constant 16 : index
      %swap3A_406 = tpu.vector_load %arg12[%swap3A_404, %swap3A_405] {strides = array<i32>} : memref<4x80xi32, #tpu.memory_space<vmem>>, vector<16xi32>,
      tpu.vector_store %arg12[%swap3A_404, %swap3A_405], %get3A_394 {strides = array<i32>} : memref<4x80xi32, #tpu.memory_space<vmem>>, vector<16xi32>,
      %get3A_407 = arith.constant 272 : index
      %get3A_408 = tpu.vector_load %arg8[%get3A_407] {strides = array<i32>} : memref<320xi32, #tpu.memory_space<vmem>>, vector<16xi32>,
      %get3A_409 = arith.constant 272 : index
      %get3A_410 = tpu.vector_load %arg10[%get3A_409] {strides = array<i32>} : memref<320xi32, #tpu.memory_space<vmem>>, vector<16xi32>,
      %get3A_411 = arith.constant 272 : index
      %get3A_412 = tpu.vector_load %arg9[%get3A_411] {strides = array<i32>} : memref<320xi32, #tpu.memory_space<vmem>>, vector<16xi32>,
      %mul3A_413 = arith.constant 8 : i32
      %mul3A_414 = vector.broadcast %mul3A_413 : i32 to vector<16xi32>
      %mul3A_415 = arith.muli %get3A_408, %mul3A_414 : vector<16xi32>
      %add3A_416 = arith.addi %mul3A_415, %get3A_410 : vector<16xi32>
      %swap3A_417 = arith.constant 3 : i32
      %swap3A_418 = arith.index_cast %swap3A_417 : i32 to index
      %swap3A_419 = arith.constant 32 : index
      %swap3A_420 = tpu.vector_load %arg11[%swap3A_418, %swap3A_419] {strides = array<i32>} : memref<4x80xi32, #tpu.memory_space<vmem>>, vector<16xi32>,
      tpu.vector_store %arg11[%swap3A_418, %swap3A_419], %add3A_416 {strides = array<i32>} : memref<4x80xi32, #tpu.memory_space<vmem>>, vector<16xi32>,
      %swap3A_421 = arith.constant 3 : i32
      %swap3A_422 = arith.index_cast %swap3A_421 : i32 to index
      %swap3A_423 = arith.constant 32 : index
      %swap3A_424 = tpu.vector_load %arg12[%swap3A_422, %swap3A_423] {strides = array<i32>} : memref<4x80xi32, #tpu.memory_space<vmem>>, vector<16xi32>,
      tpu.vector_store %arg12[%swap3A_422, %swap3A_423], %get3A_412 {strides = array<i32>} : memref<4x80xi32, #tpu.memory_space<vmem>>, vector<16xi32>,
      %get3A_425 = arith.constant 288 : index
      %get3A_426 = tpu.vector_load %arg8[%get3A_425] {strides = array<i32>} : memref<320xi32, #tpu.memory_space<vmem>>, vector<16xi32>,
      %get3A_427 = arith.constant 288 : index
      %get3A_428 = tpu.vector_load %arg10[%get3A_427] {strides = array<i32>} : memref<320xi32, #tpu.memory_space<vmem>>, vector<16xi32>,
      %get3A_429 = arith.constant 288 : index
      %get3A_430 = tpu.vector_load %arg9[%get3A_429] {strides = array<i32>} : memref<320xi32, #tpu.memory_space<vmem>>, vector<16xi32>,
      %mul3A_431 = arith.constant 8 : i32
      %mul3A_432 = vector.broadcast %mul3A_431 : i32 to vector<16xi32>
      %mul3A_433 = arith.muli %get3A_426, %mul3A_432 : vector<16xi32>
      %add3A_434 = arith.addi %mul3A_433, %get3A_428 : vector<16xi32>
      %swap3A_435 = arith.constant 3 : i32
      %swap3A_436 = arith.index_cast %swap3A_435 : i32 to index
      %swap3A_437 = arith.constant 48 : index
      %swap3A_438 = tpu.vector_load %arg11[%swap3A_436, %swap3A_437] {strides = array<i32>} : memref<4x80xi32, #tpu.memory_space<vmem>>, vector<16xi32>,
      tpu.vector_store %arg11[%swap3A_436, %swap3A_437], %add3A_434 {strides = array<i32>} : memref<4x80xi32, #tpu.memory_space<vmem>>, vector<16xi32>,
      %swap3A_439 = arith.constant 3 : i32
      %swap3A_440 = arith.index_cast %swap3A_439 : i32 to index
      %swap3A_441 = arith.constant 48 : index
      %swap3A_442 = tpu.vector_load %arg12[%swap3A_440, %swap3A_441] {strides = array<i32>} : memref<4x80xi32, #tpu.memory_space<vmem>>, vector<16xi32>,
      tpu.vector_store %arg12[%swap3A_440, %swap3A_441], %get3A_430 {strides = array<i32>} : memref<4x80xi32, #tpu.memory_space<vmem>>, vector<16xi32>,
      %get3A_443 = arith.constant 304 : index
      %get3A_444 = tpu.vector_load %arg8[%get3A_443] {strides = array<i32>} : memref<320xi32, #tpu.memory_space<vmem>>, vector<16xi32>,
      %get3A_445 = arith.constant 304 : index
      %get3A_446 = tpu.vector_load %arg10[%get3A_445] {strides = array<i32>} : memref<320xi32, #tpu.memory_space<vmem>>, vector<16xi32>,
      %get3A_447 = arith.constant 304 : index
      %get3A_448 = tpu.vector_load %arg9[%get3A_447] {strides = array<i32>} : memref<320xi32, #tpu.memory_space<vmem>>, vector<16xi32>,
      %mul3A_449 = arith.constant 8 : i32
      %mul3A_450 = vector.broadcast %mul3A_449 : i32 to vector<16xi32>
      %mul3A_451 = arith.muli %get3A_444, %mul3A_450 : vector<16xi32>
      %add3A_452 = arith.addi %mul3A_451, %get3A_446 : vector<16xi32>
      %swap3A_453 = arith.constant 3 : i32
      %swap3A_454 = arith.index_cast %swap3A_453 : i32 to index
      %swap3A_455 = arith.constant 64 : index
      %swap3A_456 = tpu.vector_load %arg11[%swap3A_454, %swap3A_455] {strides = array<i32>} : memref<4x80xi32, #tpu.memory_space<vmem>>, vector<16xi32>,
      tpu.vector_store %arg11[%swap3A_454, %swap3A_455], %add3A_452 {strides = array<i32>} : memref<4x80xi32, #tpu.memory_space<vmem>>, vector<16xi32>,
      %swap3A_457 = arith.constant 3 : i32
      %swap3A_458 = arith.index_cast %swap3A_457 : i32 to index
      %swap3A_459 = arith.constant 64 : index
      %swap3A_460 = tpu.vector_load %arg12[%swap3A_458, %swap3A_459] {strides = array<i32>} : memref<4x80xi32, #tpu.memory_space<vmem>>, vector<16xi32>,
      tpu.vector_store %arg12[%swap3A_458, %swap3A_459], %get3A_448 {strides = array<i32>} : memref<4x80xi32, #tpu.memory_space<vmem>>, vector<16xi32>,
      %dma_start3A = arith.constant 0 : i32
      %dma_start3A_461 = arith.constant 0 : i32
      %dma_start3A_462 = arith.constant 0 : i32
      %dma_start3A_463 = tpu.memref_slice %arg14[%dma_start3A_461, %dma_start3A_462] : memref<320x128xf32, #tpu.memory_space<vmem>> -> memref<80x128xf32, #tpu.memory_space<vmem>>
      %dma_start3A_464 = arith.constant 0 : i32
      %dma_start3A_465 = tpu.memref_slice %arg11[%dma_start3A, %dma_start3A_464] : memref<4x80xi32, #tpu.memory_space<vmem>> -> memref<1x80xi32, #tpu.memory_space<vmem>>
      %dma_start3A_466 = tpu.memref_squeeze %dma_start3A_465 : memref<1x80xi32, #tpu.memory_space<vmem>> -> memref<80xi32, #tpu.memory_space<vmem>>
      %dma_start3A_467 = arith.constant 0 : i32
      %dma_start3A_468 = arith.constant 0 : i32
      %dma_start3A_469 = tpu.memref_slice %arg2[%dma_start3A_467, %dma_start3A_468] : memref<80000x128xf32, #tpu.memory_space<hbm>> -> memref<80000x128xf32, #tpu.memory_space<hbm>>
      tpu.enqueue_indirect_dma source(%dma_start3A_469 : memref<80000x128xf32, #tpu.memory_space<hbm>>) target(%dma_start3A_463 : memref<80x128xf32, #tpu.memory_space<vmem>>) offsets(%dma_start3A_466 : memref<80xi32, #tpu.memory_space<vmem>>) semaphore(%arg16 : memref<!tpu.dma_semaphore, #tpu.memory_space<semaphore_mem>>)
      %dma_start3A_470 = arith.constant 1 : i32
      %dma_start3A_471 = arith.constant 80 : i32
      %dma_start3A_472 = arith.constant 0 : i32
      %dma_start3A_473 = tpu.memref_slice %arg14[%dma_start3A_471, %dma_start3A_472] : memref<320x128xf32, #tpu.memory_space<vmem>> -> memref<80x128xf32, #tpu.memory_space<vmem>>
      %dma_start3A_474 = arith.constant 0 : i32
      %dma_start3A_475 = tpu.memref_slice %arg11[%dma_start3A_470, %dma_start3A_474] : memref<4x80xi32, #tpu.memory_space<vmem>> -> memref<1x80xi32, #tpu.memory_space<vmem>>
      %dma_start3A_476 = tpu.memref_squeeze %dma_start3A_475 : memref<1x80xi32, #tpu.memory_space<vmem>> -> memref<80xi32, #tpu.memory_space<vmem>>
      %dma_start3A_477 = arith.constant 0 : i32
      %dma_start3A_478 = arith.constant 0 : i32
      %dma_start3A_479 = tpu.memref_slice %arg2[%dma_start3A_477, %dma_start3A_478] : memref<80000x128xf32, #tpu.memory_space<hbm>> -> memref<80000x128xf32, #tpu.memory_space<hbm>>
      tpu.enqueue_indirect_dma source(%dma_start3A_479 : memref<80000x128xf32, #tpu.memory_space<hbm>>) target(%dma_start3A_473 : memref<80x128xf32, #tpu.memory_space<vmem>>) offsets(%dma_start3A_476 : memref<80xi32, #tpu.memory_space<vmem>>) semaphore(%arg16 : memref<!tpu.dma_semaphore, #tpu.memory_space<semaphore_mem>>)
      %dma_start3A_480 = arith.constant 2 : i32
      %dma_start3A_481 = arith.constant 160 : i32
      %dma_start3A_482 = arith.constant 0 : i32
      %dma_start3A_483 = tpu.memref_slice %arg14[%dma_start3A_481, %dma_start3A_482] : memref<320x128xf32, #tpu.memory_space<vmem>> -> memref<80x128xf32, #tpu.memory_space<vmem>>
      %dma_start3A_484 = arith.constant 0 : i32
      %dma_start3A_485 = tpu.memref_slice %arg11[%dma_start3A_480, %dma_start3A_484] : memref<4x80xi32, #tpu.memory_space<vmem>> -> memref<1x80xi32, #tpu.memory_space<vmem>>
      %dma_start3A_486 = tpu.memref_squeeze %dma_start3A_485 : memref<1x80xi32, #tpu.memory_space<vmem>> -> memref<80xi32, #tpu.memory_space<vmem>>
      %dma_start3A_487 = arith.constant 0 : i32
      %dma_start3A_488 = arith.constant 0 : i32
      %dma_start3A_489 = tpu.memref_slice %arg2[%dma_start3A_487, %dma_start3A_488] : memref<80000x128xf32, #tpu.memory_space<hbm>> -> memref<80000x128xf32, #tpu.memory_space<hbm>>
      tpu.enqueue_indirect_dma source(%dma_start3A_489 : memref<80000x128xf32, #tpu.memory_space<hbm>>) target(%dma_start3A_483 : memref<80x128xf32, #tpu.memory_space<vmem>>) offsets(%dma_start3A_486 : memref<80xi32, #tpu.memory_space<vmem>>) semaphore(%arg16 : memref<!tpu.dma_semaphore, #tpu.memory_space<semaphore_mem>>)
      %dma_start3A_490 = arith.constant 3 : i32
      %dma_start3A_491 = arith.constant 240 : i32
      %dma_start3A_492 = arith.constant 0 : i32
      %dma_start3A_493 = tpu.memref_slice %arg14[%dma_start3A_491, %dma_start3A_492] : memref<320x128xf32, #tpu.memory_space<vmem>> -> memref<80x128xf32, #tpu.memory_space<vmem>>
      %dma_start3A_494 = arith.constant 0 : i32
      %dma_start3A_495 = tpu.memref_slice %arg11[%dma_start3A_490, %dma_start3A_494] : memref<4x80xi32, #tpu.memory_space<vmem>> -> memref<1x80xi32, #tpu.memory_space<vmem>>
      %dma_start3A_496 = tpu.memref_squeeze %dma_start3A_495 : memref<1x80xi32, #tpu.memory_space<vmem>> -> memref<80xi32, #tpu.memory_space<vmem>>
      %dma_start3A_497 = arith.constant 0 : i32
      %dma_start3A_498 = arith.constant 0 : i32
      %dma_start3A_499 = tpu.memref_slice %arg2[%dma_start3A_497, %dma_start3A_498] : memref<80000x128xf32, #tpu.memory_space<hbm>> -> memref<80000x128xf32, #tpu.memory_space<hbm>>
      tpu.enqueue_indirect_dma source(%dma_start3A_499 : memref<80000x128xf32, #tpu.memory_space<hbm>>) target(%dma_start3A_493 : memref<80x128xf32, #tpu.memory_space<vmem>>) offsets(%dma_start3A_496 : memref<80xi32, #tpu.memory_space<vmem>>) semaphore(%arg16 : memref<!tpu.dma_semaphore, #tpu.memory_space<semaphore_mem>>)
      %dma_wait3A_500 = arith.constant 0 : i32
      %dma_wait3A_501 = arith.constant 0 : i32
      %dma_wait3A_502 = arith.constant 0 : i32
      %dma_wait3A_503 = tpu.memref_slice %arg14[%dma_wait3A_501, %dma_wait3A_502] : memref<320x128xf32, #tpu.memory_space<vmem>> -> memref<80x128xf32, #tpu.memory_space<vmem>>
      %dma_wait3A_504 = arith.constant 0 : i32
      %dma_wait3A_505 = tpu.memref_slice %arg11[%dma_wait3A_500, %dma_wait3A_504] : memref<4x80xi32, #tpu.memory_space<vmem>> -> memref<1x80xi32, #tpu.memory_space<vmem>>
      %dma_wait3A_506 = tpu.memref_squeeze %dma_wait3A_505 : memref<1x80xi32, #tpu.memory_space<vmem>> -> memref<80xi32, #tpu.memory_space<vmem>>
      %dma_wait3A_507 = arith.constant 0 : i32
      %dma_wait3A_508 = arith.constant 0 : i32
      %dma_wait3A_509 = tpu.memref_slice %arg2[%dma_wait3A_507, %dma_wait3A_508] : memref<80000x128xf32, #tpu.memory_space<hbm>> -> memref<80000x128xf32, #tpu.memory_space<hbm>>
      tpu.wait_indirect_dma semaphore(%arg16 : memref<!tpu.dma_semaphore, #tpu.memory_space<semaphore_mem>>) src(%dma_wait3A_509 : memref<80000x128xf32, #tpu.memory_space<hbm>>) dst(%dma_wait3A_503 : memref<80x128xf32, #tpu.memory_space<vmem>>)
      %dma_wait3A_510 = arith.constant 1 : i32
      %dma_wait3A_511 = arith.constant 80 : i32
      %dma_wait3A_512 = arith.constant 0 : i32
      %dma_wait3A_513 = tpu.memref_slice %arg14[%dma_wait3A_511, %dma_wait3A_512] : memref<320x128xf32, #tpu.memory_space<vmem>> -> memref<80x128xf32, #tpu.memory_space<vmem>>
      %dma_wait3A_514 = arith.constant 0 : i32
      %dma_wait3A_515 = tpu.memref_slice %arg11[%dma_wait3A_510, %dma_wait3A_514] : memref<4x80xi32, #tpu.memory_space<vmem>> -> memref<1x80xi32, #tpu.memory_space<vmem>>
      %dma_wait3A_516 = tpu.memref_squeeze %dma_wait3A_515 : memref<1x80xi32, #tpu.memory_space<vmem>> -> memref<80xi32, #tpu.memory_space<vmem>>
      %dma_wait3A_517 = arith.constant 0 : i32
      %dma_wait3A_518 = arith.constant 0 : i32
      %dma_wait3A_519 = tpu.memref_slice %arg2[%dma_wait3A_517, %dma_wait3A_518] : memref<80000x128xf32, #tpu.memory_space<hbm>> -> memref<80000x128xf32, #tpu.memory_space<hbm>>
      tpu.wait_indirect_dma semaphore(%arg16 : memref<!tpu.dma_semaphore, #tpu.memory_space<semaphore_mem>>) src(%dma_wait3A_519 : memref<80000x128xf32, #tpu.memory_space<hbm>>) dst(%dma_wait3A_513 : memref<80x128xf32, #tpu.memory_space<vmem>>)
      %dma_wait3A_520 = arith.constant 2 : i32
      %dma_wait3A_521 = arith.constant 160 : i32
      %dma_wait3A_522 = arith.constant 0 : i32
      %dma_wait3A_523 = tpu.memref_slice %arg14[%dma_wait3A_521, %dma_wait3A_522] : memref<320x128xf32, #tpu.memory_space<vmem>> -> memref<80x128xf32, #tpu.memory_space<vmem>>
      %dma_wait3A_524 = arith.constant 0 : i32
      %dma_wait3A_525 = tpu.memref_slice %arg11[%dma_wait3A_520, %dma_wait3A_524] : memref<4x80xi32, #tpu.memory_space<vmem>> -> memref<1x80xi32, #tpu.memory_space<vmem>>
      %dma_wait3A_526 = tpu.memref_squeeze %dma_wait3A_525 : memref<1x80xi32, #tpu.memory_space<vmem>> -> memref<80xi32, #tpu.memory_space<vmem>>
      %dma_wait3A_527 = arith.constant 0 : i32
      %dma_wait3A_528 = arith.constant 0 : i32
      %dma_wait3A_529 = tpu.memref_slice %arg2[%dma_wait3A_527, %dma_wait3A_528] : memref<80000x128xf32, #tpu.memory_space<hbm>> -> memref<80000x128xf32, #tpu.memory_space<hbm>>
      tpu.wait_indirect_dma semaphore(%arg16 : memref<!tpu.dma_semaphore, #tpu.memory_space<semaphore_mem>>) src(%dma_wait3A_529 : memref<80000x128xf32, #tpu.memory_space<hbm>>) dst(%dma_wait3A_523 : memref<80x128xf32, #tpu.memory_space<vmem>>)
      %dma_wait3A_530 = arith.constant 3 : i32
      %dma_wait3A_531 = arith.constant 240 : i32
      %dma_wait3A_532 = arith.constant 0 : i32
      %dma_wait3A_533 = tpu.memref_slice %arg14[%dma_wait3A_531, %dma_wait3A_532] : memref<320x128xf32, #tpu.memory_space<vmem>> -> memref<80x128xf32, #tpu.memory_space<vmem>>
      %dma_wait3A_534 = arith.constant 0 : i32
      %dma_wait3A_535 = tpu.memref_slice %arg11[%dma_wait3A_530, %dma_wait3A_534] : memref<4x80xi32, #tpu.memory_space<vmem>> -> memref<1x80xi32, #tpu.memory_space<vmem>>
      %dma_wait3A_536 = tpu.memref_squeeze %dma_wait3A_535 : memref<1x80xi32, #tpu.memory_space<vmem>> -> memref<80xi32, #tpu.memory_space<vmem>>
      %dma_wait3A_537 = arith.constant 0 : i32
      %dma_wait3A_538 = arith.constant 0 : i32
      %dma_wait3A_539 = tpu.memref_slice %arg2[%dma_wait3A_537, %dma_wait3A_538] : memref<80000x128xf32, #tpu.memory_space<hbm>> -> memref<80000x128xf32, #tpu.memory_space<hbm>>
      tpu.wait_indirect_dma semaphore(%arg16 : memref<!tpu.dma_semaphore, #tpu.memory_space<semaphore_mem>>) src(%dma_wait3A_539 : memref<80000x128xf32, #tpu.memory_space<hbm>>) dst(%dma_wait3A_533 : memref<80x128xf32, #tpu.memory_space<vmem>>)
      %parallel_loop3A = arith.constant 0 : i32
      %parallel_loop3A_540 = arith.constant 320 : i32
      %parallel_loop3A_541 = arith.constant 1 : i32
      scf.for %parallel_loop3A_583 = %parallel_loop3A to %parallel_loop3A_540 step %parallel_loop3A_541  : i32 {
        %parallel_loop3A_584 = vector.broadcast %parallel_loop3A_583 : i32 to vector<16xi32>
        %parallel_loop3A_585 = tpu.vector_load_idx %arg13[%parallel_loop3A_584] : memref<320xf32, #tpu.memory_space<vmem>>[vector<16xi32>], vector<16xf32>,
        %parallel_loop3A_586 = arith.index_cast %parallel_loop3A_583 : i32 to index
        %parallel_loop3A_587 = arith.constant 0 : index
        %parallel_loop3A_588 = tpu.vector_load %arg14[%parallel_loop3A_586, %parallel_loop3A_587] {strides = array<i32>} : memref<320x128xf32, #tpu.memory_space<vmem>>, vector<16xf32>,
        %parallel_loop3A_589 = arith.mulf %parallel_loop3A_588, %parallel_loop3A_585 : vector<16xf32>
        %parallel_loop3A_590 = arith.index_cast %parallel_loop3A_583 : i32 to index
        %parallel_loop3A_591 = arith.constant 0 : index
        %parallel_loop3A_592 = tpu.vector_load %arg14[%parallel_loop3A_590, %parallel_loop3A_591] {strides = array<i32>} : memref<320x128xf32, #tpu.memory_space<vmem>>, vector<16xf32>,
        tpu.vector_store %arg14[%parallel_loop3A_590, %parallel_loop3A_591], %parallel_loop3A_589 {strides = array<i32>} : memref<320x128xf32, #tpu.memory_space<vmem>>, vector<16xf32>,
        %parallel_loop3A_593 = arith.index_cast %parallel_loop3A_583 : i32 to index
        %parallel_loop3A_594 = arith.constant 16 : index
        %parallel_loop3A_595 = tpu.vector_load %arg14[%parallel_loop3A_593, %parallel_loop3A_594] {strides = array<i32>} : memref<320x128xf32, #tpu.memory_space<vmem>>, vector<16xf32>,
        %parallel_loop3A_596 = arith.mulf %parallel_loop3A_595, %parallel_loop3A_585 : vector<16xf32>
        %parallel_loop3A_597 = arith.index_cast %parallel_loop3A_583 : i32 to index
        %parallel_loop3A_598 = arith.constant 16 : index
        %parallel_loop3A_599 = tpu.vector_load %arg14[%parallel_loop3A_597, %parallel_loop3A_598] {strides = array<i32>} : memref<320x128xf32, #tpu.memory_space<vmem>>, vector<16xf32>,
        tpu.vector_store %arg14[%parallel_loop3A_597, %parallel_loop3A_598], %parallel_loop3A_596 {strides = array<i32>} : memref<320x128xf32, #tpu.memory_space<vmem>>, vector<16xf32>,
        %parallel_loop3A_600 = arith.index_cast %parallel_loop3A_583 : i32 to index
        %parallel_loop3A_601 = arith.constant 32 : index
        %parallel_loop3A_602 = tpu.vector_load %arg14[%parallel_loop3A_600, %parallel_loop3A_601] {strides = array<i32>} : memref<320x128xf32, #tpu.memory_space<vmem>>, vector<16xf32>,
        %parallel_loop3A_603 = arith.mulf %parallel_loop3A_602, %parallel_loop3A_585 : vector<16xf32>
        %parallel_loop3A_604 = arith.index_cast %parallel_loop3A_583 : i32 to index
        %parallel_loop3A_605 = arith.constant 32 : index
        %parallel_loop3A_606 = tpu.vector_load %arg14[%parallel_loop3A_604, %parallel_loop3A_605] {strides = array<i32>} : memref<320x128xf32, #tpu.memory_space<vmem>>, vector<16xf32>,
        tpu.vector_store %arg14[%parallel_loop3A_604, %parallel_loop3A_605], %parallel_loop3A_603 {strides = array<i32>} : memref<320x128xf32, #tpu.memory_space<vmem>>, vector<16xf32>,
        %parallel_loop3A_607 = arith.index_cast %parallel_loop3A_583 : i32 to index
        %parallel_loop3A_608 = arith.constant 48 : index
        %parallel_loop3A_609 = tpu.vector_load %arg14[%parallel_loop3A_607, %parallel_loop3A_608] {strides = array<i32>} : memref<320x128xf32, #tpu.memory_space<vmem>>, vector<16xf32>,
        %parallel_loop3A_610 = arith.mulf %parallel_loop3A_609, %parallel_loop3A_585 : vector<16xf32>
        %parallel_loop3A_611 = arith.index_cast %parallel_loop3A_583 : i32 to index
        %parallel_loop3A_612 = arith.constant 48 : index
        %parallel_loop3A_613 = tpu.vector_load %arg14[%parallel_loop3A_611, %parallel_loop3A_612] {strides = array<i32>} : memref<320x128xf32, #tpu.memory_space<vmem>>, vector<16xf32>,
        tpu.vector_store %arg14[%parallel_loop3A_611, %parallel_loop3A_612], %parallel_loop3A_610 {strides = array<i32>} : memref<320x128xf32, #tpu.memory_space<vmem>>, vector<16xf32>,
        %parallel_loop3A_614 = arith.index_cast %parallel_loop3A_583 : i32 to index
        %parallel_loop3A_615 = arith.constant 64 : index
        %parallel_loop3A_616 = tpu.vector_load %arg14[%parallel_loop3A_614, %parallel_loop3A_615] {strides = array<i32>} : memref<320x128xf32, #tpu.memory_space<vmem>>, vector<16xf32>,
        %parallel_loop3A_617 = arith.mulf %parallel_loop3A_616, %parallel_loop3A_585 : vector<16xf32>
        %parallel_loop3A_618 = arith.index_cast %parallel_loop3A_583 : i32 to index
        %parallel_loop3A_619 = arith.constant 64 : index
        %parallel_loop3A_620 = tpu.vector_load %arg14[%parallel_loop3A_618, %parallel_loop3A_619] {strides = array<i32>} : memref<320x128xf32, #tpu.memory_space<vmem>>, vector<16xf32>,
        tpu.vector_store %arg14[%parallel_loop3A_618, %parallel_loop3A_619], %parallel_loop3A_617 {strides = array<i32>} : memref<320x128xf32, #tpu.memory_space<vmem>>, vector<16xf32>,
        %parallel_loop3A_621 = arith.index_cast %parallel_loop3A_583 : i32 to index
        %parallel_loop3A_622 = arith.constant 80 : index
        %parallel_loop3A_623 = tpu.vector_load %arg14[%parallel_loop3A_621, %parallel_loop3A_622] {strides = array<i32>} : memref<320x128xf32, #tpu.memory_space<vmem>>, vector<16xf32>,
        %parallel_loop3A_624 = arith.mulf %parallel_loop3A_623, %parallel_loop3A_585 : vector<16xf32>
        %parallel_loop3A_625 = arith.index_cast %parallel_loop3A_583 : i32 to index
        %parallel_loop3A_626 = arith.constant 80 : index
        %parallel_loop3A_627 = tpu.vector_load %arg14[%parallel_loop3A_625, %parallel_loop3A_626] {strides = array<i32>} : memref<320x128xf32, #tpu.memory_space<vmem>>, vector<16xf32>,
        tpu.vector_store %arg14[%parallel_loop3A_625, %parallel_loop3A_626], %parallel_loop3A_624 {strides = array<i32>} : memref<320x128xf32, #tpu.memory_space<vmem>>, vector<16xf32>,
        %parallel_loop3A_628 = arith.index_cast %parallel_loop3A_583 : i32 to index
        %parallel_loop3A_629 = arith.constant 96 : index
        %parallel_loop3A_630 = tpu.vector_load %arg14[%parallel_loop3A_628, %parallel_loop3A_629] {strides = array<i32>} : memref<320x128xf32, #tpu.memory_space<vmem>>, vector<16xf32>,
        %parallel_loop3A_631 = arith.mulf %parallel_loop3A_630, %parallel_loop3A_585 : vector<16xf32>
        %parallel_loop3A_632 = arith.index_cast %parallel_loop3A_583 : i32 to index
        %parallel_loop3A_633 = arith.constant 96 : index
        %parallel_loop3A_634 = tpu.vector_load %arg14[%parallel_loop3A_632, %parallel_loop3A_633] {strides = array<i32>} : memref<320x128xf32, #tpu.memory_space<vmem>>, vector<16xf32>,
        tpu.vector_store %arg14[%parallel_loop3A_632, %parallel_loop3A_633], %parallel_loop3A_631 {strides = array<i32>} : memref<320x128xf32, #tpu.memory_space<vmem>>, vector<16xf32>,
        %parallel_loop3A_635 = arith.index_cast %parallel_loop3A_583 : i32 to index
        %parallel_loop3A_636 = arith.constant 112 : index
        %parallel_loop3A_637 = tpu.vector_load %arg14[%parallel_loop3A_635, %parallel_loop3A_636] {strides = array<i32>} : memref<320x128xf32, #tpu.memory_space<vmem>>, vector<16xf32>,
        %parallel_loop3A_638 = arith.mulf %parallel_loop3A_637, %parallel_loop3A_585 : vector<16xf32>
        %parallel_loop3A_639 = arith.index_cast %parallel_loop3A_583 : i32 to index
        %parallel_loop3A_640 = arith.constant 112 : index
        %parallel_loop3A_641 = tpu.vector_load %arg14[%parallel_loop3A_639, %parallel_loop3A_640] {strides = array<i32>} : memref<320x128xf32, #tpu.memory_space<vmem>>, vector<16xf32>,
        tpu.vector_store %arg14[%parallel_loop3A_639, %parallel_loop3A_640], %parallel_loop3A_638 {strides = array<i32>} : memref<320x128xf32, #tpu.memory_space<vmem>>, vector<16xf32>,
      } {sc.loop_unroll_factor = 8 : i64, sc.parallel_access}
      %dma_start3A_542 = arith.constant 0 : i32
      %dma_start3A_543 = arith.constant 0 : i32
      %dma_start3A_544 = arith.constant 0 : i32
      %dma_start3A_545 = tpu.memref_slice %arg14[%dma_start3A_543, %dma_start3A_544] : memref<320x128xf32, #tpu.memory_space<vmem>> -> memref<80x128xf32, #tpu.memory_space<vmem>>
      %dma_start3A_546 = arith.constant 0 : i32
      %dma_start3A_547 = tpu.memref_slice %arg12[%dma_start3A_542, %dma_start3A_546] : memref<4x80xi32, #tpu.memory_space<vmem>> -> memref<1x80xi32, #tpu.memory_space<vmem>>
      %dma_start3A_548 = tpu.memref_squeeze %dma_start3A_547 : memref<1x80xi32, #tpu.memory_space<vmem>> -> memref<80xi32, #tpu.memory_space<vmem>>
      %dma_start3A_549 = arith.constant 0 : i32
      %dma_start3A_550 = arith.constant 0 : i32
      %dma_start3A_551 = tpu.memref_slice %arg15[%dma_start3A_549, %dma_start3A_550] : memref<10000x128xf32, #tpu.memory_space<vmem_shared>> -> memref<10000x128xf32, #tpu.memory_space<vmem_shared>>
      tpu.enqueue_indirect_dma source(%dma_start3A_545 : memref<80x128xf32, #tpu.memory_space<vmem>>) target(%dma_start3A_551 : memref<10000x128xf32, #tpu.memory_space<vmem_shared>>) offsets(%dma_start3A_548 : memref<80xi32, #tpu.memory_space<vmem>>) semaphore(%arg17 : memref<!tpu.dma_semaphore, #tpu.memory_space<semaphore_mem>>) {add = true}
      %dma_start3A_552 = arith.constant 1 : i32
      %dma_start3A_553 = arith.constant 80 : i32
      %dma_start3A_554 = arith.constant 0 : i32
      %dma_start3A_555 = tpu.memref_slice %arg14[%dma_start3A_553, %dma_start3A_554] : memref<320x128xf32, #tpu.memory_space<vmem>> -> memref<80x128xf32, #tpu.memory_space<vmem>>
      %dma_start3A_556 = arith.constant 0 : i32
      %dma_start3A_557 = tpu.memref_slice %arg12[%dma_start3A_552, %dma_start3A_556] : memref<4x80xi32, #tpu.memory_space<vmem>> -> memref<1x80xi32, #tpu.memory_space<vmem>>
      %dma_start3A_558 = tpu.memref_squeeze %dma_start3A_557 : memref<1x80xi32, #tpu.memory_space<vmem>> -> memref<80xi32, #tpu.memory_space<vmem>>
      %dma_start3A_559 = arith.constant 0 : i32
      %dma_start3A_560 = arith.constant 0 : i32
      %dma_start3A_561 = tpu.memref_slice %arg15[%dma_start3A_559, %dma_start3A_560] : memref<10000x128xf32, #tpu.memory_space<vmem_shared>> -> memref<10000x128xf32, #tpu.memory_space<vmem_shared>>
      tpu.enqueue_indirect_dma source(%dma_start3A_555 : memref<80x128xf32, #tpu.memory_space<vmem>>) target(%dma_start3A_561 : memref<10000x128xf32, #tpu.memory_space<vmem_shared>>) offsets(%dma_start3A_558 : memref<80xi32, #tpu.memory_space<vmem>>) semaphore(%arg17 : memref<!tpu.dma_semaphore, #tpu.memory_space<semaphore_mem>>) {add = true}
      %dma_start3A_562 = arith.constant 2 : i32
      %dma_start3A_563 = arith.constant 160 : i32
      %dma_start3A_564 = arith.constant 0 : i32
      %dma_start3A_565 = tpu.memref_slice %arg14[%dma_start3A_563, %dma_start3A_564] : memref<320x128xf32, #tpu.memory_space<vmem>> -> memref<80x128xf32, #tpu.memory_space<vmem>>
      %dma_start3A_566 = arith.constant 0 : i32
      %dma_start3A_567 = tpu.memref_slice %arg12[%dma_start3A_562, %dma_start3A_566] : memref<4x80xi32, #tpu.memory_space<vmem>> -> memref<1x80xi32, #tpu.memory_space<vmem>>
      %dma_start3A_568 = tpu.memref_squeeze %dma_start3A_567 : memref<1x80xi32, #tpu.memory_space<vmem>> -> memref<80xi32, #tpu.memory_space<vmem>>
      %dma_start3A_569 = arith.constant 0 : i32
      %dma_start3A_570 = arith.constant 0 : i32
      %dma_start3A_571 = tpu.memref_slice %arg15[%dma_start3A_569, %dma_start3A_570] : memref<10000x128xf32, #tpu.memory_space<vmem_shared>> -> memref<10000x128xf32, #tpu.memory_space<vmem_shared>>
      tpu.enqueue_indirect_dma source(%dma_start3A_565 : memref<80x128xf32, #tpu.memory_space<vmem>>) target(%dma_start3A_571 : memref<10000x128xf32, #tpu.memory_space<vmem_shared>>) offsets(%dma_start3A_568 : memref<80xi32, #tpu.memory_space<vmem>>) semaphore(%arg17 : memref<!tpu.dma_semaphore, #tpu.memory_space<semaphore_mem>>) {add = true}
      %dma_start3A_572 = arith.constant 3 : i32
      %dma_start3A_573 = arith.constant 240 : i32
      %dma_start3A_574 = arith.constant 0 : i32
      %dma_start3A_575 = tpu.memref_slice %arg14[%dma_start3A_573, %dma_start3A_574] : memref<320x128xf32, #tpu.memory_space<vmem>> -> memref<80x128xf32, #tpu.memory_space<vmem>>
      %dma_start3A_576 = arith.constant 0 : i32
      %dma_start3A_577 = tpu.memref_slice %arg12[%dma_start3A_572, %dma_start3A_576] : memref<4x80xi32, #tpu.memory_space<vmem>> -> memref<1x80xi32, #tpu.memory_space<vmem>>
      %dma_start3A_578 = tpu.memref_squeeze %dma_start3A_577 : memref<1x80xi32, #tpu.memory_space<vmem>> -> memref<80xi32, #tpu.memory_space<vmem>>
      %dma_start3A_579 = arith.constant 0 : i32
      %dma_start3A_580 = arith.constant 0 : i32
      %dma_start3A_581 = tpu.memref_slice %arg15[%dma_start3A_579, %dma_start3A_580] : memref<10000x128xf32, #tpu.memory_space<vmem_shared>> -> memref<10000x128xf32, #tpu.memory_space<vmem_shared>>
      tpu.enqueue_indirect_dma source(%dma_start3A_575 : memref<80x128xf32, #tpu.memory_space<vmem>>) target(%dma_start3A_581 : memref<10000x128xf32, #tpu.memory_space<vmem_shared>>) offsets(%dma_start3A_578 : memref<80xi32, #tpu.memory_space<vmem>>) semaphore(%arg17 : memref<!tpu.dma_semaphore, #tpu.memory_space<semaphore_mem>>) {add = true}
      %scan3A_582 = arith.constant 0 : i32
      scf.yield %scan3A_582 : i32
    }
    %scan3A_39 = arith.constant 16 : i32
    %dma_wait3A = arith.constant 0 : i32
    %dma_wait3A_40 = arith.constant 0 : i32
    %dma_wait3A_41 = arith.constant 0 : i32
    %dma_wait3A_42 = tpu.memref_slice %arg14[%dma_wait3A_40, %dma_wait3A_41] : memref<320x128xf32, #tpu.memory_space<vmem>> -> memref<80x128xf32, #tpu.memory_space<vmem>>
    %dma_wait3A_43 = arith.constant 0 : i32
    %dma_wait3A_44 = tpu.memref_slice %arg12[%dma_wait3A, %dma_wait3A_43] : memref<4x80xi32, #tpu.memory_space<vmem>> -> memref<1x80xi32, #tpu.memory_space<vmem>>
    %dma_wait3A_45 = tpu.memref_squeeze %dma_wait3A_44 : memref<1x80xi32, #tpu.memory_space<vmem>> -> memref<80xi32, #tpu.memory_space<vmem>>
    %dma_wait3A_46 = arith.constant 0 : i32
    %dma_wait3A_47 = arith.constant 0 : i32
    %dma_wait3A_48 = tpu.memref_slice %arg15[%dma_wait3A_46, %dma_wait3A_47] : memref<10000x128xf32, #tpu.memory_space<vmem_shared>> -> memref<10000x128xf32, #tpu.memory_space<vmem_shared>>
    tpu.wait_indirect_dma semaphore(%arg17 : memref<!tpu.dma_semaphore, #tpu.memory_space<semaphore_mem>>) src(%dma_wait3A_42 : memref<80x128xf32, #tpu.memory_space<vmem>>) dst(%dma_wait3A_48 : memref<10000x128xf32, #tpu.memory_space<vmem_shared>>)
    %dma_wait3A_49 = arith.constant 1 : i32
    %dma_wait3A_50 = arith.constant 80 : i32
    %dma_wait3A_51 = arith.constant 0 : i32
    %dma_wait3A_52 = tpu.memref_slice %arg14[%dma_wait3A_50, %dma_wait3A_51] : memref<320x128xf32, #tpu.memory_space<vmem>> -> memref<80x128xf32, #tpu.memory_space<vmem>>
    %dma_wait3A_53 = arith.constant 0 : i32
    %dma_wait3A_54 = tpu.memref_slice %arg12[%dma_wait3A_49, %dma_wait3A_53] : memref<4x80xi32, #tpu.memory_space<vmem>> -> memref<1x80xi32, #tpu.memory_space<vmem>>
    %dma_wait3A_55 = tpu.memref_squeeze %dma_wait3A_54 : memref<1x80xi32, #tpu.memory_space<vmem>> -> memref<80xi32, #tpu.memory_space<vmem>>
    %dma_wait3A_56 = arith.constant 0 : i32
    %dma_wait3A_57 = arith.constant 0 : i32
    %dma_wait3A_58 = tpu.memref_slice %arg15[%dma_wait3A_56, %dma_wait3A_57] : memref<10000x128xf32, #tpu.memory_space<vmem_shared>> -> memref<10000x128xf32, #tpu.memory_space<vmem_shared>>
    tpu.wait_indirect_dma semaphore(%arg17 : memref<!tpu.dma_semaphore, #tpu.memory_space<semaphore_mem>>) src(%dma_wait3A_52 : memref<80x128xf32, #tpu.memory_space<vmem>>) dst(%dma_wait3A_58 : memref<10000x128xf32, #tpu.memory_space<vmem_shared>>)
    %dma_wait3A_59 = arith.constant 2 : i32
    %dma_wait3A_60 = arith.constant 160 : i32
    %dma_wait3A_61 = arith.constant 0 : i32
    %dma_wait3A_62 = tpu.memref_slice %arg14[%dma_wait3A_60, %dma_wait3A_61] : memref<320x128xf32, #tpu.memory_space<vmem>> -> memref<80x128xf32, #tpu.memory_space<vmem>>
    %dma_wait3A_63 = arith.constant 0 : i32
    %dma_wait3A_64 = tpu.memref_slice %arg12[%dma_wait3A_59, %dma_wait3A_63] : memref<4x80xi32, #tpu.memory_space<vmem>> -> memref<1x80xi32, #tpu.memory_space<vmem>>
    %dma_wait3A_65 = tpu.memref_squeeze %dma_wait3A_64 : memref<1x80xi32, #tpu.memory_space<vmem>> -> memref<80xi32, #tpu.memory_space<vmem>>
    %dma_wait3A_66 = arith.constant 0 : i32
    %dma_wait3A_67 = arith.constant 0 : i32
    %dma_wait3A_68 = tpu.memref_slice %arg15[%dma_wait3A_66, %dma_wait3A_67] : memref<10000x128xf32, #tpu.memory_space<vmem_shared>> -> memref<10000x128xf32, #tpu.memory_space<vmem_shared>>
    tpu.wait_indirect_dma semaphore(%arg17 : memref<!tpu.dma_semaphore, #tpu.memory_space<semaphore_mem>>) src(%dma_wait3A_62 : memref<80x128xf32, #tpu.memory_space<vmem>>) dst(%dma_wait3A_68 : memref<10000x128xf32, #tpu.memory_space<vmem_shared>>)
    %dma_wait3A_69 = arith.constant 3 : i32
    %dma_wait3A_70 = arith.constant 240 : i32
    %dma_wait3A_71 = arith.constant 0 : i32
    %dma_wait3A_72 = tpu.memref_slice %arg14[%dma_wait3A_70, %dma_wait3A_71] : memref<320x128xf32, #tpu.memory_space<vmem>> -> memref<80x128xf32, #tpu.memory_space<vmem>>
    %dma_wait3A_73 = arith.constant 0 : i32
    %dma_wait3A_74 = tpu.memref_slice %arg12[%dma_wait3A_69, %dma_wait3A_73] : memref<4x80xi32, #tpu.memory_space<vmem>> -> memref<1x80xi32, #tpu.memory_space<vmem>>
    %dma_wait3A_75 = tpu.memref_squeeze %dma_wait3A_74 : memref<1x80xi32, #tpu.memory_space<vmem>> -> memref<80xi32, #tpu.memory_space<vmem>>
    %dma_wait3A_76 = arith.constant 0 : i32
    %dma_wait3A_77 = arith.constant 0 : i32
    %dma_wait3A_78 = tpu.memref_slice %arg15[%dma_wait3A_76, %dma_wait3A_77] : memref<10000x128xf32, #tpu.memory_space<vmem_shared>> -> memref<10000x128xf32, #tpu.memory_space<vmem_shared>>
    tpu.wait_indirect_dma semaphore(%arg17 : memref<!tpu.dma_semaphore, #tpu.memory_space<semaphore_mem>>) src(%dma_wait3A_72 : memref<80x128xf32, #tpu.memory_space<vmem>>) dst(%dma_wait3A_78 : memref<10000x128xf32, #tpu.memory_space<vmem_shared>>)
    %barrier3A_79 = arith.constant 0 : index
    tpu.barrier barrier_id(%barrier3A_79)
    %mul3A_80 = arith.constant 624 : i32
    %mul3A_81 = arith.muli %arg1, %mul3A_80 : i32
    %mul3A_82 = arith.constant 10000 : i32
    %mul3A_83 = arith.muli %arg0, %mul3A_82 : i32
    %mul3A_84 = arith.constant 624 : i32
    %mul3A_85 = arith.muli %arg1, %mul3A_84 : i32
    %add3A_86 = arith.addi %mul3A_83, %mul3A_85 : i32
    "tpu.region"() ({
      %run_scoped3A = tpu.sem_alloc : memref<!tpu.dma_semaphore, #tpu.memory_space<semaphore_mem>>
      %dma_start3A = arith.constant 0 : i32
      %dma_start3A_92 = tpu.memref_slice %arg7[%add3A_86, %dma_start3A] : memref<20000x128xf32, #tpu.memory_space<hbm>> -> memref<624x128xf32, #tpu.memory_space<hbm>>
      %dma_start3A_93 = arith.constant 0 : i32
      %dma_start3A_94 = tpu.memref_slice %arg15[%mul3A_81, %dma_start3A_93] : memref<10000x128xf32, #tpu.memory_space<vmem_shared>> -> memref<624x128xf32, #tpu.memory_space<vmem_shared>>
      tpu.enqueue_dma source(%dma_start3A_94 : memref<624x128xf32, #tpu.memory_space<vmem_shared>>) target(%dma_start3A_92 : memref<624x128xf32, #tpu.memory_space<hbm>>) target_semaphore(%run_scoped3A : memref<!tpu.dma_semaphore, #tpu.memory_space<semaphore_mem>>)
      %dma_wait3A_95 = arith.constant 0 : i32
      %dma_wait3A_96 = tpu.memref_slice %arg7[%add3A_86, %dma_wait3A_95] : memref<20000x128xf32, #tpu.memory_space<hbm>> -> memref<624x128xf32, #tpu.memory_space<hbm>>
      %dma_wait3A_97 = arith.constant 0 : i32
      %dma_wait3A_98 = tpu.memref_slice %arg15[%mul3A_81, %dma_wait3A_97] : memref<10000x128xf32, #tpu.memory_space<vmem_shared>> -> memref<624x128xf32, #tpu.memory_space<vmem_shared>>
      tpu.wait_dma2 semaphore(%run_scoped3A : memref<!tpu.dma_semaphore, #tpu.memory_space<semaphore_mem>>) src(%dma_wait3A_98 : memref<624x128xf32, #tpu.memory_space<vmem_shared>>) dst(%dma_wait3A_96 : memref<624x128xf32, #tpu.memory_space<hbm>>)
      tpu.yield
    }) : () -> ()
    %eq3A_87 = arith.constant 15 : i32
    %eq3A_88 = arith.cmpi eq, %arg1, %eq3A_87 : i32
    %convert_element_type3A_89 = arith.extui %eq3A_88 : i1 to i32
    %cond3A_90 = arith.constant 0 : i32
    %cond3A_91 = arith.cmpi ne, %convert_element_type3A_89, %cond3A_90 : i32
    scf.if %cond3A_91 {
      %mul3A_92 = arith.constant 10000 : i32
      %mul3A_93 = arith.muli %arg0, %mul3A_92 : i32
      %add3A_94 = arith.constant 9984 : i32
      %add3A_95 = arith.addi %mul3A_93, %add3A_94 : i32
      "tpu.region"() ({
        %run_scoped3A = tpu.sem_alloc : memref<!tpu.dma_semaphore, #tpu.memory_space<semaphore_mem>>
        %dma_start3A = arith.constant 0 : i32
        %dma_start3A_96 = tpu.memref_slice %arg7[%add3A_95, %dma_start3A] : memref<20000x128xf32, #tpu.memory_space<hbm>> -> memref<16x128xf32, #tpu.memory_space<hbm>>
        %dma_start3A_97 = arith.constant 9984 : i32
        %dma_start3A_98 = arith.constant 0 : i32
        %dma_start3A_99 = tpu.memref_slice %arg15[%dma_start3A_97, %dma_start3A_98] : memref<10000x128xf32, #tpu.memory_space<vmem_shared>> -> memref<16x128xf32, #tpu.memory_space<vmem_shared>>
        tpu.enqueue_dma source(%dma_start3A_99 : memref<16x128xf32, #tpu.memory_space<vmem_shared>>) target(%dma_start3A_96 : memref<16x128xf32, #tpu.memory_space<hbm>>) target_semaphore(%run_scoped3A : memref<!tpu.dma_semaphore, #tpu.memory_space<semaphore_mem>>)
        %dma_wait3A_100 = arith.constant 0 : i32
        %dma_wait3A_101 = tpu.memref_slice %arg7[%add3A_95, %dma_wait3A_100] : memref<20000x128xf32, #tpu.memory_space<hbm>> -> memref<16x128xf32, #tpu.memory_space<hbm>>
        %dma_wait3A_102 = arith.constant 9984 : i32
        %dma_wait3A_103 = arith.constant 0 : i32
        %dma_wait3A_104 = tpu.memref_slice %arg15[%dma_wait3A_102, %dma_wait3A_103] : memref<10000x128xf32, #tpu.memory_space<vmem_shared>> -> memref<16x128xf32, #tpu.memory_space<vmem_shared>>
        tpu.wait_dma2 semaphore(%run_scoped3A : memref<!tpu.dma_semaphore, #tpu.memory_space<semaphore_mem>>) src(%dma_wait3A_104 : memref<16x128xf32, #tpu.memory_space<vmem_shared>>) dst(%dma_wait3A_101 : memref<16x128xf32, #tpu.memory_space<hbm>>)
        tpu.yield
      }) : () -> ()
    } else {
    }
    return
  }
}

#map = affine_map<(d0, d1) -> (0)>
module attributes {stable_mosaic.version = 14 : i64} {
  func.func @_inv_body(%arg0: i32, %arg1: i32, %arg2: memref<163840xi32, #tpu.memory_space<hbm>>, %arg3: memref<163840xi32, #tpu.memory_space<hbm>>, %arg4: memref<80000xf32, #tpu.memory_space<hbm>>, %arg5: memref<163840xf32, #tpu.memory_space<hbm>>, %arg6: memref<80000xf32, #tpu.memory_space<vmem>>, %arg7: memref<320xi32, #tpu.memory_space<vmem>>, %arg8: memref<320xi32, #tpu.memory_space<vmem>>, %arg9: memref<320xf32, #tpu.memory_space<vmem>>) attributes {dimension_semantics = [#tpu.dimension_semantics<core_parallel>, #tpu.dimension_semantics<subcore_parallel>], iteration_bounds = array<i64: 2, 16>, scalar_prefetch = 0 : i64, scratch_operands = 4 : i64, tpu.core_type = #tpu.core_type<sc_vector_subcore>, window_params = [{transform_indices = #map}, {transform_indices = #map}, {transform_indices = #map}, {transform_indices = #map}]} {
    %mul3A = arith.constant 2 : i32
    %mul3A_0 = arith.muli %arg1, %mul3A : i32
    %add3A = arith.addi %mul3A_0, %arg0 : i32
    "tpu.region"() ({
      %run_scoped3A = tpu.sem_alloc : memref<!tpu.dma_semaphore, #tpu.memory_space<semaphore_mem>>
      tpu.enqueue_dma source(%arg4 : memref<80000xf32, #tpu.memory_space<hbm>>) target(%arg6 : memref<80000xf32, #tpu.memory_space<vmem>>) target_semaphore(%run_scoped3A : memref<!tpu.dma_semaphore, #tpu.memory_space<semaphore_mem>>)
      tpu.wait_dma2 semaphore(%run_scoped3A : memref<!tpu.dma_semaphore, #tpu.memory_space<semaphore_mem>>) src(%arg4 : memref<80000xf32, #tpu.memory_space<hbm>>) dst(%arg6 : memref<80000xf32, #tpu.memory_space<vmem>>)
      tpu.yield
    }) : () -> ()
    %scan3A = arith.constant 0 : i32
    %scan3A_1 = arith.constant 0 : i32
    %scan3A_2 = arith.constant 16 : i32
    %scan3A_3 = arith.addi %scan3A_1, %scan3A_2 : i32
    %scan3A_4 = arith.constant 1 : i32
    %scan3A_5 = scf.for %scan3A_7 = %scan3A_1 to %scan3A_3 step %scan3A_4 iter_args(%scan3A_8 = %scan3A) -> (i32)  : i32 {
      %mul3A_9 = arith.constant 32 : i32
      %mul3A_10 = arith.muli %scan3A_7, %mul3A_9 : i32
      %add3A_11 = arith.addi %mul3A_10, %add3A : i32
      %mul3A_12 = arith.constant 320 : i32
      %mul3A_13 = arith.muli %add3A_11, %mul3A_12 : i32
      %lt3A = arith.constant 500 : i32
      %lt3A_14 = arith.cmpi slt, %add3A_11, %lt3A : i32
      %convert_element_type3A = arith.extui %lt3A_14 : i1 to i32
      %cond3A = arith.constant 0 : i32
      %cond3A_15 = arith.cmpi ne, %convert_element_type3A, %cond3A : i32
      scf.if %cond3A_15 {
        "tpu.region"() ({
          %run_scoped3A = tpu.sem_alloc : memref<!tpu.dma_semaphore, #tpu.memory_space<semaphore_mem>>
          %dma_start3A = tpu.memref_slice %arg2[%mul3A_13] : memref<163840xi32, #tpu.memory_space<hbm>> -> memref<320xi32, #tpu.memory_space<hbm>>
          %dma_start3A_238 = tpu.memref_slice %arg2[%mul3A_13] : memref<163840xi32, #tpu.memory_space<hbm>> -> memref<320xi32, #tpu.memory_space<hbm>>
          tpu.enqueue_dma source(%dma_start3A_238 : memref<320xi32, #tpu.memory_space<hbm>>) target(%arg7 : memref<320xi32, #tpu.memory_space<vmem>>) target_semaphore(%run_scoped3A : memref<!tpu.dma_semaphore, #tpu.memory_space<semaphore_mem>>)
          %dma_wait3A = tpu.memref_slice %arg2[%mul3A_13] : memref<163840xi32, #tpu.memory_space<hbm>> -> memref<320xi32, #tpu.memory_space<hbm>>
          %dma_wait3A_239 = tpu.memref_slice %arg2[%mul3A_13] : memref<163840xi32, #tpu.memory_space<hbm>> -> memref<320xi32, #tpu.memory_space<hbm>>
          tpu.wait_dma2 semaphore(%run_scoped3A : memref<!tpu.dma_semaphore, #tpu.memory_space<semaphore_mem>>) src(%dma_wait3A_239 : memref<320xi32, #tpu.memory_space<hbm>>) dst(%arg7 : memref<320xi32, #tpu.memory_space<vmem>>)
          tpu.yield
        }) : () -> ()
        "tpu.region"() ({
          %run_scoped3A = tpu.sem_alloc : memref<!tpu.dma_semaphore, #tpu.memory_space<semaphore_mem>>
          %dma_start3A = tpu.memref_slice %arg3[%mul3A_13] : memref<163840xi32, #tpu.memory_space<hbm>> -> memref<320xi32, #tpu.memory_space<hbm>>
          %dma_start3A_238 = tpu.memref_slice %arg3[%mul3A_13] : memref<163840xi32, #tpu.memory_space<hbm>> -> memref<320xi32, #tpu.memory_space<hbm>>
          tpu.enqueue_dma source(%dma_start3A_238 : memref<320xi32, #tpu.memory_space<hbm>>) target(%arg8 : memref<320xi32, #tpu.memory_space<vmem>>) target_semaphore(%run_scoped3A : memref<!tpu.dma_semaphore, #tpu.memory_space<semaphore_mem>>)
          %dma_wait3A = tpu.memref_slice %arg3[%mul3A_13] : memref<163840xi32, #tpu.memory_space<hbm>> -> memref<320xi32, #tpu.memory_space<hbm>>
          %dma_wait3A_239 = tpu.memref_slice %arg3[%mul3A_13] : memref<163840xi32, #tpu.memory_space<hbm>> -> memref<320xi32, #tpu.memory_space<hbm>>
          tpu.wait_dma2 semaphore(%run_scoped3A : memref<!tpu.dma_semaphore, #tpu.memory_space<semaphore_mem>>) src(%dma_wait3A_239 : memref<320xi32, #tpu.memory_space<hbm>>) dst(%arg8 : memref<320xi32, #tpu.memory_space<vmem>>)
          tpu.yield
        }) : () -> ()
        %get3A = arith.constant 0 : index
        %get3A_21 = tpu.vector_load %arg7[%get3A] {strides = array<i32>} : memref<320xi32, #tpu.memory_space<vmem>>, vector<16xi32>,
        %get3A_22 = arith.constant 0 : index
        %get3A_23 = tpu.vector_load %arg8[%get3A_22] {strides = array<i32>} : memref<320xi32, #tpu.memory_space<vmem>>, vector<16xi32>,
        %mul3A_24 = arith.constant 8 : i32
        %mul3A_25 = vector.broadcast %mul3A_24 : i32 to vector<16xi32>
        %mul3A_26 = arith.muli %get3A_21, %mul3A_25 : vector<16xi32>
        %add3A_27 = arith.addi %mul3A_26, %get3A_23 : vector<16xi32>
        %gather3A = tpu.vector_load_idx %arg6[%add3A_27] : memref<80000xf32, #tpu.memory_space<vmem>>[vector<16xi32>], vector<16xf32>,
        %swap3A = arith.constant 0 : index
        %swap3A_28 = tpu.vector_load %arg9[%swap3A] {strides = array<i32>} : memref<320xf32, #tpu.memory_space<vmem>>, vector<16xf32>,
        tpu.vector_store %arg9[%swap3A], %gather3A {strides = array<i32>} : memref<320xf32, #tpu.memory_space<vmem>>, vector<16xf32>,
        %get3A_29 = arith.constant 16 : index
        %get3A_30 = tpu.vector_load %arg7[%get3A_29] {strides = array<i32>} : memref<320xi32, #tpu.memory_space<vmem>>, vector<16xi32>,
        %get3A_31 = arith.constant 16 : index
        %get3A_32 = tpu.vector_load %arg8[%get3A_31] {strides = array<i32>} : memref<320xi32, #tpu.memory_space<vmem>>, vector<16xi32>,
        %mul3A_33 = arith.constant 8 : i32
        %mul3A_34 = vector.broadcast %mul3A_33 : i32 to vector<16xi32>
        %mul3A_35 = arith.muli %get3A_30, %mul3A_34 : vector<16xi32>
        %add3A_36 = arith.addi %mul3A_35, %get3A_32 : vector<16xi32>
        %gather3A_37 = tpu.vector_load_idx %arg6[%add3A_36] : memref<80000xf32, #tpu.memory_space<vmem>>[vector<16xi32>], vector<16xf32>,
        %swap3A_38 = arith.constant 16 : index
        %swap3A_39 = tpu.vector_load %arg9[%swap3A_38] {strides = array<i32>} : memref<320xf32, #tpu.memory_space<vmem>>, vector<16xf32>,
        tpu.vector_store %arg9[%swap3A_38], %gather3A_37 {strides = array<i32>} : memref<320xf32, #tpu.memory_space<vmem>>, vector<16xf32>,
        %get3A_40 = arith.constant 32 : index
        %get3A_41 = tpu.vector_load %arg7[%get3A_40] {strides = array<i32>} : memref<320xi32, #tpu.memory_space<vmem>>, vector<16xi32>,
        %get3A_42 = arith.constant 32 : index
        %get3A_43 = tpu.vector_load %arg8[%get3A_42] {strides = array<i32>} : memref<320xi32, #tpu.memory_space<vmem>>, vector<16xi32>,
        %mul3A_44 = arith.constant 8 : i32
        %mul3A_45 = vector.broadcast %mul3A_44 : i32 to vector<16xi32>
        %mul3A_46 = arith.muli %get3A_41, %mul3A_45 : vector<16xi32>
        %add3A_47 = arith.addi %mul3A_46, %get3A_43 : vector<16xi32>
        %gather3A_48 = tpu.vector_load_idx %arg6[%add3A_47] : memref<80000xf32, #tpu.memory_space<vmem>>[vector<16xi32>], vector<16xf32>,
        %swap3A_49 = arith.constant 32 : index
        %swap3A_50 = tpu.vector_load %arg9[%swap3A_49] {strides = array<i32>} : memref<320xf32, #tpu.memory_space<vmem>>, vector<16xf32>,
        tpu.vector_store %arg9[%swap3A_49], %gather3A_48 {strides = array<i32>} : memref<320xf32, #tpu.memory_space<vmem>>, vector<16xf32>,
        %get3A_51 = arith.constant 48 : index
        %get3A_52 = tpu.vector_load %arg7[%get3A_51] {strides = array<i32>} : memref<320xi32, #tpu.memory_space<vmem>>, vector<16xi32>,
        %get3A_53 = arith.constant 48 : index
        %get3A_54 = tpu.vector_load %arg8[%get3A_53] {strides = array<i32>} : memref<320xi32, #tpu.memory_space<vmem>>, vector<16xi32>,
        %mul3A_55 = arith.constant 8 : i32
        %mul3A_56 = vector.broadcast %mul3A_55 : i32 to vector<16xi32>
        %mul3A_57 = arith.muli %get3A_52, %mul3A_56 : vector<16xi32>
        %add3A_58 = arith.addi %mul3A_57, %get3A_54 : vector<16xi32>
        %gather3A_59 = tpu.vector_load_idx %arg6[%add3A_58] : memref<80000xf32, #tpu.memory_space<vmem>>[vector<16xi32>], vector<16xf32>,
        %swap3A_60 = arith.constant 48 : index
        %swap3A_61 = tpu.vector_load %arg9[%swap3A_60] {strides = array<i32>} : memref<320xf32, #tpu.memory_space<vmem>>, vector<16xf32>,
        tpu.vector_store %arg9[%swap3A_60], %gather3A_59 {strides = array<i32>} : memref<320xf32, #tpu.memory_space<vmem>>, vector<16xf32>,
        %get3A_62 = arith.constant 64 : index
        %get3A_63 = tpu.vector_load %arg7[%get3A_62] {strides = array<i32>} : memref<320xi32, #tpu.memory_space<vmem>>, vector<16xi32>,
        %get3A_64 = arith.constant 64 : index
        %get3A_65 = tpu.vector_load %arg8[%get3A_64] {strides = array<i32>} : memref<320xi32, #tpu.memory_space<vmem>>, vector<16xi32>,
        %mul3A_66 = arith.constant 8 : i32
        %mul3A_67 = vector.broadcast %mul3A_66 : i32 to vector<16xi32>
        %mul3A_68 = arith.muli %get3A_63, %mul3A_67 : vector<16xi32>
        %add3A_69 = arith.addi %mul3A_68, %get3A_65 : vector<16xi32>
        %gather3A_70 = tpu.vector_load_idx %arg6[%add3A_69] : memref<80000xf32, #tpu.memory_space<vmem>>[vector<16xi32>], vector<16xf32>,
        %swap3A_71 = arith.constant 64 : index
        %swap3A_72 = tpu.vector_load %arg9[%swap3A_71] {strides = array<i32>} : memref<320xf32, #tpu.memory_space<vmem>>, vector<16xf32>,
        tpu.vector_store %arg9[%swap3A_71], %gather3A_70 {strides = array<i32>} : memref<320xf32, #tpu.memory_space<vmem>>, vector<16xf32>,
        %get3A_73 = arith.constant 80 : index
        %get3A_74 = tpu.vector_load %arg7[%get3A_73] {strides = array<i32>} : memref<320xi32, #tpu.memory_space<vmem>>, vector<16xi32>,
        %get3A_75 = arith.constant 80 : index
        %get3A_76 = tpu.vector_load %arg8[%get3A_75] {strides = array<i32>} : memref<320xi32, #tpu.memory_space<vmem>>, vector<16xi32>,
        %mul3A_77 = arith.constant 8 : i32
        %mul3A_78 = vector.broadcast %mul3A_77 : i32 to vector<16xi32>
        %mul3A_79 = arith.muli %get3A_74, %mul3A_78 : vector<16xi32>
        %add3A_80 = arith.addi %mul3A_79, %get3A_76 : vector<16xi32>
        %gather3A_81 = tpu.vector_load_idx %arg6[%add3A_80] : memref<80000xf32, #tpu.memory_space<vmem>>[vector<16xi32>], vector<16xf32>,
        %swap3A_82 = arith.constant 80 : index
        %swap3A_83 = tpu.vector_load %arg9[%swap3A_82] {strides = array<i32>} : memref<320xf32, #tpu.memory_space<vmem>>, vector<16xf32>,
        tpu.vector_store %arg9[%swap3A_82], %gather3A_81 {strides = array<i32>} : memref<320xf32, #tpu.memory_space<vmem>>, vector<16xf32>,
        %get3A_84 = arith.constant 96 : index
        %get3A_85 = tpu.vector_load %arg7[%get3A_84] {strides = array<i32>} : memref<320xi32, #tpu.memory_space<vmem>>, vector<16xi32>,
        %get3A_86 = arith.constant 96 : index
        %get3A_87 = tpu.vector_load %arg8[%get3A_86] {strides = array<i32>} : memref<320xi32, #tpu.memory_space<vmem>>, vector<16xi32>,
        %mul3A_88 = arith.constant 8 : i32
        %mul3A_89 = vector.broadcast %mul3A_88 : i32 to vector<16xi32>
        %mul3A_90 = arith.muli %get3A_85, %mul3A_89 : vector<16xi32>
        %add3A_91 = arith.addi %mul3A_90, %get3A_87 : vector<16xi32>
        %gather3A_92 = tpu.vector_load_idx %arg6[%add3A_91] : memref<80000xf32, #tpu.memory_space<vmem>>[vector<16xi32>], vector<16xf32>,
        %swap3A_93 = arith.constant 96 : index
        %swap3A_94 = tpu.vector_load %arg9[%swap3A_93] {strides = array<i32>} : memref<320xf32, #tpu.memory_space<vmem>>, vector<16xf32>,
        tpu.vector_store %arg9[%swap3A_93], %gather3A_92 {strides = array<i32>} : memref<320xf32, #tpu.memory_space<vmem>>, vector<16xf32>,
        %get3A_95 = arith.constant 112 : index
        %get3A_96 = tpu.vector_load %arg7[%get3A_95] {strides = array<i32>} : memref<320xi32, #tpu.memory_space<vmem>>, vector<16xi32>,
        %get3A_97 = arith.constant 112 : index
        %get3A_98 = tpu.vector_load %arg8[%get3A_97] {strides = array<i32>} : memref<320xi32, #tpu.memory_space<vmem>>, vector<16xi32>,
        %mul3A_99 = arith.constant 8 : i32
        %mul3A_100 = vector.broadcast %mul3A_99 : i32 to vector<16xi32>
        %mul3A_101 = arith.muli %get3A_96, %mul3A_100 : vector<16xi32>
        %add3A_102 = arith.addi %mul3A_101, %get3A_98 : vector<16xi32>
        %gather3A_103 = tpu.vector_load_idx %arg6[%add3A_102] : memref<80000xf32, #tpu.memory_space<vmem>>[vector<16xi32>], vector<16xf32>,
        %swap3A_104 = arith.constant 112 : index
        %swap3A_105 = tpu.vector_load %arg9[%swap3A_104] {strides = array<i32>} : memref<320xf32, #tpu.memory_space<vmem>>, vector<16xf32>,
        tpu.vector_store %arg9[%swap3A_104], %gather3A_103 {strides = array<i32>} : memref<320xf32, #tpu.memory_space<vmem>>, vector<16xf32>,
        %get3A_106 = arith.constant 128 : index
        %get3A_107 = tpu.vector_load %arg7[%get3A_106] {strides = array<i32>} : memref<320xi32, #tpu.memory_space<vmem>>, vector<16xi32>,
        %get3A_108 = arith.constant 128 : index
        %get3A_109 = tpu.vector_load %arg8[%get3A_108] {strides = array<i32>} : memref<320xi32, #tpu.memory_space<vmem>>, vector<16xi32>,
        %mul3A_110 = arith.constant 8 : i32
        %mul3A_111 = vector.broadcast %mul3A_110 : i32 to vector<16xi32>
        %mul3A_112 = arith.muli %get3A_107, %mul3A_111 : vector<16xi32>
        %add3A_113 = arith.addi %mul3A_112, %get3A_109 : vector<16xi32>
        %gather3A_114 = tpu.vector_load_idx %arg6[%add3A_113] : memref<80000xf32, #tpu.memory_space<vmem>>[vector<16xi32>], vector<16xf32>,
        %swap3A_115 = arith.constant 128 : index
        %swap3A_116 = tpu.vector_load %arg9[%swap3A_115] {strides = array<i32>} : memref<320xf32, #tpu.memory_space<vmem>>, vector<16xf32>,
        tpu.vector_store %arg9[%swap3A_115], %gather3A_114 {strides = array<i32>} : memref<320xf32, #tpu.memory_space<vmem>>, vector<16xf32>,
        %get3A_117 = arith.constant 144 : index
        %get3A_118 = tpu.vector_load %arg7[%get3A_117] {strides = array<i32>} : memref<320xi32, #tpu.memory_space<vmem>>, vector<16xi32>,
        %get3A_119 = arith.constant 144 : index
        %get3A_120 = tpu.vector_load %arg8[%get3A_119] {strides = array<i32>} : memref<320xi32, #tpu.memory_space<vmem>>, vector<16xi32>,
        %mul3A_121 = arith.constant 8 : i32
        %mul3A_122 = vector.broadcast %mul3A_121 : i32 to vector<16xi32>
        %mul3A_123 = arith.muli %get3A_118, %mul3A_122 : vector<16xi32>
        %add3A_124 = arith.addi %mul3A_123, %get3A_120 : vector<16xi32>
        %gather3A_125 = tpu.vector_load_idx %arg6[%add3A_124] : memref<80000xf32, #tpu.memory_space<vmem>>[vector<16xi32>], vector<16xf32>,
        %swap3A_126 = arith.constant 144 : index
        %swap3A_127 = tpu.vector_load %arg9[%swap3A_126] {strides = array<i32>} : memref<320xf32, #tpu.memory_space<vmem>>, vector<16xf32>,
        tpu.vector_store %arg9[%swap3A_126], %gather3A_125 {strides = array<i32>} : memref<320xf32, #tpu.memory_space<vmem>>, vector<16xf32>,
        %get3A_128 = arith.constant 160 : index
        %get3A_129 = tpu.vector_load %arg7[%get3A_128] {strides = array<i32>} : memref<320xi32, #tpu.memory_space<vmem>>, vector<16xi32>,
        %get3A_130 = arith.constant 160 : index
        %get3A_131 = tpu.vector_load %arg8[%get3A_130] {strides = array<i32>} : memref<320xi32, #tpu.memory_space<vmem>>, vector<16xi32>,
        %mul3A_132 = arith.constant 8 : i32
        %mul3A_133 = vector.broadcast %mul3A_132 : i32 to vector<16xi32>
        %mul3A_134 = arith.muli %get3A_129, %mul3A_133 : vector<16xi32>
        %add3A_135 = arith.addi %mul3A_134, %get3A_131 : vector<16xi32>
        %gather3A_136 = tpu.vector_load_idx %arg6[%add3A_135] : memref<80000xf32, #tpu.memory_space<vmem>>[vector<16xi32>], vector<16xf32>,
        %swap3A_137 = arith.constant 160 : index
        %swap3A_138 = tpu.vector_load %arg9[%swap3A_137] {strides = array<i32>} : memref<320xf32, #tpu.memory_space<vmem>>, vector<16xf32>,
        tpu.vector_store %arg9[%swap3A_137], %gather3A_136 {strides = array<i32>} : memref<320xf32, #tpu.memory_space<vmem>>, vector<16xf32>,
        %get3A_139 = arith.constant 176 : index
        %get3A_140 = tpu.vector_load %arg7[%get3A_139] {strides = array<i32>} : memref<320xi32, #tpu.memory_space<vmem>>, vector<16xi32>,
        %get3A_141 = arith.constant 176 : index
        %get3A_142 = tpu.vector_load %arg8[%get3A_141] {strides = array<i32>} : memref<320xi32, #tpu.memory_space<vmem>>, vector<16xi32>,
        %mul3A_143 = arith.constant 8 : i32
        %mul3A_144 = vector.broadcast %mul3A_143 : i32 to vector<16xi32>
        %mul3A_145 = arith.muli %get3A_140, %mul3A_144 : vector<16xi32>
        %add3A_146 = arith.addi %mul3A_145, %get3A_142 : vector<16xi32>
        %gather3A_147 = tpu.vector_load_idx %arg6[%add3A_146] : memref<80000xf32, #tpu.memory_space<vmem>>[vector<16xi32>], vector<16xf32>,
        %swap3A_148 = arith.constant 176 : index
        %swap3A_149 = tpu.vector_load %arg9[%swap3A_148] {strides = array<i32>} : memref<320xf32, #tpu.memory_space<vmem>>, vector<16xf32>,
        tpu.vector_store %arg9[%swap3A_148], %gather3A_147 {strides = array<i32>} : memref<320xf32, #tpu.memory_space<vmem>>, vector<16xf32>,
        %get3A_150 = arith.constant 192 : index
        %get3A_151 = tpu.vector_load %arg7[%get3A_150] {strides = array<i32>} : memref<320xi32, #tpu.memory_space<vmem>>, vector<16xi32>,
        %get3A_152 = arith.constant 192 : index
        %get3A_153 = tpu.vector_load %arg8[%get3A_152] {strides = array<i32>} : memref<320xi32, #tpu.memory_space<vmem>>, vector<16xi32>,
        %mul3A_154 = arith.constant 8 : i32
        %mul3A_155 = vector.broadcast %mul3A_154 : i32 to vector<16xi32>
        %mul3A_156 = arith.muli %get3A_151, %mul3A_155 : vector<16xi32>
        %add3A_157 = arith.addi %mul3A_156, %get3A_153 : vector<16xi32>
        %gather3A_158 = tpu.vector_load_idx %arg6[%add3A_157] : memref<80000xf32, #tpu.memory_space<vmem>>[vector<16xi32>], vector<16xf32>,
        %swap3A_159 = arith.constant 192 : index
        %swap3A_160 = tpu.vector_load %arg9[%swap3A_159] {strides = array<i32>} : memref<320xf32, #tpu.memory_space<vmem>>, vector<16xf32>,
        tpu.vector_store %arg9[%swap3A_159], %gather3A_158 {strides = array<i32>} : memref<320xf32, #tpu.memory_space<vmem>>, vector<16xf32>,
        %get3A_161 = arith.constant 208 : index
        %get3A_162 = tpu.vector_load %arg7[%get3A_161] {strides = array<i32>} : memref<320xi32, #tpu.memory_space<vmem>>, vector<16xi32>,
        %get3A_163 = arith.constant 208 : index
        %get3A_164 = tpu.vector_load %arg8[%get3A_163] {strides = array<i32>} : memref<320xi32, #tpu.memory_space<vmem>>, vector<16xi32>,
        %mul3A_165 = arith.constant 8 : i32
        %mul3A_166 = vector.broadcast %mul3A_165 : i32 to vector<16xi32>
        %mul3A_167 = arith.muli %get3A_162, %mul3A_166 : vector<16xi32>
        %add3A_168 = arith.addi %mul3A_167, %get3A_164 : vector<16xi32>
        %gather3A_169 = tpu.vector_load_idx %arg6[%add3A_168] : memref<80000xf32, #tpu.memory_space<vmem>>[vector<16xi32>], vector<16xf32>,
        %swap3A_170 = arith.constant 208 : index
        %swap3A_171 = tpu.vector_load %arg9[%swap3A_170] {strides = array<i32>} : memref<320xf32, #tpu.memory_space<vmem>>, vector<16xf32>,
        tpu.vector_store %arg9[%swap3A_170], %gather3A_169 {strides = array<i32>} : memref<320xf32, #tpu.memory_space<vmem>>, vector<16xf32>,
        %get3A_172 = arith.constant 224 : index
        %get3A_173 = tpu.vector_load %arg7[%get3A_172] {strides = array<i32>} : memref<320xi32, #tpu.memory_space<vmem>>, vector<16xi32>,
        %get3A_174 = arith.constant 224 : index
        %get3A_175 = tpu.vector_load %arg8[%get3A_174] {strides = array<i32>} : memref<320xi32, #tpu.memory_space<vmem>>, vector<16xi32>,
        %mul3A_176 = arith.constant 8 : i32
        %mul3A_177 = vector.broadcast %mul3A_176 : i32 to vector<16xi32>
        %mul3A_178 = arith.muli %get3A_173, %mul3A_177 : vector<16xi32>
        %add3A_179 = arith.addi %mul3A_178, %get3A_175 : vector<16xi32>
        %gather3A_180 = tpu.vector_load_idx %arg6[%add3A_179] : memref<80000xf32, #tpu.memory_space<vmem>>[vector<16xi32>], vector<16xf32>,
        %swap3A_181 = arith.constant 224 : index
        %swap3A_182 = tpu.vector_load %arg9[%swap3A_181] {strides = array<i32>} : memref<320xf32, #tpu.memory_space<vmem>>, vector<16xf32>,
        tpu.vector_store %arg9[%swap3A_181], %gather3A_180 {strides = array<i32>} : memref<320xf32, #tpu.memory_space<vmem>>, vector<16xf32>,
        %get3A_183 = arith.constant 240 : index
        %get3A_184 = tpu.vector_load %arg7[%get3A_183] {strides = array<i32>} : memref<320xi32, #tpu.memory_space<vmem>>, vector<16xi32>,
        %get3A_185 = arith.constant 240 : index
        %get3A_186 = tpu.vector_load %arg8[%get3A_185] {strides = array<i32>} : memref<320xi32, #tpu.memory_space<vmem>>, vector<16xi32>,
        %mul3A_187 = arith.constant 8 : i32
        %mul3A_188 = vector.broadcast %mul3A_187 : i32 to vector<16xi32>
        %mul3A_189 = arith.muli %get3A_184, %mul3A_188 : vector<16xi32>
        %add3A_190 = arith.addi %mul3A_189, %get3A_186 : vector<16xi32>
        %gather3A_191 = tpu.vector_load_idx %arg6[%add3A_190] : memref<80000xf32, #tpu.memory_space<vmem>>[vector<16xi32>], vector<16xf32>,
        %swap3A_192 = arith.constant 240 : index
        %swap3A_193 = tpu.vector_load %arg9[%swap3A_192] {strides = array<i32>} : memref<320xf32, #tpu.memory_space<vmem>>, vector<16xf32>,
        tpu.vector_store %arg9[%swap3A_192], %gather3A_191 {strides = array<i32>} : memref<320xf32, #tpu.memory_space<vmem>>, vector<16xf32>,
        %get3A_194 = arith.constant 256 : index
        %get3A_195 = tpu.vector_load %arg7[%get3A_194] {strides = array<i32>} : memref<320xi32, #tpu.memory_space<vmem>>, vector<16xi32>,
        %get3A_196 = arith.constant 256 : index
        %get3A_197 = tpu.vector_load %arg8[%get3A_196] {strides = array<i32>} : memref<320xi32, #tpu.memory_space<vmem>>, vector<16xi32>,
        %mul3A_198 = arith.constant 8 : i32
        %mul3A_199 = vector.broadcast %mul3A_198 : i32 to vector<16xi32>
        %mul3A_200 = arith.muli %get3A_195, %mul3A_199 : vector<16xi32>
        %add3A_201 = arith.addi %mul3A_200, %get3A_197 : vector<16xi32>
        %gather3A_202 = tpu.vector_load_idx %arg6[%add3A_201] : memref<80000xf32, #tpu.memory_space<vmem>>[vector<16xi32>], vector<16xf32>,
        %swap3A_203 = arith.constant 256 : index
        %swap3A_204 = tpu.vector_load %arg9[%swap3A_203] {strides = array<i32>} : memref<320xf32, #tpu.memory_space<vmem>>, vector<16xf32>,
        tpu.vector_store %arg9[%swap3A_203], %gather3A_202 {strides = array<i32>} : memref<320xf32, #tpu.memory_space<vmem>>, vector<16xf32>,
        %get3A_205 = arith.constant 272 : index
        %get3A_206 = tpu.vector_load %arg7[%get3A_205] {strides = array<i32>} : memref<320xi32, #tpu.memory_space<vmem>>, vector<16xi32>,
        %get3A_207 = arith.constant 272 : index
        %get3A_208 = tpu.vector_load %arg8[%get3A_207] {strides = array<i32>} : memref<320xi32, #tpu.memory_space<vmem>>, vector<16xi32>,
        %mul3A_209 = arith.constant 8 : i32
        %mul3A_210 = vector.broadcast %mul3A_209 : i32 to vector<16xi32>
        %mul3A_211 = arith.muli %get3A_206, %mul3A_210 : vector<16xi32>
        %add3A_212 = arith.addi %mul3A_211, %get3A_208 : vector<16xi32>
        %gather3A_213 = tpu.vector_load_idx %arg6[%add3A_212] : memref<80000xf32, #tpu.memory_space<vmem>>[vector<16xi32>], vector<16xf32>,
        %swap3A_214 = arith.constant 272 : index
        %swap3A_215 = tpu.vector_load %arg9[%swap3A_214] {strides = array<i32>} : memref<320xf32, #tpu.memory_space<vmem>>, vector<16xf32>,
        tpu.vector_store %arg9[%swap3A_214], %gather3A_213 {strides = array<i32>} : memref<320xf32, #tpu.memory_space<vmem>>, vector<16xf32>,
        %get3A_216 = arith.constant 288 : index
        %get3A_217 = tpu.vector_load %arg7[%get3A_216] {strides = array<i32>} : memref<320xi32, #tpu.memory_space<vmem>>, vector<16xi32>,
        %get3A_218 = arith.constant 288 : index
        %get3A_219 = tpu.vector_load %arg8[%get3A_218] {strides = array<i32>} : memref<320xi32, #tpu.memory_space<vmem>>, vector<16xi32>,
        %mul3A_220 = arith.constant 8 : i32
        %mul3A_221 = vector.broadcast %mul3A_220 : i32 to vector<16xi32>
        %mul3A_222 = arith.muli %get3A_217, %mul3A_221 : vector<16xi32>
        %add3A_223 = arith.addi %mul3A_222, %get3A_219 : vector<16xi32>
        %gather3A_224 = tpu.vector_load_idx %arg6[%add3A_223] : memref<80000xf32, #tpu.memory_space<vmem>>[vector<16xi32>], vector<16xf32>,
        %swap3A_225 = arith.constant 288 : index
        %swap3A_226 = tpu.vector_load %arg9[%swap3A_225] {strides = array<i32>} : memref<320xf32, #tpu.memory_space<vmem>>, vector<16xf32>,
        tpu.vector_store %arg9[%swap3A_225], %gather3A_224 {strides = array<i32>} : memref<320xf32, #tpu.memory_space<vmem>>, vector<16xf32>,
        %get3A_227 = arith.constant 304 : index
        %get3A_228 = tpu.vector_load %arg7[%get3A_227] {strides = array<i32>} : memref<320xi32, #tpu.memory_space<vmem>>, vector<16xi32>,
        %get3A_229 = arith.constant 304 : index
        %get3A_230 = tpu.vector_load %arg8[%get3A_229] {strides = array<i32>} : memref<320xi32, #tpu.memory_space<vmem>>, vector<16xi32>,
        %mul3A_231 = arith.constant 8 : i32
        %mul3A_232 = vector.broadcast %mul3A_231 : i32 to vector<16xi32>
        %mul3A_233 = arith.muli %get3A_228, %mul3A_232 : vector<16xi32>
        %add3A_234 = arith.addi %mul3A_233, %get3A_230 : vector<16xi32>
        %gather3A_235 = tpu.vector_load_idx %arg6[%add3A_234] : memref<80000xf32, #tpu.memory_space<vmem>>[vector<16xi32>], vector<16xf32>,
        %swap3A_236 = arith.constant 304 : index
        %swap3A_237 = tpu.vector_load %arg9[%swap3A_236] {strides = array<i32>} : memref<320xf32, #tpu.memory_space<vmem>>, vector<16xf32>,
        tpu.vector_store %arg9[%swap3A_236], %gather3A_235 {strides = array<i32>} : memref<320xf32, #tpu.memory_space<vmem>>, vector<16xf32>,
        "tpu.region"() ({
          %run_scoped3A = tpu.sem_alloc : memref<!tpu.dma_semaphore, #tpu.memory_space<semaphore_mem>>
          %dma_start3A = tpu.memref_slice %arg5[%mul3A_13] : memref<163840xf32, #tpu.memory_space<hbm>> -> memref<320xf32, #tpu.memory_space<hbm>>
          %dma_start3A_238 = tpu.memref_slice %arg5[%mul3A_13] : memref<163840xf32, #tpu.memory_space<hbm>> -> memref<320xf32, #tpu.memory_space<hbm>>
          tpu.enqueue_dma source(%arg9 : memref<320xf32, #tpu.memory_space<vmem>>) target(%dma_start3A_238 : memref<320xf32, #tpu.memory_space<hbm>>) target_semaphore(%run_scoped3A : memref<!tpu.dma_semaphore, #tpu.memory_space<semaphore_mem>>)
          %dma_wait3A = tpu.memref_slice %arg5[%mul3A_13] : memref<163840xf32, #tpu.memory_space<hbm>> -> memref<320xf32, #tpu.memory_space<hbm>>
          %dma_wait3A_239 = tpu.memref_slice %arg5[%mul3A_13] : memref<163840xf32, #tpu.memory_space<hbm>> -> memref<320xf32, #tpu.memory_space<hbm>>
          tpu.wait_dma2 semaphore(%run_scoped3A : memref<!tpu.dma_semaphore, #tpu.memory_space<semaphore_mem>>) src(%arg9 : memref<320xf32, #tpu.memory_space<vmem>>) dst(%dma_wait3A_239 : memref<320xf32, #tpu.memory_space<hbm>>)
          tpu.yield
        }) : () -> ()
      } else {
      }
      %ge3A = arith.constant 500 : i32
      %ge3A_16 = arith.cmpi sge, %add3A_11, %ge3A : i32
      %convert_element_type3A_17 = arith.extui %ge3A_16 : i1 to i32
      %cond3A_18 = arith.constant 0 : i32
      %cond3A_19 = arith.cmpi ne, %convert_element_type3A_17, %cond3A_18 : i32
      scf.if %cond3A_19 {
        %broadcast_in_dim3A = arith.constant 0.000000e+00 : f32
        %broadcast_in_dim3A_21 = vector.broadcast %broadcast_in_dim3A : f32 to vector<16xf32>
        %swap3A = arith.constant 0 : index
        %swap3A_22 = tpu.vector_load %arg9[%swap3A] {strides = array<i32>} : memref<320xf32, #tpu.memory_space<vmem>>, vector<16xf32>,
        tpu.vector_store %arg9[%swap3A], %broadcast_in_dim3A_21 {strides = array<i32>} : memref<320xf32, #tpu.memory_space<vmem>>, vector<16xf32>,
        %broadcast_in_dim3A_23 = arith.constant 0.000000e+00 : f32
        %broadcast_in_dim3A_24 = vector.broadcast %broadcast_in_dim3A_23 : f32 to vector<16xf32>
        %swap3A_25 = arith.constant 16 : index
        %swap3A_26 = tpu.vector_load %arg9[%swap3A_25] {strides = array<i32>} : memref<320xf32, #tpu.memory_space<vmem>>, vector<16xf32>,
        tpu.vector_store %arg9[%swap3A_25], %broadcast_in_dim3A_24 {strides = array<i32>} : memref<320xf32, #tpu.memory_space<vmem>>, vector<16xf32>,
        %broadcast_in_dim3A_27 = arith.constant 0.000000e+00 : f32
        %broadcast_in_dim3A_28 = vector.broadcast %broadcast_in_dim3A_27 : f32 to vector<16xf32>
        %swap3A_29 = arith.constant 32 : index
        %swap3A_30 = tpu.vector_load %arg9[%swap3A_29] {strides = array<i32>} : memref<320xf32, #tpu.memory_space<vmem>>, vector<16xf32>,
        tpu.vector_store %arg9[%swap3A_29], %broadcast_in_dim3A_28 {strides = array<i32>} : memref<320xf32, #tpu.memory_space<vmem>>, vector<16xf32>,
        %broadcast_in_dim3A_31 = arith.constant 0.000000e+00 : f32
        %broadcast_in_dim3A_32 = vector.broadcast %broadcast_in_dim3A_31 : f32 to vector<16xf32>
        %swap3A_33 = arith.constant 48 : index
        %swap3A_34 = tpu.vector_load %arg9[%swap3A_33] {strides = array<i32>} : memref<320xf32, #tpu.memory_space<vmem>>, vector<16xf32>,
        tpu.vector_store %arg9[%swap3A_33], %broadcast_in_dim3A_32 {strides = array<i32>} : memref<320xf32, #tpu.memory_space<vmem>>, vector<16xf32>,
        %broadcast_in_dim3A_35 = arith.constant 0.000000e+00 : f32
        %broadcast_in_dim3A_36 = vector.broadcast %broadcast_in_dim3A_35 : f32 to vector<16xf32>
        %swap3A_37 = arith.constant 64 : index
        %swap3A_38 = tpu.vector_load %arg9[%swap3A_37] {strides = array<i32>} : memref<320xf32, #tpu.memory_space<vmem>>, vector<16xf32>,
        tpu.vector_store %arg9[%swap3A_37], %broadcast_in_dim3A_36 {strides = array<i32>} : memref<320xf32, #tpu.memory_space<vmem>>, vector<16xf32>,
        %broadcast_in_dim3A_39 = arith.constant 0.000000e+00 : f32
        %broadcast_in_dim3A_40 = vector.broadcast %broadcast_in_dim3A_39 : f32 to vector<16xf32>
        %swap3A_41 = arith.constant 80 : index
        %swap3A_42 = tpu.vector_load %arg9[%swap3A_41] {strides = array<i32>} : memref<320xf32, #tpu.memory_space<vmem>>, vector<16xf32>,
        tpu.vector_store %arg9[%swap3A_41], %broadcast_in_dim3A_40 {strides = array<i32>} : memref<320xf32, #tpu.memory_space<vmem>>, vector<16xf32>,
        %broadcast_in_dim3A_43 = arith.constant 0.000000e+00 : f32
        %broadcast_in_dim3A_44 = vector.broadcast %broadcast_in_dim3A_43 : f32 to vector<16xf32>
        %swap3A_45 = arith.constant 96 : index
        %swap3A_46 = tpu.vector_load %arg9[%swap3A_45] {strides = array<i32>} : memref<320xf32, #tpu.memory_space<vmem>>, vector<16xf32>,
        tpu.vector_store %arg9[%swap3A_45], %broadcast_in_dim3A_44 {strides = array<i32>} : memref<320xf32, #tpu.memory_space<vmem>>, vector<16xf32>,
        %broadcast_in_dim3A_47 = arith.constant 0.000000e+00 : f32
        %broadcast_in_dim3A_48 = vector.broadcast %broadcast_in_dim3A_47 : f32 to vector<16xf32>
        %swap3A_49 = arith.constant 112 : index
        %swap3A_50 = tpu.vector_load %arg9[%swap3A_49] {strides = array<i32>} : memref<320xf32, #tpu.memory_space<vmem>>, vector<16xf32>,
        tpu.vector_store %arg9[%swap3A_49], %broadcast_in_dim3A_48 {strides = array<i32>} : memref<320xf32, #tpu.memory_space<vmem>>, vector<16xf32>,
        %broadcast_in_dim3A_51 = arith.constant 0.000000e+00 : f32
        %broadcast_in_dim3A_52 = vector.broadcast %broadcast_in_dim3A_51 : f32 to vector<16xf32>
        %swap3A_53 = arith.constant 128 : index
        %swap3A_54 = tpu.vector_load %arg9[%swap3A_53] {strides = array<i32>} : memref<320xf32, #tpu.memory_space<vmem>>, vector<16xf32>,
        tpu.vector_store %arg9[%swap3A_53], %broadcast_in_dim3A_52 {strides = array<i32>} : memref<320xf32, #tpu.memory_space<vmem>>, vector<16xf32>,
        %broadcast_in_dim3A_55 = arith.constant 0.000000e+00 : f32
        %broadcast_in_dim3A_56 = vector.broadcast %broadcast_in_dim3A_55 : f32 to vector<16xf32>
        %swap3A_57 = arith.constant 144 : index
        %swap3A_58 = tpu.vector_load %arg9[%swap3A_57] {strides = array<i32>} : memref<320xf32, #tpu.memory_space<vmem>>, vector<16xf32>,
        tpu.vector_store %arg9[%swap3A_57], %broadcast_in_dim3A_56 {strides = array<i32>} : memref<320xf32, #tpu.memory_space<vmem>>, vector<16xf32>,
        %broadcast_in_dim3A_59 = arith.constant 0.000000e+00 : f32
        %broadcast_in_dim3A_60 = vector.broadcast %broadcast_in_dim3A_59 : f32 to vector<16xf32>
        %swap3A_61 = arith.constant 160 : index
        %swap3A_62 = tpu.vector_load %arg9[%swap3A_61] {strides = array<i32>} : memref<320xf32, #tpu.memory_space<vmem>>, vector<16xf32>,
        tpu.vector_store %arg9[%swap3A_61], %broadcast_in_dim3A_60 {strides = array<i32>} : memref<320xf32, #tpu.memory_space<vmem>>, vector<16xf32>,
        %broadcast_in_dim3A_63 = arith.constant 0.000000e+00 : f32
        %broadcast_in_dim3A_64 = vector.broadcast %broadcast_in_dim3A_63 : f32 to vector<16xf32>
        %swap3A_65 = arith.constant 176 : index
        %swap3A_66 = tpu.vector_load %arg9[%swap3A_65] {strides = array<i32>} : memref<320xf32, #tpu.memory_space<vmem>>, vector<16xf32>,
        tpu.vector_store %arg9[%swap3A_65], %broadcast_in_dim3A_64 {strides = array<i32>} : memref<320xf32, #tpu.memory_space<vmem>>, vector<16xf32>,
        %broadcast_in_dim3A_67 = arith.constant 0.000000e+00 : f32
        %broadcast_in_dim3A_68 = vector.broadcast %broadcast_in_dim3A_67 : f32 to vector<16xf32>
        %swap3A_69 = arith.constant 192 : index
        %swap3A_70 = tpu.vector_load %arg9[%swap3A_69] {strides = array<i32>} : memref<320xf32, #tpu.memory_space<vmem>>, vector<16xf32>,
        tpu.vector_store %arg9[%swap3A_69], %broadcast_in_dim3A_68 {strides = array<i32>} : memref<320xf32, #tpu.memory_space<vmem>>, vector<16xf32>,
        %broadcast_in_dim3A_71 = arith.constant 0.000000e+00 : f32
        %broadcast_in_dim3A_72 = vector.broadcast %broadcast_in_dim3A_71 : f32 to vector<16xf32>
        %swap3A_73 = arith.constant 208 : index
        %swap3A_74 = tpu.vector_load %arg9[%swap3A_73] {strides = array<i32>} : memref<320xf32, #tpu.memory_space<vmem>>, vector<16xf32>,
        tpu.vector_store %arg9[%swap3A_73], %broadcast_in_dim3A_72 {strides = array<i32>} : memref<320xf32, #tpu.memory_space<vmem>>, vector<16xf32>,
        %broadcast_in_dim3A_75 = arith.constant 0.000000e+00 : f32
        %broadcast_in_dim3A_76 = vector.broadcast %broadcast_in_dim3A_75 : f32 to vector<16xf32>
        %swap3A_77 = arith.constant 224 : index
        %swap3A_78 = tpu.vector_load %arg9[%swap3A_77] {strides = array<i32>} : memref<320xf32, #tpu.memory_space<vmem>>, vector<16xf32>,
        tpu.vector_store %arg9[%swap3A_77], %broadcast_in_dim3A_76 {strides = array<i32>} : memref<320xf32, #tpu.memory_space<vmem>>, vector<16xf32>,
        %broadcast_in_dim3A_79 = arith.constant 0.000000e+00 : f32
        %broadcast_in_dim3A_80 = vector.broadcast %broadcast_in_dim3A_79 : f32 to vector<16xf32>
        %swap3A_81 = arith.constant 240 : index
        %swap3A_82 = tpu.vector_load %arg9[%swap3A_81] {strides = array<i32>} : memref<320xf32, #tpu.memory_space<vmem>>, vector<16xf32>,
        tpu.vector_store %arg9[%swap3A_81], %broadcast_in_dim3A_80 {strides = array<i32>} : memref<320xf32, #tpu.memory_space<vmem>>, vector<16xf32>,
        %broadcast_in_dim3A_83 = arith.constant 0.000000e+00 : f32
        %broadcast_in_dim3A_84 = vector.broadcast %broadcast_in_dim3A_83 : f32 to vector<16xf32>
        %swap3A_85 = arith.constant 256 : index
        %swap3A_86 = tpu.vector_load %arg9[%swap3A_85] {strides = array<i32>} : memref<320xf32, #tpu.memory_space<vmem>>, vector<16xf32>,
        tpu.vector_store %arg9[%swap3A_85], %broadcast_in_dim3A_84 {strides = array<i32>} : memref<320xf32, #tpu.memory_space<vmem>>, vector<16xf32>,
        %broadcast_in_dim3A_87 = arith.constant 0.000000e+00 : f32
        %broadcast_in_dim3A_88 = vector.broadcast %broadcast_in_dim3A_87 : f32 to vector<16xf32>
        %swap3A_89 = arith.constant 272 : index
        %swap3A_90 = tpu.vector_load %arg9[%swap3A_89] {strides = array<i32>} : memref<320xf32, #tpu.memory_space<vmem>>, vector<16xf32>,
        tpu.vector_store %arg9[%swap3A_89], %broadcast_in_dim3A_88 {strides = array<i32>} : memref<320xf32, #tpu.memory_space<vmem>>, vector<16xf32>,
        %broadcast_in_dim3A_91 = arith.constant 0.000000e+00 : f32
        %broadcast_in_dim3A_92 = vector.broadcast %broadcast_in_dim3A_91 : f32 to vector<16xf32>
        %swap3A_93 = arith.constant 288 : index
        %swap3A_94 = tpu.vector_load %arg9[%swap3A_93] {strides = array<i32>} : memref<320xf32, #tpu.memory_space<vmem>>, vector<16xf32>,
        tpu.vector_store %arg9[%swap3A_93], %broadcast_in_dim3A_92 {strides = array<i32>} : memref<320xf32, #tpu.memory_space<vmem>>, vector<16xf32>,
        %broadcast_in_dim3A_95 = arith.constant 0.000000e+00 : f32
        %broadcast_in_dim3A_96 = vector.broadcast %broadcast_in_dim3A_95 : f32 to vector<16xf32>
        %swap3A_97 = arith.constant 304 : index
        %swap3A_98 = tpu.vector_load %arg9[%swap3A_97] {strides = array<i32>} : memref<320xf32, #tpu.memory_space<vmem>>, vector<16xf32>,
        tpu.vector_store %arg9[%swap3A_97], %broadcast_in_dim3A_96 {strides = array<i32>} : memref<320xf32, #tpu.memory_space<vmem>>, vector<16xf32>,
        "tpu.region"() ({
          %run_scoped3A = tpu.sem_alloc : memref<!tpu.dma_semaphore, #tpu.memory_space<semaphore_mem>>
          %dma_start3A = tpu.memref_slice %arg5[%mul3A_13] : memref<163840xf32, #tpu.memory_space<hbm>> -> memref<320xf32, #tpu.memory_space<hbm>>
          %dma_start3A_99 = tpu.memref_slice %arg5[%mul3A_13] : memref<163840xf32, #tpu.memory_space<hbm>> -> memref<320xf32, #tpu.memory_space<hbm>>
          tpu.enqueue_dma source(%arg9 : memref<320xf32, #tpu.memory_space<vmem>>) target(%dma_start3A_99 : memref<320xf32, #tpu.memory_space<hbm>>) target_semaphore(%run_scoped3A : memref<!tpu.dma_semaphore, #tpu.memory_space<semaphore_mem>>)
          %dma_wait3A = tpu.memref_slice %arg5[%mul3A_13] : memref<163840xf32, #tpu.memory_space<hbm>> -> memref<320xf32, #tpu.memory_space<hbm>>
          %dma_wait3A_100 = tpu.memref_slice %arg5[%mul3A_13] : memref<163840xf32, #tpu.memory_space<hbm>> -> memref<320xf32, #tpu.memory_space<hbm>>
          tpu.wait_dma2 semaphore(%run_scoped3A : memref<!tpu.dma_semaphore, #tpu.memory_space<semaphore_mem>>) src(%arg9 : memref<320xf32, #tpu.memory_space<vmem>>) dst(%dma_wait3A_100 : memref<320xf32, #tpu.memory_space<hbm>>)
          tpu.yield
        }) : () -> ()
      } else {
      }
      %scan3A_20 = arith.constant 0 : i32
      scf.yield %scan3A_20 : i32
    }
    %scan3A_6 = arith.constant 16 : i32
    return
  }
}

#map = affine_map<(d0, d1) -> (0, 0)>
#map1 = affine_map<(d0, d1) -> (0)>
module attributes {stable_mosaic.version = 14 : i64} {
  func.func @_edge_body(%arg0: i32, %arg1: i32, %arg2: memref<80000x128xf32, #tpu.memory_space<hbm>>, %arg3: memref<163840xi32, #tpu.memory_space<hbm>>, %arg4: memref<163840xi32, #tpu.memory_space<hbm>>, %arg5: memref<163840xi32, #tpu.memory_space<hbm>>, %arg6: memref<163840xf32, #tpu.memory_space<hbm>>, %arg7: memref<20000x128xf32, #tpu.memory_space<hbm>>, %arg8: memref<320xi32, #tpu.memory_space<vmem>>, %arg9: memref<320xi32, #tpu.memory_space<vmem>>, %arg10: memref<320xi32, #tpu.memory_space<vmem>>, %arg11: memref<4x80xi32, #tpu.memory_space<vmem>>, %arg12: memref<4x80xi32, #tpu.memory_space<vmem>>, %arg13: memref<320xf32, #tpu.memory_space<vmem>>, %arg14: memref<320x128xf32, #tpu.memory_space<vmem>>, %arg15: memref<10000x128xf32, #tpu.memory_space<vmem_shared>>, %arg16: memref<!tpu.dma_semaphore, #tpu.memory_space<semaphore_mem>>, %arg17: memref<!tpu.dma_semaphore, #tpu.memory_space<semaphore_mem>>) attributes {dimension_semantics = [#tpu.dimension_semantics<core_parallel>, #tpu.dimension_semantics<subcore_parallel>], iteration_bounds = array<i64: 2, 16>, scalar_prefetch = 0 : i64, scratch_operands = 10 : i64, tpu.core_type = #tpu.core_type<sc_vector_subcore>, window_params = [{transform_indices = #map}, {transform_indices = #map1}, {transform_indices = #map1}, {transform_indices = #map1}, {transform_indices = #map1}, {transform_indices = #map}]} {
    %mul3A = arith.constant 2 : i32
    %mul3A_0 = arith.muli %arg1, %mul3A : i32
    %add3A = arith.addi %mul3A_0, %arg0 : i32
    %scan3A = arith.constant 0 : i32
    %scan3A_1 = arith.constant 0 : i32
    %scan3A_2 = arith.constant 104 : i32
    %scan3A_3 = arith.addi %scan3A_1, %scan3A_2 : i32
    %scan3A_4 = arith.constant 1 : i32
    %scan3A_5 = scf.for %scan3A_92 = %scan3A_1 to %scan3A_3 step %scan3A_4 iter_args(%scan3A_93 = %scan3A) -> (i32)  : i32 {
      %broadcast_in_dim3A = arith.constant 0.000000e+00 : f32
      %broadcast_in_dim3A_94 = vector.broadcast %broadcast_in_dim3A : f32 to vector<16xf32>
      %swap3A = arith.index_cast %scan3A_92 : i32 to index
      %swap3A_95 = arith.constant 0 : index
      %swap3A_96 = tpu.vector_load %arg14[%swap3A, %swap3A_95] {strides = array<i32>} : memref<320x128xf32, #tpu.memory_space<vmem>>, vector<16xf32>,
      tpu.vector_store %arg14[%swap3A, %swap3A_95], %broadcast_in_dim3A_94 {strides = array<i32>} : memref<320x128xf32, #tpu.memory_space<vmem>>, vector<16xf32>,
      %broadcast_in_dim3A_97 = arith.constant 0.000000e+00 : f32
      %broadcast_in_dim3A_98 = vector.broadcast %broadcast_in_dim3A_97 : f32 to vector<16xf32>
      %swap3A_99 = arith.index_cast %scan3A_92 : i32 to index
      %swap3A_100 = arith.constant 16 : index
      %swap3A_101 = tpu.vector_load %arg14[%swap3A_99, %swap3A_100] {strides = array<i32>} : memref<320x128xf32, #tpu.memory_space<vmem>>, vector<16xf32>,
      tpu.vector_store %arg14[%swap3A_99, %swap3A_100], %broadcast_in_dim3A_98 {strides = array<i32>} : memref<320x128xf32, #tpu.memory_space<vmem>>, vector<16xf32>,
      %broadcast_in_dim3A_102 = arith.constant 0.000000e+00 : f32
      %broadcast_in_dim3A_103 = vector.broadcast %broadcast_in_dim3A_102 : f32 to vector<16xf32>
      %swap3A_104 = arith.index_cast %scan3A_92 : i32 to index
      %swap3A_105 = arith.constant 32 : index
      %swap3A_106 = tpu.vector_load %arg14[%swap3A_104, %swap3A_105] {strides = array<i32>} : memref<320x128xf32, #tpu.memory_space<vmem>>, vector<16xf32>,
      tpu.vector_store %arg14[%swap3A_104, %swap3A_105], %broadcast_in_dim3A_103 {strides = array<i32>} : memref<320x128xf32, #tpu.memory_space<vmem>>, vector<16xf32>,
      %broadcast_in_dim3A_107 = arith.constant 0.000000e+00 : f32
      %broadcast_in_dim3A_108 = vector.broadcast %broadcast_in_dim3A_107 : f32 to vector<16xf32>
      %swap3A_109 = arith.index_cast %scan3A_92 : i32 to index
      %swap3A_110 = arith.constant 48 : index
      %swap3A_111 = tpu.vector_load %arg14[%swap3A_109, %swap3A_110] {strides = array<i32>} : memref<320x128xf32, #tpu.memory_space<vmem>>, vector<16xf32>,
      tpu.vector_store %arg14[%swap3A_109, %swap3A_110], %broadcast_in_dim3A_108 {strides = array<i32>} : memref<320x128xf32, #tpu.memory_space<vmem>>, vector<16xf32>,
      %broadcast_in_dim3A_112 = arith.constant 0.000000e+00 : f32
      %broadcast_in_dim3A_113 = vector.broadcast %broadcast_in_dim3A_112 : f32 to vector<16xf32>
      %swap3A_114 = arith.index_cast %scan3A_92 : i32 to index
      %swap3A_115 = arith.constant 64 : index
      %swap3A_116 = tpu.vector_load %arg14[%swap3A_114, %swap3A_115] {strides = array<i32>} : memref<320x128xf32, #tpu.memory_space<vmem>>, vector<16xf32>,
      tpu.vector_store %arg14[%swap3A_114, %swap3A_115], %broadcast_in_dim3A_113 {strides = array<i32>} : memref<320x128xf32, #tpu.memory_space<vmem>>, vector<16xf32>,
      %broadcast_in_dim3A_117 = arith.constant 0.000000e+00 : f32
      %broadcast_in_dim3A_118 = vector.broadcast %broadcast_in_dim3A_117 : f32 to vector<16xf32>
      %swap3A_119 = arith.index_cast %scan3A_92 : i32 to index
      %swap3A_120 = arith.constant 80 : index
      %swap3A_121 = tpu.vector_load %arg14[%swap3A_119, %swap3A_120] {strides = array<i32>} : memref<320x128xf32, #tpu.memory_space<vmem>>, vector<16xf32>,
      tpu.vector_store %arg14[%swap3A_119, %swap3A_120], %broadcast_in_dim3A_118 {strides = array<i32>} : memref<320x128xf32, #tpu.memory_space<vmem>>, vector<16xf32>,
      %broadcast_in_dim3A_122 = arith.constant 0.000000e+00 : f32
      %broadcast_in_dim3A_123 = vector.broadcast %broadcast_in_dim3A_122 : f32 to vector<16xf32>
      %swap3A_124 = arith.index_cast %scan3A_92 : i32 to index
      %swap3A_125 = arith.constant 96 : index
      %swap3A_126 = tpu.vector_load %arg14[%swap3A_124, %swap3A_125] {strides = array<i32>} : memref<320x128xf32, #tpu.memory_space<vmem>>, vector<16xf32>,
      tpu.vector_store %arg14[%swap3A_124, %swap3A_125], %broadcast_in_dim3A_123 {strides = array<i32>} : memref<320x128xf32, #tpu.memory_space<vmem>>, vector<16xf32>,
      %broadcast_in_dim3A_127 = arith.constant 0.000000e+00 : f32
      %broadcast_in_dim3A_128 = vector.broadcast %broadcast_in_dim3A_127 : f32 to vector<16xf32>
      %swap3A_129 = arith.index_cast %scan3A_92 : i32 to index
      %swap3A_130 = arith.constant 112 : index
      %swap3A_131 = tpu.vector_load %arg14[%swap3A_129, %swap3A_130] {strides = array<i32>} : memref<320x128xf32, #tpu.memory_space<vmem>>, vector<16xf32>,
      tpu.vector_store %arg14[%swap3A_129, %swap3A_130], %broadcast_in_dim3A_128 {strides = array<i32>} : memref<320x128xf32, #tpu.memory_space<vmem>>, vector<16xf32>,
      %scan3A_132 = arith.constant 0 : i32
      scf.yield %scan3A_132 : i32
    }
    %scan3A_6 = arith.constant 104 : i32
    %mul3A_7 = arith.constant 624 : i32
    %mul3A_8 = arith.muli %arg1, %mul3A_7 : i32
    %add3A_9 = arith.constant 0 : i32
    %add3A_10 = arith.addi %mul3A_8, %add3A_9 : i32
    "tpu.region"() ({
      %run_scoped3A = tpu.sem_alloc : memref<!tpu.dma_semaphore, #tpu.memory_space<semaphore_mem>>
      %dma_start3A = arith.constant 0 : i32
      %dma_start3A_92 = arith.constant 0 : i32
      %dma_start3A_93 = tpu.memref_slice %arg14[%dma_start3A, %dma_start3A_92] : memref<320x128xf32, #tpu.memory_space<vmem>> -> memref<104x128xf32, #tpu.memory_space<vmem>>
      %dma_start3A_94 = arith.constant 0 : i32
      %dma_start3A_95 = tpu.memref_slice %arg15[%add3A_10, %dma_start3A_94] : memref<10000x128xf32, #tpu.memory_space<vmem_shared>> -> memref<104x128xf32, #tpu.memory_space<vmem_shared>>
      %dma_start3A_96 = arith.constant 0 : i32
      %dma_start3A_97 = tpu.memref_slice %arg15[%add3A_10, %dma_start3A_96] : memref<10000x128xf32, #tpu.memory_space<vmem_shared>> -> memref<104x128xf32, #tpu.memory_space<vmem_shared>>
      %dma_start3A_98 = arith.constant 0 : i32
      %dma_start3A_99 = arith.constant 0 : i32
      %dma_start3A_100 = tpu.memref_slice %arg14[%dma_start3A_98, %dma_start3A_99] : memref<320x128xf32, #tpu.memory_space<vmem>> -> memref<104x128xf32, #tpu.memory_space<vmem>>
      tpu.enqueue_dma source(%dma_start3A_100 : memref<104x128xf32, #tpu.memory_space<vmem>>) target(%dma_start3A_97 : memref<104x128xf32, #tpu.memory_space<vmem_shared>>) target_semaphore(%run_scoped3A : memref<!tpu.dma_semaphore, #tpu.memory_space<semaphore_mem>>)
      %dma_wait3A_101 = arith.constant 0 : i32
      %dma_wait3A_102 = arith.constant 0 : i32
      %dma_wait3A_103 = tpu.memref_slice %arg14[%dma_wait3A_101, %dma_wait3A_102] : memref<320x128xf32, #tpu.memory_space<vmem>> -> memref<104x128xf32, #tpu.memory_space<vmem>>
      %dma_wait3A_104 = arith.constant 0 : i32
      %dma_wait3A_105 = tpu.memref_slice %arg15[%add3A_10, %dma_wait3A_104] : memref<10000x128xf32, #tpu.memory_space<vmem_shared>> -> memref<104x128xf32, #tpu.memory_space<vmem_shared>>
      %dma_wait3A_106 = arith.constant 0 : i32
      %dma_wait3A_107 = tpu.memref_slice %arg15[%add3A_10, %dma_wait3A_106] : memref<10000x128xf32, #tpu.memory_space<vmem_shared>> -> memref<104x128xf32, #tpu.memory_space<vmem_shared>>
      %dma_wait3A_108 = arith.constant 0 : i32
      %dma_wait3A_109 = arith.constant 0 : i32
      %dma_wait3A_110 = tpu.memref_slice %arg14[%dma_wait3A_108, %dma_wait3A_109] : memref<320x128xf32, #tpu.memory_space<vmem>> -> memref<104x128xf32, #tpu.memory_space<vmem>>
      tpu.wait_dma2 semaphore(%run_scoped3A : memref<!tpu.dma_semaphore, #tpu.memory_space<semaphore_mem>>) src(%dma_wait3A_110 : memref<104x128xf32, #tpu.memory_space<vmem>>) dst(%dma_wait3A_107 : memref<104x128xf32, #tpu.memory_space<vmem_shared>>)
      tpu.yield
    }) : () -> ()
    %mul3A_11 = arith.constant 624 : i32
    %mul3A_12 = arith.muli %arg1, %mul3A_11 : i32
    %add3A_13 = arith.constant 104 : i32
    %add3A_14 = arith.addi %mul3A_12, %add3A_13 : i32
    "tpu.region"() ({
      %run_scoped3A = tpu.sem_alloc : memref<!tpu.dma_semaphore, #tpu.memory_space<semaphore_mem>>
      %dma_start3A = arith.constant 0 : i32
      %dma_start3A_92 = arith.constant 0 : i32
      %dma_start3A_93 = tpu.memref_slice %arg14[%dma_start3A, %dma_start3A_92] : memref<320x128xf32, #tpu.memory_space<vmem>> -> memref<104x128xf32, #tpu.memory_space<vmem>>
      %dma_start3A_94 = arith.constant 0 : i32
      %dma_start3A_95 = tpu.memref_slice %arg15[%add3A_14, %dma_start3A_94] : memref<10000x128xf32, #tpu.memory_space<vmem_shared>> -> memref<104x128xf32, #tpu.memory_space<vmem_shared>>
      %dma_start3A_96 = arith.constant 0 : i32
      %dma_start3A_97 = tpu.memref_slice %arg15[%add3A_14, %dma_start3A_96] : memref<10000x128xf32, #tpu.memory_space<vmem_shared>> -> memref<104x128xf32, #tpu.memory_space<vmem_shared>>
      %dma_start3A_98 = arith.constant 0 : i32
      %dma_start3A_99 = arith.constant 0 : i32
      %dma_start3A_100 = tpu.memref_slice %arg14[%dma_start3A_98, %dma_start3A_99] : memref<320x128xf32, #tpu.memory_space<vmem>> -> memref<104x128xf32, #tpu.memory_space<vmem>>
      tpu.enqueue_dma source(%dma_start3A_100 : memref<104x128xf32, #tpu.memory_space<vmem>>) target(%dma_start3A_97 : memref<104x128xf32, #tpu.memory_space<vmem_shared>>) target_semaphore(%run_scoped3A : memref<!tpu.dma_semaphore, #tpu.memory_space<semaphore_mem>>)
      %dma_wait3A_101 = arith.constant 0 : i32
      %dma_wait3A_102 = arith.constant 0 : i32
      %dma_wait3A_103 = tpu.memref_slice %arg14[%dma_wait3A_101, %dma_wait3A_102] : memref<320x128xf32, #tpu.memory_space<vmem>> -> memref<104x128xf32, #tpu.memory_space<vmem>>
      %dma_wait3A_104 = arith.constant 0 : i32
      %dma_wait3A_105 = tpu.memref_slice %arg15[%add3A_14, %dma_wait3A_104] : memref<10000x128xf32, #tpu.memory_space<vmem_shared>> -> memref<104x128xf32, #tpu.memory_space<vmem_shared>>
      %dma_wait3A_106 = arith.constant 0 : i32
      %dma_wait3A_107 = tpu.memref_slice %arg15[%add3A_14, %dma_wait3A_106] : memref<10000x128xf32, #tpu.memory_space<vmem_shared>> -> memref<104x128xf32, #tpu.memory_space<vmem_shared>>
      %dma_wait3A_108 = arith.constant 0 : i32
      %dma_wait3A_109 = arith.constant 0 : i32
      %dma_wait3A_110 = tpu.memref_slice %arg14[%dma_wait3A_108, %dma_wait3A_109] : memref<320x128xf32, #tpu.memory_space<vmem>> -> memref<104x128xf32, #tpu.memory_space<vmem>>
      tpu.wait_dma2 semaphore(%run_scoped3A : memref<!tpu.dma_semaphore, #tpu.memory_space<semaphore_mem>>) src(%dma_wait3A_110 : memref<104x128xf32, #tpu.memory_space<vmem>>) dst(%dma_wait3A_107 : memref<104x128xf32, #tpu.memory_space<vmem_shared>>)
      tpu.yield
    }) : () -> ()
    %mul3A_15 = arith.constant 624 : i32
    %mul3A_16 = arith.muli %arg1, %mul3A_15 : i32
    %add3A_17 = arith.constant 208 : i32
    %add3A_18 = arith.addi %mul3A_16, %add3A_17 : i32
    "tpu.region"() ({
      %run_scoped3A = tpu.sem_alloc : memref<!tpu.dma_semaphore, #tpu.memory_space<semaphore_mem>>
      %dma_start3A = arith.constant 0 : i32
      %dma_start3A_92 = arith.constant 0 : i32
      %dma_start3A_93 = tpu.memref_slice %arg14[%dma_start3A, %dma_start3A_92] : memref<320x128xf32, #tpu.memory_space<vmem>> -> memref<104x128xf32, #tpu.memory_space<vmem>>
      %dma_start3A_94 = arith.constant 0 : i32
      %dma_start3A_95 = tpu.memref_slice %arg15[%add3A_18, %dma_start3A_94] : memref<10000x128xf32, #tpu.memory_space<vmem_shared>> -> memref<104x128xf32, #tpu.memory_space<vmem_shared>>
      %dma_start3A_96 = arith.constant 0 : i32
      %dma_start3A_97 = tpu.memref_slice %arg15[%add3A_18, %dma_start3A_96] : memref<10000x128xf32, #tpu.memory_space<vmem_shared>> -> memref<104x128xf32, #tpu.memory_space<vmem_shared>>
      %dma_start3A_98 = arith.constant 0 : i32
      %dma_start3A_99 = arith.constant 0 : i32
      %dma_start3A_100 = tpu.memref_slice %arg14[%dma_start3A_98, %dma_start3A_99] : memref<320x128xf32, #tpu.memory_space<vmem>> -> memref<104x128xf32, #tpu.memory_space<vmem>>
      tpu.enqueue_dma source(%dma_start3A_100 : memref<104x128xf32, #tpu.memory_space<vmem>>) target(%dma_start3A_97 : memref<104x128xf32, #tpu.memory_space<vmem_shared>>) target_semaphore(%run_scoped3A : memref<!tpu.dma_semaphore, #tpu.memory_space<semaphore_mem>>)
      %dma_wait3A_101 = arith.constant 0 : i32
      %dma_wait3A_102 = arith.constant 0 : i32
      %dma_wait3A_103 = tpu.memref_slice %arg14[%dma_wait3A_101, %dma_wait3A_102] : memref<320x128xf32, #tpu.memory_space<vmem>> -> memref<104x128xf32, #tpu.memory_space<vmem>>
      %dma_wait3A_104 = arith.constant 0 : i32
      %dma_wait3A_105 = tpu.memref_slice %arg15[%add3A_18, %dma_wait3A_104] : memref<10000x128xf32, #tpu.memory_space<vmem_shared>> -> memref<104x128xf32, #tpu.memory_space<vmem_shared>>
      %dma_wait3A_106 = arith.constant 0 : i32
      %dma_wait3A_107 = tpu.memref_slice %arg15[%add3A_18, %dma_wait3A_106] : memref<10000x128xf32, #tpu.memory_space<vmem_shared>> -> memref<104x128xf32, #tpu.memory_space<vmem_shared>>
      %dma_wait3A_108 = arith.constant 0 : i32
      %dma_wait3A_109 = arith.constant 0 : i32
      %dma_wait3A_110 = tpu.memref_slice %arg14[%dma_wait3A_108, %dma_wait3A_109] : memref<320x128xf32, #tpu.memory_space<vmem>> -> memref<104x128xf32, #tpu.memory_space<vmem>>
      tpu.wait_dma2 semaphore(%run_scoped3A : memref<!tpu.dma_semaphore, #tpu.memory_space<semaphore_mem>>) src(%dma_wait3A_110 : memref<104x128xf32, #tpu.memory_space<vmem>>) dst(%dma_wait3A_107 : memref<104x128xf32, #tpu.memory_space<vmem_shared>>)
      tpu.yield
    }) : () -> ()
    %mul3A_19 = arith.constant 624 : i32
    %mul3A_20 = arith.muli %arg1, %mul3A_19 : i32
    %add3A_21 = arith.constant 312 : i32
    %add3A_22 = arith.addi %mul3A_20, %add3A_21 : i32
    "tpu.region"() ({
      %run_scoped3A = tpu.sem_alloc : memref<!tpu.dma_semaphore, #tpu.memory_space<semaphore_mem>>
      %dma_start3A = arith.constant 0 : i32
      %dma_start3A_92 = arith.constant 0 : i32
      %dma_start3A_93 = tpu.memref_slice %arg14[%dma_start3A, %dma_start3A_92] : memref<320x128xf32, #tpu.memory_space<vmem>> -> memref<104x128xf32, #tpu.memory_space<vmem>>
      %dma_start3A_94 = arith.constant 0 : i32
      %dma_start3A_95 = tpu.memref_slice %arg15[%add3A_22, %dma_start3A_94] : memref<10000x128xf32, #tpu.memory_space<vmem_shared>> -> memref<104x128xf32, #tpu.memory_space<vmem_shared>>
      %dma_start3A_96 = arith.constant 0 : i32
      %dma_start3A_97 = tpu.memref_slice %arg15[%add3A_22, %dma_start3A_96] : memref<10000x128xf32, #tpu.memory_space<vmem_shared>> -> memref<104x128xf32, #tpu.memory_space<vmem_shared>>
      %dma_start3A_98 = arith.constant 0 : i32
      %dma_start3A_99 = arith.constant 0 : i32
      %dma_start3A_100 = tpu.memref_slice %arg14[%dma_start3A_98, %dma_start3A_99] : memref<320x128xf32, #tpu.memory_space<vmem>> -> memref<104x128xf32, #tpu.memory_space<vmem>>
      tpu.enqueue_dma source(%dma_start3A_100 : memref<104x128xf32, #tpu.memory_space<vmem>>) target(%dma_start3A_97 : memref<104x128xf32, #tpu.memory_space<vmem_shared>>) target_semaphore(%run_scoped3A : memref<!tpu.dma_semaphore, #tpu.memory_space<semaphore_mem>>)
      %dma_wait3A_101 = arith.constant 0 : i32
      %dma_wait3A_102 = arith.constant 0 : i32
      %dma_wait3A_103 = tpu.memref_slice %arg14[%dma_wait3A_101, %dma_wait3A_102] : memref<320x128xf32, #tpu.memory_space<vmem>> -> memref<104x128xf32, #tpu.memory_space<vmem>>
      %dma_wait3A_104 = arith.constant 0 : i32
      %dma_wait3A_105 = tpu.memref_slice %arg15[%add3A_22, %dma_wait3A_104] : memref<10000x128xf32, #tpu.memory_space<vmem_shared>> -> memref<104x128xf32, #tpu.memory_space<vmem_shared>>
      %dma_wait3A_106 = arith.constant 0 : i32
      %dma_wait3A_107 = tpu.memref_slice %arg15[%add3A_22, %dma_wait3A_106] : memref<10000x128xf32, #tpu.memory_space<vmem_shared>> -> memref<104x128xf32, #tpu.memory_space<vmem_shared>>
      %dma_wait3A_108 = arith.constant 0 : i32
      %dma_wait3A_109 = arith.constant 0 : i32
      %dma_wait3A_110 = tpu.memref_slice %arg14[%dma_wait3A_108, %dma_wait3A_109] : memref<320x128xf32, #tpu.memory_space<vmem>> -> memref<104x128xf32, #tpu.memory_space<vmem>>
      tpu.wait_dma2 semaphore(%run_scoped3A : memref<!tpu.dma_semaphore, #tpu.memory_space<semaphore_mem>>) src(%dma_wait3A_110 : memref<104x128xf32, #tpu.memory_space<vmem>>) dst(%dma_wait3A_107 : memref<104x128xf32, #tpu.memory_space<vmem_shared>>)
      tpu.yield
    }) : () -> ()
    %mul3A_23 = arith.constant 624 : i32
    %mul3A_24 = arith.muli %arg1, %mul3A_23 : i32
    %add3A_25 = arith.constant 416 : i32
    %add3A_26 = arith.addi %mul3A_24, %add3A_25 : i32
    "tpu.region"() ({
      %run_scoped3A = tpu.sem_alloc : memref<!tpu.dma_semaphore, #tpu.memory_space<semaphore_mem>>
      %dma_start3A = arith.constant 0 : i32
      %dma_start3A_92 = arith.constant 0 : i32
      %dma_start3A_93 = tpu.memref_slice %arg14[%dma_start3A, %dma_start3A_92] : memref<320x128xf32, #tpu.memory_space<vmem>> -> memref<104x128xf32, #tpu.memory_space<vmem>>
      %dma_start3A_94 = arith.constant 0 : i32
      %dma_start3A_95 = tpu.memref_slice %arg15[%add3A_26, %dma_start3A_94] : memref<10000x128xf32, #tpu.memory_space<vmem_shared>> -> memref<104x128xf32, #tpu.memory_space<vmem_shared>>
      %dma_start3A_96 = arith.constant 0 : i32
      %dma_start3A_97 = tpu.memref_slice %arg15[%add3A_26, %dma_start3A_96] : memref<10000x128xf32, #tpu.memory_space<vmem_shared>> -> memref<104x128xf32, #tpu.memory_space<vmem_shared>>
      %dma_start3A_98 = arith.constant 0 : i32
      %dma_start3A_99 = arith.constant 0 : i32
      %dma_start3A_100 = tpu.memref_slice %arg14[%dma_start3A_98, %dma_start3A_99] : memref<320x128xf32, #tpu.memory_space<vmem>> -> memref<104x128xf32, #tpu.memory_space<vmem>>
      tpu.enqueue_dma source(%dma_start3A_100 : memref<104x128xf32, #tpu.memory_space<vmem>>) target(%dma_start3A_97 : memref<104x128xf32, #tpu.memory_space<vmem_shared>>) target_semaphore(%run_scoped3A : memref<!tpu.dma_semaphore, #tpu.memory_space<semaphore_mem>>)
      %dma_wait3A_101 = arith.constant 0 : i32
      %dma_wait3A_102 = arith.constant 0 : i32
      %dma_wait3A_103 = tpu.memref_slice %arg14[%dma_wait3A_101, %dma_wait3A_102] : memref<320x128xf32, #tpu.memory_space<vmem>> -> memref<104x128xf32, #tpu.memory_space<vmem>>
      %dma_wait3A_104 = arith.constant 0 : i32
      %dma_wait3A_105 = tpu.memref_slice %arg15[%add3A_26, %dma_wait3A_104] : memref<10000x128xf32, #tpu.memory_space<vmem_shared>> -> memref<104x128xf32, #tpu.memory_space<vmem_shared>>
      %dma_wait3A_106 = arith.constant 0 : i32
      %dma_wait3A_107 = tpu.memref_slice %arg15[%add3A_26, %dma_wait3A_106] : memref<10000x128xf32, #tpu.memory_space<vmem_shared>> -> memref<104x128xf32, #tpu.memory_space<vmem_shared>>
      %dma_wait3A_108 = arith.constant 0 : i32
      %dma_wait3A_109 = arith.constant 0 : i32
      %dma_wait3A_110 = tpu.memref_slice %arg14[%dma_wait3A_108, %dma_wait3A_109] : memref<320x128xf32, #tpu.memory_space<vmem>> -> memref<104x128xf32, #tpu.memory_space<vmem>>
      tpu.wait_dma2 semaphore(%run_scoped3A : memref<!tpu.dma_semaphore, #tpu.memory_space<semaphore_mem>>) src(%dma_wait3A_110 : memref<104x128xf32, #tpu.memory_space<vmem>>) dst(%dma_wait3A_107 : memref<104x128xf32, #tpu.memory_space<vmem_shared>>)
      tpu.yield
    }) : () -> ()
    %mul3A_27 = arith.constant 624 : i32
    %mul3A_28 = arith.muli %arg1, %mul3A_27 : i32
    %add3A_29 = arith.constant 520 : i32
    %add3A_30 = arith.addi %mul3A_28, %add3A_29 : i32
    "tpu.region"() ({
      %run_scoped3A = tpu.sem_alloc : memref<!tpu.dma_semaphore, #tpu.memory_space<semaphore_mem>>
      %dma_start3A = arith.constant 0 : i32
      %dma_start3A_92 = arith.constant 0 : i32
      %dma_start3A_93 = tpu.memref_slice %arg14[%dma_start3A, %dma_start3A_92] : memref<320x128xf32, #tpu.memory_space<vmem>> -> memref<104x128xf32, #tpu.memory_space<vmem>>
      %dma_start3A_94 = arith.constant 0 : i32
      %dma_start3A_95 = tpu.memref_slice %arg15[%add3A_30, %dma_start3A_94] : memref<10000x128xf32, #tpu.memory_space<vmem_shared>> -> memref<104x128xf32, #tpu.memory_space<vmem_shared>>
      %dma_start3A_96 = arith.constant 0 : i32
      %dma_start3A_97 = tpu.memref_slice %arg15[%add3A_30, %dma_start3A_96] : memref<10000x128xf32, #tpu.memory_space<vmem_shared>> -> memref<104x128xf32, #tpu.memory_space<vmem_shared>>
      %dma_start3A_98 = arith.constant 0 : i32
      %dma_start3A_99 = arith.constant 0 : i32
      %dma_start3A_100 = tpu.memref_slice %arg14[%dma_start3A_98, %dma_start3A_99] : memref<320x128xf32, #tpu.memory_space<vmem>> -> memref<104x128xf32, #tpu.memory_space<vmem>>
      tpu.enqueue_dma source(%dma_start3A_100 : memref<104x128xf32, #tpu.memory_space<vmem>>) target(%dma_start3A_97 : memref<104x128xf32, #tpu.memory_space<vmem_shared>>) target_semaphore(%run_scoped3A : memref<!tpu.dma_semaphore, #tpu.memory_space<semaphore_mem>>)
      %dma_wait3A_101 = arith.constant 0 : i32
      %dma_wait3A_102 = arith.constant 0 : i32
      %dma_wait3A_103 = tpu.memref_slice %arg14[%dma_wait3A_101, %dma_wait3A_102] : memref<320x128xf32, #tpu.memory_space<vmem>> -> memref<104x128xf32, #tpu.memory_space<vmem>>
      %dma_wait3A_104 = arith.constant 0 : i32
      %dma_wait3A_105 = tpu.memref_slice %arg15[%add3A_30, %dma_wait3A_104] : memref<10000x128xf32, #tpu.memory_space<vmem_shared>> -> memref<104x128xf32, #tpu.memory_space<vmem_shared>>
      %dma_wait3A_106 = arith.constant 0 : i32
      %dma_wait3A_107 = tpu.memref_slice %arg15[%add3A_30, %dma_wait3A_106] : memref<10000x128xf32, #tpu.memory_space<vmem_shared>> -> memref<104x128xf32, #tpu.memory_space<vmem_shared>>
      %dma_wait3A_108 = arith.constant 0 : i32
      %dma_wait3A_109 = arith.constant 0 : i32
      %dma_wait3A_110 = tpu.memref_slice %arg14[%dma_wait3A_108, %dma_wait3A_109] : memref<320x128xf32, #tpu.memory_space<vmem>> -> memref<104x128xf32, #tpu.memory_space<vmem>>
      tpu.wait_dma2 semaphore(%run_scoped3A : memref<!tpu.dma_semaphore, #tpu.memory_space<semaphore_mem>>) src(%dma_wait3A_110 : memref<104x128xf32, #tpu.memory_space<vmem>>) dst(%dma_wait3A_107 : memref<104x128xf32, #tpu.memory_space<vmem_shared>>)
      tpu.yield
    }) : () -> ()
    %eq3A = arith.constant 15 : i32
    %eq3A_31 = arith.cmpi eq, %arg1, %eq3A : i32
    %convert_element_type3A = arith.extui %eq3A_31 : i1 to i32
    %cond3A = arith.constant 0 : i32
    %cond3A_32 = arith.cmpi ne, %convert_element_type3A, %cond3A : i32
    scf.if %cond3A_32 {
      "tpu.region"() ({
        %run_scoped3A = tpu.sem_alloc : memref<!tpu.dma_semaphore, #tpu.memory_space<semaphore_mem>>
        %dma_start3A = arith.constant 0 : i32
        %dma_start3A_92 = arith.constant 0 : i32
        %dma_start3A_93 = tpu.memref_slice %arg14[%dma_start3A, %dma_start3A_92] : memref<320x128xf32, #tpu.memory_space<vmem>> -> memref<16x128xf32, #tpu.memory_space<vmem>>
        %dma_start3A_94 = arith.constant 9984 : i32
        %dma_start3A_95 = arith.constant 0 : i32
        %dma_start3A_96 = tpu.memref_slice %arg15[%dma_start3A_94, %dma_start3A_95] : memref<10000x128xf32, #tpu.memory_space<vmem_shared>> -> memref<16x128xf32, #tpu.memory_space<vmem_shared>>
        %dma_start3A_97 = arith.constant 9984 : i32
        %dma_start3A_98 = arith.constant 0 : i32
        %dma_start3A_99 = tpu.memref_slice %arg15[%dma_start3A_97, %dma_start3A_98] : memref<10000x128xf32, #tpu.memory_space<vmem_shared>> -> memref<16x128xf32, #tpu.memory_space<vmem_shared>>
        %dma_start3A_100 = arith.constant 0 : i32
        %dma_start3A_101 = arith.constant 0 : i32
        %dma_start3A_102 = tpu.memref_slice %arg14[%dma_start3A_100, %dma_start3A_101] : memref<320x128xf32, #tpu.memory_space<vmem>> -> memref<16x128xf32, #tpu.memory_space<vmem>>
        tpu.enqueue_dma source(%dma_start3A_102 : memref<16x128xf32, #tpu.memory_space<vmem>>) target(%dma_start3A_99 : memref<16x128xf32, #tpu.memory_space<vmem_shared>>) target_semaphore(%run_scoped3A : memref<!tpu.dma_semaphore, #tpu.memory_space<semaphore_mem>>)
        %dma_wait3A_103 = arith.constant 0 : i32
        %dma_wait3A_104 = arith.constant 0 : i32
        %dma_wait3A_105 = tpu.memref_slice %arg14[%dma_wait3A_103, %dma_wait3A_104] : memref<320x128xf32, #tpu.memory_space<vmem>> -> memref<16x128xf32, #tpu.memory_space<vmem>>
        %dma_wait3A_106 = arith.constant 9984 : i32
        %dma_wait3A_107 = arith.constant 0 : i32
        %dma_wait3A_108 = tpu.memref_slice %arg15[%dma_wait3A_106, %dma_wait3A_107] : memref<10000x128xf32, #tpu.memory_space<vmem_shared>> -> memref<16x128xf32, #tpu.memory_space<vmem_shared>>
        %dma_wait3A_109 = arith.constant 9984 : i32
        %dma_wait3A_110 = arith.constant 0 : i32
        %dma_wait3A_111 = tpu.memref_slice %arg15[%dma_wait3A_109, %dma_wait3A_110] : memref<10000x128xf32, #tpu.memory_space<vmem_shared>> -> memref<16x128xf32, #tpu.memory_space<vmem_shared>>
        %dma_wait3A_112 = arith.constant 0 : i32
        %dma_wait3A_113 = arith.constant 0 : i32
        %dma_wait3A_114 = tpu.memref_slice %arg14[%dma_wait3A_112, %dma_wait3A_113] : memref<320x128xf32, #tpu.memory_space<vmem>> -> memref<16x128xf32, #tpu.memory_space<vmem>>
        tpu.wait_dma2 semaphore(%run_scoped3A : memref<!tpu.dma_semaphore, #tpu.memory_space<semaphore_mem>>) src(%dma_wait3A_114 : memref<16x128xf32, #tpu.memory_space<vmem>>) dst(%dma_wait3A_111 : memref<16x128xf32, #tpu.memory_space<vmem_shared>>)
        tpu.yield
      }) : () -> ()
    } else {
    }
    %barrier3A = arith.constant 0 : index
    tpu.barrier barrier_id(%barrier3A)
    %scan3A_33 = arith.constant 0 : i32
    %scan3A_34 = arith.constant 0 : i32
    %scan3A_35 = arith.constant 16 : i32
    %scan3A_36 = arith.addi %scan3A_34, %scan3A_35 : i32
    %scan3A_37 = arith.constant 1 : i32
    %scan3A_38 = scf.for %scan3A_92 = %scan3A_34 to %scan3A_36 step %scan3A_37 iter_args(%scan3A_93 = %scan3A_33) -> (i32)  : i32 {
      %mul3A_94 = arith.constant 32 : i32
      %mul3A_95 = arith.muli %scan3A_92, %mul3A_94 : i32
      %add3A_96 = arith.addi %mul3A_95, %add3A : i32
      %mul3A_97 = arith.constant 320 : i32
      %mul3A_98 = arith.muli %add3A_96, %mul3A_97 : i32
      "tpu.region"() ({
        %run_scoped3A = tpu.sem_alloc : memref<!tpu.dma_semaphore, #tpu.memory_space<semaphore_mem>>
        %dma_start3A_583 = tpu.memref_slice %arg3[%mul3A_98] : memref<163840xi32, #tpu.memory_space<hbm>> -> memref<320xi32, #tpu.memory_space<hbm>>
        %dma_start3A_584 = tpu.memref_slice %arg3[%mul3A_98] : memref<163840xi32, #tpu.memory_space<hbm>> -> memref<320xi32, #tpu.memory_space<hbm>>
        tpu.enqueue_dma source(%dma_start3A_584 : memref<320xi32, #tpu.memory_space<hbm>>) target(%arg8 : memref<320xi32, #tpu.memory_space<vmem>>) target_semaphore(%run_scoped3A : memref<!tpu.dma_semaphore, #tpu.memory_space<semaphore_mem>>)
        %dma_wait3A_585 = tpu.memref_slice %arg3[%mul3A_98] : memref<163840xi32, #tpu.memory_space<hbm>> -> memref<320xi32, #tpu.memory_space<hbm>>
        %dma_wait3A_586 = tpu.memref_slice %arg3[%mul3A_98] : memref<163840xi32, #tpu.memory_space<hbm>> -> memref<320xi32, #tpu.memory_space<hbm>>
        tpu.wait_dma2 semaphore(%run_scoped3A : memref<!tpu.dma_semaphore, #tpu.memory_space<semaphore_mem>>) src(%dma_wait3A_586 : memref<320xi32, #tpu.memory_space<hbm>>) dst(%arg8 : memref<320xi32, #tpu.memory_space<vmem>>)
        tpu.yield
      }) : () -> ()
      "tpu.region"() ({
        %run_scoped3A = tpu.sem_alloc : memref<!tpu.dma_semaphore, #tpu.memory_space<semaphore_mem>>
        %dma_start3A_583 = tpu.memref_slice %arg4[%mul3A_98] : memref<163840xi32, #tpu.memory_space<hbm>> -> memref<320xi32, #tpu.memory_space<hbm>>
        %dma_start3A_584 = tpu.memref_slice %arg4[%mul3A_98] : memref<163840xi32, #tpu.memory_space<hbm>> -> memref<320xi32, #tpu.memory_space<hbm>>
        tpu.enqueue_dma source(%dma_start3A_584 : memref<320xi32, #tpu.memory_space<hbm>>) target(%arg9 : memref<320xi32, #tpu.memory_space<vmem>>) target_semaphore(%run_scoped3A : memref<!tpu.dma_semaphore, #tpu.memory_space<semaphore_mem>>)
        %dma_wait3A_585 = tpu.memref_slice %arg4[%mul3A_98] : memref<163840xi32, #tpu.memory_space<hbm>> -> memref<320xi32, #tpu.memory_space<hbm>>
        %dma_wait3A_586 = tpu.memref_slice %arg4[%mul3A_98] : memref<163840xi32, #tpu.memory_space<hbm>> -> memref<320xi32, #tpu.memory_space<hbm>>
        tpu.wait_dma2 semaphore(%run_scoped3A : memref<!tpu.dma_semaphore, #tpu.memory_space<semaphore_mem>>) src(%dma_wait3A_586 : memref<320xi32, #tpu.memory_space<hbm>>) dst(%arg9 : memref<320xi32, #tpu.memory_space<vmem>>)
        tpu.yield
      }) : () -> ()
      "tpu.region"() ({
        %run_scoped3A = tpu.sem_alloc : memref<!tpu.dma_semaphore, #tpu.memory_space<semaphore_mem>>
        %dma_start3A_583 = tpu.memref_slice %arg5[%mul3A_98] : memref<163840xi32, #tpu.memory_space<hbm>> -> memref<320xi32, #tpu.memory_space<hbm>>
        %dma_start3A_584 = tpu.memref_slice %arg5[%mul3A_98] : memref<163840xi32, #tpu.memory_space<hbm>> -> memref<320xi32, #tpu.memory_space<hbm>>
        tpu.enqueue_dma source(%dma_start3A_584 : memref<320xi32, #tpu.memory_space<hbm>>) target(%arg10 : memref<320xi32, #tpu.memory_space<vmem>>) target_semaphore(%run_scoped3A : memref<!tpu.dma_semaphore, #tpu.memory_space<semaphore_mem>>)
        %dma_wait3A_585 = tpu.memref_slice %arg5[%mul3A_98] : memref<163840xi32, #tpu.memory_space<hbm>> -> memref<320xi32, #tpu.memory_space<hbm>>
        %dma_wait3A_586 = tpu.memref_slice %arg5[%mul3A_98] : memref<163840xi32, #tpu.memory_space<hbm>> -> memref<320xi32, #tpu.memory_space<hbm>>
        tpu.wait_dma2 semaphore(%run_scoped3A : memref<!tpu.dma_semaphore, #tpu.memory_space<semaphore_mem>>) src(%dma_wait3A_586 : memref<320xi32, #tpu.memory_space<hbm>>) dst(%arg10 : memref<320xi32, #tpu.memory_space<vmem>>)
        tpu.yield
      }) : () -> ()
      "tpu.region"() ({
        %run_scoped3A = tpu.sem_alloc : memref<!tpu.dma_semaphore, #tpu.memory_space<semaphore_mem>>
        %dma_start3A_583 = tpu.memref_slice %arg6[%mul3A_98] : memref<163840xf32, #tpu.memory_space<hbm>> -> memref<320xf32, #tpu.memory_space<hbm>>
        %dma_start3A_584 = tpu.memref_slice %arg6[%mul3A_98] : memref<163840xf32, #tpu.memory_space<hbm>> -> memref<320xf32, #tpu.memory_space<hbm>>
        tpu.enqueue_dma source(%dma_start3A_584 : memref<320xf32, #tpu.memory_space<hbm>>) target(%arg13 : memref<320xf32, #tpu.memory_space<vmem>>) target_semaphore(%run_scoped3A : memref<!tpu.dma_semaphore, #tpu.memory_space<semaphore_mem>>)
        %dma_wait3A_585 = tpu.memref_slice %arg6[%mul3A_98] : memref<163840xf32, #tpu.memory_space<hbm>> -> memref<320xf32, #tpu.memory_space<hbm>>
        %dma_wait3A_586 = tpu.memref_slice %arg6[%mul3A_98] : memref<163840xf32, #tpu.memory_space<hbm>> -> memref<320xf32, #tpu.memory_space<hbm>>
        tpu.wait_dma2 semaphore(%run_scoped3A : memref<!tpu.dma_semaphore, #tpu.memory_space<semaphore_mem>>) src(%dma_wait3A_586 : memref<320xf32, #tpu.memory_space<hbm>>) dst(%arg13 : memref<320xf32, #tpu.memory_space<vmem>>)
        tpu.yield
      }) : () -> ()
      %gt3A = arith.constant 0 : i32
      %gt3A_99 = arith.cmpi sgt, %scan3A_92, %gt3A : i32
      %convert_element_type3A_100 = arith.extui %gt3A_99 : i1 to i32
      %cond3A_101 = arith.constant 0 : i32
      %cond3A_102 = arith.cmpi ne, %convert_element_type3A_100, %cond3A_101 : i32
      scf.if %cond3A_102 {
        %dma_wait3A_583 = arith.constant 0 : i32
        %dma_wait3A_584 = arith.constant 0 : i32
        %dma_wait3A_585 = arith.constant 0 : i32
        %dma_wait3A_586 = tpu.memref_slice %arg14[%dma_wait3A_584, %dma_wait3A_585] : memref<320x128xf32, #tpu.memory_space<vmem>> -> memref<80x128xf32, #tpu.memory_space<vmem>>
        %dma_wait3A_587 = arith.constant 0 : i32
        %dma_wait3A_588 = tpu.memref_slice %arg12[%dma_wait3A_583, %dma_wait3A_587] : memref<4x80xi32, #tpu.memory_space<vmem>> -> memref<1x80xi32, #tpu.memory_space<vmem>>
        %dma_wait3A_589 = tpu.memref_squeeze %dma_wait3A_588 : memref<1x80xi32, #tpu.memory_space<vmem>> -> memref<80xi32, #tpu.memory_space<vmem>>
        %dma_wait3A_590 = arith.constant 0 : i32
        %dma_wait3A_591 = arith.constant 0 : i32
        %dma_wait3A_592 = tpu.memref_slice %arg15[%dma_wait3A_590, %dma_wait3A_591] : memref<10000x128xf32, #tpu.memory_space<vmem_shared>> -> memref<10000x128xf32, #tpu.memory_space<vmem_shared>>
        tpu.wait_indirect_dma semaphore(%arg17 : memref<!tpu.dma_semaphore, #tpu.memory_space<semaphore_mem>>) src(%dma_wait3A_586 : memref<80x128xf32, #tpu.memory_space<vmem>>) dst(%dma_wait3A_592 : memref<10000x128xf32, #tpu.memory_space<vmem_shared>>)
        %dma_wait3A_593 = arith.constant 1 : i32
        %dma_wait3A_594 = arith.constant 80 : i32
        %dma_wait3A_595 = arith.constant 0 : i32
        %dma_wait3A_596 = tpu.memref_slice %arg14[%dma_wait3A_594, %dma_wait3A_595] : memref<320x128xf32, #tpu.memory_space<vmem>> -> memref<80x128xf32, #tpu.memory_space<vmem>>
        %dma_wait3A_597 = arith.constant 0 : i32
        %dma_wait3A_598 = tpu.memref_slice %arg12[%dma_wait3A_593, %dma_wait3A_597] : memref<4x80xi32, #tpu.memory_space<vmem>> -> memref<1x80xi32, #tpu.memory_space<vmem>>
        %dma_wait3A_599 = tpu.memref_squeeze %dma_wait3A_598 : memref<1x80xi32, #tpu.memory_space<vmem>> -> memref<80xi32, #tpu.memory_space<vmem>>
        %dma_wait3A_600 = arith.constant 0 : i32
        %dma_wait3A_601 = arith.constant 0 : i32
        %dma_wait3A_602 = tpu.memref_slice %arg15[%dma_wait3A_600, %dma_wait3A_601] : memref<10000x128xf32, #tpu.memory_space<vmem_shared>> -> memref<10000x128xf32, #tpu.memory_space<vmem_shared>>
        tpu.wait_indirect_dma semaphore(%arg17 : memref<!tpu.dma_semaphore, #tpu.memory_space<semaphore_mem>>) src(%dma_wait3A_596 : memref<80x128xf32, #tpu.memory_space<vmem>>) dst(%dma_wait3A_602 : memref<10000x128xf32, #tpu.memory_space<vmem_shared>>)
        %dma_wait3A_603 = arith.constant 2 : i32
        %dma_wait3A_604 = arith.constant 160 : i32
        %dma_wait3A_605 = arith.constant 0 : i32
        %dma_wait3A_606 = tpu.memref_slice %arg14[%dma_wait3A_604, %dma_wait3A_605] : memref<320x128xf32, #tpu.memory_space<vmem>> -> memref<80x128xf32, #tpu.memory_space<vmem>>
        %dma_wait3A_607 = arith.constant 0 : i32
        %dma_wait3A_608 = tpu.memref_slice %arg12[%dma_wait3A_603, %dma_wait3A_607] : memref<4x80xi32, #tpu.memory_space<vmem>> -> memref<1x80xi32, #tpu.memory_space<vmem>>
        %dma_wait3A_609 = tpu.memref_squeeze %dma_wait3A_608 : memref<1x80xi32, #tpu.memory_space<vmem>> -> memref<80xi32, #tpu.memory_space<vmem>>
        %dma_wait3A_610 = arith.constant 0 : i32
        %dma_wait3A_611 = arith.constant 0 : i32
        %dma_wait3A_612 = tpu.memref_slice %arg15[%dma_wait3A_610, %dma_wait3A_611] : memref<10000x128xf32, #tpu.memory_space<vmem_shared>> -> memref<10000x128xf32, #tpu.memory_space<vmem_shared>>
        tpu.wait_indirect_dma semaphore(%arg17 : memref<!tpu.dma_semaphore, #tpu.memory_space<semaphore_mem>>) src(%dma_wait3A_606 : memref<80x128xf32, #tpu.memory_space<vmem>>) dst(%dma_wait3A_612 : memref<10000x128xf32, #tpu.memory_space<vmem_shared>>)
        %dma_wait3A_613 = arith.constant 3 : i32
        %dma_wait3A_614 = arith.constant 240 : i32
        %dma_wait3A_615 = arith.constant 0 : i32
        %dma_wait3A_616 = tpu.memref_slice %arg14[%dma_wait3A_614, %dma_wait3A_615] : memref<320x128xf32, #tpu.memory_space<vmem>> -> memref<80x128xf32, #tpu.memory_space<vmem>>
        %dma_wait3A_617 = arith.constant 0 : i32
        %dma_wait3A_618 = tpu.memref_slice %arg12[%dma_wait3A_613, %dma_wait3A_617] : memref<4x80xi32, #tpu.memory_space<vmem>> -> memref<1x80xi32, #tpu.memory_space<vmem>>
        %dma_wait3A_619 = tpu.memref_squeeze %dma_wait3A_618 : memref<1x80xi32, #tpu.memory_space<vmem>> -> memref<80xi32, #tpu.memory_space<vmem>>
        %dma_wait3A_620 = arith.constant 0 : i32
        %dma_wait3A_621 = arith.constant 0 : i32
        %dma_wait3A_622 = tpu.memref_slice %arg15[%dma_wait3A_620, %dma_wait3A_621] : memref<10000x128xf32, #tpu.memory_space<vmem_shared>> -> memref<10000x128xf32, #tpu.memory_space<vmem_shared>>
        tpu.wait_indirect_dma semaphore(%arg17 : memref<!tpu.dma_semaphore, #tpu.memory_space<semaphore_mem>>) src(%dma_wait3A_616 : memref<80x128xf32, #tpu.memory_space<vmem>>) dst(%dma_wait3A_622 : memref<10000x128xf32, #tpu.memory_space<vmem_shared>>)
      } else {
      }
      %get3A = arith.constant 0 : index
      %get3A_103 = tpu.vector_load %arg8[%get3A] {strides = array<i32>} : memref<320xi32, #tpu.memory_space<vmem>>, vector<16xi32>,
      %get3A_104 = arith.constant 0 : index
      %get3A_105 = tpu.vector_load %arg10[%get3A_104] {strides = array<i32>} : memref<320xi32, #tpu.memory_space<vmem>>, vector<16xi32>,
      %get3A_106 = arith.constant 0 : index
      %get3A_107 = tpu.vector_load %arg9[%get3A_106] {strides = array<i32>} : memref<320xi32, #tpu.memory_space<vmem>>, vector<16xi32>,
      %mul3A_108 = arith.constant 8 : i32
      %mul3A_109 = vector.broadcast %mul3A_108 : i32 to vector<16xi32>
      %mul3A_110 = arith.muli %get3A_103, %mul3A_109 : vector<16xi32>
      %add3A_111 = arith.addi %mul3A_110, %get3A_105 : vector<16xi32>
      %swap3A = arith.constant 0 : i32
      %swap3A_112 = arith.index_cast %swap3A : i32 to index
      %swap3A_113 = arith.constant 0 : index
      %swap3A_114 = tpu.vector_load %arg11[%swap3A_112, %swap3A_113] {strides = array<i32>} : memref<4x80xi32, #tpu.memory_space<vmem>>, vector<16xi32>,
      tpu.vector_store %arg11[%swap3A_112, %swap3A_113], %add3A_111 {strides = array<i32>} : memref<4x80xi32, #tpu.memory_space<vmem>>, vector<16xi32>,
      %swap3A_115 = arith.constant 0 : i32
      %swap3A_116 = arith.index_cast %swap3A_115 : i32 to index
      %swap3A_117 = arith.constant 0 : index
      %swap3A_118 = tpu.vector_load %arg12[%swap3A_116, %swap3A_117] {strides = array<i32>} : memref<4x80xi32, #tpu.memory_space<vmem>>, vector<16xi32>,
      tpu.vector_store %arg12[%swap3A_116, %swap3A_117], %get3A_107 {strides = array<i32>} : memref<4x80xi32, #tpu.memory_space<vmem>>, vector<16xi32>,
      %get3A_119 = arith.constant 16 : index
      %get3A_120 = tpu.vector_load %arg8[%get3A_119] {strides = array<i32>} : memref<320xi32, #tpu.memory_space<vmem>>, vector<16xi32>,
      %get3A_121 = arith.constant 16 : index
      %get3A_122 = tpu.vector_load %arg10[%get3A_121] {strides = array<i32>} : memref<320xi32, #tpu.memory_space<vmem>>, vector<16xi32>,
      %get3A_123 = arith.constant 16 : index
      %get3A_124 = tpu.vector_load %arg9[%get3A_123] {strides = array<i32>} : memref<320xi32, #tpu.memory_space<vmem>>, vector<16xi32>,
      %mul3A_125 = arith.constant 8 : i32
      %mul3A_126 = vector.broadcast %mul3A_125 : i32 to vector<16xi32>
      %mul3A_127 = arith.muli %get3A_120, %mul3A_126 : vector<16xi32>
      %add3A_128 = arith.addi %mul3A_127, %get3A_122 : vector<16xi32>
      %swap3A_129 = arith.constant 0 : i32
      %swap3A_130 = arith.index_cast %swap3A_129 : i32 to index
      %swap3A_131 = arith.constant 16 : index
      %swap3A_132 = tpu.vector_load %arg11[%swap3A_130, %swap3A_131] {strides = array<i32>} : memref<4x80xi32, #tpu.memory_space<vmem>>, vector<16xi32>,
      tpu.vector_store %arg11[%swap3A_130, %swap3A_131], %add3A_128 {strides = array<i32>} : memref<4x80xi32, #tpu.memory_space<vmem>>, vector<16xi32>,
      %swap3A_133 = arith.constant 0 : i32
      %swap3A_134 = arith.index_cast %swap3A_133 : i32 to index
      %swap3A_135 = arith.constant 16 : index
      %swap3A_136 = tpu.vector_load %arg12[%swap3A_134, %swap3A_135] {strides = array<i32>} : memref<4x80xi32, #tpu.memory_space<vmem>>, vector<16xi32>,
      tpu.vector_store %arg12[%swap3A_134, %swap3A_135], %get3A_124 {strides = array<i32>} : memref<4x80xi32, #tpu.memory_space<vmem>>, vector<16xi32>,
      %get3A_137 = arith.constant 32 : index
      %get3A_138 = tpu.vector_load %arg8[%get3A_137] {strides = array<i32>} : memref<320xi32, #tpu.memory_space<vmem>>, vector<16xi32>,
      %get3A_139 = arith.constant 32 : index
      %get3A_140 = tpu.vector_load %arg10[%get3A_139] {strides = array<i32>} : memref<320xi32, #tpu.memory_space<vmem>>, vector<16xi32>,
      %get3A_141 = arith.constant 32 : index
      %get3A_142 = tpu.vector_load %arg9[%get3A_141] {strides = array<i32>} : memref<320xi32, #tpu.memory_space<vmem>>, vector<16xi32>,
      %mul3A_143 = arith.constant 8 : i32
      %mul3A_144 = vector.broadcast %mul3A_143 : i32 to vector<16xi32>
      %mul3A_145 = arith.muli %get3A_138, %mul3A_144 : vector<16xi32>
      %add3A_146 = arith.addi %mul3A_145, %get3A_140 : vector<16xi32>
      %swap3A_147 = arith.constant 0 : i32
      %swap3A_148 = arith.index_cast %swap3A_147 : i32 to index
      %swap3A_149 = arith.constant 32 : index
      %swap3A_150 = tpu.vector_load %arg11[%swap3A_148, %swap3A_149] {strides = array<i32>} : memref<4x80xi32, #tpu.memory_space<vmem>>, vector<16xi32>,
      tpu.vector_store %arg11[%swap3A_148, %swap3A_149], %add3A_146 {strides = array<i32>} : memref<4x80xi32, #tpu.memory_space<vmem>>, vector<16xi32>,
      %swap3A_151 = arith.constant 0 : i32
      %swap3A_152 = arith.index_cast %swap3A_151 : i32 to index
      %swap3A_153 = arith.constant 32 : index
      %swap3A_154 = tpu.vector_load %arg12[%swap3A_152, %swap3A_153] {strides = array<i32>} : memref<4x80xi32, #tpu.memory_space<vmem>>, vector<16xi32>,
      tpu.vector_store %arg12[%swap3A_152, %swap3A_153], %get3A_142 {strides = array<i32>} : memref<4x80xi32, #tpu.memory_space<vmem>>, vector<16xi32>,
      %get3A_155 = arith.constant 48 : index
      %get3A_156 = tpu.vector_load %arg8[%get3A_155] {strides = array<i32>} : memref<320xi32, #tpu.memory_space<vmem>>, vector<16xi32>,
      %get3A_157 = arith.constant 48 : index
      %get3A_158 = tpu.vector_load %arg10[%get3A_157] {strides = array<i32>} : memref<320xi32, #tpu.memory_space<vmem>>, vector<16xi32>,
      %get3A_159 = arith.constant 48 : index
      %get3A_160 = tpu.vector_load %arg9[%get3A_159] {strides = array<i32>} : memref<320xi32, #tpu.memory_space<vmem>>, vector<16xi32>,
      %mul3A_161 = arith.constant 8 : i32
      %mul3A_162 = vector.broadcast %mul3A_161 : i32 to vector<16xi32>
      %mul3A_163 = arith.muli %get3A_156, %mul3A_162 : vector<16xi32>
      %add3A_164 = arith.addi %mul3A_163, %get3A_158 : vector<16xi32>
      %swap3A_165 = arith.constant 0 : i32
      %swap3A_166 = arith.index_cast %swap3A_165 : i32 to index
      %swap3A_167 = arith.constant 48 : index
      %swap3A_168 = tpu.vector_load %arg11[%swap3A_166, %swap3A_167] {strides = array<i32>} : memref<4x80xi32, #tpu.memory_space<vmem>>, vector<16xi32>,
      tpu.vector_store %arg11[%swap3A_166, %swap3A_167], %add3A_164 {strides = array<i32>} : memref<4x80xi32, #tpu.memory_space<vmem>>, vector<16xi32>,
      %swap3A_169 = arith.constant 0 : i32
      %swap3A_170 = arith.index_cast %swap3A_169 : i32 to index
      %swap3A_171 = arith.constant 48 : index
      %swap3A_172 = tpu.vector_load %arg12[%swap3A_170, %swap3A_171] {strides = array<i32>} : memref<4x80xi32, #tpu.memory_space<vmem>>, vector<16xi32>,
      tpu.vector_store %arg12[%swap3A_170, %swap3A_171], %get3A_160 {strides = array<i32>} : memref<4x80xi32, #tpu.memory_space<vmem>>, vector<16xi32>,
      %get3A_173 = arith.constant 64 : index
      %get3A_174 = tpu.vector_load %arg8[%get3A_173] {strides = array<i32>} : memref<320xi32, #tpu.memory_space<vmem>>, vector<16xi32>,
      %get3A_175 = arith.constant 64 : index
      %get3A_176 = tpu.vector_load %arg10[%get3A_175] {strides = array<i32>} : memref<320xi32, #tpu.memory_space<vmem>>, vector<16xi32>,
      %get3A_177 = arith.constant 64 : index
      %get3A_178 = tpu.vector_load %arg9[%get3A_177] {strides = array<i32>} : memref<320xi32, #tpu.memory_space<vmem>>, vector<16xi32>,
      %mul3A_179 = arith.constant 8 : i32
      %mul3A_180 = vector.broadcast %mul3A_179 : i32 to vector<16xi32>
      %mul3A_181 = arith.muli %get3A_174, %mul3A_180 : vector<16xi32>
      %add3A_182 = arith.addi %mul3A_181, %get3A_176 : vector<16xi32>
      %swap3A_183 = arith.constant 0 : i32
      %swap3A_184 = arith.index_cast %swap3A_183 : i32 to index
      %swap3A_185 = arith.constant 64 : index
      %swap3A_186 = tpu.vector_load %arg11[%swap3A_184, %swap3A_185] {strides = array<i32>} : memref<4x80xi32, #tpu.memory_space<vmem>>, vector<16xi32>,
      tpu.vector_store %arg11[%swap3A_184, %swap3A_185], %add3A_182 {strides = array<i32>} : memref<4x80xi32, #tpu.memory_space<vmem>>, vector<16xi32>,
      %swap3A_187 = arith.constant 0 : i32
      %swap3A_188 = arith.index_cast %swap3A_187 : i32 to index
      %swap3A_189 = arith.constant 64 : index
      %swap3A_190 = tpu.vector_load %arg12[%swap3A_188, %swap3A_189] {strides = array<i32>} : memref<4x80xi32, #tpu.memory_space<vmem>>, vector<16xi32>,
      tpu.vector_store %arg12[%swap3A_188, %swap3A_189], %get3A_178 {strides = array<i32>} : memref<4x80xi32, #tpu.memory_space<vmem>>, vector<16xi32>,
      %get3A_191 = arith.constant 80 : index
      %get3A_192 = tpu.vector_load %arg8[%get3A_191] {strides = array<i32>} : memref<320xi32, #tpu.memory_space<vmem>>, vector<16xi32>,
      %get3A_193 = arith.constant 80 : index
      %get3A_194 = tpu.vector_load %arg10[%get3A_193] {strides = array<i32>} : memref<320xi32, #tpu.memory_space<vmem>>, vector<16xi32>,
      %get3A_195 = arith.constant 80 : index
      %get3A_196 = tpu.vector_load %arg9[%get3A_195] {strides = array<i32>} : memref<320xi32, #tpu.memory_space<vmem>>, vector<16xi32>,
      %mul3A_197 = arith.constant 8 : i32
      %mul3A_198 = vector.broadcast %mul3A_197 : i32 to vector<16xi32>
      %mul3A_199 = arith.muli %get3A_192, %mul3A_198 : vector<16xi32>
      %add3A_200 = arith.addi %mul3A_199, %get3A_194 : vector<16xi32>
      %swap3A_201 = arith.constant 1 : i32
      %swap3A_202 = arith.index_cast %swap3A_201 : i32 to index
      %swap3A_203 = arith.constant 0 : index
      %swap3A_204 = tpu.vector_load %arg11[%swap3A_202, %swap3A_203] {strides = array<i32>} : memref<4x80xi32, #tpu.memory_space<vmem>>, vector<16xi32>,
      tpu.vector_store %arg11[%swap3A_202, %swap3A_203], %add3A_200 {strides = array<i32>} : memref<4x80xi32, #tpu.memory_space<vmem>>, vector<16xi32>,
      %swap3A_205 = arith.constant 1 : i32
      %swap3A_206 = arith.index_cast %swap3A_205 : i32 to index
      %swap3A_207 = arith.constant 0 : index
      %swap3A_208 = tpu.vector_load %arg12[%swap3A_206, %swap3A_207] {strides = array<i32>} : memref<4x80xi32, #tpu.memory_space<vmem>>, vector<16xi32>,
      tpu.vector_store %arg12[%swap3A_206, %swap3A_207], %get3A_196 {strides = array<i32>} : memref<4x80xi32, #tpu.memory_space<vmem>>, vector<16xi32>,
      %get3A_209 = arith.constant 96 : index
      %get3A_210 = tpu.vector_load %arg8[%get3A_209] {strides = array<i32>} : memref<320xi32, #tpu.memory_space<vmem>>, vector<16xi32>,
      %get3A_211 = arith.constant 96 : index
      %get3A_212 = tpu.vector_load %arg10[%get3A_211] {strides = array<i32>} : memref<320xi32, #tpu.memory_space<vmem>>, vector<16xi32>,
      %get3A_213 = arith.constant 96 : index
      %get3A_214 = tpu.vector_load %arg9[%get3A_213] {strides = array<i32>} : memref<320xi32, #tpu.memory_space<vmem>>, vector<16xi32>,
      %mul3A_215 = arith.constant 8 : i32
      %mul3A_216 = vector.broadcast %mul3A_215 : i32 to vector<16xi32>
      %mul3A_217 = arith.muli %get3A_210, %mul3A_216 : vector<16xi32>
      %add3A_218 = arith.addi %mul3A_217, %get3A_212 : vector<16xi32>
      %swap3A_219 = arith.constant 1 : i32
      %swap3A_220 = arith.index_cast %swap3A_219 : i32 to index
      %swap3A_221 = arith.constant 16 : index
      %swap3A_222 = tpu.vector_load %arg11[%swap3A_220, %swap3A_221] {strides = array<i32>} : memref<4x80xi32, #tpu.memory_space<vmem>>, vector<16xi32>,
      tpu.vector_store %arg11[%swap3A_220, %swap3A_221], %add3A_218 {strides = array<i32>} : memref<4x80xi32, #tpu.memory_space<vmem>>, vector<16xi32>,
      %swap3A_223 = arith.constant 1 : i32
      %swap3A_224 = arith.index_cast %swap3A_223 : i32 to index
      %swap3A_225 = arith.constant 16 : index
      %swap3A_226 = tpu.vector_load %arg12[%swap3A_224, %swap3A_225] {strides = array<i32>} : memref<4x80xi32, #tpu.memory_space<vmem>>, vector<16xi32>,
      tpu.vector_store %arg12[%swap3A_224, %swap3A_225], %get3A_214 {strides = array<i32>} : memref<4x80xi32, #tpu.memory_space<vmem>>, vector<16xi32>,
      %get3A_227 = arith.constant 112 : index
      %get3A_228 = tpu.vector_load %arg8[%get3A_227] {strides = array<i32>} : memref<320xi32, #tpu.memory_space<vmem>>, vector<16xi32>,
      %get3A_229 = arith.constant 112 : index
      %get3A_230 = tpu.vector_load %arg10[%get3A_229] {strides = array<i32>} : memref<320xi32, #tpu.memory_space<vmem>>, vector<16xi32>,
      %get3A_231 = arith.constant 112 : index
      %get3A_232 = tpu.vector_load %arg9[%get3A_231] {strides = array<i32>} : memref<320xi32, #tpu.memory_space<vmem>>, vector<16xi32>,
      %mul3A_233 = arith.constant 8 : i32
      %mul3A_234 = vector.broadcast %mul3A_233 : i32 to vector<16xi32>
      %mul3A_235 = arith.muli %get3A_228, %mul3A_234 : vector<16xi32>
      %add3A_236 = arith.addi %mul3A_235, %get3A_230 : vector<16xi32>
      %swap3A_237 = arith.constant 1 : i32
      %swap3A_238 = arith.index_cast %swap3A_237 : i32 to index
      %swap3A_239 = arith.constant 32 : index
      %swap3A_240 = tpu.vector_load %arg11[%swap3A_238, %swap3A_239] {strides = array<i32>} : memref<4x80xi32, #tpu.memory_space<vmem>>, vector<16xi32>,
      tpu.vector_store %arg11[%swap3A_238, %swap3A_239], %add3A_236 {strides = array<i32>} : memref<4x80xi32, #tpu.memory_space<vmem>>, vector<16xi32>,
      %swap3A_241 = arith.constant 1 : i32
      %swap3A_242 = arith.index_cast %swap3A_241 : i32 to index
      %swap3A_243 = arith.constant 32 : index
      %swap3A_244 = tpu.vector_load %arg12[%swap3A_242, %swap3A_243] {strides = array<i32>} : memref<4x80xi32, #tpu.memory_space<vmem>>, vector<16xi32>,
      tpu.vector_store %arg12[%swap3A_242, %swap3A_243], %get3A_232 {strides = array<i32>} : memref<4x80xi32, #tpu.memory_space<vmem>>, vector<16xi32>,
      %get3A_245 = arith.constant 128 : index
      %get3A_246 = tpu.vector_load %arg8[%get3A_245] {strides = array<i32>} : memref<320xi32, #tpu.memory_space<vmem>>, vector<16xi32>,
      %get3A_247 = arith.constant 128 : index
      %get3A_248 = tpu.vector_load %arg10[%get3A_247] {strides = array<i32>} : memref<320xi32, #tpu.memory_space<vmem>>, vector<16xi32>,
      %get3A_249 = arith.constant 128 : index
      %get3A_250 = tpu.vector_load %arg9[%get3A_249] {strides = array<i32>} : memref<320xi32, #tpu.memory_space<vmem>>, vector<16xi32>,
      %mul3A_251 = arith.constant 8 : i32
      %mul3A_252 = vector.broadcast %mul3A_251 : i32 to vector<16xi32>
      %mul3A_253 = arith.muli %get3A_246, %mul3A_252 : vector<16xi32>
      %add3A_254 = arith.addi %mul3A_253, %get3A_248 : vector<16xi32>
      %swap3A_255 = arith.constant 1 : i32
      %swap3A_256 = arith.index_cast %swap3A_255 : i32 to index
      %swap3A_257 = arith.constant 48 : index
      %swap3A_258 = tpu.vector_load %arg11[%swap3A_256, %swap3A_257] {strides = array<i32>} : memref<4x80xi32, #tpu.memory_space<vmem>>, vector<16xi32>,
      tpu.vector_store %arg11[%swap3A_256, %swap3A_257], %add3A_254 {strides = array<i32>} : memref<4x80xi32, #tpu.memory_space<vmem>>, vector<16xi32>,
      %swap3A_259 = arith.constant 1 : i32
      %swap3A_260 = arith.index_cast %swap3A_259 : i32 to index
      %swap3A_261 = arith.constant 48 : index
      %swap3A_262 = tpu.vector_load %arg12[%swap3A_260, %swap3A_261] {strides = array<i32>} : memref<4x80xi32, #tpu.memory_space<vmem>>, vector<16xi32>,
      tpu.vector_store %arg12[%swap3A_260, %swap3A_261], %get3A_250 {strides = array<i32>} : memref<4x80xi32, #tpu.memory_space<vmem>>, vector<16xi32>,
      %get3A_263 = arith.constant 144 : index
      %get3A_264 = tpu.vector_load %arg8[%get3A_263] {strides = array<i32>} : memref<320xi32, #tpu.memory_space<vmem>>, vector<16xi32>,
      %get3A_265 = arith.constant 144 : index
      %get3A_266 = tpu.vector_load %arg10[%get3A_265] {strides = array<i32>} : memref<320xi32, #tpu.memory_space<vmem>>, vector<16xi32>,
      %get3A_267 = arith.constant 144 : index
      %get3A_268 = tpu.vector_load %arg9[%get3A_267] {strides = array<i32>} : memref<320xi32, #tpu.memory_space<vmem>>, vector<16xi32>,
      %mul3A_269 = arith.constant 8 : i32
      %mul3A_270 = vector.broadcast %mul3A_269 : i32 to vector<16xi32>
      %mul3A_271 = arith.muli %get3A_264, %mul3A_270 : vector<16xi32>
      %add3A_272 = arith.addi %mul3A_271, %get3A_266 : vector<16xi32>
      %swap3A_273 = arith.constant 1 : i32
      %swap3A_274 = arith.index_cast %swap3A_273 : i32 to index
      %swap3A_275 = arith.constant 64 : index
      %swap3A_276 = tpu.vector_load %arg11[%swap3A_274, %swap3A_275] {strides = array<i32>} : memref<4x80xi32, #tpu.memory_space<vmem>>, vector<16xi32>,
      tpu.vector_store %arg11[%swap3A_274, %swap3A_275], %add3A_272 {strides = array<i32>} : memref<4x80xi32, #tpu.memory_space<vmem>>, vector<16xi32>,
      %swap3A_277 = arith.constant 1 : i32
      %swap3A_278 = arith.index_cast %swap3A_277 : i32 to index
      %swap3A_279 = arith.constant 64 : index
      %swap3A_280 = tpu.vector_load %arg12[%swap3A_278, %swap3A_279] {strides = array<i32>} : memref<4x80xi32, #tpu.memory_space<vmem>>, vector<16xi32>,
      tpu.vector_store %arg12[%swap3A_278, %swap3A_279], %get3A_268 {strides = array<i32>} : memref<4x80xi32, #tpu.memory_space<vmem>>, vector<16xi32>,
      %get3A_281 = arith.constant 160 : index
      %get3A_282 = tpu.vector_load %arg8[%get3A_281] {strides = array<i32>} : memref<320xi32, #tpu.memory_space<vmem>>, vector<16xi32>,
      %get3A_283 = arith.constant 160 : index
      %get3A_284 = tpu.vector_load %arg10[%get3A_283] {strides = array<i32>} : memref<320xi32, #tpu.memory_space<vmem>>, vector<16xi32>,
      %get3A_285 = arith.constant 160 : index
      %get3A_286 = tpu.vector_load %arg9[%get3A_285] {strides = array<i32>} : memref<320xi32, #tpu.memory_space<vmem>>, vector<16xi32>,
      %mul3A_287 = arith.constant 8 : i32
      %mul3A_288 = vector.broadcast %mul3A_287 : i32 to vector<16xi32>
      %mul3A_289 = arith.muli %get3A_282, %mul3A_288 : vector<16xi32>
      %add3A_290 = arith.addi %mul3A_289, %get3A_284 : vector<16xi32>
      %swap3A_291 = arith.constant 2 : i32
      %swap3A_292 = arith.index_cast %swap3A_291 : i32 to index
      %swap3A_293 = arith.constant 0 : index
      %swap3A_294 = tpu.vector_load %arg11[%swap3A_292, %swap3A_293] {strides = array<i32>} : memref<4x80xi32, #tpu.memory_space<vmem>>, vector<16xi32>,
      tpu.vector_store %arg11[%swap3A_292, %swap3A_293], %add3A_290 {strides = array<i32>} : memref<4x80xi32, #tpu.memory_space<vmem>>, vector<16xi32>,
      %swap3A_295 = arith.constant 2 : i32
      %swap3A_296 = arith.index_cast %swap3A_295 : i32 to index
      %swap3A_297 = arith.constant 0 : index
      %swap3A_298 = tpu.vector_load %arg12[%swap3A_296, %swap3A_297] {strides = array<i32>} : memref<4x80xi32, #tpu.memory_space<vmem>>, vector<16xi32>,
      tpu.vector_store %arg12[%swap3A_296, %swap3A_297], %get3A_286 {strides = array<i32>} : memref<4x80xi32, #tpu.memory_space<vmem>>, vector<16xi32>,
      %get3A_299 = arith.constant 176 : index
      %get3A_300 = tpu.vector_load %arg8[%get3A_299] {strides = array<i32>} : memref<320xi32, #tpu.memory_space<vmem>>, vector<16xi32>,
      %get3A_301 = arith.constant 176 : index
      %get3A_302 = tpu.vector_load %arg10[%get3A_301] {strides = array<i32>} : memref<320xi32, #tpu.memory_space<vmem>>, vector<16xi32>,
      %get3A_303 = arith.constant 176 : index
      %get3A_304 = tpu.vector_load %arg9[%get3A_303] {strides = array<i32>} : memref<320xi32, #tpu.memory_space<vmem>>, vector<16xi32>,
      %mul3A_305 = arith.constant 8 : i32
      %mul3A_306 = vector.broadcast %mul3A_305 : i32 to vector<16xi32>
      %mul3A_307 = arith.muli %get3A_300, %mul3A_306 : vector<16xi32>
      %add3A_308 = arith.addi %mul3A_307, %get3A_302 : vector<16xi32>
      %swap3A_309 = arith.constant 2 : i32
      %swap3A_310 = arith.index_cast %swap3A_309 : i32 to index
      %swap3A_311 = arith.constant 16 : index
      %swap3A_312 = tpu.vector_load %arg11[%swap3A_310, %swap3A_311] {strides = array<i32>} : memref<4x80xi32, #tpu.memory_space<vmem>>, vector<16xi32>,
      tpu.vector_store %arg11[%swap3A_310, %swap3A_311], %add3A_308 {strides = array<i32>} : memref<4x80xi32, #tpu.memory_space<vmem>>, vector<16xi32>,
      %swap3A_313 = arith.constant 2 : i32
      %swap3A_314 = arith.index_cast %swap3A_313 : i32 to index
      %swap3A_315 = arith.constant 16 : index
      %swap3A_316 = tpu.vector_load %arg12[%swap3A_314, %swap3A_315] {strides = array<i32>} : memref<4x80xi32, #tpu.memory_space<vmem>>, vector<16xi32>,
      tpu.vector_store %arg12[%swap3A_314, %swap3A_315], %get3A_304 {strides = array<i32>} : memref<4x80xi32, #tpu.memory_space<vmem>>, vector<16xi32>,
      %get3A_317 = arith.constant 192 : index
      %get3A_318 = tpu.vector_load %arg8[%get3A_317] {strides = array<i32>} : memref<320xi32, #tpu.memory_space<vmem>>, vector<16xi32>,
      %get3A_319 = arith.constant 192 : index
      %get3A_320 = tpu.vector_load %arg10[%get3A_319] {strides = array<i32>} : memref<320xi32, #tpu.memory_space<vmem>>, vector<16xi32>,
      %get3A_321 = arith.constant 192 : index
      %get3A_322 = tpu.vector_load %arg9[%get3A_321] {strides = array<i32>} : memref<320xi32, #tpu.memory_space<vmem>>, vector<16xi32>,
      %mul3A_323 = arith.constant 8 : i32
      %mul3A_324 = vector.broadcast %mul3A_323 : i32 to vector<16xi32>
      %mul3A_325 = arith.muli %get3A_318, %mul3A_324 : vector<16xi32>
      %add3A_326 = arith.addi %mul3A_325, %get3A_320 : vector<16xi32>
      %swap3A_327 = arith.constant 2 : i32
      %swap3A_328 = arith.index_cast %swap3A_327 : i32 to index
      %swap3A_329 = arith.constant 32 : index
      %swap3A_330 = tpu.vector_load %arg11[%swap3A_328, %swap3A_329] {strides = array<i32>} : memref<4x80xi32, #tpu.memory_space<vmem>>, vector<16xi32>,
      tpu.vector_store %arg11[%swap3A_328, %swap3A_329], %add3A_326 {strides = array<i32>} : memref<4x80xi32, #tpu.memory_space<vmem>>, vector<16xi32>,
      %swap3A_331 = arith.constant 2 : i32
      %swap3A_332 = arith.index_cast %swap3A_331 : i32 to index
      %swap3A_333 = arith.constant 32 : index
      %swap3A_334 = tpu.vector_load %arg12[%swap3A_332, %swap3A_333] {strides = array<i32>} : memref<4x80xi32, #tpu.memory_space<vmem>>, vector<16xi32>,
      tpu.vector_store %arg12[%swap3A_332, %swap3A_333], %get3A_322 {strides = array<i32>} : memref<4x80xi32, #tpu.memory_space<vmem>>, vector<16xi32>,
      %get3A_335 = arith.constant 208 : index
      %get3A_336 = tpu.vector_load %arg8[%get3A_335] {strides = array<i32>} : memref<320xi32, #tpu.memory_space<vmem>>, vector<16xi32>,
      %get3A_337 = arith.constant 208 : index
      %get3A_338 = tpu.vector_load %arg10[%get3A_337] {strides = array<i32>} : memref<320xi32, #tpu.memory_space<vmem>>, vector<16xi32>,
      %get3A_339 = arith.constant 208 : index
      %get3A_340 = tpu.vector_load %arg9[%get3A_339] {strides = array<i32>} : memref<320xi32, #tpu.memory_space<vmem>>, vector<16xi32>,
      %mul3A_341 = arith.constant 8 : i32
      %mul3A_342 = vector.broadcast %mul3A_341 : i32 to vector<16xi32>
      %mul3A_343 = arith.muli %get3A_336, %mul3A_342 : vector<16xi32>
      %add3A_344 = arith.addi %mul3A_343, %get3A_338 : vector<16xi32>
      %swap3A_345 = arith.constant 2 : i32
      %swap3A_346 = arith.index_cast %swap3A_345 : i32 to index
      %swap3A_347 = arith.constant 48 : index
      %swap3A_348 = tpu.vector_load %arg11[%swap3A_346, %swap3A_347] {strides = array<i32>} : memref<4x80xi32, #tpu.memory_space<vmem>>, vector<16xi32>,
      tpu.vector_store %arg11[%swap3A_346, %swap3A_347], %add3A_344 {strides = array<i32>} : memref<4x80xi32, #tpu.memory_space<vmem>>, vector<16xi32>,
      %swap3A_349 = arith.constant 2 : i32
      %swap3A_350 = arith.index_cast %swap3A_349 : i32 to index
      %swap3A_351 = arith.constant 48 : index
      %swap3A_352 = tpu.vector_load %arg12[%swap3A_350, %swap3A_351] {strides = array<i32>} : memref<4x80xi32, #tpu.memory_space<vmem>>, vector<16xi32>,
      tpu.vector_store %arg12[%swap3A_350, %swap3A_351], %get3A_340 {strides = array<i32>} : memref<4x80xi32, #tpu.memory_space<vmem>>, vector<16xi32>,
      %get3A_353 = arith.constant 224 : index
      %get3A_354 = tpu.vector_load %arg8[%get3A_353] {strides = array<i32>} : memref<320xi32, #tpu.memory_space<vmem>>, vector<16xi32>,
      %get3A_355 = arith.constant 224 : index
      %get3A_356 = tpu.vector_load %arg10[%get3A_355] {strides = array<i32>} : memref<320xi32, #tpu.memory_space<vmem>>, vector<16xi32>,
      %get3A_357 = arith.constant 224 : index
      %get3A_358 = tpu.vector_load %arg9[%get3A_357] {strides = array<i32>} : memref<320xi32, #tpu.memory_space<vmem>>, vector<16xi32>,
      %mul3A_359 = arith.constant 8 : i32
      %mul3A_360 = vector.broadcast %mul3A_359 : i32 to vector<16xi32>
      %mul3A_361 = arith.muli %get3A_354, %mul3A_360 : vector<16xi32>
      %add3A_362 = arith.addi %mul3A_361, %get3A_356 : vector<16xi32>
      %swap3A_363 = arith.constant 2 : i32
      %swap3A_364 = arith.index_cast %swap3A_363 : i32 to index
      %swap3A_365 = arith.constant 64 : index
      %swap3A_366 = tpu.vector_load %arg11[%swap3A_364, %swap3A_365] {strides = array<i32>} : memref<4x80xi32, #tpu.memory_space<vmem>>, vector<16xi32>,
      tpu.vector_store %arg11[%swap3A_364, %swap3A_365], %add3A_362 {strides = array<i32>} : memref<4x80xi32, #tpu.memory_space<vmem>>, vector<16xi32>,
      %swap3A_367 = arith.constant 2 : i32
      %swap3A_368 = arith.index_cast %swap3A_367 : i32 to index
      %swap3A_369 = arith.constant 64 : index
      %swap3A_370 = tpu.vector_load %arg12[%swap3A_368, %swap3A_369] {strides = array<i32>} : memref<4x80xi32, #tpu.memory_space<vmem>>, vector<16xi32>,
      tpu.vector_store %arg12[%swap3A_368, %swap3A_369], %get3A_358 {strides = array<i32>} : memref<4x80xi32, #tpu.memory_space<vmem>>, vector<16xi32>,
      %get3A_371 = arith.constant 240 : index
      %get3A_372 = tpu.vector_load %arg8[%get3A_371] {strides = array<i32>} : memref<320xi32, #tpu.memory_space<vmem>>, vector<16xi32>,
      %get3A_373 = arith.constant 240 : index
      %get3A_374 = tpu.vector_load %arg10[%get3A_373] {strides = array<i32>} : memref<320xi32, #tpu.memory_space<vmem>>, vector<16xi32>,
      %get3A_375 = arith.constant 240 : index
      %get3A_376 = tpu.vector_load %arg9[%get3A_375] {strides = array<i32>} : memref<320xi32, #tpu.memory_space<vmem>>, vector<16xi32>,
      %mul3A_377 = arith.constant 8 : i32
      %mul3A_378 = vector.broadcast %mul3A_377 : i32 to vector<16xi32>
      %mul3A_379 = arith.muli %get3A_372, %mul3A_378 : vector<16xi32>
      %add3A_380 = arith.addi %mul3A_379, %get3A_374 : vector<16xi32>
      %swap3A_381 = arith.constant 3 : i32
      %swap3A_382 = arith.index_cast %swap3A_381 : i32 to index
      %swap3A_383 = arith.constant 0 : index
      %swap3A_384 = tpu.vector_load %arg11[%swap3A_382, %swap3A_383] {strides = array<i32>} : memref<4x80xi32, #tpu.memory_space<vmem>>, vector<16xi32>,
      tpu.vector_store %arg11[%swap3A_382, %swap3A_383], %add3A_380 {strides = array<i32>} : memref<4x80xi32, #tpu.memory_space<vmem>>, vector<16xi32>,
      %swap3A_385 = arith.constant 3 : i32
      %swap3A_386 = arith.index_cast %swap3A_385 : i32 to index
      %swap3A_387 = arith.constant 0 : index
      %swap3A_388 = tpu.vector_load %arg12[%swap3A_386, %swap3A_387] {strides = array<i32>} : memref<4x80xi32, #tpu.memory_space<vmem>>, vector<16xi32>,
      tpu.vector_store %arg12[%swap3A_386, %swap3A_387], %get3A_376 {strides = array<i32>} : memref<4x80xi32, #tpu.memory_space<vmem>>, vector<16xi32>,
      %get3A_389 = arith.constant 256 : index
      %get3A_390 = tpu.vector_load %arg8[%get3A_389] {strides = array<i32>} : memref<320xi32, #tpu.memory_space<vmem>>, vector<16xi32>,
      %get3A_391 = arith.constant 256 : index
      %get3A_392 = tpu.vector_load %arg10[%get3A_391] {strides = array<i32>} : memref<320xi32, #tpu.memory_space<vmem>>, vector<16xi32>,
      %get3A_393 = arith.constant 256 : index
      %get3A_394 = tpu.vector_load %arg9[%get3A_393] {strides = array<i32>} : memref<320xi32, #tpu.memory_space<vmem>>, vector<16xi32>,
      %mul3A_395 = arith.constant 8 : i32
      %mul3A_396 = vector.broadcast %mul3A_395 : i32 to vector<16xi32>
      %mul3A_397 = arith.muli %get3A_390, %mul3A_396 : vector<16xi32>
      %add3A_398 = arith.addi %mul3A_397, %get3A_392 : vector<16xi32>
      %swap3A_399 = arith.constant 3 : i32
      %swap3A_400 = arith.index_cast %swap3A_399 : i32 to index
      %swap3A_401 = arith.constant 16 : index
      %swap3A_402 = tpu.vector_load %arg11[%swap3A_400, %swap3A_401] {strides = array<i32>} : memref<4x80xi32, #tpu.memory_space<vmem>>, vector<16xi32>,
      tpu.vector_store %arg11[%swap3A_400, %swap3A_401], %add3A_398 {strides = array<i32>} : memref<4x80xi32, #tpu.memory_space<vmem>>, vector<16xi32>,
      %swap3A_403 = arith.constant 3 : i32
      %swap3A_404 = arith.index_cast %swap3A_403 : i32 to index
      %swap3A_405 = arith.constant 16 : index
      %swap3A_406 = tpu.vector_load %arg12[%swap3A_404, %swap3A_405] {strides = array<i32>} : memref<4x80xi32, #tpu.memory_space<vmem>>, vector<16xi32>,
      tpu.vector_store %arg12[%swap3A_404, %swap3A_405], %get3A_394 {strides = array<i32>} : memref<4x80xi32, #tpu.memory_space<vmem>>, vector<16xi32>,
      %get3A_407 = arith.constant 272 : index
      %get3A_408 = tpu.vector_load %arg8[%get3A_407] {strides = array<i32>} : memref<320xi32, #tpu.memory_space<vmem>>, vector<16xi32>,
      %get3A_409 = arith.constant 272 : index
      %get3A_410 = tpu.vector_load %arg10[%get3A_409] {strides = array<i32>} : memref<320xi32, #tpu.memory_space<vmem>>, vector<16xi32>,
      %get3A_411 = arith.constant 272 : index
      %get3A_412 = tpu.vector_load %arg9[%get3A_411] {strides = array<i32>} : memref<320xi32, #tpu.memory_space<vmem>>, vector<16xi32>,
      %mul3A_413 = arith.constant 8 : i32
      %mul3A_414 = vector.broadcast %mul3A_413 : i32 to vector<16xi32>
      %mul3A_415 = arith.muli %get3A_408, %mul3A_414 : vector<16xi32>
      %add3A_416 = arith.addi %mul3A_415, %get3A_410 : vector<16xi32>
      %swap3A_417 = arith.constant 3 : i32
      %swap3A_418 = arith.index_cast %swap3A_417 : i32 to index
      %swap3A_419 = arith.constant 32 : index
      %swap3A_420 = tpu.vector_load %arg11[%swap3A_418, %swap3A_419] {strides = array<i32>} : memref<4x80xi32, #tpu.memory_space<vmem>>, vector<16xi32>,
      tpu.vector_store %arg11[%swap3A_418, %swap3A_419], %add3A_416 {strides = array<i32>} : memref<4x80xi32, #tpu.memory_space<vmem>>, vector<16xi32>,
      %swap3A_421 = arith.constant 3 : i32
      %swap3A_422 = arith.index_cast %swap3A_421 : i32 to index
      %swap3A_423 = arith.constant 32 : index
      %swap3A_424 = tpu.vector_load %arg12[%swap3A_422, %swap3A_423] {strides = array<i32>} : memref<4x80xi32, #tpu.memory_space<vmem>>, vector<16xi32>,
      tpu.vector_store %arg12[%swap3A_422, %swap3A_423], %get3A_412 {strides = array<i32>} : memref<4x80xi32, #tpu.memory_space<vmem>>, vector<16xi32>,
      %get3A_425 = arith.constant 288 : index
      %get3A_426 = tpu.vector_load %arg8[%get3A_425] {strides = array<i32>} : memref<320xi32, #tpu.memory_space<vmem>>, vector<16xi32>,
      %get3A_427 = arith.constant 288 : index
      %get3A_428 = tpu.vector_load %arg10[%get3A_427] {strides = array<i32>} : memref<320xi32, #tpu.memory_space<vmem>>, vector<16xi32>,
      %get3A_429 = arith.constant 288 : index
      %get3A_430 = tpu.vector_load %arg9[%get3A_429] {strides = array<i32>} : memref<320xi32, #tpu.memory_space<vmem>>, vector<16xi32>,
      %mul3A_431 = arith.constant 8 : i32
      %mul3A_432 = vector.broadcast %mul3A_431 : i32 to vector<16xi32>
      %mul3A_433 = arith.muli %get3A_426, %mul3A_432 : vector<16xi32>
      %add3A_434 = arith.addi %mul3A_433, %get3A_428 : vector<16xi32>
      %swap3A_435 = arith.constant 3 : i32
      %swap3A_436 = arith.index_cast %swap3A_435 : i32 to index
      %swap3A_437 = arith.constant 48 : index
      %swap3A_438 = tpu.vector_load %arg11[%swap3A_436, %swap3A_437] {strides = array<i32>} : memref<4x80xi32, #tpu.memory_space<vmem>>, vector<16xi32>,
      tpu.vector_store %arg11[%swap3A_436, %swap3A_437], %add3A_434 {strides = array<i32>} : memref<4x80xi32, #tpu.memory_space<vmem>>, vector<16xi32>,
      %swap3A_439 = arith.constant 3 : i32
      %swap3A_440 = arith.index_cast %swap3A_439 : i32 to index
      %swap3A_441 = arith.constant 48 : index
      %swap3A_442 = tpu.vector_load %arg12[%swap3A_440, %swap3A_441] {strides = array<i32>} : memref<4x80xi32, #tpu.memory_space<vmem>>, vector<16xi32>,
      tpu.vector_store %arg12[%swap3A_440, %swap3A_441], %get3A_430 {strides = array<i32>} : memref<4x80xi32, #tpu.memory_space<vmem>>, vector<16xi32>,
      %get3A_443 = arith.constant 304 : index
      %get3A_444 = tpu.vector_load %arg8[%get3A_443] {strides = array<i32>} : memref<320xi32, #tpu.memory_space<vmem>>, vector<16xi32>,
      %get3A_445 = arith.constant 304 : index
      %get3A_446 = tpu.vector_load %arg10[%get3A_445] {strides = array<i32>} : memref<320xi32, #tpu.memory_space<vmem>>, vector<16xi32>,
      %get3A_447 = arith.constant 304 : index
      %get3A_448 = tpu.vector_load %arg9[%get3A_447] {strides = array<i32>} : memref<320xi32, #tpu.memory_space<vmem>>, vector<16xi32>,
      %mul3A_449 = arith.constant 8 : i32
      %mul3A_450 = vector.broadcast %mul3A_449 : i32 to vector<16xi32>
      %mul3A_451 = arith.muli %get3A_444, %mul3A_450 : vector<16xi32>
      %add3A_452 = arith.addi %mul3A_451, %get3A_446 : vector<16xi32>
      %swap3A_453 = arith.constant 3 : i32
      %swap3A_454 = arith.index_cast %swap3A_453 : i32 to index
      %swap3A_455 = arith.constant 64 : index
      %swap3A_456 = tpu.vector_load %arg11[%swap3A_454, %swap3A_455] {strides = array<i32>} : memref<4x80xi32, #tpu.memory_space<vmem>>, vector<16xi32>,
      tpu.vector_store %arg11[%swap3A_454, %swap3A_455], %add3A_452 {strides = array<i32>} : memref<4x80xi32, #tpu.memory_space<vmem>>, vector<16xi32>,
      %swap3A_457 = arith.constant 3 : i32
      %swap3A_458 = arith.index_cast %swap3A_457 : i32 to index
      %swap3A_459 = arith.constant 64 : index
      %swap3A_460 = tpu.vector_load %arg12[%swap3A_458, %swap3A_459] {strides = array<i32>} : memref<4x80xi32, #tpu.memory_space<vmem>>, vector<16xi32>,
      tpu.vector_store %arg12[%swap3A_458, %swap3A_459], %get3A_448 {strides = array<i32>} : memref<4x80xi32, #tpu.memory_space<vmem>>, vector<16xi32>,
      %dma_start3A = arith.constant 0 : i32
      %dma_start3A_461 = arith.constant 0 : i32
      %dma_start3A_462 = arith.constant 0 : i32
      %dma_start3A_463 = tpu.memref_slice %arg14[%dma_start3A_461, %dma_start3A_462] : memref<320x128xf32, #tpu.memory_space<vmem>> -> memref<80x128xf32, #tpu.memory_space<vmem>>
      %dma_start3A_464 = arith.constant 0 : i32
      %dma_start3A_465 = tpu.memref_slice %arg11[%dma_start3A, %dma_start3A_464] : memref<4x80xi32, #tpu.memory_space<vmem>> -> memref<1x80xi32, #tpu.memory_space<vmem>>
      %dma_start3A_466 = tpu.memref_squeeze %dma_start3A_465 : memref<1x80xi32, #tpu.memory_space<vmem>> -> memref<80xi32, #tpu.memory_space<vmem>>
      %dma_start3A_467 = arith.constant 0 : i32
      %dma_start3A_468 = arith.constant 0 : i32
      %dma_start3A_469 = tpu.memref_slice %arg2[%dma_start3A_467, %dma_start3A_468] : memref<80000x128xf32, #tpu.memory_space<hbm>> -> memref<80000x128xf32, #tpu.memory_space<hbm>>
      tpu.enqueue_indirect_dma source(%dma_start3A_469 : memref<80000x128xf32, #tpu.memory_space<hbm>>) target(%dma_start3A_463 : memref<80x128xf32, #tpu.memory_space<vmem>>) offsets(%dma_start3A_466 : memref<80xi32, #tpu.memory_space<vmem>>) semaphore(%arg16 : memref<!tpu.dma_semaphore, #tpu.memory_space<semaphore_mem>>)
      %dma_start3A_470 = arith.constant 1 : i32
      %dma_start3A_471 = arith.constant 80 : i32
      %dma_start3A_472 = arith.constant 0 : i32
      %dma_start3A_473 = tpu.memref_slice %arg14[%dma_start3A_471, %dma_start3A_472] : memref<320x128xf32, #tpu.memory_space<vmem>> -> memref<80x128xf32, #tpu.memory_space<vmem>>
      %dma_start3A_474 = arith.constant 0 : i32
      %dma_start3A_475 = tpu.memref_slice %arg11[%dma_start3A_470, %dma_start3A_474] : memref<4x80xi32, #tpu.memory_space<vmem>> -> memref<1x80xi32, #tpu.memory_space<vmem>>
      %dma_start3A_476 = tpu.memref_squeeze %dma_start3A_475 : memref<1x80xi32, #tpu.memory_space<vmem>> -> memref<80xi32, #tpu.memory_space<vmem>>
      %dma_start3A_477 = arith.constant 0 : i32
      %dma_start3A_478 = arith.constant 0 : i32
      %dma_start3A_479 = tpu.memref_slice %arg2[%dma_start3A_477, %dma_start3A_478] : memref<80000x128xf32, #tpu.memory_space<hbm>> -> memref<80000x128xf32, #tpu.memory_space<hbm>>
      tpu.enqueue_indirect_dma source(%dma_start3A_479 : memref<80000x128xf32, #tpu.memory_space<hbm>>) target(%dma_start3A_473 : memref<80x128xf32, #tpu.memory_space<vmem>>) offsets(%dma_start3A_476 : memref<80xi32, #tpu.memory_space<vmem>>) semaphore(%arg16 : memref<!tpu.dma_semaphore, #tpu.memory_space<semaphore_mem>>)
      %dma_start3A_480 = arith.constant 2 : i32
      %dma_start3A_481 = arith.constant 160 : i32
      %dma_start3A_482 = arith.constant 0 : i32
      %dma_start3A_483 = tpu.memref_slice %arg14[%dma_start3A_481, %dma_start3A_482] : memref<320x128xf32, #tpu.memory_space<vmem>> -> memref<80x128xf32, #tpu.memory_space<vmem>>
      %dma_start3A_484 = arith.constant 0 : i32
      %dma_start3A_485 = tpu.memref_slice %arg11[%dma_start3A_480, %dma_start3A_484] : memref<4x80xi32, #tpu.memory_space<vmem>> -> memref<1x80xi32, #tpu.memory_space<vmem>>
      %dma_start3A_486 = tpu.memref_squeeze %dma_start3A_485 : memref<1x80xi32, #tpu.memory_space<vmem>> -> memref<80xi32, #tpu.memory_space<vmem>>
      %dma_start3A_487 = arith.constant 0 : i32
      %dma_start3A_488 = arith.constant 0 : i32
      %dma_start3A_489 = tpu.memref_slice %arg2[%dma_start3A_487, %dma_start3A_488] : memref<80000x128xf32, #tpu.memory_space<hbm>> -> memref<80000x128xf32, #tpu.memory_space<hbm>>
      tpu.enqueue_indirect_dma source(%dma_start3A_489 : memref<80000x128xf32, #tpu.memory_space<hbm>>) target(%dma_start3A_483 : memref<80x128xf32, #tpu.memory_space<vmem>>) offsets(%dma_start3A_486 : memref<80xi32, #tpu.memory_space<vmem>>) semaphore(%arg16 : memref<!tpu.dma_semaphore, #tpu.memory_space<semaphore_mem>>)
      %dma_start3A_490 = arith.constant 3 : i32
      %dma_start3A_491 = arith.constant 240 : i32
      %dma_start3A_492 = arith.constant 0 : i32
      %dma_start3A_493 = tpu.memref_slice %arg14[%dma_start3A_491, %dma_start3A_492] : memref<320x128xf32, #tpu.memory_space<vmem>> -> memref<80x128xf32, #tpu.memory_space<vmem>>
      %dma_start3A_494 = arith.constant 0 : i32
      %dma_start3A_495 = tpu.memref_slice %arg11[%dma_start3A_490, %dma_start3A_494] : memref<4x80xi32, #tpu.memory_space<vmem>> -> memref<1x80xi32, #tpu.memory_space<vmem>>
      %dma_start3A_496 = tpu.memref_squeeze %dma_start3A_495 : memref<1x80xi32, #tpu.memory_space<vmem>> -> memref<80xi32, #tpu.memory_space<vmem>>
      %dma_start3A_497 = arith.constant 0 : i32
      %dma_start3A_498 = arith.constant 0 : i32
      %dma_start3A_499 = tpu.memref_slice %arg2[%dma_start3A_497, %dma_start3A_498] : memref<80000x128xf32, #tpu.memory_space<hbm>> -> memref<80000x128xf32, #tpu.memory_space<hbm>>
      tpu.enqueue_indirect_dma source(%dma_start3A_499 : memref<80000x128xf32, #tpu.memory_space<hbm>>) target(%dma_start3A_493 : memref<80x128xf32, #tpu.memory_space<vmem>>) offsets(%dma_start3A_496 : memref<80xi32, #tpu.memory_space<vmem>>) semaphore(%arg16 : memref<!tpu.dma_semaphore, #tpu.memory_space<semaphore_mem>>)
      %dma_wait3A_500 = arith.constant 0 : i32
      %dma_wait3A_501 = arith.constant 0 : i32
      %dma_wait3A_502 = arith.constant 0 : i32
      %dma_wait3A_503 = tpu.memref_slice %arg14[%dma_wait3A_501, %dma_wait3A_502] : memref<320x128xf32, #tpu.memory_space<vmem>> -> memref<80x128xf32, #tpu.memory_space<vmem>>
      %dma_wait3A_504 = arith.constant 0 : i32
      %dma_wait3A_505 = tpu.memref_slice %arg11[%dma_wait3A_500, %dma_wait3A_504] : memref<4x80xi32, #tpu.memory_space<vmem>> -> memref<1x80xi32, #tpu.memory_space<vmem>>
      %dma_wait3A_506 = tpu.memref_squeeze %dma_wait3A_505 : memref<1x80xi32, #tpu.memory_space<vmem>> -> memref<80xi32, #tpu.memory_space<vmem>>
      %dma_wait3A_507 = arith.constant 0 : i32
      %dma_wait3A_508 = arith.constant 0 : i32
      %dma_wait3A_509 = tpu.memref_slice %arg2[%dma_wait3A_507, %dma_wait3A_508] : memref<80000x128xf32, #tpu.memory_space<hbm>> -> memref<80000x128xf32, #tpu.memory_space<hbm>>
      tpu.wait_indirect_dma semaphore(%arg16 : memref<!tpu.dma_semaphore, #tpu.memory_space<semaphore_mem>>) src(%dma_wait3A_509 : memref<80000x128xf32, #tpu.memory_space<hbm>>) dst(%dma_wait3A_503 : memref<80x128xf32, #tpu.memory_space<vmem>>)
      %dma_wait3A_510 = arith.constant 1 : i32
      %dma_wait3A_511 = arith.constant 80 : i32
      %dma_wait3A_512 = arith.constant 0 : i32
      %dma_wait3A_513 = tpu.memref_slice %arg14[%dma_wait3A_511, %dma_wait3A_512] : memref<320x128xf32, #tpu.memory_space<vmem>> -> memref<80x128xf32, #tpu.memory_space<vmem>>
      %dma_wait3A_514 = arith.constant 0 : i32
      %dma_wait3A_515 = tpu.memref_slice %arg11[%dma_wait3A_510, %dma_wait3A_514] : memref<4x80xi32, #tpu.memory_space<vmem>> -> memref<1x80xi32, #tpu.memory_space<vmem>>
      %dma_wait3A_516 = tpu.memref_squeeze %dma_wait3A_515 : memref<1x80xi32, #tpu.memory_space<vmem>> -> memref<80xi32, #tpu.memory_space<vmem>>
      %dma_wait3A_517 = arith.constant 0 : i32
      %dma_wait3A_518 = arith.constant 0 : i32
      %dma_wait3A_519 = tpu.memref_slice %arg2[%dma_wait3A_517, %dma_wait3A_518] : memref<80000x128xf32, #tpu.memory_space<hbm>> -> memref<80000x128xf32, #tpu.memory_space<hbm>>
      tpu.wait_indirect_dma semaphore(%arg16 : memref<!tpu.dma_semaphore, #tpu.memory_space<semaphore_mem>>) src(%dma_wait3A_519 : memref<80000x128xf32, #tpu.memory_space<hbm>>) dst(%dma_wait3A_513 : memref<80x128xf32, #tpu.memory_space<vmem>>)
      %dma_wait3A_520 = arith.constant 2 : i32
      %dma_wait3A_521 = arith.constant 160 : i32
      %dma_wait3A_522 = arith.constant 0 : i32
      %dma_wait3A_523 = tpu.memref_slice %arg14[%dma_wait3A_521, %dma_wait3A_522] : memref<320x128xf32, #tpu.memory_space<vmem>> -> memref<80x128xf32, #tpu.memory_space<vmem>>
      %dma_wait3A_524 = arith.constant 0 : i32
      %dma_wait3A_525 = tpu.memref_slice %arg11[%dma_wait3A_520, %dma_wait3A_524] : memref<4x80xi32, #tpu.memory_space<vmem>> -> memref<1x80xi32, #tpu.memory_space<vmem>>
      %dma_wait3A_526 = tpu.memref_squeeze %dma_wait3A_525 : memref<1x80xi32, #tpu.memory_space<vmem>> -> memref<80xi32, #tpu.memory_space<vmem>>
      %dma_wait3A_527 = arith.constant 0 : i32
      %dma_wait3A_528 = arith.constant 0 : i32
      %dma_wait3A_529 = tpu.memref_slice %arg2[%dma_wait3A_527, %dma_wait3A_528] : memref<80000x128xf32, #tpu.memory_space<hbm>> -> memref<80000x128xf32, #tpu.memory_space<hbm>>
      tpu.wait_indirect_dma semaphore(%arg16 : memref<!tpu.dma_semaphore, #tpu.memory_space<semaphore_mem>>) src(%dma_wait3A_529 : memref<80000x128xf32, #tpu.memory_space<hbm>>) dst(%dma_wait3A_523 : memref<80x128xf32, #tpu.memory_space<vmem>>)
      %dma_wait3A_530 = arith.constant 3 : i32
      %dma_wait3A_531 = arith.constant 240 : i32
      %dma_wait3A_532 = arith.constant 0 : i32
      %dma_wait3A_533 = tpu.memref_slice %arg14[%dma_wait3A_531, %dma_wait3A_532] : memref<320x128xf32, #tpu.memory_space<vmem>> -> memref<80x128xf32, #tpu.memory_space<vmem>>
      %dma_wait3A_534 = arith.constant 0 : i32
      %dma_wait3A_535 = tpu.memref_slice %arg11[%dma_wait3A_530, %dma_wait3A_534] : memref<4x80xi32, #tpu.memory_space<vmem>> -> memref<1x80xi32, #tpu.memory_space<vmem>>
      %dma_wait3A_536 = tpu.memref_squeeze %dma_wait3A_535 : memref<1x80xi32, #tpu.memory_space<vmem>> -> memref<80xi32, #tpu.memory_space<vmem>>
      %dma_wait3A_537 = arith.constant 0 : i32
      %dma_wait3A_538 = arith.constant 0 : i32
      %dma_wait3A_539 = tpu.memref_slice %arg2[%dma_wait3A_537, %dma_wait3A_538] : memref<80000x128xf32, #tpu.memory_space<hbm>> -> memref<80000x128xf32, #tpu.memory_space<hbm>>
      tpu.wait_indirect_dma semaphore(%arg16 : memref<!tpu.dma_semaphore, #tpu.memory_space<semaphore_mem>>) src(%dma_wait3A_539 : memref<80000x128xf32, #tpu.memory_space<hbm>>) dst(%dma_wait3A_533 : memref<80x128xf32, #tpu.memory_space<vmem>>)
      %parallel_loop3A = arith.constant 0 : i32
      %parallel_loop3A_540 = arith.constant 320 : i32
      %parallel_loop3A_541 = arith.constant 1 : i32
      scf.for %parallel_loop3A_583 = %parallel_loop3A to %parallel_loop3A_540 step %parallel_loop3A_541  : i32 {
        %parallel_loop3A_584 = vector.broadcast %parallel_loop3A_583 : i32 to vector<16xi32>
        %parallel_loop3A_585 = tpu.vector_load_idx %arg13[%parallel_loop3A_584] : memref<320xf32, #tpu.memory_space<vmem>>[vector<16xi32>], vector<16xf32>,
        %parallel_loop3A_586 = arith.index_cast %parallel_loop3A_583 : i32 to index
        %parallel_loop3A_587 = arith.constant 0 : index
        %parallel_loop3A_588 = tpu.vector_load %arg14[%parallel_loop3A_586, %parallel_loop3A_587] {strides = array<i32>} : memref<320x128xf32, #tpu.memory_space<vmem>>, vector<16xf32>,
        %parallel_loop3A_589 = arith.mulf %parallel_loop3A_588, %parallel_loop3A_585 : vector<16xf32>
        %parallel_loop3A_590 = arith.index_cast %parallel_loop3A_583 : i32 to index
        %parallel_loop3A_591 = arith.constant 0 : index
        %parallel_loop3A_592 = tpu.vector_load %arg14[%parallel_loop3A_590, %parallel_loop3A_591] {strides = array<i32>} : memref<320x128xf32, #tpu.memory_space<vmem>>, vector<16xf32>,
        tpu.vector_store %arg14[%parallel_loop3A_590, %parallel_loop3A_591], %parallel_loop3A_589 {strides = array<i32>} : memref<320x128xf32, #tpu.memory_space<vmem>>, vector<16xf32>,
        %parallel_loop3A_593 = arith.index_cast %parallel_loop3A_583 : i32 to index
        %parallel_loop3A_594 = arith.constant 16 : index
        %parallel_loop3A_595 = tpu.vector_load %arg14[%parallel_loop3A_593, %parallel_loop3A_594] {strides = array<i32>} : memref<320x128xf32, #tpu.memory_space<vmem>>, vector<16xf32>,
        %parallel_loop3A_596 = arith.mulf %parallel_loop3A_595, %parallel_loop3A_585 : vector<16xf32>
        %parallel_loop3A_597 = arith.index_cast %parallel_loop3A_583 : i32 to index
        %parallel_loop3A_598 = arith.constant 16 : index
        %parallel_loop3A_599 = tpu.vector_load %arg14[%parallel_loop3A_597, %parallel_loop3A_598] {strides = array<i32>} : memref<320x128xf32, #tpu.memory_space<vmem>>, vector<16xf32>,
        tpu.vector_store %arg14[%parallel_loop3A_597, %parallel_loop3A_598], %parallel_loop3A_596 {strides = array<i32>} : memref<320x128xf32, #tpu.memory_space<vmem>>, vector<16xf32>,
        %parallel_loop3A_600 = arith.index_cast %parallel_loop3A_583 : i32 to index
        %parallel_loop3A_601 = arith.constant 32 : index
        %parallel_loop3A_602 = tpu.vector_load %arg14[%parallel_loop3A_600, %parallel_loop3A_601] {strides = array<i32>} : memref<320x128xf32, #tpu.memory_space<vmem>>, vector<16xf32>,
        %parallel_loop3A_603 = arith.mulf %parallel_loop3A_602, %parallel_loop3A_585 : vector<16xf32>
        %parallel_loop3A_604 = arith.index_cast %parallel_loop3A_583 : i32 to index
        %parallel_loop3A_605 = arith.constant 32 : index
        %parallel_loop3A_606 = tpu.vector_load %arg14[%parallel_loop3A_604, %parallel_loop3A_605] {strides = array<i32>} : memref<320x128xf32, #tpu.memory_space<vmem>>, vector<16xf32>,
        tpu.vector_store %arg14[%parallel_loop3A_604, %parallel_loop3A_605], %parallel_loop3A_603 {strides = array<i32>} : memref<320x128xf32, #tpu.memory_space<vmem>>, vector<16xf32>,
        %parallel_loop3A_607 = arith.index_cast %parallel_loop3A_583 : i32 to index
        %parallel_loop3A_608 = arith.constant 48 : index
        %parallel_loop3A_609 = tpu.vector_load %arg14[%parallel_loop3A_607, %parallel_loop3A_608] {strides = array<i32>} : memref<320x128xf32, #tpu.memory_space<vmem>>, vector<16xf32>,
        %parallel_loop3A_610 = arith.mulf %parallel_loop3A_609, %parallel_loop3A_585 : vector<16xf32>
        %parallel_loop3A_611 = arith.index_cast %parallel_loop3A_583 : i32 to index
        %parallel_loop3A_612 = arith.constant 48 : index
        %parallel_loop3A_613 = tpu.vector_load %arg14[%parallel_loop3A_611, %parallel_loop3A_612] {strides = array<i32>} : memref<320x128xf32, #tpu.memory_space<vmem>>, vector<16xf32>,
        tpu.vector_store %arg14[%parallel_loop3A_611, %parallel_loop3A_612], %parallel_loop3A_610 {strides = array<i32>} : memref<320x128xf32, #tpu.memory_space<vmem>>, vector<16xf32>,
        %parallel_loop3A_614 = arith.index_cast %parallel_loop3A_583 : i32 to index
        %parallel_loop3A_615 = arith.constant 64 : index
        %parallel_loop3A_616 = tpu.vector_load %arg14[%parallel_loop3A_614, %parallel_loop3A_615] {strides = array<i32>} : memref<320x128xf32, #tpu.memory_space<vmem>>, vector<16xf32>,
        %parallel_loop3A_617 = arith.mulf %parallel_loop3A_616, %parallel_loop3A_585 : vector<16xf32>
        %parallel_loop3A_618 = arith.index_cast %parallel_loop3A_583 : i32 to index
        %parallel_loop3A_619 = arith.constant 64 : index
        %parallel_loop3A_620 = tpu.vector_load %arg14[%parallel_loop3A_618, %parallel_loop3A_619] {strides = array<i32>} : memref<320x128xf32, #tpu.memory_space<vmem>>, vector<16xf32>,
        tpu.vector_store %arg14[%parallel_loop3A_618, %parallel_loop3A_619], %parallel_loop3A_617 {strides = array<i32>} : memref<320x128xf32, #tpu.memory_space<vmem>>, vector<16xf32>,
        %parallel_loop3A_621 = arith.index_cast %parallel_loop3A_583 : i32 to index
        %parallel_loop3A_622 = arith.constant 80 : index
        %parallel_loop3A_623 = tpu.vector_load %arg14[%parallel_loop3A_621, %parallel_loop3A_622] {strides = array<i32>} : memref<320x128xf32, #tpu.memory_space<vmem>>, vector<16xf32>,
        %parallel_loop3A_624 = arith.mulf %parallel_loop3A_623, %parallel_loop3A_585 : vector<16xf32>
        %parallel_loop3A_625 = arith.index_cast %parallel_loop3A_583 : i32 to index
        %parallel_loop3A_626 = arith.constant 80 : index
        %parallel_loop3A_627 = tpu.vector_load %arg14[%parallel_loop3A_625, %parallel_loop3A_626] {strides = array<i32>} : memref<320x128xf32, #tpu.memory_space<vmem>>, vector<16xf32>,
        tpu.vector_store %arg14[%parallel_loop3A_625, %parallel_loop3A_626], %parallel_loop3A_624 {strides = array<i32>} : memref<320x128xf32, #tpu.memory_space<vmem>>, vector<16xf32>,
        %parallel_loop3A_628 = arith.index_cast %parallel_loop3A_583 : i32 to index
        %parallel_loop3A_629 = arith.constant 96 : index
        %parallel_loop3A_630 = tpu.vector_load %arg14[%parallel_loop3A_628, %parallel_loop3A_629] {strides = array<i32>} : memref<320x128xf32, #tpu.memory_space<vmem>>, vector<16xf32>,
        %parallel_loop3A_631 = arith.mulf %parallel_loop3A_630, %parallel_loop3A_585 : vector<16xf32>
        %parallel_loop3A_632 = arith.index_cast %parallel_loop3A_583 : i32 to index
        %parallel_loop3A_633 = arith.constant 96 : index
        %parallel_loop3A_634 = tpu.vector_load %arg14[%parallel_loop3A_632, %parallel_loop3A_633] {strides = array<i32>} : memref<320x128xf32, #tpu.memory_space<vmem>>, vector<16xf32>,
        tpu.vector_store %arg14[%parallel_loop3A_632, %parallel_loop3A_633], %parallel_loop3A_631 {strides = array<i32>} : memref<320x128xf32, #tpu.memory_space<vmem>>, vector<16xf32>,
        %parallel_loop3A_635 = arith.index_cast %parallel_loop3A_583 : i32 to index
        %parallel_loop3A_636 = arith.constant 112 : index
        %parallel_loop3A_637 = tpu.vector_load %arg14[%parallel_loop3A_635, %parallel_loop3A_636] {strides = array<i32>} : memref<320x128xf32, #tpu.memory_space<vmem>>, vector<16xf32>,
        %parallel_loop3A_638 = arith.mulf %parallel_loop3A_637, %parallel_loop3A_585 : vector<16xf32>
        %parallel_loop3A_639 = arith.index_cast %parallel_loop3A_583 : i32 to index
        %parallel_loop3A_640 = arith.constant 112 : index
        %parallel_loop3A_641 = tpu.vector_load %arg14[%parallel_loop3A_639, %parallel_loop3A_640] {strides = array<i32>} : memref<320x128xf32, #tpu.memory_space<vmem>>, vector<16xf32>,
        tpu.vector_store %arg14[%parallel_loop3A_639, %parallel_loop3A_640], %parallel_loop3A_638 {strides = array<i32>} : memref<320x128xf32, #tpu.memory_space<vmem>>, vector<16xf32>,
      } {sc.loop_unroll_factor = 8 : i64, sc.parallel_access}
      %dma_start3A_542 = arith.constant 0 : i32
      %dma_start3A_543 = arith.constant 0 : i32
      %dma_start3A_544 = arith.constant 0 : i32
      %dma_start3A_545 = tpu.memref_slice %arg14[%dma_start3A_543, %dma_start3A_544] : memref<320x128xf32, #tpu.memory_space<vmem>> -> memref<80x128xf32, #tpu.memory_space<vmem>>
      %dma_start3A_546 = arith.constant 0 : i32
      %dma_start3A_547 = tpu.memref_slice %arg12[%dma_start3A_542, %dma_start3A_546] : memref<4x80xi32, #tpu.memory_space<vmem>> -> memref<1x80xi32, #tpu.memory_space<vmem>>
      %dma_start3A_548 = tpu.memref_squeeze %dma_start3A_547 : memref<1x80xi32, #tpu.memory_space<vmem>> -> memref<80xi32, #tpu.memory_space<vmem>>
      %dma_start3A_549 = arith.constant 0 : i32
      %dma_start3A_550 = arith.constant 0 : i32
      %dma_start3A_551 = tpu.memref_slice %arg15[%dma_start3A_549, %dma_start3A_550] : memref<10000x128xf32, #tpu.memory_space<vmem_shared>> -> memref<10000x128xf32, #tpu.memory_space<vmem_shared>>
      tpu.enqueue_indirect_dma source(%dma_start3A_545 : memref<80x128xf32, #tpu.memory_space<vmem>>) target(%dma_start3A_551 : memref<10000x128xf32, #tpu.memory_space<vmem_shared>>) offsets(%dma_start3A_548 : memref<80xi32, #tpu.memory_space<vmem>>) semaphore(%arg17 : memref<!tpu.dma_semaphore, #tpu.memory_space<semaphore_mem>>) {add = true}
      %dma_start3A_552 = arith.constant 1 : i32
      %dma_start3A_553 = arith.constant 80 : i32
      %dma_start3A_554 = arith.constant 0 : i32
      %dma_start3A_555 = tpu.memref_slice %arg14[%dma_start3A_553, %dma_start3A_554] : memref<320x128xf32, #tpu.memory_space<vmem>> -> memref<80x128xf32, #tpu.memory_space<vmem>>
      %dma_start3A_556 = arith.constant 0 : i32
      %dma_start3A_557 = tpu.memref_slice %arg12[%dma_start3A_552, %dma_start3A_556] : memref<4x80xi32, #tpu.memory_space<vmem>> -> memref<1x80xi32, #tpu.memory_space<vmem>>
      %dma_start3A_558 = tpu.memref_squeeze %dma_start3A_557 : memref<1x80xi32, #tpu.memory_space<vmem>> -> memref<80xi32, #tpu.memory_space<vmem>>
      %dma_start3A_559 = arith.constant 0 : i32
      %dma_start3A_560 = arith.constant 0 : i32
      %dma_start3A_561 = tpu.memref_slice %arg15[%dma_start3A_559, %dma_start3A_560] : memref<10000x128xf32, #tpu.memory_space<vmem_shared>> -> memref<10000x128xf32, #tpu.memory_space<vmem_shared>>
      tpu.enqueue_indirect_dma source(%dma_start3A_555 : memref<80x128xf32, #tpu.memory_space<vmem>>) target(%dma_start3A_561 : memref<10000x128xf32, #tpu.memory_space<vmem_shared>>) offsets(%dma_start3A_558 : memref<80xi32, #tpu.memory_space<vmem>>) semaphore(%arg17 : memref<!tpu.dma_semaphore, #tpu.memory_space<semaphore_mem>>) {add = true}
      %dma_start3A_562 = arith.constant 2 : i32
      %dma_start3A_563 = arith.constant 160 : i32
      %dma_start3A_564 = arith.constant 0 : i32
      %dma_start3A_565 = tpu.memref_slice %arg14[%dma_start3A_563, %dma_start3A_564] : memref<320x128xf32, #tpu.memory_space<vmem>> -> memref<80x128xf32, #tpu.memory_space<vmem>>
      %dma_start3A_566 = arith.constant 0 : i32
      %dma_start3A_567 = tpu.memref_slice %arg12[%dma_start3A_562, %dma_start3A_566] : memref<4x80xi32, #tpu.memory_space<vmem>> -> memref<1x80xi32, #tpu.memory_space<vmem>>
      %dma_start3A_568 = tpu.memref_squeeze %dma_start3A_567 : memref<1x80xi32, #tpu.memory_space<vmem>> -> memref<80xi32, #tpu.memory_space<vmem>>
      %dma_start3A_569 = arith.constant 0 : i32
      %dma_start3A_570 = arith.constant 0 : i32
      %dma_start3A_571 = tpu.memref_slice %arg15[%dma_start3A_569, %dma_start3A_570] : memref<10000x128xf32, #tpu.memory_space<vmem_shared>> -> memref<10000x128xf32, #tpu.memory_space<vmem_shared>>
      tpu.enqueue_indirect_dma source(%dma_start3A_565 : memref<80x128xf32, #tpu.memory_space<vmem>>) target(%dma_start3A_571 : memref<10000x128xf32, #tpu.memory_space<vmem_shared>>) offsets(%dma_start3A_568 : memref<80xi32, #tpu.memory_space<vmem>>) semaphore(%arg17 : memref<!tpu.dma_semaphore, #tpu.memory_space<semaphore_mem>>) {add = true}
      %dma_start3A_572 = arith.constant 3 : i32
      %dma_start3A_573 = arith.constant 240 : i32
      %dma_start3A_574 = arith.constant 0 : i32
      %dma_start3A_575 = tpu.memref_slice %arg14[%dma_start3A_573, %dma_start3A_574] : memref<320x128xf32, #tpu.memory_space<vmem>> -> memref<80x128xf32, #tpu.memory_space<vmem>>
      %dma_start3A_576 = arith.constant 0 : i32
      %dma_start3A_577 = tpu.memref_slice %arg12[%dma_start3A_572, %dma_start3A_576] : memref<4x80xi32, #tpu.memory_space<vmem>> -> memref<1x80xi32, #tpu.memory_space<vmem>>
      %dma_start3A_578 = tpu.memref_squeeze %dma_start3A_577 : memref<1x80xi32, #tpu.memory_space<vmem>> -> memref<80xi32, #tpu.memory_space<vmem>>
      %dma_start3A_579 = arith.constant 0 : i32
      %dma_start3A_580 = arith.constant 0 : i32
      %dma_start3A_581 = tpu.memref_slice %arg15[%dma_start3A_579, %dma_start3A_580] : memref<10000x128xf32, #tpu.memory_space<vmem_shared>> -> memref<10000x128xf32, #tpu.memory_space<vmem_shared>>
      tpu.enqueue_indirect_dma source(%dma_start3A_575 : memref<80x128xf32, #tpu.memory_space<vmem>>) target(%dma_start3A_581 : memref<10000x128xf32, #tpu.memory_space<vmem_shared>>) offsets(%dma_start3A_578 : memref<80xi32, #tpu.memory_space<vmem>>) semaphore(%arg17 : memref<!tpu.dma_semaphore, #tpu.memory_space<semaphore_mem>>) {add = true}
      %scan3A_582 = arith.constant 0 : i32
      scf.yield %scan3A_582 : i32
    }
    %scan3A_39 = arith.constant 16 : i32
    %dma_wait3A = arith.constant 0 : i32
    %dma_wait3A_40 = arith.constant 0 : i32
    %dma_wait3A_41 = arith.constant 0 : i32
    %dma_wait3A_42 = tpu.memref_slice %arg14[%dma_wait3A_40, %dma_wait3A_41] : memref<320x128xf32, #tpu.memory_space<vmem>> -> memref<80x128xf32, #tpu.memory_space<vmem>>
    %dma_wait3A_43 = arith.constant 0 : i32
    %dma_wait3A_44 = tpu.memref_slice %arg12[%dma_wait3A, %dma_wait3A_43] : memref<4x80xi32, #tpu.memory_space<vmem>> -> memref<1x80xi32, #tpu.memory_space<vmem>>
    %dma_wait3A_45 = tpu.memref_squeeze %dma_wait3A_44 : memref<1x80xi32, #tpu.memory_space<vmem>> -> memref<80xi32, #tpu.memory_space<vmem>>
    %dma_wait3A_46 = arith.constant 0 : i32
    %dma_wait3A_47 = arith.constant 0 : i32
    %dma_wait3A_48 = tpu.memref_slice %arg15[%dma_wait3A_46, %dma_wait3A_47] : memref<10000x128xf32, #tpu.memory_space<vmem_shared>> -> memref<10000x128xf32, #tpu.memory_space<vmem_shared>>
    tpu.wait_indirect_dma semaphore(%arg17 : memref<!tpu.dma_semaphore, #tpu.memory_space<semaphore_mem>>) src(%dma_wait3A_42 : memref<80x128xf32, #tpu.memory_space<vmem>>) dst(%dma_wait3A_48 : memref<10000x128xf32, #tpu.memory_space<vmem_shared>>)
    %dma_wait3A_49 = arith.constant 1 : i32
    %dma_wait3A_50 = arith.constant 80 : i32
    %dma_wait3A_51 = arith.constant 0 : i32
    %dma_wait3A_52 = tpu.memref_slice %arg14[%dma_wait3A_50, %dma_wait3A_51] : memref<320x128xf32, #tpu.memory_space<vmem>> -> memref<80x128xf32, #tpu.memory_space<vmem>>
    %dma_wait3A_53 = arith.constant 0 : i32
    %dma_wait3A_54 = tpu.memref_slice %arg12[%dma_wait3A_49, %dma_wait3A_53] : memref<4x80xi32, #tpu.memory_space<vmem>> -> memref<1x80xi32, #tpu.memory_space<vmem>>
    %dma_wait3A_55 = tpu.memref_squeeze %dma_wait3A_54 : memref<1x80xi32, #tpu.memory_space<vmem>> -> memref<80xi32, #tpu.memory_space<vmem>>
    %dma_wait3A_56 = arith.constant 0 : i32
    %dma_wait3A_57 = arith.constant 0 : i32
    %dma_wait3A_58 = tpu.memref_slice %arg15[%dma_wait3A_56, %dma_wait3A_57] : memref<10000x128xf32, #tpu.memory_space<vmem_shared>> -> memref<10000x128xf32, #tpu.memory_space<vmem_shared>>
    tpu.wait_indirect_dma semaphore(%arg17 : memref<!tpu.dma_semaphore, #tpu.memory_space<semaphore_mem>>) src(%dma_wait3A_52 : memref<80x128xf32, #tpu.memory_space<vmem>>) dst(%dma_wait3A_58 : memref<10000x128xf32, #tpu.memory_space<vmem_shared>>)
    %dma_wait3A_59 = arith.constant 2 : i32
    %dma_wait3A_60 = arith.constant 160 : i32
    %dma_wait3A_61 = arith.constant 0 : i32
    %dma_wait3A_62 = tpu.memref_slice %arg14[%dma_wait3A_60, %dma_wait3A_61] : memref<320x128xf32, #tpu.memory_space<vmem>> -> memref<80x128xf32, #tpu.memory_space<vmem>>
    %dma_wait3A_63 = arith.constant 0 : i32
    %dma_wait3A_64 = tpu.memref_slice %arg12[%dma_wait3A_59, %dma_wait3A_63] : memref<4x80xi32, #tpu.memory_space<vmem>> -> memref<1x80xi32, #tpu.memory_space<vmem>>
    %dma_wait3A_65 = tpu.memref_squeeze %dma_wait3A_64 : memref<1x80xi32, #tpu.memory_space<vmem>> -> memref<80xi32, #tpu.memory_space<vmem>>
    %dma_wait3A_66 = arith.constant 0 : i32
    %dma_wait3A_67 = arith.constant 0 : i32
    %dma_wait3A_68 = tpu.memref_slice %arg15[%dma_wait3A_66, %dma_wait3A_67] : memref<10000x128xf32, #tpu.memory_space<vmem_shared>> -> memref<10000x128xf32, #tpu.memory_space<vmem_shared>>
    tpu.wait_indirect_dma semaphore(%arg17 : memref<!tpu.dma_semaphore, #tpu.memory_space<semaphore_mem>>) src(%dma_wait3A_62 : memref<80x128xf32, #tpu.memory_space<vmem>>) dst(%dma_wait3A_68 : memref<10000x128xf32, #tpu.memory_space<vmem_shared>>)
    %dma_wait3A_69 = arith.constant 3 : i32
    %dma_wait3A_70 = arith.constant 240 : i32
    %dma_wait3A_71 = arith.constant 0 : i32
    %dma_wait3A_72 = tpu.memref_slice %arg14[%dma_wait3A_70, %dma_wait3A_71] : memref<320x128xf32, #tpu.memory_space<vmem>> -> memref<80x128xf32, #tpu.memory_space<vmem>>
    %dma_wait3A_73 = arith.constant 0 : i32
    %dma_wait3A_74 = tpu.memref_slice %arg12[%dma_wait3A_69, %dma_wait3A_73] : memref<4x80xi32, #tpu.memory_space<vmem>> -> memref<1x80xi32, #tpu.memory_space<vmem>>
    %dma_wait3A_75 = tpu.memref_squeeze %dma_wait3A_74 : memref<1x80xi32, #tpu.memory_space<vmem>> -> memref<80xi32, #tpu.memory_space<vmem>>
    %dma_wait3A_76 = arith.constant 0 : i32
    %dma_wait3A_77 = arith.constant 0 : i32
    %dma_wait3A_78 = tpu.memref_slice %arg15[%dma_wait3A_76, %dma_wait3A_77] : memref<10000x128xf32, #tpu.memory_space<vmem_shared>> -> memref<10000x128xf32, #tpu.memory_space<vmem_shared>>
    tpu.wait_indirect_dma semaphore(%arg17 : memref<!tpu.dma_semaphore, #tpu.memory_space<semaphore_mem>>) src(%dma_wait3A_72 : memref<80x128xf32, #tpu.memory_space<vmem>>) dst(%dma_wait3A_78 : memref<10000x128xf32, #tpu.memory_space<vmem_shared>>)
    %barrier3A_79 = arith.constant 0 : index
    tpu.barrier barrier_id(%barrier3A_79)
    %mul3A_80 = arith.constant 624 : i32
    %mul3A_81 = arith.muli %arg1, %mul3A_80 : i32
    %mul3A_82 = arith.constant 10000 : i32
    %mul3A_83 = arith.muli %arg0, %mul3A_82 : i32
    %mul3A_84 = arith.constant 624 : i32
    %mul3A_85 = arith.muli %arg1, %mul3A_84 : i32
    %add3A_86 = arith.addi %mul3A_83, %mul3A_85 : i32
    "tpu.region"() ({
      %run_scoped3A = tpu.sem_alloc : memref<!tpu.dma_semaphore, #tpu.memory_space<semaphore_mem>>
      %dma_start3A = arith.constant 0 : i32
      %dma_start3A_92 = tpu.memref_slice %arg7[%add3A_86, %dma_start3A] : memref<20000x128xf32, #tpu.memory_space<hbm>> -> memref<624x128xf32, #tpu.memory_space<hbm>>
      %dma_start3A_93 = arith.constant 0 : i32
      %dma_start3A_94 = tpu.memref_slice %arg15[%mul3A_81, %dma_start3A_93] : memref<10000x128xf32, #tpu.memory_space<vmem_shared>> -> memref<624x128xf32, #tpu.memory_space<vmem_shared>>
      tpu.enqueue_dma source(%dma_start3A_94 : memref<624x128xf32, #tpu.memory_space<vmem_shared>>) target(%dma_start3A_92 : memref<624x128xf32, #tpu.memory_space<hbm>>) target_semaphore(%run_scoped3A : memref<!tpu.dma_semaphore, #tpu.memory_space<semaphore_mem>>)
      %dma_wait3A_95 = arith.constant 0 : i32
      %dma_wait3A_96 = tpu.memref_slice %arg7[%add3A_86, %dma_wait3A_95] : memref<20000x128xf32, #tpu.memory_space<hbm>> -> memref<624x128xf32, #tpu.memory_space<hbm>>
      %dma_wait3A_97 = arith.constant 0 : i32
      %dma_wait3A_98 = tpu.memref_slice %arg15[%mul3A_81, %dma_wait3A_97] : memref<10000x128xf32, #tpu.memory_space<vmem_shared>> -> memref<624x128xf32, #tpu.memory_space<vmem_shared>>
      tpu.wait_dma2 semaphore(%run_scoped3A : memref<!tpu.dma_semaphore, #tpu.memory_space<semaphore_mem>>) src(%dma_wait3A_98 : memref<624x128xf32, #tpu.memory_space<vmem_shared>>) dst(%dma_wait3A_96 : memref<624x128xf32, #tpu.memory_space<hbm>>)
      tpu.yield
    }) : () -> ()
    %eq3A_87 = arith.constant 15 : i32
    %eq3A_88 = arith.cmpi eq, %arg1, %eq3A_87 : i32
    %convert_element_type3A_89 = arith.extui %eq3A_88 : i1 to i32
    %cond3A_90 = arith.constant 0 : i32
    %cond3A_91 = arith.cmpi ne, %convert_element_type3A_89, %cond3A_90 : i32
    scf.if %cond3A_91 {
      %mul3A_92 = arith.constant 10000 : i32
      %mul3A_93 = arith.muli %arg0, %mul3A_92 : i32
      %add3A_94 = arith.constant 9984 : i32
      %add3A_95 = arith.addi %mul3A_93, %add3A_94 : i32
      "tpu.region"() ({
        %run_scoped3A = tpu.sem_alloc : memref<!tpu.dma_semaphore, #tpu.memory_space<semaphore_mem>>
        %dma_start3A = arith.constant 0 : i32
        %dma_start3A_96 = tpu.memref_slice %arg7[%add3A_95, %dma_start3A] : memref<20000x128xf32, #tpu.memory_space<hbm>> -> memref<16x128xf32, #tpu.memory_space<hbm>>
        %dma_start3A_97 = arith.constant 9984 : i32
        %dma_start3A_98 = arith.constant 0 : i32
        %dma_start3A_99 = tpu.memref_slice %arg15[%dma_start3A_97, %dma_start3A_98] : memref<10000x128xf32, #tpu.memory_space<vmem_shared>> -> memref<16x128xf32, #tpu.memory_space<vmem_shared>>
        tpu.enqueue_dma source(%dma_start3A_99 : memref<16x128xf32, #tpu.memory_space<vmem_shared>>) target(%dma_start3A_96 : memref<16x128xf32, #tpu.memory_space<hbm>>) target_semaphore(%run_scoped3A : memref<!tpu.dma_semaphore, #tpu.memory_space<semaphore_mem>>)
        %dma_wait3A_100 = arith.constant 0 : i32
        %dma_wait3A_101 = tpu.memref_slice %arg7[%add3A_95, %dma_wait3A_100] : memref<20000x128xf32, #tpu.memory_space<hbm>> -> memref<16x128xf32, #tpu.memory_space<hbm>>
        %dma_wait3A_102 = arith.constant 9984 : i32
        %dma_wait3A_103 = arith.constant 0 : i32
        %dma_wait3A_104 = tpu.memref_slice %arg15[%dma_wait3A_102, %dma_wait3A_103] : memref<10000x128xf32, #tpu.memory_space<vmem_shared>> -> memref<16x128xf32, #tpu.memory_space<vmem_shared>>
        tpu.wait_dma2 semaphore(%run_scoped3A : memref<!tpu.dma_semaphore, #tpu.memory_space<semaphore_mem>>) src(%dma_wait3A_104 : memref<16x128xf32, #tpu.memory_space<vmem_shared>>) dst(%dma_wait3A_101 : memref<16x128xf32, #tpu.memory_space<hbm>>)
        tpu.yield
      }) : () -> ()
    } else {
    }
    return
  }
}

module attributes {stable_mosaic.version = 14 : i64} {
  func.func @_prep_body(%arg0: i32, %arg1: memref<400x128xf32, #tpu.memory_space<vmem>>, %arg2: memref<400x1xf32, #tpu.memory_space<vmem>>, %arg3: memref<32x400x8xf32, #tpu.memory_space<vmem>>, %arg4: memref<8x4xf32, #tpu.memory_space<vmem>>, %arg5: memref<4x128x128xf32, #tpu.memory_space<vmem>>, %arg6: memref<400x128xf32, #tpu.memory_space<vmem>>, %arg7: memref<400x1024xf32, #tpu.memory_space<vmem>>, %arg8: memref<400x8xf32, #tpu.memory_space<vmem>>) attributes {dimension_semantics = [#tpu.dimension_semantics<arbitrary>], iteration_bounds = array<i64: 25>, scalar_prefetch = 0 : i64, scratch_operands = 0 : i64, tpu.core_type = #tpu.core_type<tc>, window_params = [{transform_indices = @transform_0, window_bounds = array<i64: 400, 128>}, {transform_indices = @transform_1, window_bounds = array<i64: 400, 1>}, {transform_indices = @transform_2, window_bounds = array<i64: 32, 400, 8>}, {pipeline_mode = #tpu.pipeline_mode<synchronous>, transform_indices = @transform_3, window_bounds = array<i64: 8, 4>}, {pipeline_mode = #tpu.pipeline_mode<synchronous>, transform_indices = @transform_4, window_bounds = array<i64: 4, 128, 128>}, {transform_indices = @transform_5, window_bounds = array<i64: 400, 128>}, {transform_indices = @transform_6, window_bounds = array<i64: 400, 1024>}, {transform_indices = @transform_7, window_bounds = array<i64: 400, 8>}]} {
    %get3A = arith.constant 0 : index
    %get3A_0 = arith.constant 0 : index
    %get3A_1 = vector.load %arg1[%get3A, %get3A_0] : memref<400x128xf32, #tpu.memory_space<vmem>>, vector<400x128xf32>
    %get3A_2 = arith.constant 0 : index
    %get3A_3 = arith.constant 0 : index
    %get3A_4 = vector.load %arg2[%get3A_2, %get3A_3] : memref<400x1xf32, #tpu.memory_space<vmem>>, vector<400x1xf32>
    %mul3A = vector.broadcast %get3A_4 : vector<400x1xf32> to vector<400x128xf32>
    %mul3A_5 = arith.mulf %get3A_1, %mul3A : vector<400x128xf32>
    %swap3A = arith.constant 0 : index
    %swap3A_6 = arith.constant 0 : index
    %swap3A_7 = vector.load %arg6[%swap3A, %swap3A_6] : memref<400x128xf32, #tpu.memory_space<vmem>>, vector<400x128xf32>
    tpu.vector_store %arg6[%swap3A, %swap3A_6], %mul3A_5 {strides = array<i32>} : memref<400x128xf32, #tpu.memory_space<vmem>>, vector<400x128xf32>,
    %get3A_8 = arith.constant 0 : index
    %get3A_9 = arith.constant 0 : index
    %get3A_10 = vector.load %arg4[%get3A_8, %get3A_9] : memref<8x4xf32, #tpu.memory_space<vmem>>, vector<8x4xf32>
    %get3A_11 = arith.constant 0 : index
    %get3A_12 = arith.constant 0 : index
    %get3A_13 = arith.constant 0 : index
    %get3A_14 = vector.load %arg5[%get3A_11, %get3A_12, %get3A_13] : memref<4x128x128xf32, #tpu.memory_space<vmem>>, vector<4x128x128xf32>
    %slice3A = vector.extract_strided_slice %get3A_10 {offsets = [0, 0], sizes = [1, 1], strides = [1, 1]} : vector<8x4xf32> to vector<1x1xf32>
    %squeeze3A = vector.extract %slice3A[0, 0] : f32 from vector<1x1xf32>
    %slice3A_15 = vector.extract_strided_slice %get3A_14 {offsets = [0, 0, 0], sizes = [1, 128, 128], strides = [1, 1, 1]} : vector<4x128x128xf32> to vector<1x128x128xf32>
    %squeeze3A_16 = vector.shape_cast %slice3A_15 : vector<1x128x128xf32> to vector<128x128xf32>
    %mul3A_17 = vector.broadcast %squeeze3A : f32 to vector<128x128xf32>
    %mul3A_18 = arith.mulf %mul3A_17, %squeeze3A_16 : vector<128x128xf32>
    %slice3A_19 = vector.extract_strided_slice %get3A_10 {offsets = [0, 1], sizes = [1, 1], strides = [1, 1]} : vector<8x4xf32> to vector<1x1xf32>
    %squeeze3A_20 = vector.extract %slice3A_19[0, 0] : f32 from vector<1x1xf32>
    %slice3A_21 = vector.extract_strided_slice %get3A_14 {offsets = [1, 0, 0], sizes = [1, 128, 128], strides = [1, 1, 1]} : vector<4x128x128xf32> to vector<1x128x128xf32>
    %squeeze3A_22 = vector.shape_cast %slice3A_21 : vector<1x128x128xf32> to vector<128x128xf32>
    %mul3A_23 = vector.broadcast %squeeze3A_20 : f32 to vector<128x128xf32>
    %mul3A_24 = arith.mulf %mul3A_23, %squeeze3A_22 : vector<128x128xf32>
    %add3A = arith.addf %mul3A_18, %mul3A_24 : vector<128x128xf32>
    %slice3A_25 = vector.extract_strided_slice %get3A_10 {offsets = [0, 2], sizes = [1, 1], strides = [1, 1]} : vector<8x4xf32> to vector<1x1xf32>
    %squeeze3A_26 = vector.extract %slice3A_25[0, 0] : f32 from vector<1x1xf32>
    %slice3A_27 = vector.extract_strided_slice %get3A_14 {offsets = [2, 0, 0], sizes = [1, 128, 128], strides = [1, 1, 1]} : vector<4x128x128xf32> to vector<1x128x128xf32>
    %squeeze3A_28 = vector.shape_cast %slice3A_27 : vector<1x128x128xf32> to vector<128x128xf32>
    %mul3A_29 = vector.broadcast %squeeze3A_26 : f32 to vector<128x128xf32>
    %mul3A_30 = arith.mulf %mul3A_29, %squeeze3A_28 : vector<128x128xf32>
    %add3A_31 = arith.addf %add3A, %mul3A_30 : vector<128x128xf32>
    %slice3A_32 = vector.extract_strided_slice %get3A_10 {offsets = [0, 3], sizes = [1, 1], strides = [1, 1]} : vector<8x4xf32> to vector<1x1xf32>
    %squeeze3A_33 = vector.extract %slice3A_32[0, 0] : f32 from vector<1x1xf32>
    %slice3A_34 = vector.extract_strided_slice %get3A_14 {offsets = [3, 0, 0], sizes = [1, 128, 128], strides = [1, 1, 1]} : vector<4x128x128xf32> to vector<1x128x128xf32>
    %squeeze3A_35 = vector.shape_cast %slice3A_34 : vector<1x128x128xf32> to vector<128x128xf32>
    %mul3A_36 = vector.broadcast %squeeze3A_33 : f32 to vector<128x128xf32>
    %mul3A_37 = arith.mulf %mul3A_36, %squeeze3A_35 : vector<128x128xf32>
    %add3A_38 = arith.addf %add3A_31, %mul3A_37 : vector<128x128xf32>
    %dot_general3A = arith.constant dense<0.000000e+00> : vector<400x128xf32>
    %dot_general3A_39 = tpu.matmul %mul3A_5, %add3A_38, %dot_general3A {dimension_numbers = #tpu.dot_dimension_numbers<[1], [0], [0], [1], [0, 0, 1, 1], [], []>, transpose_lhs_hint = false} : vector<400x128xf32>, vector<128x128xf32>, vector<400x128xf32> -> vector<400x128xf32>
    %swap3A_40 = arith.constant 0 : index
    %swap3A_41 = arith.constant 0 : index
    %swap3A_42 = vector.load %arg7[%swap3A_40, %swap3A_41] : memref<400x1024xf32, #tpu.memory_space<vmem>>, vector<400x128xf32>
    tpu.vector_store %arg7[%swap3A_40, %swap3A_41], %dot_general3A_39 {strides = array<i32>} : memref<400x1024xf32, #tpu.memory_space<vmem>>, vector<400x128xf32>,
    %get3A_43 = arith.constant 0 : index
    %get3A_44 = arith.constant 0 : index
    %get3A_45 = vector.load %arg4[%get3A_43, %get3A_44] : memref<8x4xf32, #tpu.memory_space<vmem>>, vector<8x4xf32>
    %get3A_46 = arith.constant 0 : index
    %get3A_47 = arith.constant 0 : index
    %get3A_48 = arith.constant 0 : index
    %get3A_49 = vector.load %arg5[%get3A_46, %get3A_47, %get3A_48] : memref<4x128x128xf32, #tpu.memory_space<vmem>>, vector<4x128x128xf32>
    %slice3A_50 = vector.extract_strided_slice %get3A_45 {offsets = [1, 0], sizes = [1, 1], strides = [1, 1]} : vector<8x4xf32> to vector<1x1xf32>
    %squeeze3A_51 = vector.extract %slice3A_50[0, 0] : f32 from vector<1x1xf32>
    %slice3A_52 = vector.extract_strided_slice %get3A_49 {offsets = [0, 0, 0], sizes = [1, 128, 128], strides = [1, 1, 1]} : vector<4x128x128xf32> to vector<1x128x128xf32>
    %squeeze3A_53 = vector.shape_cast %slice3A_52 : vector<1x128x128xf32> to vector<128x128xf32>
    %mul3A_54 = vector.broadcast %squeeze3A_51 : f32 to vector<128x128xf32>
    %mul3A_55 = arith.mulf %mul3A_54, %squeeze3A_53 : vector<128x128xf32>
    %slice3A_56 = vector.extract_strided_slice %get3A_45 {offsets = [1, 1], sizes = [1, 1], strides = [1, 1]} : vector<8x4xf32> to vector<1x1xf32>
    %squeeze3A_57 = vector.extract %slice3A_56[0, 0] : f32 from vector<1x1xf32>
    %slice3A_58 = vector.extract_strided_slice %get3A_49 {offsets = [1, 0, 0], sizes = [1, 128, 128], strides = [1, 1, 1]} : vector<4x128x128xf32> to vector<1x128x128xf32>
    %squeeze3A_59 = vector.shape_cast %slice3A_58 : vector<1x128x128xf32> to vector<128x128xf32>
    %mul3A_60 = vector.broadcast %squeeze3A_57 : f32 to vector<128x128xf32>
    %mul3A_61 = arith.mulf %mul3A_60, %squeeze3A_59 : vector<128x128xf32>
    %add3A_62 = arith.addf %mul3A_55, %mul3A_61 : vector<128x128xf32>
    %slice3A_63 = vector.extract_strided_slice %get3A_45 {offsets = [1, 2], sizes = [1, 1], strides = [1, 1]} : vector<8x4xf32> to vector<1x1xf32>
    %squeeze3A_64 = vector.extract %slice3A_63[0, 0] : f32 from vector<1x1xf32>
    %slice3A_65 = vector.extract_strided_slice %get3A_49 {offsets = [2, 0, 0], sizes = [1, 128, 128], strides = [1, 1, 1]} : vector<4x128x128xf32> to vector<1x128x128xf32>
    %squeeze3A_66 = vector.shape_cast %slice3A_65 : vector<1x128x128xf32> to vector<128x128xf32>
    %mul3A_67 = vector.broadcast %squeeze3A_64 : f32 to vector<128x128xf32>
    %mul3A_68 = arith.mulf %mul3A_67, %squeeze3A_66 : vector<128x128xf32>
    %add3A_69 = arith.addf %add3A_62, %mul3A_68 : vector<128x128xf32>
    %slice3A_70 = vector.extract_strided_slice %get3A_45 {offsets = [1, 3], sizes = [1, 1], strides = [1, 1]} : vector<8x4xf32> to vector<1x1xf32>
    %squeeze3A_71 = vector.extract %slice3A_70[0, 0] : f32 from vector<1x1xf32>
    %slice3A_72 = vector.extract_strided_slice %get3A_49 {offsets = [3, 0, 0], sizes = [1, 128, 128], strides = [1, 1, 1]} : vector<4x128x128xf32> to vector<1x128x128xf32>
    %squeeze3A_73 = vector.shape_cast %slice3A_72 : vector<1x128x128xf32> to vector<128x128xf32>
    %mul3A_74 = vector.broadcast %squeeze3A_71 : f32 to vector<128x128xf32>
    %mul3A_75 = arith.mulf %mul3A_74, %squeeze3A_73 : vector<128x128xf32>
    %add3A_76 = arith.addf %add3A_69, %mul3A_75 : vector<128x128xf32>
    %dot_general3A_77 = arith.constant dense<0.000000e+00> : vector<400x128xf32>
    %dot_general3A_78 = tpu.matmul %mul3A_5, %add3A_76, %dot_general3A_77 {dimension_numbers = #tpu.dot_dimension_numbers<[1], [0], [0], [1], [0, 0, 1, 1], [], []>, transpose_lhs_hint = false} : vector<400x128xf32>, vector<128x128xf32>, vector<400x128xf32> -> vector<400x128xf32>
    %swap3A_79 = arith.constant 0 : index
    %swap3A_80 = arith.constant 128 : index
    %swap3A_81 = vector.load %arg7[%swap3A_79, %swap3A_80] : memref<400x1024xf32, #tpu.memory_space<vmem>>, vector<400x128xf32>
    tpu.vector_store %arg7[%swap3A_79, %swap3A_80], %dot_general3A_78 {strides = array<i32>} : memref<400x1024xf32, #tpu.memory_space<vmem>>, vector<400x128xf32>,
    %get3A_82 = arith.constant 0 : index
    %get3A_83 = arith.constant 0 : index
    %get3A_84 = vector.load %arg4[%get3A_82, %get3A_83] : memref<8x4xf32, #tpu.memory_space<vmem>>, vector<8x4xf32>
    %get3A_85 = arith.constant 0 : index
    %get3A_86 = arith.constant 0 : index
    %get3A_87 = arith.constant 0 : index
    %get3A_88 = vector.load %arg5[%get3A_85, %get3A_86, %get3A_87] : memref<4x128x128xf32, #tpu.memory_space<vmem>>, vector<4x128x128xf32>
    %slice3A_89 = vector.extract_strided_slice %get3A_84 {offsets = [2, 0], sizes = [1, 1], strides = [1, 1]} : vector<8x4xf32> to vector<1x1xf32>
    %squeeze3A_90 = vector.extract %slice3A_89[0, 0] : f32 from vector<1x1xf32>
    %slice3A_91 = vector.extract_strided_slice %get3A_88 {offsets = [0, 0, 0], sizes = [1, 128, 128], strides = [1, 1, 1]} : vector<4x128x128xf32> to vector<1x128x128xf32>
    %squeeze3A_92 = vector.shape_cast %slice3A_91 : vector<1x128x128xf32> to vector<128x128xf32>
    %mul3A_93 = vector.broadcast %squeeze3A_90 : f32 to vector<128x128xf32>
    %mul3A_94 = arith.mulf %mul3A_93, %squeeze3A_92 : vector<128x128xf32>
    %slice3A_95 = vector.extract_strided_slice %get3A_84 {offsets = [2, 1], sizes = [1, 1], strides = [1, 1]} : vector<8x4xf32> to vector<1x1xf32>
    %squeeze3A_96 = vector.extract %slice3A_95[0, 0] : f32 from vector<1x1xf32>
    %slice3A_97 = vector.extract_strided_slice %get3A_88 {offsets = [1, 0, 0], sizes = [1, 128, 128], strides = [1, 1, 1]} : vector<4x128x128xf32> to vector<1x128x128xf32>
    %squeeze3A_98 = vector.shape_cast %slice3A_97 : vector<1x128x128xf32> to vector<128x128xf32>
    %mul3A_99 = vector.broadcast %squeeze3A_96 : f32 to vector<128x128xf32>
    %mul3A_100 = arith.mulf %mul3A_99, %squeeze3A_98 : vector<128x128xf32>
    %add3A_101 = arith.addf %mul3A_94, %mul3A_100 : vector<128x128xf32>
    %slice3A_102 = vector.extract_strided_slice %get3A_84 {offsets = [2, 2], sizes = [1, 1], strides = [1, 1]} : vector<8x4xf32> to vector<1x1xf32>
    %squeeze3A_103 = vector.extract %slice3A_102[0, 0] : f32 from vector<1x1xf32>
    %slice3A_104 = vector.extract_strided_slice %get3A_88 {offsets = [2, 0, 0], sizes = [1, 128, 128], strides = [1, 1, 1]} : vector<4x128x128xf32> to vector<1x128x128xf32>
    %squeeze3A_105 = vector.shape_cast %slice3A_104 : vector<1x128x128xf32> to vector<128x128xf32>
    %mul3A_106 = vector.broadcast %squeeze3A_103 : f32 to vector<128x128xf32>
    %mul3A_107 = arith.mulf %mul3A_106, %squeeze3A_105 : vector<128x128xf32>
    %add3A_108 = arith.addf %add3A_101, %mul3A_107 : vector<128x128xf32>
    %slice3A_109 = vector.extract_strided_slice %get3A_84 {offsets = [2, 3], sizes = [1, 1], strides = [1, 1]} : vector<8x4xf32> to vector<1x1xf32>
    %squeeze3A_110 = vector.extract %slice3A_109[0, 0] : f32 from vector<1x1xf32>
    %slice3A_111 = vector.extract_strided_slice %get3A_88 {offsets = [3, 0, 0], sizes = [1, 128, 128], strides = [1, 1, 1]} : vector<4x128x128xf32> to vector<1x128x128xf32>
    %squeeze3A_112 = vector.shape_cast %slice3A_111 : vector<1x128x128xf32> to vector<128x128xf32>
    %mul3A_113 = vector.broadcast %squeeze3A_110 : f32 to vector<128x128xf32>
    %mul3A_114 = arith.mulf %mul3A_113, %squeeze3A_112 : vector<128x128xf32>
    %add3A_115 = arith.addf %add3A_108, %mul3A_114 : vector<128x128xf32>
    %dot_general3A_116 = arith.constant dense<0.000000e+00> : vector<400x128xf32>
    %dot_general3A_117 = tpu.matmul %mul3A_5, %add3A_115, %dot_general3A_116 {dimension_numbers = #tpu.dot_dimension_numbers<[1], [0], [0], [1], [0, 0, 1, 1], [], []>, transpose_lhs_hint = false} : vector<400x128xf32>, vector<128x128xf32>, vector<400x128xf32> -> vector<400x128xf32>
    %swap3A_118 = arith.constant 0 : index
    %swap3A_119 = arith.constant 256 : index
    %swap3A_120 = vector.load %arg7[%swap3A_118, %swap3A_119] : memref<400x1024xf32, #tpu.memory_space<vmem>>, vector<400x128xf32>
    tpu.vector_store %arg7[%swap3A_118, %swap3A_119], %dot_general3A_117 {strides = array<i32>} : memref<400x1024xf32, #tpu.memory_space<vmem>>, vector<400x128xf32>,
    %get3A_121 = arith.constant 0 : index
    %get3A_122 = arith.constant 0 : index
    %get3A_123 = vector.load %arg4[%get3A_121, %get3A_122] : memref<8x4xf32, #tpu.memory_space<vmem>>, vector<8x4xf32>
    %get3A_124 = arith.constant 0 : index
    %get3A_125 = arith.constant 0 : index
    %get3A_126 = arith.constant 0 : index
    %get3A_127 = vector.load %arg5[%get3A_124, %get3A_125, %get3A_126] : memref<4x128x128xf32, #tpu.memory_space<vmem>>, vector<4x128x128xf32>
    %slice3A_128 = vector.extract_strided_slice %get3A_123 {offsets = [3, 0], sizes = [1, 1], strides = [1, 1]} : vector<8x4xf32> to vector<1x1xf32>
    %squeeze3A_129 = vector.extract %slice3A_128[0, 0] : f32 from vector<1x1xf32>
    %slice3A_130 = vector.extract_strided_slice %get3A_127 {offsets = [0, 0, 0], sizes = [1, 128, 128], strides = [1, 1, 1]} : vector<4x128x128xf32> to vector<1x128x128xf32>
    %squeeze3A_131 = vector.shape_cast %slice3A_130 : vector<1x128x128xf32> to vector<128x128xf32>
    %mul3A_132 = vector.broadcast %squeeze3A_129 : f32 to vector<128x128xf32>
    %mul3A_133 = arith.mulf %mul3A_132, %squeeze3A_131 : vector<128x128xf32>
    %slice3A_134 = vector.extract_strided_slice %get3A_123 {offsets = [3, 1], sizes = [1, 1], strides = [1, 1]} : vector<8x4xf32> to vector<1x1xf32>
    %squeeze3A_135 = vector.extract %slice3A_134[0, 0] : f32 from vector<1x1xf32>
    %slice3A_136 = vector.extract_strided_slice %get3A_127 {offsets = [1, 0, 0], sizes = [1, 128, 128], strides = [1, 1, 1]} : vector<4x128x128xf32> to vector<1x128x128xf32>
    %squeeze3A_137 = vector.shape_cast %slice3A_136 : vector<1x128x128xf32> to vector<128x128xf32>
    %mul3A_138 = vector.broadcast %squeeze3A_135 : f32 to vector<128x128xf32>
    %mul3A_139 = arith.mulf %mul3A_138, %squeeze3A_137 : vector<128x128xf32>
    %add3A_140 = arith.addf %mul3A_133, %mul3A_139 : vector<128x128xf32>
    %slice3A_141 = vector.extract_strided_slice %get3A_123 {offsets = [3, 2], sizes = [1, 1], strides = [1, 1]} : vector<8x4xf32> to vector<1x1xf32>
    %squeeze3A_142 = vector.extract %slice3A_141[0, 0] : f32 from vector<1x1xf32>
    %slice3A_143 = vector.extract_strided_slice %get3A_127 {offsets = [2, 0, 0], sizes = [1, 128, 128], strides = [1, 1, 1]} : vector<4x128x128xf32> to vector<1x128x128xf32>
    %squeeze3A_144 = vector.shape_cast %slice3A_143 : vector<1x128x128xf32> to vector<128x128xf32>
    %mul3A_145 = vector.broadcast %squeeze3A_142 : f32 to vector<128x128xf32>
    %mul3A_146 = arith.mulf %mul3A_145, %squeeze3A_144 : vector<128x128xf32>
    %add3A_147 = arith.addf %add3A_140, %mul3A_146 : vector<128x128xf32>
    %slice3A_148 = vector.extract_strided_slice %get3A_123 {offsets = [3, 3], sizes = [1, 1], strides = [1, 1]} : vector<8x4xf32> to vector<1x1xf32>
    %squeeze3A_149 = vector.extract %slice3A_148[0, 0] : f32 from vector<1x1xf32>
    %slice3A_150 = vector.extract_strided_slice %get3A_127 {offsets = [3, 0, 0], sizes = [1, 128, 128], strides = [1, 1, 1]} : vector<4x128x128xf32> to vector<1x128x128xf32>
    %squeeze3A_151 = vector.shape_cast %slice3A_150 : vector<1x128x128xf32> to vector<128x128xf32>
    %mul3A_152 = vector.broadcast %squeeze3A_149 : f32 to vector<128x128xf32>
    %mul3A_153 = arith.mulf %mul3A_152, %squeeze3A_151 : vector<128x128xf32>
    %add3A_154 = arith.addf %add3A_147, %mul3A_153 : vector<128x128xf32>
    %dot_general3A_155 = arith.constant dense<0.000000e+00> : vector<400x128xf32>
    %dot_general3A_156 = tpu.matmul %mul3A_5, %add3A_154, %dot_general3A_155 {dimension_numbers = #tpu.dot_dimension_numbers<[1], [0], [0], [1], [0, 0, 1, 1], [], []>, transpose_lhs_hint = false} : vector<400x128xf32>, vector<128x128xf32>, vector<400x128xf32> -> vector<400x128xf32>
    %swap3A_157 = arith.constant 0 : index
    %swap3A_158 = arith.constant 384 : index
    %swap3A_159 = vector.load %arg7[%swap3A_157, %swap3A_158] : memref<400x1024xf32, #tpu.memory_space<vmem>>, vector<400x128xf32>
    tpu.vector_store %arg7[%swap3A_157, %swap3A_158], %dot_general3A_156 {strides = array<i32>} : memref<400x1024xf32, #tpu.memory_space<vmem>>, vector<400x128xf32>,
    %get3A_160 = arith.constant 0 : index
    %get3A_161 = arith.constant 0 : index
    %get3A_162 = vector.load %arg4[%get3A_160, %get3A_161] : memref<8x4xf32, #tpu.memory_space<vmem>>, vector<8x4xf32>
    %get3A_163 = arith.constant 0 : index
    %get3A_164 = arith.constant 0 : index
    %get3A_165 = arith.constant 0 : index
    %get3A_166 = vector.load %arg5[%get3A_163, %get3A_164, %get3A_165] : memref<4x128x128xf32, #tpu.memory_space<vmem>>, vector<4x128x128xf32>
    %slice3A_167 = vector.extract_strided_slice %get3A_162 {offsets = [4, 0], sizes = [1, 1], strides = [1, 1]} : vector<8x4xf32> to vector<1x1xf32>
    %squeeze3A_168 = vector.extract %slice3A_167[0, 0] : f32 from vector<1x1xf32>
    %slice3A_169 = vector.extract_strided_slice %get3A_166 {offsets = [0, 0, 0], sizes = [1, 128, 128], strides = [1, 1, 1]} : vector<4x128x128xf32> to vector<1x128x128xf32>
    %squeeze3A_170 = vector.shape_cast %slice3A_169 : vector<1x128x128xf32> to vector<128x128xf32>
    %mul3A_171 = vector.broadcast %squeeze3A_168 : f32 to vector<128x128xf32>
    %mul3A_172 = arith.mulf %mul3A_171, %squeeze3A_170 : vector<128x128xf32>
    %slice3A_173 = vector.extract_strided_slice %get3A_162 {offsets = [4, 1], sizes = [1, 1], strides = [1, 1]} : vector<8x4xf32> to vector<1x1xf32>
    %squeeze3A_174 = vector.extract %slice3A_173[0, 0] : f32 from vector<1x1xf32>
    %slice3A_175 = vector.extract_strided_slice %get3A_166 {offsets = [1, 0, 0], sizes = [1, 128, 128], strides = [1, 1, 1]} : vector<4x128x128xf32> to vector<1x128x128xf32>
    %squeeze3A_176 = vector.shape_cast %slice3A_175 : vector<1x128x128xf32> to vector<128x128xf32>
    %mul3A_177 = vector.broadcast %squeeze3A_174 : f32 to vector<128x128xf32>
    %mul3A_178 = arith.mulf %mul3A_177, %squeeze3A_176 : vector<128x128xf32>
    %add3A_179 = arith.addf %mul3A_172, %mul3A_178 : vector<128x128xf32>
    %slice3A_180 = vector.extract_strided_slice %get3A_162 {offsets = [4, 2], sizes = [1, 1], strides = [1, 1]} : vector<8x4xf32> to vector<1x1xf32>
    %squeeze3A_181 = vector.extract %slice3A_180[0, 0] : f32 from vector<1x1xf32>
    %slice3A_182 = vector.extract_strided_slice %get3A_166 {offsets = [2, 0, 0], sizes = [1, 128, 128], strides = [1, 1, 1]} : vector<4x128x128xf32> to vector<1x128x128xf32>
    %squeeze3A_183 = vector.shape_cast %slice3A_182 : vector<1x128x128xf32> to vector<128x128xf32>
    %mul3A_184 = vector.broadcast %squeeze3A_181 : f32 to vector<128x128xf32>
    %mul3A_185 = arith.mulf %mul3A_184, %squeeze3A_183 : vector<128x128xf32>
    %add3A_186 = arith.addf %add3A_179, %mul3A_185 : vector<128x128xf32>
    %slice3A_187 = vector.extract_strided_slice %get3A_162 {offsets = [4, 3], sizes = [1, 1], strides = [1, 1]} : vector<8x4xf32> to vector<1x1xf32>
    %squeeze3A_188 = vector.extract %slice3A_187[0, 0] : f32 from vector<1x1xf32>
    %slice3A_189 = vector.extract_strided_slice %get3A_166 {offsets = [3, 0, 0], sizes = [1, 128, 128], strides = [1, 1, 1]} : vector<4x128x128xf32> to vector<1x128x128xf32>
    %squeeze3A_190 = vector.shape_cast %slice3A_189 : vector<1x128x128xf32> to vector<128x128xf32>
    %mul3A_191 = vector.broadcast %squeeze3A_188 : f32 to vector<128x128xf32>
    %mul3A_192 = arith.mulf %mul3A_191, %squeeze3A_190 : vector<128x128xf32>
    %add3A_193 = arith.addf %add3A_186, %mul3A_192 : vector<128x128xf32>
    %dot_general3A_194 = arith.constant dense<0.000000e+00> : vector<400x128xf32>
    %dot_general3A_195 = tpu.matmul %mul3A_5, %add3A_193, %dot_general3A_194 {dimension_numbers = #tpu.dot_dimension_numbers<[1], [0], [0], [1], [0, 0, 1, 1], [], []>, transpose_lhs_hint = false} : vector<400x128xf32>, vector<128x128xf32>, vector<400x128xf32> -> vector<400x128xf32>
    %swap3A_196 = arith.constant 0 : index
    %swap3A_197 = arith.constant 512 : index
    %swap3A_198 = vector.load %arg7[%swap3A_196, %swap3A_197] : memref<400x1024xf32, #tpu.memory_space<vmem>>, vector<400x128xf32>
    tpu.vector_store %arg7[%swap3A_196, %swap3A_197], %dot_general3A_195 {strides = array<i32>} : memref<400x1024xf32, #tpu.memory_space<vmem>>, vector<400x128xf32>,
    %get3A_199 = arith.constant 0 : index
    %get3A_200 = arith.constant 0 : index
    %get3A_201 = vector.load %arg4[%get3A_199, %get3A_200] : memref<8x4xf32, #tpu.memory_space<vmem>>, vector<8x4xf32>
    %get3A_202 = arith.constant 0 : index
    %get3A_203 = arith.constant 0 : index
    %get3A_204 = arith.constant 0 : index
    %get3A_205 = vector.load %arg5[%get3A_202, %get3A_203, %get3A_204] : memref<4x128x128xf32, #tpu.memory_space<vmem>>, vector<4x128x128xf32>
    %slice3A_206 = vector.extract_strided_slice %get3A_201 {offsets = [5, 0], sizes = [1, 1], strides = [1, 1]} : vector<8x4xf32> to vector<1x1xf32>
    %squeeze3A_207 = vector.extract %slice3A_206[0, 0] : f32 from vector<1x1xf32>
    %slice3A_208 = vector.extract_strided_slice %get3A_205 {offsets = [0, 0, 0], sizes = [1, 128, 128], strides = [1, 1, 1]} : vector<4x128x128xf32> to vector<1x128x128xf32>
    %squeeze3A_209 = vector.shape_cast %slice3A_208 : vector<1x128x128xf32> to vector<128x128xf32>
    %mul3A_210 = vector.broadcast %squeeze3A_207 : f32 to vector<128x128xf32>
    %mul3A_211 = arith.mulf %mul3A_210, %squeeze3A_209 : vector<128x128xf32>
    %slice3A_212 = vector.extract_strided_slice %get3A_201 {offsets = [5, 1], sizes = [1, 1], strides = [1, 1]} : vector<8x4xf32> to vector<1x1xf32>
    %squeeze3A_213 = vector.extract %slice3A_212[0, 0] : f32 from vector<1x1xf32>
    %slice3A_214 = vector.extract_strided_slice %get3A_205 {offsets = [1, 0, 0], sizes = [1, 128, 128], strides = [1, 1, 1]} : vector<4x128x128xf32> to vector<1x128x128xf32>
    %squeeze3A_215 = vector.shape_cast %slice3A_214 : vector<1x128x128xf32> to vector<128x128xf32>
    %mul3A_216 = vector.broadcast %squeeze3A_213 : f32 to vector<128x128xf32>
    %mul3A_217 = arith.mulf %mul3A_216, %squeeze3A_215 : vector<128x128xf32>
    %add3A_218 = arith.addf %mul3A_211, %mul3A_217 : vector<128x128xf32>
    %slice3A_219 = vector.extract_strided_slice %get3A_201 {offsets = [5, 2], sizes = [1, 1], strides = [1, 1]} : vector<8x4xf32> to vector<1x1xf32>
    %squeeze3A_220 = vector.extract %slice3A_219[0, 0] : f32 from vector<1x1xf32>
    %slice3A_221 = vector.extract_strided_slice %get3A_205 {offsets = [2, 0, 0], sizes = [1, 128, 128], strides = [1, 1, 1]} : vector<4x128x128xf32> to vector<1x128x128xf32>
    %squeeze3A_222 = vector.shape_cast %slice3A_221 : vector<1x128x128xf32> to vector<128x128xf32>
    %mul3A_223 = vector.broadcast %squeeze3A_220 : f32 to vector<128x128xf32>
    %mul3A_224 = arith.mulf %mul3A_223, %squeeze3A_222 : vector<128x128xf32>
    %add3A_225 = arith.addf %add3A_218, %mul3A_224 : vector<128x128xf32>
    %slice3A_226 = vector.extract_strided_slice %get3A_201 {offsets = [5, 3], sizes = [1, 1], strides = [1, 1]} : vector<8x4xf32> to vector<1x1xf32>
    %squeeze3A_227 = vector.extract %slice3A_226[0, 0] : f32 from vector<1x1xf32>
    %slice3A_228 = vector.extract_strided_slice %get3A_205 {offsets = [3, 0, 0], sizes = [1, 128, 128], strides = [1, 1, 1]} : vector<4x128x128xf32> to vector<1x128x128xf32>
    %squeeze3A_229 = vector.shape_cast %slice3A_228 : vector<1x128x128xf32> to vector<128x128xf32>
    %mul3A_230 = vector.broadcast %squeeze3A_227 : f32 to vector<128x128xf32>
    %mul3A_231 = arith.mulf %mul3A_230, %squeeze3A_229 : vector<128x128xf32>
    %add3A_232 = arith.addf %add3A_225, %mul3A_231 : vector<128x128xf32>
    %dot_general3A_233 = arith.constant dense<0.000000e+00> : vector<400x128xf32>
    %dot_general3A_234 = tpu.matmul %mul3A_5, %add3A_232, %dot_general3A_233 {dimension_numbers = #tpu.dot_dimension_numbers<[1], [0], [0], [1], [0, 0, 1, 1], [], []>, transpose_lhs_hint = false} : vector<400x128xf32>, vector<128x128xf32>, vector<400x128xf32> -> vector<400x128xf32>
    %swap3A_235 = arith.constant 0 : index
    %swap3A_236 = arith.constant 640 : index
    %swap3A_237 = vector.load %arg7[%swap3A_235, %swap3A_236] : memref<400x1024xf32, #tpu.memory_space<vmem>>, vector<400x128xf32>
    tpu.vector_store %arg7[%swap3A_235, %swap3A_236], %dot_general3A_234 {strides = array<i32>} : memref<400x1024xf32, #tpu.memory_space<vmem>>, vector<400x128xf32>,
    %get3A_238 = arith.constant 0 : index
    %get3A_239 = arith.constant 0 : index
    %get3A_240 = vector.load %arg4[%get3A_238, %get3A_239] : memref<8x4xf32, #tpu.memory_space<vmem>>, vector<8x4xf32>
    %get3A_241 = arith.constant 0 : index
    %get3A_242 = arith.constant 0 : index
    %get3A_243 = arith.constant 0 : index
    %get3A_244 = vector.load %arg5[%get3A_241, %get3A_242, %get3A_243] : memref<4x128x128xf32, #tpu.memory_space<vmem>>, vector<4x128x128xf32>
    %slice3A_245 = vector.extract_strided_slice %get3A_240 {offsets = [6, 0], sizes = [1, 1], strides = [1, 1]} : vector<8x4xf32> to vector<1x1xf32>
    %squeeze3A_246 = vector.extract %slice3A_245[0, 0] : f32 from vector<1x1xf32>
    %slice3A_247 = vector.extract_strided_slice %get3A_244 {offsets = [0, 0, 0], sizes = [1, 128, 128], strides = [1, 1, 1]} : vector<4x128x128xf32> to vector<1x128x128xf32>
    %squeeze3A_248 = vector.shape_cast %slice3A_247 : vector<1x128x128xf32> to vector<128x128xf32>
    %mul3A_249 = vector.broadcast %squeeze3A_246 : f32 to vector<128x128xf32>
    %mul3A_250 = arith.mulf %mul3A_249, %squeeze3A_248 : vector<128x128xf32>
    %slice3A_251 = vector.extract_strided_slice %get3A_240 {offsets = [6, 1], sizes = [1, 1], strides = [1, 1]} : vector<8x4xf32> to vector<1x1xf32>
    %squeeze3A_252 = vector.extract %slice3A_251[0, 0] : f32 from vector<1x1xf32>
    %slice3A_253 = vector.extract_strided_slice %get3A_244 {offsets = [1, 0, 0], sizes = [1, 128, 128], strides = [1, 1, 1]} : vector<4x128x128xf32> to vector<1x128x128xf32>
    %squeeze3A_254 = vector.shape_cast %slice3A_253 : vector<1x128x128xf32> to vector<128x128xf32>
    %mul3A_255 = vector.broadcast %squeeze3A_252 : f32 to vector<128x128xf32>
    %mul3A_256 = arith.mulf %mul3A_255, %squeeze3A_254 : vector<128x128xf32>
    %add3A_257 = arith.addf %mul3A_250, %mul3A_256 : vector<128x128xf32>
    %slice3A_258 = vector.extract_strided_slice %get3A_240 {offsets = [6, 2], sizes = [1, 1], strides = [1, 1]} : vector<8x4xf32> to vector<1x1xf32>
    %squeeze3A_259 = vector.extract %slice3A_258[0, 0] : f32 from vector<1x1xf32>
    %slice3A_260 = vector.extract_strided_slice %get3A_244 {offsets = [2, 0, 0], sizes = [1, 128, 128], strides = [1, 1, 1]} : vector<4x128x128xf32> to vector<1x128x128xf32>
    %squeeze3A_261 = vector.shape_cast %slice3A_260 : vector<1x128x128xf32> to vector<128x128xf32>
    %mul3A_262 = vector.broadcast %squeeze3A_259 : f32 to vector<128x128xf32>
    %mul3A_263 = arith.mulf %mul3A_262, %squeeze3A_261 : vector<128x128xf32>
    %add3A_264 = arith.addf %add3A_257, %mul3A_263 : vector<128x128xf32>
    %slice3A_265 = vector.extract_strided_slice %get3A_240 {offsets = [6, 3], sizes = [1, 1], strides = [1, 1]} : vector<8x4xf32> to vector<1x1xf32>
    %squeeze3A_266 = vector.extract %slice3A_265[0, 0] : f32 from vector<1x1xf32>
    %slice3A_267 = vector.extract_strided_slice %get3A_244 {offsets = [3, 0, 0], sizes = [1, 128, 128], strides = [1, 1, 1]} : vector<4x128x128xf32> to vector<1x128x128xf32>
    %squeeze3A_268 = vector.shape_cast %slice3A_267 : vector<1x128x128xf32> to vector<128x128xf32>
    %mul3A_269 = vector.broadcast %squeeze3A_266 : f32 to vector<128x128xf32>
    %mul3A_270 = arith.mulf %mul3A_269, %squeeze3A_268 : vector<128x128xf32>
    %add3A_271 = arith.addf %add3A_264, %mul3A_270 : vector<128x128xf32>
    %dot_general3A_272 = arith.constant dense<0.000000e+00> : vector<400x128xf32>
    %dot_general3A_273 = tpu.matmul %mul3A_5, %add3A_271, %dot_general3A_272 {dimension_numbers = #tpu.dot_dimension_numbers<[1], [0], [0], [1], [0, 0, 1, 1], [], []>, transpose_lhs_hint = false} : vector<400x128xf32>, vector<128x128xf32>, vector<400x128xf32> -> vector<400x128xf32>
    %swap3A_274 = arith.constant 0 : index
    %swap3A_275 = arith.constant 768 : index
    %swap3A_276 = vector.load %arg7[%swap3A_274, %swap3A_275] : memref<400x1024xf32, #tpu.memory_space<vmem>>, vector<400x128xf32>
    tpu.vector_store %arg7[%swap3A_274, %swap3A_275], %dot_general3A_273 {strides = array<i32>} : memref<400x1024xf32, #tpu.memory_space<vmem>>, vector<400x128xf32>,
    %get3A_277 = arith.constant 0 : index
    %get3A_278 = arith.constant 0 : index
    %get3A_279 = vector.load %arg4[%get3A_277, %get3A_278] : memref<8x4xf32, #tpu.memory_space<vmem>>, vector<8x4xf32>
    %get3A_280 = arith.constant 0 : index
    %get3A_281 = arith.constant 0 : index
    %get3A_282 = arith.constant 0 : index
    %get3A_283 = vector.load %arg5[%get3A_280, %get3A_281, %get3A_282] : memref<4x128x128xf32, #tpu.memory_space<vmem>>, vector<4x128x128xf32>
    %slice3A_284 = vector.extract_strided_slice %get3A_279 {offsets = [7, 0], sizes = [1, 1], strides = [1, 1]} : vector<8x4xf32> to vector<1x1xf32>
    %squeeze3A_285 = vector.extract %slice3A_284[0, 0] : f32 from vector<1x1xf32>
    %slice3A_286 = vector.extract_strided_slice %get3A_283 {offsets = [0, 0, 0], sizes = [1, 128, 128], strides = [1, 1, 1]} : vector<4x128x128xf32> to vector<1x128x128xf32>
    %squeeze3A_287 = vector.shape_cast %slice3A_286 : vector<1x128x128xf32> to vector<128x128xf32>
    %mul3A_288 = vector.broadcast %squeeze3A_285 : f32 to vector<128x128xf32>
    %mul3A_289 = arith.mulf %mul3A_288, %squeeze3A_287 : vector<128x128xf32>
    %slice3A_290 = vector.extract_strided_slice %get3A_279 {offsets = [7, 1], sizes = [1, 1], strides = [1, 1]} : vector<8x4xf32> to vector<1x1xf32>
    %squeeze3A_291 = vector.extract %slice3A_290[0, 0] : f32 from vector<1x1xf32>
    %slice3A_292 = vector.extract_strided_slice %get3A_283 {offsets = [1, 0, 0], sizes = [1, 128, 128], strides = [1, 1, 1]} : vector<4x128x128xf32> to vector<1x128x128xf32>
    %squeeze3A_293 = vector.shape_cast %slice3A_292 : vector<1x128x128xf32> to vector<128x128xf32>
    %mul3A_294 = vector.broadcast %squeeze3A_291 : f32 to vector<128x128xf32>
    %mul3A_295 = arith.mulf %mul3A_294, %squeeze3A_293 : vector<128x128xf32>
    %add3A_296 = arith.addf %mul3A_289, %mul3A_295 : vector<128x128xf32>
    %slice3A_297 = vector.extract_strided_slice %get3A_279 {offsets = [7, 2], sizes = [1, 1], strides = [1, 1]} : vector<8x4xf32> to vector<1x1xf32>
    %squeeze3A_298 = vector.extract %slice3A_297[0, 0] : f32 from vector<1x1xf32>
    %slice3A_299 = vector.extract_strided_slice %get3A_283 {offsets = [2, 0, 0], sizes = [1, 128, 128], strides = [1, 1, 1]} : vector<4x128x128xf32> to vector<1x128x128xf32>
    %squeeze3A_300 = vector.shape_cast %slice3A_299 : vector<1x128x128xf32> to vector<128x128xf32>
    %mul3A_301 = vector.broadcast %squeeze3A_298 : f32 to vector<128x128xf32>
    %mul3A_302 = arith.mulf %mul3A_301, %squeeze3A_300 : vector<128x128xf32>
    %add3A_303 = arith.addf %add3A_296, %mul3A_302 : vector<128x128xf32>
    %slice3A_304 = vector.extract_strided_slice %get3A_279 {offsets = [7, 3], sizes = [1, 1], strides = [1, 1]} : vector<8x4xf32> to vector<1x1xf32>
    %squeeze3A_305 = vector.extract %slice3A_304[0, 0] : f32 from vector<1x1xf32>
    %slice3A_306 = vector.extract_strided_slice %get3A_283 {offsets = [3, 0, 0], sizes = [1, 128, 128], strides = [1, 1, 1]} : vector<4x128x128xf32> to vector<1x128x128xf32>
    %squeeze3A_307 = vector.shape_cast %slice3A_306 : vector<1x128x128xf32> to vector<128x128xf32>
    %mul3A_308 = vector.broadcast %squeeze3A_305 : f32 to vector<128x128xf32>
    %mul3A_309 = arith.mulf %mul3A_308, %squeeze3A_307 : vector<128x128xf32>
    %add3A_310 = arith.addf %add3A_303, %mul3A_309 : vector<128x128xf32>
    %dot_general3A_311 = arith.constant dense<0.000000e+00> : vector<400x128xf32>
    %dot_general3A_312 = tpu.matmul %mul3A_5, %add3A_310, %dot_general3A_311 {dimension_numbers = #tpu.dot_dimension_numbers<[1], [0], [0], [1], [0, 0, 1, 1], [], []>, transpose_lhs_hint = false} : vector<400x128xf32>, vector<128x128xf32>, vector<400x128xf32> -> vector<400x128xf32>
    %swap3A_313 = arith.constant 0 : index
    %swap3A_314 = arith.constant 896 : index
    %swap3A_315 = vector.load %arg7[%swap3A_313, %swap3A_314] : memref<400x1024xf32, #tpu.memory_space<vmem>>, vector<400x128xf32>
    tpu.vector_store %arg7[%swap3A_313, %swap3A_314], %dot_general3A_312 {strides = array<i32>} : memref<400x1024xf32, #tpu.memory_space<vmem>>, vector<400x128xf32>,
    %get3A_316 = arith.constant 0 : index
    %get3A_317 = arith.constant 0 : index
    %get3A_318 = arith.constant 0 : index
    %get3A_319 = vector.load %arg3[%get3A_316, %get3A_317, %get3A_318] : memref<32x400x8xf32, #tpu.memory_space<vmem>>, vector<32x400x8xf32>
    %reduce_sum3A = arith.constant dense<0.000000e+00> : vector<400x8xf32>
    %reduce_sum3A_320 = vector.multi_reduction <add>, %get3A_319, %reduce_sum3A [0] : vector<32x400x8xf32> to vector<400x8xf32>
    %max3A = arith.constant 1.000000e+00 : f32
    %max3A_321 = vector.broadcast %max3A : f32 to vector<400x8xf32>
    %max3A_322 = arith.maximumf %reduce_sum3A_320, %max3A_321 : vector<400x8xf32>
    %div3A = arith.constant 1.000000e+00 : f32
    %div3A_323 = vector.broadcast %div3A : f32 to vector<400x8xf32>
    %div3A_324 = arith.divf %div3A_323, %max3A_322 : vector<400x8xf32>
    %swap3A_325 = arith.constant 0 : index
    %swap3A_326 = arith.constant 0 : index
    %swap3A_327 = vector.load %arg8[%swap3A_325, %swap3A_326] : memref<400x8xf32, #tpu.memory_space<vmem>>, vector<400x8xf32>
    tpu.vector_store %arg8[%swap3A_325, %swap3A_326], %div3A_324 {strides = array<i32>} : memref<400x8xf32, #tpu.memory_space<vmem>>, vector<400x8xf32>,
    return
  }
  func.func @transform_0(%arg0: i32) -> (i32, i32) {
    %c0_i32 = arith.constant 0 : i32
    %c0_i32_0 = arith.constant 0 : i32
    return %arg0, %c0_i32 : i32, i32
  }
  func.func @transform_1(%arg0: i32) -> (i32, i32) {
    %c0_i32 = arith.constant 0 : i32
    %c0_i32_0 = arith.constant 0 : i32
    return %arg0, %c0_i32 : i32, i32
  }
  func.func @transform_2(%arg0: i32) -> (i32, i32, i32) {
    %c0_i32 = arith.constant 0 : i32
    %c0_i32_0 = arith.constant 0 : i32
    %c0_i32_1 = arith.constant 0 : i32
    return %c0_i32, %arg0, %c0_i32_0 : i32, i32, i32
  }
  func.func @transform_3(%arg0: i32) -> (i32, i32) {
    %c0_i32 = arith.constant 0 : i32
    %c0_i32_0 = arith.constant 0 : i32
    %c0_i32_1 = arith.constant 0 : i32
    return %c0_i32, %c0_i32_0 : i32, i32
  }
  func.func @transform_4(%arg0: i32) -> (i32, i32, i32) {
    %c0_i32 = arith.constant 0 : i32
    %c0_i32_0 = arith.constant 0 : i32
    %c0_i32_1 = arith.constant 0 : i32
    %c0_i32_2 = arith.constant 0 : i32
    return %c0_i32, %c0_i32_0, %c0_i32_1 : i32, i32, i32
  }
  func.func @transform_5(%arg0: i32) -> (i32, i32) {
    %c0_i32 = arith.constant 0 : i32
    %c0_i32_0 = arith.constant 0 : i32
    return %arg0, %c0_i32 : i32, i32
  }
  func.func @transform_6(%arg0: i32) -> (i32, i32) {
    %c0_i32 = arith.constant 0 : i32
    %c0_i32_0 = arith.constant 0 : i32
    return %arg0, %c0_i32 : i32, i32
  }
  func.func @transform_7(%arg0: i32) -> (i32, i32) {
    %c0_i32 = arith.constant 0 : i32
    %c0_i32_0 = arith.constant 0 : i32
    return %arg0, %c0_i32 : i32, i32
  }
}

module attributes {stable_mosaic.version = 14 : i64} {
  func.func @_mid_body(%arg0: i32, %arg1: memref<2x400x128xf32, #tpu.memory_space<vmem>>, %arg2: memref<400x128xf32, #tpu.memory_space<vmem>>, %arg3: memref<128x128xf32, #tpu.memory_space<vmem>>, %arg4: memref<1x128xf32, #tpu.memory_space<vmem>>, %arg5: memref<1x128xf32, #tpu.memory_space<vmem>>, %arg6: memref<1x128xf32, #tpu.memory_space<vmem>>, %arg7: memref<1x128xf32, #tpu.memory_space<vmem>>, %arg8: memref<1x128xf32, #tpu.memory_space<vmem>>, %arg9: memref<8x4xf32, #tpu.memory_space<vmem>>, %arg10: memref<4x128x128xf32, #tpu.memory_space<vmem>>, %arg11: memref<400x128xf32, #tpu.memory_space<vmem>>, %arg12: memref<400x1024xf32, #tpu.memory_space<vmem>>) attributes {dimension_semantics = [#tpu.dimension_semantics<arbitrary>], iteration_bounds = array<i64: 25>, scalar_prefetch = 0 : i64, scratch_operands = 0 : i64, tpu.core_type = #tpu.core_type<tc>, window_params = [{transform_indices = @transform_0, window_bounds = array<i64: 2, 400, 128>}, {transform_indices = @transform_1, window_bounds = array<i64: 400, 128>}, {pipeline_mode = #tpu.pipeline_mode<synchronous>, transform_indices = @transform_2, window_bounds = array<i64: 128, 128>}, {pipeline_mode = #tpu.pipeline_mode<synchronous>, transform_indices = @transform_3, window_bounds = array<i64: 1, 128>}, {pipeline_mode = #tpu.pipeline_mode<synchronous>, transform_indices = @transform_4, window_bounds = array<i64: 1, 128>}, {pipeline_mode = #tpu.pipeline_mode<synchronous>, transform_indices = @transform_5, window_bounds = array<i64: 1, 128>}, {pipeline_mode = #tpu.pipeline_mode<synchronous>, transform_indices = @transform_6, window_bounds = array<i64: 1, 128>}, {pipeline_mode = #tpu.pipeline_mode<synchronous>, transform_indices = @transform_7, window_bounds = array<i64: 1, 128>}, {pipeline_mode = #tpu.pipeline_mode<synchronous>, transform_indices = @transform_8, window_bounds = array<i64: 8, 4>}, {pipeline_mode = #tpu.pipeline_mode<synchronous>, transform_indices = @transform_9, window_bounds = array<i64: 4, 128, 128>}, {transform_indices = @transform_10, window_bounds = array<i64: 400, 128>}, {transform_indices = @transform_11, window_bounds = array<i64: 400, 1024>}]} {
    %get3A = arith.constant 0 : index
    %get3A_0 = arith.constant 0 : index
    %get3A_1 = arith.constant 0 : index
    %get3A_2 = vector.load %arg1[%get3A, %get3A_0, %get3A_1] : memref<2x400x128xf32, #tpu.memory_space<vmem>>, vector<2x400x128xf32>
    %get3A_3 = arith.constant 0 : index
    %get3A_4 = arith.constant 0 : index
    %get3A_5 = vector.load %arg2[%get3A_3, %get3A_4] : memref<400x128xf32, #tpu.memory_space<vmem>>, vector<400x128xf32>
    %get3A_6 = arith.constant 0 : index
    %get3A_7 = arith.constant 0 : index
    %get3A_8 = vector.load %arg3[%get3A_6, %get3A_7] : memref<128x128xf32, #tpu.memory_space<vmem>>, vector<128x128xf32>
    %get3A_9 = arith.constant 0 : index
    %get3A_10 = arith.constant 0 : index
    %get3A_11 = vector.load %arg4[%get3A_9, %get3A_10] : memref<1x128xf32, #tpu.memory_space<vmem>>, vector<1x128xf32>
    %get3A_12 = arith.constant 0 : index
    %get3A_13 = arith.constant 0 : index
    %get3A_14 = vector.load %arg5[%get3A_12, %get3A_13] : memref<1x128xf32, #tpu.memory_space<vmem>>, vector<1x128xf32>
    %get3A_15 = arith.constant 0 : index
    %get3A_16 = arith.constant 0 : index
    %get3A_17 = vector.load %arg6[%get3A_15, %get3A_16] : memref<1x128xf32, #tpu.memory_space<vmem>>, vector<1x128xf32>
    %get3A_18 = arith.constant 0 : index
    %get3A_19 = arith.constant 0 : index
    %get3A_20 = vector.load %arg7[%get3A_18, %get3A_19] : memref<1x128xf32, #tpu.memory_space<vmem>>, vector<1x128xf32>
    %get3A_21 = arith.constant 0 : index
    %get3A_22 = arith.constant 0 : index
    %get3A_23 = vector.load %arg8[%get3A_21, %get3A_22] : memref<1x128xf32, #tpu.memory_space<vmem>>, vector<1x128xf32>
    %slice3A = vector.extract_strided_slice %get3A_2 {offsets = [0, 0, 0], sizes = [1, 400, 128], strides = [1, 1, 1]} : vector<2x400x128xf32> to vector<1x400x128xf32>
    %squeeze3A = vector.shape_cast %slice3A : vector<1x400x128xf32> to vector<400x128xf32>
    %slice3A_24 = vector.extract_strided_slice %get3A_2 {offsets = [1, 0, 0], sizes = [1, 400, 128], strides = [1, 1, 1]} : vector<2x400x128xf32> to vector<1x400x128xf32>
    %squeeze3A_25 = vector.shape_cast %slice3A_24 : vector<1x400x128xf32> to vector<400x128xf32>
    %add3A = arith.addf %squeeze3A, %squeeze3A_25 : vector<400x128xf32>
    %dot_general3A = arith.constant dense<0.000000e+00> : vector<400x128xf32>
    %dot_general3A_26 = tpu.matmul %get3A_5, %get3A_8, %dot_general3A {dimension_numbers = #tpu.dot_dimension_numbers<[1], [0], [0], [1], [0, 0, 1, 1], [], []>, transpose_lhs_hint = false} : vector<400x128xf32>, vector<128x128xf32>, vector<400x128xf32> -> vector<400x128xf32>
    %add3A_27 = arith.addf %add3A, %dot_general3A_26 : vector<400x128xf32>
    %add3A_28 = vector.broadcast %get3A_11 : vector<1x128xf32> to vector<400x128xf32>
    %add3A_29 = arith.addf %add3A_27, %add3A_28 : vector<400x128xf32>
    %max3A = arith.constant 0.000000e+00 : f32
    %max3A_30 = vector.broadcast %max3A : f32 to vector<400x128xf32>
    %max3A_31 = arith.maximumf %add3A_29, %max3A_30 : vector<400x128xf32>
    %sub3A = vector.broadcast %get3A_20 : vector<1x128xf32> to vector<400x128xf32>
    %sub3A_32 = arith.subf %max3A_31, %sub3A : vector<400x128xf32>
    %add3A_33 = arith.constant 9.99999974E-6 : f32
    %add3A_34 = vector.broadcast %add3A_33 : f32 to vector<1x128xf32>
    %add3A_35 = arith.addf %get3A_23, %add3A_34 : vector<1x128xf32>
    %rsqrt3A = math.rsqrt %add3A_35 : vector<1x128xf32>
    %mul3A = vector.broadcast %rsqrt3A : vector<1x128xf32> to vector<400x128xf32>
    %mul3A_36 = arith.mulf %sub3A_32, %mul3A : vector<400x128xf32>
    %mul3A_37 = vector.broadcast %get3A_14 : vector<1x128xf32> to vector<400x128xf32>
    %mul3A_38 = arith.mulf %mul3A_36, %mul3A_37 : vector<400x128xf32>
    %add3A_39 = vector.broadcast %get3A_17 : vector<1x128xf32> to vector<400x128xf32>
    %add3A_40 = arith.addf %mul3A_38, %add3A_39 : vector<400x128xf32>
    %swap3A = arith.constant 0 : index
    %swap3A_41 = arith.constant 0 : index
    %swap3A_42 = vector.load %arg11[%swap3A, %swap3A_41] : memref<400x128xf32, #tpu.memory_space<vmem>>, vector<400x128xf32>
    tpu.vector_store %arg11[%swap3A, %swap3A_41], %add3A_40 {strides = array<i32>} : memref<400x128xf32, #tpu.memory_space<vmem>>, vector<400x128xf32>,
    %get3A_43 = arith.constant 0 : index
    %get3A_44 = arith.constant 0 : index
    %get3A_45 = vector.load %arg9[%get3A_43, %get3A_44] : memref<8x4xf32, #tpu.memory_space<vmem>>, vector<8x4xf32>
    %get3A_46 = arith.constant 0 : index
    %get3A_47 = arith.constant 0 : index
    %get3A_48 = arith.constant 0 : index
    %get3A_49 = vector.load %arg10[%get3A_46, %get3A_47, %get3A_48] : memref<4x128x128xf32, #tpu.memory_space<vmem>>, vector<4x128x128xf32>
    %slice3A_50 = vector.extract_strided_slice %get3A_45 {offsets = [0, 0], sizes = [1, 1], strides = [1, 1]} : vector<8x4xf32> to vector<1x1xf32>
    %squeeze3A_51 = vector.extract %slice3A_50[0, 0] : f32 from vector<1x1xf32>
    %slice3A_52 = vector.extract_strided_slice %get3A_49 {offsets = [0, 0, 0], sizes = [1, 128, 128], strides = [1, 1, 1]} : vector<4x128x128xf32> to vector<1x128x128xf32>
    %squeeze3A_53 = vector.shape_cast %slice3A_52 : vector<1x128x128xf32> to vector<128x128xf32>
    %mul3A_54 = vector.broadcast %squeeze3A_51 : f32 to vector<128x128xf32>
    %mul3A_55 = arith.mulf %mul3A_54, %squeeze3A_53 : vector<128x128xf32>
    %slice3A_56 = vector.extract_strided_slice %get3A_45 {offsets = [0, 1], sizes = [1, 1], strides = [1, 1]} : vector<8x4xf32> to vector<1x1xf32>
    %squeeze3A_57 = vector.extract %slice3A_56[0, 0] : f32 from vector<1x1xf32>
    %slice3A_58 = vector.extract_strided_slice %get3A_49 {offsets = [1, 0, 0], sizes = [1, 128, 128], strides = [1, 1, 1]} : vector<4x128x128xf32> to vector<1x128x128xf32>
    %squeeze3A_59 = vector.shape_cast %slice3A_58 : vector<1x128x128xf32> to vector<128x128xf32>
    %mul3A_60 = vector.broadcast %squeeze3A_57 : f32 to vector<128x128xf32>
    %mul3A_61 = arith.mulf %mul3A_60, %squeeze3A_59 : vector<128x128xf32>
    %add3A_62 = arith.addf %mul3A_55, %mul3A_61 : vector<128x128xf32>
    %slice3A_63 = vector.extract_strided_slice %get3A_45 {offsets = [0, 2], sizes = [1, 1], strides = [1, 1]} : vector<8x4xf32> to vector<1x1xf32>
    %squeeze3A_64 = vector.extract %slice3A_63[0, 0] : f32 from vector<1x1xf32>
    %slice3A_65 = vector.extract_strided_slice %get3A_49 {offsets = [2, 0, 0], sizes = [1, 128, 128], strides = [1, 1, 1]} : vector<4x128x128xf32> to vector<1x128x128xf32>
    %squeeze3A_66 = vector.shape_cast %slice3A_65 : vector<1x128x128xf32> to vector<128x128xf32>
    %mul3A_67 = vector.broadcast %squeeze3A_64 : f32 to vector<128x128xf32>
    %mul3A_68 = arith.mulf %mul3A_67, %squeeze3A_66 : vector<128x128xf32>
    %add3A_69 = arith.addf %add3A_62, %mul3A_68 : vector<128x128xf32>
    %slice3A_70 = vector.extract_strided_slice %get3A_45 {offsets = [0, 3], sizes = [1, 1], strides = [1, 1]} : vector<8x4xf32> to vector<1x1xf32>
    %squeeze3A_71 = vector.extract %slice3A_70[0, 0] : f32 from vector<1x1xf32>
    %slice3A_72 = vector.extract_strided_slice %get3A_49 {offsets = [3, 0, 0], sizes = [1, 128, 128], strides = [1, 1, 1]} : vector<4x128x128xf32> to vector<1x128x128xf32>
    %squeeze3A_73 = vector.shape_cast %slice3A_72 : vector<1x128x128xf32> to vector<128x128xf32>
    %mul3A_74 = vector.broadcast %squeeze3A_71 : f32 to vector<128x128xf32>
    %mul3A_75 = arith.mulf %mul3A_74, %squeeze3A_73 : vector<128x128xf32>
    %add3A_76 = arith.addf %add3A_69, %mul3A_75 : vector<128x128xf32>
    %dot_general3A_77 = arith.constant dense<0.000000e+00> : vector<400x128xf32>
    %dot_general3A_78 = tpu.matmul %add3A_40, %add3A_76, %dot_general3A_77 {dimension_numbers = #tpu.dot_dimension_numbers<[1], [0], [0], [1], [0, 0, 1, 1], [], []>, transpose_lhs_hint = false} : vector<400x128xf32>, vector<128x128xf32>, vector<400x128xf32> -> vector<400x128xf32>
    %swap3A_79 = arith.constant 0 : index
    %swap3A_80 = arith.constant 0 : index
    %swap3A_81 = vector.load %arg12[%swap3A_79, %swap3A_80] : memref<400x1024xf32, #tpu.memory_space<vmem>>, vector<400x128xf32>
    tpu.vector_store %arg12[%swap3A_79, %swap3A_80], %dot_general3A_78 {strides = array<i32>} : memref<400x1024xf32, #tpu.memory_space<vmem>>, vector<400x128xf32>,
    %get3A_82 = arith.constant 0 : index
    %get3A_83 = arith.constant 0 : index
    %get3A_84 = vector.load %arg9[%get3A_82, %get3A_83] : memref<8x4xf32, #tpu.memory_space<vmem>>, vector<8x4xf32>
    %get3A_85 = arith.constant 0 : index
    %get3A_86 = arith.constant 0 : index
    %get3A_87 = arith.constant 0 : index
    %get3A_88 = vector.load %arg10[%get3A_85, %get3A_86, %get3A_87] : memref<4x128x128xf32, #tpu.memory_space<vmem>>, vector<4x128x128xf32>
    %slice3A_89 = vector.extract_strided_slice %get3A_84 {offsets = [1, 0], sizes = [1, 1], strides = [1, 1]} : vector<8x4xf32> to vector<1x1xf32>
    %squeeze3A_90 = vector.extract %slice3A_89[0, 0] : f32 from vector<1x1xf32>
    %slice3A_91 = vector.extract_strided_slice %get3A_88 {offsets = [0, 0, 0], sizes = [1, 128, 128], strides = [1, 1, 1]} : vector<4x128x128xf32> to vector<1x128x128xf32>
    %squeeze3A_92 = vector.shape_cast %slice3A_91 : vector<1x128x128xf32> to vector<128x128xf32>
    %mul3A_93 = vector.broadcast %squeeze3A_90 : f32 to vector<128x128xf32>
    %mul3A_94 = arith.mulf %mul3A_93, %squeeze3A_92 : vector<128x128xf32>
    %slice3A_95 = vector.extract_strided_slice %get3A_84 {offsets = [1, 1], sizes = [1, 1], strides = [1, 1]} : vector<8x4xf32> to vector<1x1xf32>
    %squeeze3A_96 = vector.extract %slice3A_95[0, 0] : f32 from vector<1x1xf32>
    %slice3A_97 = vector.extract_strided_slice %get3A_88 {offsets = [1, 0, 0], sizes = [1, 128, 128], strides = [1, 1, 1]} : vector<4x128x128xf32> to vector<1x128x128xf32>
    %squeeze3A_98 = vector.shape_cast %slice3A_97 : vector<1x128x128xf32> to vector<128x128xf32>
    %mul3A_99 = vector.broadcast %squeeze3A_96 : f32 to vector<128x128xf32>
    %mul3A_100 = arith.mulf %mul3A_99, %squeeze3A_98 : vector<128x128xf32>
    %add3A_101 = arith.addf %mul3A_94, %mul3A_100 : vector<128x128xf32>
    %slice3A_102 = vector.extract_strided_slice %get3A_84 {offsets = [1, 2], sizes = [1, 1], strides = [1, 1]} : vector<8x4xf32> to vector<1x1xf32>
    %squeeze3A_103 = vector.extract %slice3A_102[0, 0] : f32 from vector<1x1xf32>
    %slice3A_104 = vector.extract_strided_slice %get3A_88 {offsets = [2, 0, 0], sizes = [1, 128, 128], strides = [1, 1, 1]} : vector<4x128x128xf32> to vector<1x128x128xf32>
    %squeeze3A_105 = vector.shape_cast %slice3A_104 : vector<1x128x128xf32> to vector<128x128xf32>
    %mul3A_106 = vector.broadcast %squeeze3A_103 : f32 to vector<128x128xf32>
    %mul3A_107 = arith.mulf %mul3A_106, %squeeze3A_105 : vector<128x128xf32>
    %add3A_108 = arith.addf %add3A_101, %mul3A_107 : vector<128x128xf32>
    %slice3A_109 = vector.extract_strided_slice %get3A_84 {offsets = [1, 3], sizes = [1, 1], strides = [1, 1]} : vector<8x4xf32> to vector<1x1xf32>
    %squeeze3A_110 = vector.extract %slice3A_109[0, 0] : f32 from vector<1x1xf32>
    %slice3A_111 = vector.extract_strided_slice %get3A_88 {offsets = [3, 0, 0], sizes = [1, 128, 128], strides = [1, 1, 1]} : vector<4x128x128xf32> to vector<1x128x128xf32>
    %squeeze3A_112 = vector.shape_cast %slice3A_111 : vector<1x128x128xf32> to vector<128x128xf32>
    %mul3A_113 = vector.broadcast %squeeze3A_110 : f32 to vector<128x128xf32>
    %mul3A_114 = arith.mulf %mul3A_113, %squeeze3A_112 : vector<128x128xf32>
    %add3A_115 = arith.addf %add3A_108, %mul3A_114 : vector<128x128xf32>
    %dot_general3A_116 = arith.constant dense<0.000000e+00> : vector<400x128xf32>
    %dot_general3A_117 = tpu.matmul %add3A_40, %add3A_115, %dot_general3A_116 {dimension_numbers = #tpu.dot_dimension_numbers<[1], [0], [0], [1], [0, 0, 1, 1], [], []>, transpose_lhs_hint = false} : vector<400x128xf32>, vector<128x128xf32>, vector<400x128xf32> -> vector<400x128xf32>
    %swap3A_118 = arith.constant 0 : index
    %swap3A_119 = arith.constant 128 : index
    %swap3A_120 = vector.load %arg12[%swap3A_118, %swap3A_119] : memref<400x1024xf32, #tpu.memory_space<vmem>>, vector<400x128xf32>
    tpu.vector_store %arg12[%swap3A_118, %swap3A_119], %dot_general3A_117 {strides = array<i32>} : memref<400x1024xf32, #tpu.memory_space<vmem>>, vector<400x128xf32>,
    %get3A_121 = arith.constant 0 : index
    %get3A_122 = arith.constant 0 : index
    %get3A_123 = vector.load %arg9[%get3A_121, %get3A_122] : memref<8x4xf32, #tpu.memory_space<vmem>>, vector<8x4xf32>
    %get3A_124 = arith.constant 0 : index
    %get3A_125 = arith.constant 0 : index
    %get3A_126 = arith.constant 0 : index
    %get3A_127 = vector.load %arg10[%get3A_124, %get3A_125, %get3A_126] : memref<4x128x128xf32, #tpu.memory_space<vmem>>, vector<4x128x128xf32>
    %slice3A_128 = vector.extract_strided_slice %get3A_123 {offsets = [2, 0], sizes = [1, 1], strides = [1, 1]} : vector<8x4xf32> to vector<1x1xf32>
    %squeeze3A_129 = vector.extract %slice3A_128[0, 0] : f32 from vector<1x1xf32>
    %slice3A_130 = vector.extract_strided_slice %get3A_127 {offsets = [0, 0, 0], sizes = [1, 128, 128], strides = [1, 1, 1]} : vector<4x128x128xf32> to vector<1x128x128xf32>
    %squeeze3A_131 = vector.shape_cast %slice3A_130 : vector<1x128x128xf32> to vector<128x128xf32>
    %mul3A_132 = vector.broadcast %squeeze3A_129 : f32 to vector<128x128xf32>
    %mul3A_133 = arith.mulf %mul3A_132, %squeeze3A_131 : vector<128x128xf32>
    %slice3A_134 = vector.extract_strided_slice %get3A_123 {offsets = [2, 1], sizes = [1, 1], strides = [1, 1]} : vector<8x4xf32> to vector<1x1xf32>
    %squeeze3A_135 = vector.extract %slice3A_134[0, 0] : f32 from vector<1x1xf32>
    %slice3A_136 = vector.extract_strided_slice %get3A_127 {offsets = [1, 0, 0], sizes = [1, 128, 128], strides = [1, 1, 1]} : vector<4x128x128xf32> to vector<1x128x128xf32>
    %squeeze3A_137 = vector.shape_cast %slice3A_136 : vector<1x128x128xf32> to vector<128x128xf32>
    %mul3A_138 = vector.broadcast %squeeze3A_135 : f32 to vector<128x128xf32>
    %mul3A_139 = arith.mulf %mul3A_138, %squeeze3A_137 : vector<128x128xf32>
    %add3A_140 = arith.addf %mul3A_133, %mul3A_139 : vector<128x128xf32>
    %slice3A_141 = vector.extract_strided_slice %get3A_123 {offsets = [2, 2], sizes = [1, 1], strides = [1, 1]} : vector<8x4xf32> to vector<1x1xf32>
    %squeeze3A_142 = vector.extract %slice3A_141[0, 0] : f32 from vector<1x1xf32>
    %slice3A_143 = vector.extract_strided_slice %get3A_127 {offsets = [2, 0, 0], sizes = [1, 128, 128], strides = [1, 1, 1]} : vector<4x128x128xf32> to vector<1x128x128xf32>
    %squeeze3A_144 = vector.shape_cast %slice3A_143 : vector<1x128x128xf32> to vector<128x128xf32>
    %mul3A_145 = vector.broadcast %squeeze3A_142 : f32 to vector<128x128xf32>
    %mul3A_146 = arith.mulf %mul3A_145, %squeeze3A_144 : vector<128x128xf32>
    %add3A_147 = arith.addf %add3A_140, %mul3A_146 : vector<128x128xf32>
    %slice3A_148 = vector.extract_strided_slice %get3A_123 {offsets = [2, 3], sizes = [1, 1], strides = [1, 1]} : vector<8x4xf32> to vector<1x1xf32>
    %squeeze3A_149 = vector.extract %slice3A_148[0, 0] : f32 from vector<1x1xf32>
    %slice3A_150 = vector.extract_strided_slice %get3A_127 {offsets = [3, 0, 0], sizes = [1, 128, 128], strides = [1, 1, 1]} : vector<4x128x128xf32> to vector<1x128x128xf32>
    %squeeze3A_151 = vector.shape_cast %slice3A_150 : vector<1x128x128xf32> to vector<128x128xf32>
    %mul3A_152 = vector.broadcast %squeeze3A_149 : f32 to vector<128x128xf32>
    %mul3A_153 = arith.mulf %mul3A_152, %squeeze3A_151 : vector<128x128xf32>
    %add3A_154 = arith.addf %add3A_147, %mul3A_153 : vector<128x128xf32>
    %dot_general3A_155 = arith.constant dense<0.000000e+00> : vector<400x128xf32>
    %dot_general3A_156 = tpu.matmul %add3A_40, %add3A_154, %dot_general3A_155 {dimension_numbers = #tpu.dot_dimension_numbers<[1], [0], [0], [1], [0, 0, 1, 1], [], []>, transpose_lhs_hint = false} : vector<400x128xf32>, vector<128x128xf32>, vector<400x128xf32> -> vector<400x128xf32>
    %swap3A_157 = arith.constant 0 : index
    %swap3A_158 = arith.constant 256 : index
    %swap3A_159 = vector.load %arg12[%swap3A_157, %swap3A_158] : memref<400x1024xf32, #tpu.memory_space<vmem>>, vector<400x128xf32>
    tpu.vector_store %arg12[%swap3A_157, %swap3A_158], %dot_general3A_156 {strides = array<i32>} : memref<400x1024xf32, #tpu.memory_space<vmem>>, vector<400x128xf32>,
    %get3A_160 = arith.constant 0 : index
    %get3A_161 = arith.constant 0 : index
    %get3A_162 = vector.load %arg9[%get3A_160, %get3A_161] : memref<8x4xf32, #tpu.memory_space<vmem>>, vector<8x4xf32>
    %get3A_163 = arith.constant 0 : index
    %get3A_164 = arith.constant 0 : index
    %get3A_165 = arith.constant 0 : index
    %get3A_166 = vector.load %arg10[%get3A_163, %get3A_164, %get3A_165] : memref<4x128x128xf32, #tpu.memory_space<vmem>>, vector<4x128x128xf32>
    %slice3A_167 = vector.extract_strided_slice %get3A_162 {offsets = [3, 0], sizes = [1, 1], strides = [1, 1]} : vector<8x4xf32> to vector<1x1xf32>
    %squeeze3A_168 = vector.extract %slice3A_167[0, 0] : f32 from vector<1x1xf32>
    %slice3A_169 = vector.extract_strided_slice %get3A_166 {offsets = [0, 0, 0], sizes = [1, 128, 128], strides = [1, 1, 1]} : vector<4x128x128xf32> to vector<1x128x128xf32>
    %squeeze3A_170 = vector.shape_cast %slice3A_169 : vector<1x128x128xf32> to vector<128x128xf32>
    %mul3A_171 = vector.broadcast %squeeze3A_168 : f32 to vector<128x128xf32>
    %mul3A_172 = arith.mulf %mul3A_171, %squeeze3A_170 : vector<128x128xf32>
    %slice3A_173 = vector.extract_strided_slice %get3A_162 {offsets = [3, 1], sizes = [1, 1], strides = [1, 1]} : vector<8x4xf32> to vector<1x1xf32>
    %squeeze3A_174 = vector.extract %slice3A_173[0, 0] : f32 from vector<1x1xf32>
    %slice3A_175 = vector.extract_strided_slice %get3A_166 {offsets = [1, 0, 0], sizes = [1, 128, 128], strides = [1, 1, 1]} : vector<4x128x128xf32> to vector<1x128x128xf32>
    %squeeze3A_176 = vector.shape_cast %slice3A_175 : vector<1x128x128xf32> to vector<128x128xf32>
    %mul3A_177 = vector.broadcast %squeeze3A_174 : f32 to vector<128x128xf32>
    %mul3A_178 = arith.mulf %mul3A_177, %squeeze3A_176 : vector<128x128xf32>
    %add3A_179 = arith.addf %mul3A_172, %mul3A_178 : vector<128x128xf32>
    %slice3A_180 = vector.extract_strided_slice %get3A_162 {offsets = [3, 2], sizes = [1, 1], strides = [1, 1]} : vector<8x4xf32> to vector<1x1xf32>
    %squeeze3A_181 = vector.extract %slice3A_180[0, 0] : f32 from vector<1x1xf32>
    %slice3A_182 = vector.extract_strided_slice %get3A_166 {offsets = [2, 0, 0], sizes = [1, 128, 128], strides = [1, 1, 1]} : vector<4x128x128xf32> to vector<1x128x128xf32>
    %squeeze3A_183 = vector.shape_cast %slice3A_182 : vector<1x128x128xf32> to vector<128x128xf32>
    %mul3A_184 = vector.broadcast %squeeze3A_181 : f32 to vector<128x128xf32>
    %mul3A_185 = arith.mulf %mul3A_184, %squeeze3A_183 : vector<128x128xf32>
    %add3A_186 = arith.addf %add3A_179, %mul3A_185 : vector<128x128xf32>
    %slice3A_187 = vector.extract_strided_slice %get3A_162 {offsets = [3, 3], sizes = [1, 1], strides = [1, 1]} : vector<8x4xf32> to vector<1x1xf32>
    %squeeze3A_188 = vector.extract %slice3A_187[0, 0] : f32 from vector<1x1xf32>
    %slice3A_189 = vector.extract_strided_slice %get3A_166 {offsets = [3, 0, 0], sizes = [1, 128, 128], strides = [1, 1, 1]} : vector<4x128x128xf32> to vector<1x128x128xf32>
    %squeeze3A_190 = vector.shape_cast %slice3A_189 : vector<1x128x128xf32> to vector<128x128xf32>
    %mul3A_191 = vector.broadcast %squeeze3A_188 : f32 to vector<128x128xf32>
    %mul3A_192 = arith.mulf %mul3A_191, %squeeze3A_190 : vector<128x128xf32>
    %add3A_193 = arith.addf %add3A_186, %mul3A_192 : vector<128x128xf32>
    %dot_general3A_194 = arith.constant dense<0.000000e+00> : vector<400x128xf32>
    %dot_general3A_195 = tpu.matmul %add3A_40, %add3A_193, %dot_general3A_194 {dimension_numbers = #tpu.dot_dimension_numbers<[1], [0], [0], [1], [0, 0, 1, 1], [], []>, transpose_lhs_hint = false} : vector<400x128xf32>, vector<128x128xf32>, vector<400x128xf32> -> vector<400x128xf32>
    %swap3A_196 = arith.constant 0 : index
    %swap3A_197 = arith.constant 384 : index
    %swap3A_198 = vector.load %arg12[%swap3A_196, %swap3A_197] : memref<400x1024xf32, #tpu.memory_space<vmem>>, vector<400x128xf32>
    tpu.vector_store %arg12[%swap3A_196, %swap3A_197], %dot_general3A_195 {strides = array<i32>} : memref<400x1024xf32, #tpu.memory_space<vmem>>, vector<400x128xf32>,
    %get3A_199 = arith.constant 0 : index
    %get3A_200 = arith.constant 0 : index
    %get3A_201 = vector.load %arg9[%get3A_199, %get3A_200] : memref<8x4xf32, #tpu.memory_space<vmem>>, vector<8x4xf32>
    %get3A_202 = arith.constant 0 : index
    %get3A_203 = arith.constant 0 : index
    %get3A_204 = arith.constant 0 : index
    %get3A_205 = vector.load %arg10[%get3A_202, %get3A_203, %get3A_204] : memref<4x128x128xf32, #tpu.memory_space<vmem>>, vector<4x128x128xf32>
    %slice3A_206 = vector.extract_strided_slice %get3A_201 {offsets = [4, 0], sizes = [1, 1], strides = [1, 1]} : vector<8x4xf32> to vector<1x1xf32>
    %squeeze3A_207 = vector.extract %slice3A_206[0, 0] : f32 from vector<1x1xf32>
    %slice3A_208 = vector.extract_strided_slice %get3A_205 {offsets = [0, 0, 0], sizes = [1, 128, 128], strides = [1, 1, 1]} : vector<4x128x128xf32> to vector<1x128x128xf32>
    %squeeze3A_209 = vector.shape_cast %slice3A_208 : vector<1x128x128xf32> to vector<128x128xf32>
    %mul3A_210 = vector.broadcast %squeeze3A_207 : f32 to vector<128x128xf32>
    %mul3A_211 = arith.mulf %mul3A_210, %squeeze3A_209 : vector<128x128xf32>
    %slice3A_212 = vector.extract_strided_slice %get3A_201 {offsets = [4, 1], sizes = [1, 1], strides = [1, 1]} : vector<8x4xf32> to vector<1x1xf32>
    %squeeze3A_213 = vector.extract %slice3A_212[0, 0] : f32 from vector<1x1xf32>
    %slice3A_214 = vector.extract_strided_slice %get3A_205 {offsets = [1, 0, 0], sizes = [1, 128, 128], strides = [1, 1, 1]} : vector<4x128x128xf32> to vector<1x128x128xf32>
    %squeeze3A_215 = vector.shape_cast %slice3A_214 : vector<1x128x128xf32> to vector<128x128xf32>
    %mul3A_216 = vector.broadcast %squeeze3A_213 : f32 to vector<128x128xf32>
    %mul3A_217 = arith.mulf %mul3A_216, %squeeze3A_215 : vector<128x128xf32>
    %add3A_218 = arith.addf %mul3A_211, %mul3A_217 : vector<128x128xf32>
    %slice3A_219 = vector.extract_strided_slice %get3A_201 {offsets = [4, 2], sizes = [1, 1], strides = [1, 1]} : vector<8x4xf32> to vector<1x1xf32>
    %squeeze3A_220 = vector.extract %slice3A_219[0, 0] : f32 from vector<1x1xf32>
    %slice3A_221 = vector.extract_strided_slice %get3A_205 {offsets = [2, 0, 0], sizes = [1, 128, 128], strides = [1, 1, 1]} : vector<4x128x128xf32> to vector<1x128x128xf32>
    %squeeze3A_222 = vector.shape_cast %slice3A_221 : vector<1x128x128xf32> to vector<128x128xf32>
    %mul3A_223 = vector.broadcast %squeeze3A_220 : f32 to vector<128x128xf32>
    %mul3A_224 = arith.mulf %mul3A_223, %squeeze3A_222 : vector<128x128xf32>
    %add3A_225 = arith.addf %add3A_218, %mul3A_224 : vector<128x128xf32>
    %slice3A_226 = vector.extract_strided_slice %get3A_201 {offsets = [4, 3], sizes = [1, 1], strides = [1, 1]} : vector<8x4xf32> to vector<1x1xf32>
    %squeeze3A_227 = vector.extract %slice3A_226[0, 0] : f32 from vector<1x1xf32>
    %slice3A_228 = vector.extract_strided_slice %get3A_205 {offsets = [3, 0, 0], sizes = [1, 128, 128], strides = [1, 1, 1]} : vector<4x128x128xf32> to vector<1x128x128xf32>
    %squeeze3A_229 = vector.shape_cast %slice3A_228 : vector<1x128x128xf32> to vector<128x128xf32>
    %mul3A_230 = vector.broadcast %squeeze3A_227 : f32 to vector<128x128xf32>
    %mul3A_231 = arith.mulf %mul3A_230, %squeeze3A_229 : vector<128x128xf32>
    %add3A_232 = arith.addf %add3A_225, %mul3A_231 : vector<128x128xf32>
    %dot_general3A_233 = arith.constant dense<0.000000e+00> : vector<400x128xf32>
    %dot_general3A_234 = tpu.matmul %add3A_40, %add3A_232, %dot_general3A_233 {dimension_numbers = #tpu.dot_dimension_numbers<[1], [0], [0], [1], [0, 0, 1, 1], [], []>, transpose_lhs_hint = false} : vector<400x128xf32>, vector<128x128xf32>, vector<400x128xf32> -> vector<400x128xf32>
    %swap3A_235 = arith.constant 0 : index
    %swap3A_236 = arith.constant 512 : index
    %swap3A_237 = vector.load %arg12[%swap3A_235, %swap3A_236] : memref<400x1024xf32, #tpu.memory_space<vmem>>, vector<400x128xf32>
    tpu.vector_store %arg12[%swap3A_235, %swap3A_236], %dot_general3A_234 {strides = array<i32>} : memref<400x1024xf32, #tpu.memory_space<vmem>>, vector<400x128xf32>,
    %get3A_238 = arith.constant 0 : index
    %get3A_239 = arith.constant 0 : index
    %get3A_240 = vector.load %arg9[%get3A_238, %get3A_239] : memref<8x4xf32, #tpu.memory_space<vmem>>, vector<8x4xf32>
    %get3A_241 = arith.constant 0 : index
    %get3A_242 = arith.constant 0 : index
    %get3A_243 = arith.constant 0 : index
    %get3A_244 = vector.load %arg10[%get3A_241, %get3A_242, %get3A_243] : memref<4x128x128xf32, #tpu.memory_space<vmem>>, vector<4x128x128xf32>
    %slice3A_245 = vector.extract_strided_slice %get3A_240 {offsets = [5, 0], sizes = [1, 1], strides = [1, 1]} : vector<8x4xf32> to vector<1x1xf32>
    %squeeze3A_246 = vector.extract %slice3A_245[0, 0] : f32 from vector<1x1xf32>
    %slice3A_247 = vector.extract_strided_slice %get3A_244 {offsets = [0, 0, 0], sizes = [1, 128, 128], strides = [1, 1, 1]} : vector<4x128x128xf32> to vector<1x128x128xf32>
    %squeeze3A_248 = vector.shape_cast %slice3A_247 : vector<1x128x128xf32> to vector<128x128xf32>
    %mul3A_249 = vector.broadcast %squeeze3A_246 : f32 to vector<128x128xf32>
    %mul3A_250 = arith.mulf %mul3A_249, %squeeze3A_248 : vector<128x128xf32>
    %slice3A_251 = vector.extract_strided_slice %get3A_240 {offsets = [5, 1], sizes = [1, 1], strides = [1, 1]} : vector<8x4xf32> to vector<1x1xf32>
    %squeeze3A_252 = vector.extract %slice3A_251[0, 0] : f32 from vector<1x1xf32>
    %slice3A_253 = vector.extract_strided_slice %get3A_244 {offsets = [1, 0, 0], sizes = [1, 128, 128], strides = [1, 1, 1]} : vector<4x128x128xf32> to vector<1x128x128xf32>
    %squeeze3A_254 = vector.shape_cast %slice3A_253 : vector<1x128x128xf32> to vector<128x128xf32>
    %mul3A_255 = vector.broadcast %squeeze3A_252 : f32 to vector<128x128xf32>
    %mul3A_256 = arith.mulf %mul3A_255, %squeeze3A_254 : vector<128x128xf32>
    %add3A_257 = arith.addf %mul3A_250, %mul3A_256 : vector<128x128xf32>
    %slice3A_258 = vector.extract_strided_slice %get3A_240 {offsets = [5, 2], sizes = [1, 1], strides = [1, 1]} : vector<8x4xf32> to vector<1x1xf32>
    %squeeze3A_259 = vector.extract %slice3A_258[0, 0] : f32 from vector<1x1xf32>
    %slice3A_260 = vector.extract_strided_slice %get3A_244 {offsets = [2, 0, 0], sizes = [1, 128, 128], strides = [1, 1, 1]} : vector<4x128x128xf32> to vector<1x128x128xf32>
    %squeeze3A_261 = vector.shape_cast %slice3A_260 : vector<1x128x128xf32> to vector<128x128xf32>
    %mul3A_262 = vector.broadcast %squeeze3A_259 : f32 to vector<128x128xf32>
    %mul3A_263 = arith.mulf %mul3A_262, %squeeze3A_261 : vector<128x128xf32>
    %add3A_264 = arith.addf %add3A_257, %mul3A_263 : vector<128x128xf32>
    %slice3A_265 = vector.extract_strided_slice %get3A_240 {offsets = [5, 3], sizes = [1, 1], strides = [1, 1]} : vector<8x4xf32> to vector<1x1xf32>
    %squeeze3A_266 = vector.extract %slice3A_265[0, 0] : f32 from vector<1x1xf32>
    %slice3A_267 = vector.extract_strided_slice %get3A_244 {offsets = [3, 0, 0], sizes = [1, 128, 128], strides = [1, 1, 1]} : vector<4x128x128xf32> to vector<1x128x128xf32>
    %squeeze3A_268 = vector.shape_cast %slice3A_267 : vector<1x128x128xf32> to vector<128x128xf32>
    %mul3A_269 = vector.broadcast %squeeze3A_266 : f32 to vector<128x128xf32>
    %mul3A_270 = arith.mulf %mul3A_269, %squeeze3A_268 : vector<128x128xf32>
    %add3A_271 = arith.addf %add3A_264, %mul3A_270 : vector<128x128xf32>
    %dot_general3A_272 = arith.constant dense<0.000000e+00> : vector<400x128xf32>
    %dot_general3A_273 = tpu.matmul %add3A_40, %add3A_271, %dot_general3A_272 {dimension_numbers = #tpu.dot_dimension_numbers<[1], [0], [0], [1], [0, 0, 1, 1], [], []>, transpose_lhs_hint = false} : vector<400x128xf32>, vector<128x128xf32>, vector<400x128xf32> -> vector<400x128xf32>
    %swap3A_274 = arith.constant 0 : index
    %swap3A_275 = arith.constant 640 : index
    %swap3A_276 = vector.load %arg12[%swap3A_274, %swap3A_275] : memref<400x1024xf32, #tpu.memory_space<vmem>>, vector<400x128xf32>
    tpu.vector_store %arg12[%swap3A_274, %swap3A_275], %dot_general3A_273 {strides = array<i32>} : memref<400x1024xf32, #tpu.memory_space<vmem>>, vector<400x128xf32>,
    %get3A_277 = arith.constant 0 : index
    %get3A_278 = arith.constant 0 : index
    %get3A_279 = vector.load %arg9[%get3A_277, %get3A_278] : memref<8x4xf32, #tpu.memory_space<vmem>>, vector<8x4xf32>
    %get3A_280 = arith.constant 0 : index
    %get3A_281 = arith.constant 0 : index
    %get3A_282 = arith.constant 0 : index
    %get3A_283 = vector.load %arg10[%get3A_280, %get3A_281, %get3A_282] : memref<4x128x128xf32, #tpu.memory_space<vmem>>, vector<4x128x128xf32>
    %slice3A_284 = vector.extract_strided_slice %get3A_279 {offsets = [6, 0], sizes = [1, 1], strides = [1, 1]} : vector<8x4xf32> to vector<1x1xf32>
    %squeeze3A_285 = vector.extract %slice3A_284[0, 0] : f32 from vector<1x1xf32>
    %slice3A_286 = vector.extract_strided_slice %get3A_283 {offsets = [0, 0, 0], sizes = [1, 128, 128], strides = [1, 1, 1]} : vector<4x128x128xf32> to vector<1x128x128xf32>
    %squeeze3A_287 = vector.shape_cast %slice3A_286 : vector<1x128x128xf32> to vector<128x128xf32>
    %mul3A_288 = vector.broadcast %squeeze3A_285 : f32 to vector<128x128xf32>
    %mul3A_289 = arith.mulf %mul3A_288, %squeeze3A_287 : vector<128x128xf32>
    %slice3A_290 = vector.extract_strided_slice %get3A_279 {offsets = [6, 1], sizes = [1, 1], strides = [1, 1]} : vector<8x4xf32> to vector<1x1xf32>
    %squeeze3A_291 = vector.extract %slice3A_290[0, 0] : f32 from vector<1x1xf32>
    %slice3A_292 = vector.extract_strided_slice %get3A_283 {offsets = [1, 0, 0], sizes = [1, 128, 128], strides = [1, 1, 1]} : vector<4x128x128xf32> to vector<1x128x128xf32>
    %squeeze3A_293 = vector.shape_cast %slice3A_292 : vector<1x128x128xf32> to vector<128x128xf32>
    %mul3A_294 = vector.broadcast %squeeze3A_291 : f32 to vector<128x128xf32>
    %mul3A_295 = arith.mulf %mul3A_294, %squeeze3A_293 : vector<128x128xf32>
    %add3A_296 = arith.addf %mul3A_289, %mul3A_295 : vector<128x128xf32>
    %slice3A_297 = vector.extract_strided_slice %get3A_279 {offsets = [6, 2], sizes = [1, 1], strides = [1, 1]} : vector<8x4xf32> to vector<1x1xf32>
    %squeeze3A_298 = vector.extract %slice3A_297[0, 0] : f32 from vector<1x1xf32>
    %slice3A_299 = vector.extract_strided_slice %get3A_283 {offsets = [2, 0, 0], sizes = [1, 128, 128], strides = [1, 1, 1]} : vector<4x128x128xf32> to vector<1x128x128xf32>
    %squeeze3A_300 = vector.shape_cast %slice3A_299 : vector<1x128x128xf32> to vector<128x128xf32>
    %mul3A_301 = vector.broadcast %squeeze3A_298 : f32 to vector<128x128xf32>
    %mul3A_302 = arith.mulf %mul3A_301, %squeeze3A_300 : vector<128x128xf32>
    %add3A_303 = arith.addf %add3A_296, %mul3A_302 : vector<128x128xf32>
    %slice3A_304 = vector.extract_strided_slice %get3A_279 {offsets = [6, 3], sizes = [1, 1], strides = [1, 1]} : vector<8x4xf32> to vector<1x1xf32>
    %squeeze3A_305 = vector.extract %slice3A_304[0, 0] : f32 from vector<1x1xf32>
    %slice3A_306 = vector.extract_strided_slice %get3A_283 {offsets = [3, 0, 0], sizes = [1, 128, 128], strides = [1, 1, 1]} : vector<4x128x128xf32> to vector<1x128x128xf32>
    %squeeze3A_307 = vector.shape_cast %slice3A_306 : vector<1x128x128xf32> to vector<128x128xf32>
    %mul3A_308 = vector.broadcast %squeeze3A_305 : f32 to vector<128x128xf32>
    %mul3A_309 = arith.mulf %mul3A_308, %squeeze3A_307 : vector<128x128xf32>
    %add3A_310 = arith.addf %add3A_303, %mul3A_309 : vector<128x128xf32>
    %dot_general3A_311 = arith.constant dense<0.000000e+00> : vector<400x128xf32>
    %dot_general3A_312 = tpu.matmul %add3A_40, %add3A_310, %dot_general3A_311 {dimension_numbers = #tpu.dot_dimension_numbers<[1], [0], [0], [1], [0, 0, 1, 1], [], []>, transpose_lhs_hint = false} : vector<400x128xf32>, vector<128x128xf32>, vector<400x128xf32> -> vector<400x128xf32>
    %swap3A_313 = arith.constant 0 : index
    %swap3A_314 = arith.constant 768 : index
    %swap3A_315 = vector.load %arg12[%swap3A_313, %swap3A_314] : memref<400x1024xf32, #tpu.memory_space<vmem>>, vector<400x128xf32>
    tpu.vector_store %arg12[%swap3A_313, %swap3A_314], %dot_general3A_312 {strides = array<i32>} : memref<400x1024xf32, #tpu.memory_space<vmem>>, vector<400x128xf32>,
    %get3A_316 = arith.constant 0 : index
    %get3A_317 = arith.constant 0 : index
    %get3A_318 = vector.load %arg9[%get3A_316, %get3A_317] : memref<8x4xf32, #tpu.memory_space<vmem>>, vector<8x4xf32>
    %get3A_319 = arith.constant 0 : index
    %get3A_320 = arith.constant 0 : index
    %get3A_321 = arith.constant 0 : index
    %get3A_322 = vector.load %arg10[%get3A_319, %get3A_320, %get3A_321] : memref<4x128x128xf32, #tpu.memory_space<vmem>>, vector<4x128x128xf32>
    %slice3A_323 = vector.extract_strided_slice %get3A_318 {offsets = [7, 0], sizes = [1, 1], strides = [1, 1]} : vector<8x4xf32> to vector<1x1xf32>
    %squeeze3A_324 = vector.extract %slice3A_323[0, 0] : f32 from vector<1x1xf32>
    %slice3A_325 = vector.extract_strided_slice %get3A_322 {offsets = [0, 0, 0], sizes = [1, 128, 128], strides = [1, 1, 1]} : vector<4x128x128xf32> to vector<1x128x128xf32>
    %squeeze3A_326 = vector.shape_cast %slice3A_325 : vector<1x128x128xf32> to vector<128x128xf32>
    %mul3A_327 = vector.broadcast %squeeze3A_324 : f32 to vector<128x128xf32>
    %mul3A_328 = arith.mulf %mul3A_327, %squeeze3A_326 : vector<128x128xf32>
    %slice3A_329 = vector.extract_strided_slice %get3A_318 {offsets = [7, 1], sizes = [1, 1], strides = [1, 1]} : vector<8x4xf32> to vector<1x1xf32>
    %squeeze3A_330 = vector.extract %slice3A_329[0, 0] : f32 from vector<1x1xf32>
    %slice3A_331 = vector.extract_strided_slice %get3A_322 {offsets = [1, 0, 0], sizes = [1, 128, 128], strides = [1, 1, 1]} : vector<4x128x128xf32> to vector<1x128x128xf32>
    %squeeze3A_332 = vector.shape_cast %slice3A_331 : vector<1x128x128xf32> to vector<128x128xf32>
    %mul3A_333 = vector.broadcast %squeeze3A_330 : f32 to vector<128x128xf32>
    %mul3A_334 = arith.mulf %mul3A_333, %squeeze3A_332 : vector<128x128xf32>
    %add3A_335 = arith.addf %mul3A_328, %mul3A_334 : vector<128x128xf32>
    %slice3A_336 = vector.extract_strided_slice %get3A_318 {offsets = [7, 2], sizes = [1, 1], strides = [1, 1]} : vector<8x4xf32> to vector<1x1xf32>
    %squeeze3A_337 = vector.extract %slice3A_336[0, 0] : f32 from vector<1x1xf32>
    %slice3A_338 = vector.extract_strided_slice %get3A_322 {offsets = [2, 0, 0], sizes = [1, 128, 128], strides = [1, 1, 1]} : vector<4x128x128xf32> to vector<1x128x128xf32>
    %squeeze3A_339 = vector.shape_cast %slice3A_338 : vector<1x128x128xf32> to vector<128x128xf32>
    %mul3A_340 = vector.broadcast %squeeze3A_337 : f32 to vector<128x128xf32>
    %mul3A_341 = arith.mulf %mul3A_340, %squeeze3A_339 : vector<128x128xf32>
    %add3A_342 = arith.addf %add3A_335, %mul3A_341 : vector<128x128xf32>
    %slice3A_343 = vector.extract_strided_slice %get3A_318 {offsets = [7, 3], sizes = [1, 1], strides = [1, 1]} : vector<8x4xf32> to vector<1x1xf32>
    %squeeze3A_344 = vector.extract %slice3A_343[0, 0] : f32 from vector<1x1xf32>
    %slice3A_345 = vector.extract_strided_slice %get3A_322 {offsets = [3, 0, 0], sizes = [1, 128, 128], strides = [1, 1, 1]} : vector<4x128x128xf32> to vector<1x128x128xf32>
    %squeeze3A_346 = vector.shape_cast %slice3A_345 : vector<1x128x128xf32> to vector<128x128xf32>
    %mul3A_347 = vector.broadcast %squeeze3A_344 : f32 to vector<128x128xf32>
    %mul3A_348 = arith.mulf %mul3A_347, %squeeze3A_346 : vector<128x128xf32>
    %add3A_349 = arith.addf %add3A_342, %mul3A_348 : vector<128x128xf32>
    %dot_general3A_350 = arith.constant dense<0.000000e+00> : vector<400x128xf32>
    %dot_general3A_351 = tpu.matmul %add3A_40, %add3A_349, %dot_general3A_350 {dimension_numbers = #tpu.dot_dimension_numbers<[1], [0], [0], [1], [0, 0, 1, 1], [], []>, transpose_lhs_hint = false} : vector<400x128xf32>, vector<128x128xf32>, vector<400x128xf32> -> vector<400x128xf32>
    %swap3A_352 = arith.constant 0 : index
    %swap3A_353 = arith.constant 896 : index
    %swap3A_354 = vector.load %arg12[%swap3A_352, %swap3A_353] : memref<400x1024xf32, #tpu.memory_space<vmem>>, vector<400x128xf32>
    tpu.vector_store %arg12[%swap3A_352, %swap3A_353], %dot_general3A_351 {strides = array<i32>} : memref<400x1024xf32, #tpu.memory_space<vmem>>, vector<400x128xf32>,
    return
  }
  func.func @transform_0(%arg0: i32) -> (i32, i32, i32) {
    %c0_i32 = arith.constant 0 : i32
    %c0_i32_0 = arith.constant 0 : i32
    %c0_i32_1 = arith.constant 0 : i32
    return %c0_i32, %arg0, %c0_i32_0 : i32, i32, i32
  }
  func.func @transform_1(%arg0: i32) -> (i32, i32) {
    %c0_i32 = arith.constant 0 : i32
    %c0_i32_0 = arith.constant 0 : i32
    return %arg0, %c0_i32 : i32, i32
  }
  func.func @transform_2(%arg0: i32) -> (i32, i32) {
    %c0_i32 = arith.constant 0 : i32
    %c0_i32_0 = arith.constant 0 : i32
    %c0_i32_1 = arith.constant 0 : i32
    return %c0_i32, %c0_i32_0 : i32, i32
  }
  func.func @transform_3(%arg0: i32) -> (i32, i32) {
    %c0_i32 = arith.constant 0 : i32
    %c0_i32_0 = arith.constant 0 : i32
    %c0_i32_1 = arith.constant 0 : i32
    return %c0_i32, %c0_i32_0 : i32, i32
  }
  func.func @transform_4(%arg0: i32) -> (i32, i32) {
    %c0_i32 = arith.constant 0 : i32
    %c0_i32_0 = arith.constant 0 : i32
    %c0_i32_1 = arith.constant 0 : i32
    return %c0_i32, %c0_i32_0 : i32, i32
  }
  func.func @transform_5(%arg0: i32) -> (i32, i32) {
    %c0_i32 = arith.constant 0 : i32
    %c0_i32_0 = arith.constant 0 : i32
    %c0_i32_1 = arith.constant 0 : i32
    return %c0_i32, %c0_i32_0 : i32, i32
  }
  func.func @transform_6(%arg0: i32) -> (i32, i32) {
    %c0_i32 = arith.constant 0 : i32
    %c0_i32_0 = arith.constant 0 : i32
    %c0_i32_1 = arith.constant 0 : i32
    return %c0_i32, %c0_i32_0 : i32, i32
  }
  func.func @transform_7(%arg0: i32) -> (i32, i32) {
    %c0_i32 = arith.constant 0 : i32
    %c0_i32_0 = arith.constant 0 : i32
    %c0_i32_1 = arith.constant 0 : i32
    return %c0_i32, %c0_i32_0 : i32, i32
  }
  func.func @transform_8(%arg0: i32) -> (i32, i32) {
    %c0_i32 = arith.constant 0 : i32
    %c0_i32_0 = arith.constant 0 : i32
    %c0_i32_1 = arith.constant 0 : i32
    return %c0_i32, %c0_i32_0 : i32, i32
  }
  func.func @transform_9(%arg0: i32) -> (i32, i32, i32) {
    %c0_i32 = arith.constant 0 : i32
    %c0_i32_0 = arith.constant 0 : i32
    %c0_i32_1 = arith.constant 0 : i32
    %c0_i32_2 = arith.constant 0 : i32
    return %c0_i32, %c0_i32_0, %c0_i32_1 : i32, i32, i32
  }
  func.func @transform_10(%arg0: i32) -> (i32, i32) {
    %c0_i32 = arith.constant 0 : i32
    %c0_i32_0 = arith.constant 0 : i32
    return %arg0, %c0_i32 : i32, i32
  }
  func.func @transform_11(%arg0: i32) -> (i32, i32) {
    %c0_i32 = arith.constant 0 : i32
    %c0_i32_0 = arith.constant 0 : i32
    return %arg0, %c0_i32 : i32, i32
  }
}

module attributes {stable_mosaic.version = 14 : i64} {
  func.func @_final_body(%arg0: i32, %arg1: memref<2x400x128xf32, #tpu.memory_space<vmem>>, %arg2: memref<400x128xf32, #tpu.memory_space<vmem>>, %arg3: memref<128x128xf32, #tpu.memory_space<vmem>>, %arg4: memref<1x128xf32, #tpu.memory_space<vmem>>, %arg5: memref<1x128xf32, #tpu.memory_space<vmem>>, %arg6: memref<1x128xf32, #tpu.memory_space<vmem>>, %arg7: memref<1x128xf32, #tpu.memory_space<vmem>>, %arg8: memref<1x128xf32, #tpu.memory_space<vmem>>, %arg9: memref<400x128xf32, #tpu.memory_space<vmem>>) attributes {dimension_semantics = [#tpu.dimension_semantics<arbitrary>], iteration_bounds = array<i64: 25>, scalar_prefetch = 0 : i64, scratch_operands = 0 : i64, tpu.core_type = #tpu.core_type<tc>, window_params = [{transform_indices = @transform_0, window_bounds = array<i64: 2, 400, 128>}, {transform_indices = @transform_1, window_bounds = array<i64: 400, 128>}, {pipeline_mode = #tpu.pipeline_mode<synchronous>, transform_indices = @transform_2, window_bounds = array<i64: 128, 128>}, {pipeline_mode = #tpu.pipeline_mode<synchronous>, transform_indices = @transform_3, window_bounds = array<i64: 1, 128>}, {pipeline_mode = #tpu.pipeline_mode<synchronous>, transform_indices = @transform_4, window_bounds = array<i64: 1, 128>}, {pipeline_mode = #tpu.pipeline_mode<synchronous>, transform_indices = @transform_5, window_bounds = array<i64: 1, 128>}, {pipeline_mode = #tpu.pipeline_mode<synchronous>, transform_indices = @transform_6, window_bounds = array<i64: 1, 128>}, {pipeline_mode = #tpu.pipeline_mode<synchronous>, transform_indices = @transform_7, window_bounds = array<i64: 1, 128>}, {transform_indices = @transform_8, window_bounds = array<i64: 400, 128>}]} {
    %get3A = arith.constant 0 : index
    %get3A_0 = arith.constant 0 : index
    %get3A_1 = arith.constant 0 : index
    %get3A_2 = vector.load %arg1[%get3A, %get3A_0, %get3A_1] : memref<2x400x128xf32, #tpu.memory_space<vmem>>, vector<2x400x128xf32>
    %get3A_3 = arith.constant 0 : index
    %get3A_4 = arith.constant 0 : index
    %get3A_5 = vector.load %arg2[%get3A_3, %get3A_4] : memref<400x128xf32, #tpu.memory_space<vmem>>, vector<400x128xf32>
    %get3A_6 = arith.constant 0 : index
    %get3A_7 = arith.constant 0 : index
    %get3A_8 = vector.load %arg3[%get3A_6, %get3A_7] : memref<128x128xf32, #tpu.memory_space<vmem>>, vector<128x128xf32>
    %get3A_9 = arith.constant 0 : index
    %get3A_10 = arith.constant 0 : index
    %get3A_11 = vector.load %arg4[%get3A_9, %get3A_10] : memref<1x128xf32, #tpu.memory_space<vmem>>, vector<1x128xf32>
    %get3A_12 = arith.constant 0 : index
    %get3A_13 = arith.constant 0 : index
    %get3A_14 = vector.load %arg5[%get3A_12, %get3A_13] : memref<1x128xf32, #tpu.memory_space<vmem>>, vector<1x128xf32>
    %get3A_15 = arith.constant 0 : index
    %get3A_16 = arith.constant 0 : index
    %get3A_17 = vector.load %arg6[%get3A_15, %get3A_16] : memref<1x128xf32, #tpu.memory_space<vmem>>, vector<1x128xf32>
    %get3A_18 = arith.constant 0 : index
    %get3A_19 = arith.constant 0 : index
    %get3A_20 = vector.load %arg7[%get3A_18, %get3A_19] : memref<1x128xf32, #tpu.memory_space<vmem>>, vector<1x128xf32>
    %get3A_21 = arith.constant 0 : index
    %get3A_22 = arith.constant 0 : index
    %get3A_23 = vector.load %arg8[%get3A_21, %get3A_22] : memref<1x128xf32, #tpu.memory_space<vmem>>, vector<1x128xf32>
    %slice3A = vector.extract_strided_slice %get3A_2 {offsets = [0, 0, 0], sizes = [1, 400, 128], strides = [1, 1, 1]} : vector<2x400x128xf32> to vector<1x400x128xf32>
    %squeeze3A = vector.shape_cast %slice3A : vector<1x400x128xf32> to vector<400x128xf32>
    %slice3A_24 = vector.extract_strided_slice %get3A_2 {offsets = [1, 0, 0], sizes = [1, 400, 128], strides = [1, 1, 1]} : vector<2x400x128xf32> to vector<1x400x128xf32>
    %squeeze3A_25 = vector.shape_cast %slice3A_24 : vector<1x400x128xf32> to vector<400x128xf32>
    %add3A = arith.addf %squeeze3A, %squeeze3A_25 : vector<400x128xf32>
    %dot_general3A = arith.constant dense<0.000000e+00> : vector<400x128xf32>
    %dot_general3A_26 = tpu.matmul %get3A_5, %get3A_8, %dot_general3A {dimension_numbers = #tpu.dot_dimension_numbers<[1], [0], [0], [1], [0, 0, 1, 1], [], []>, transpose_lhs_hint = false} : vector<400x128xf32>, vector<128x128xf32>, vector<400x128xf32> -> vector<400x128xf32>
    %add3A_27 = arith.addf %add3A, %dot_general3A_26 : vector<400x128xf32>
    %add3A_28 = vector.broadcast %get3A_11 : vector<1x128xf32> to vector<400x128xf32>
    %add3A_29 = arith.addf %add3A_27, %add3A_28 : vector<400x128xf32>
    %max3A = arith.constant 0.000000e+00 : f32
    %max3A_30 = vector.broadcast %max3A : f32 to vector<400x128xf32>
    %max3A_31 = arith.maximumf %add3A_29, %max3A_30 : vector<400x128xf32>
    %sub3A = vector.broadcast %get3A_20 : vector<1x128xf32> to vector<400x128xf32>
    %sub3A_32 = arith.subf %max3A_31, %sub3A : vector<400x128xf32>
    %add3A_33 = arith.constant 9.99999974E-6 : f32
    %add3A_34 = vector.broadcast %add3A_33 : f32 to vector<1x128xf32>
    %add3A_35 = arith.addf %get3A_23, %add3A_34 : vector<1x128xf32>
    %rsqrt3A = math.rsqrt %add3A_35 : vector<1x128xf32>
    %mul3A = vector.broadcast %rsqrt3A : vector<1x128xf32> to vector<400x128xf32>
    %mul3A_36 = arith.mulf %sub3A_32, %mul3A : vector<400x128xf32>
    %mul3A_37 = vector.broadcast %get3A_14 : vector<1x128xf32> to vector<400x128xf32>
    %mul3A_38 = arith.mulf %mul3A_36, %mul3A_37 : vector<400x128xf32>
    %add3A_39 = vector.broadcast %get3A_17 : vector<1x128xf32> to vector<400x128xf32>
    %add3A_40 = arith.addf %mul3A_38, %add3A_39 : vector<400x128xf32>
    %swap3A = arith.constant 0 : index
    %swap3A_41 = arith.constant 0 : index
    %swap3A_42 = vector.load %arg9[%swap3A, %swap3A_41] : memref<400x128xf32, #tpu.memory_space<vmem>>, vector<400x128xf32>
    tpu.vector_store %arg9[%swap3A, %swap3A_41], %add3A_40 {strides = array<i32>} : memref<400x128xf32, #tpu.memory_space<vmem>>, vector<400x128xf32>,
    return
  }
  func.func @transform_0(%arg0: i32) -> (i32, i32, i32) {
    %c0_i32 = arith.constant 0 : i32
    %c0_i32_0 = arith.constant 0 : i32
    %c0_i32_1 = arith.constant 0 : i32
    return %c0_i32, %arg0, %c0_i32_0 : i32, i32, i32
  }
  func.func @transform_1(%arg0: i32) -> (i32, i32) {
    %c0_i32 = arith.constant 0 : i32
    %c0_i32_0 = arith.constant 0 : i32
    return %arg0, %c0_i32 : i32, i32
  }
  func.func @transform_2(%arg0: i32) -> (i32, i32) {
    %c0_i32 = arith.constant 0 : i32
    %c0_i32_0 = arith.constant 0 : i32
    %c0_i32_1 = arith.constant 0 : i32
    return %c0_i32, %c0_i32_0 : i32, i32
  }
  func.func @transform_3(%arg0: i32) -> (i32, i32) {
    %c0_i32 = arith.constant 0 : i32
    %c0_i32_0 = arith.constant 0 : i32
    %c0_i32_1 = arith.constant 0 : i32
    return %c0_i32, %c0_i32_0 : i32, i32
  }
  func.func @transform_4(%arg0: i32) -> (i32, i32) {
    %c0_i32 = arith.constant 0 : i32
    %c0_i32_0 = arith.constant 0 : i32
    %c0_i32_1 = arith.constant 0 : i32
    return %c0_i32, %c0_i32_0 : i32, i32
  }
  func.func @transform_5(%arg0: i32) -> (i32, i32) {
    %c0_i32 = arith.constant 0 : i32
    %c0_i32_0 = arith.constant 0 : i32
    %c0_i32_1 = arith.constant 0 : i32
    return %c0_i32, %c0_i32_0 : i32, i32
  }
  func.func @transform_6(%arg0: i32) -> (i32, i32) {
    %c0_i32 = arith.constant 0 : i32
    %c0_i32_0 = arith.constant 0 : i32
    %c0_i32_1 = arith.constant 0 : i32
    return %c0_i32, %c0_i32_0 : i32, i32
  }
  func.func @transform_7(%arg0: i32) -> (i32, i32) {
    %c0_i32 = arith.constant 0 : i32
    %c0_i32_0 = arith.constant 0 : i32
    %c0_i32_1 = arith.constant 0 : i32
    return %c0_i32, %c0_i32_0 : i32, i32
  }
  func.func @transform_8(%arg0: i32) -> (i32, i32) {
    %c0_i32 = arith.constant 0 : i32
    %c0_i32_0 = arith.constant 0 : i32
    return %arg0, %c0_i32 : i32, i32
  }
}

</mosaic_0001>

<sc_bundles>
// kernel: kernel.12.cloned.1.call-start
scs
__scs_entry_jumppad:
0x0: {  	(pc) =	sbr.rel $0x88, $3  }
0x1: {  	(tag) =	ssettag $0x0;
	lr =	simm.s32 $0x1  }
0x2: {  	[smem:$0x3F8D] =	sst lr;
	_ =	strace $0xD0000000  }
0x3: {  	_ = 	snop  }
0x4: {  	_ = 	snop  }
0x5: {  	_ = 	snop  }
0x6: {  	_ = 	snop  }
0x7: {  	_ = 	snop  }
__scs_overlays_trampoline_lowered:
0x8: {  	[smem:$0x3F9C] =	sst s0  }
0x9: {  	[smem:$0x3F9D] =	sst s1  }
0xa: {  	[smem:$0x3F9E] =	sst s2  }
0xb: {  	[smem:$0x3F9F] =	sst s3  }
0xc: {  	[smem:$0x3FA0] =	sst s4  }
0xd: {  	[smem:$0x3FA1] =	sst s5  }
0xe: {  	[smem:$0x3FA2] =	sst s6  }
0xf: {  	[smem:$0x3FA3] =	sst s7  }
0x10: {  	[smem:$0x3FA4] =	sst s8  }
0x11: {  	[smem:$0x3FA5] =	sst s9;
	s0 =	simm.s32 @!p0 $0x0  }
0x12: {  	s1 =	sld [smem:$0x3F8B];
	s0 =	simm.s32 @p0 $0x1  }
0x13: {  	[smem:$0x3FA6] =	sst s0;
	s0 =	simm.s32 @!p1 $0x0  }
0x14: {  	s2 =	sld [smem:$0x3F8A];
	s0 =	simm.s32 @p1 $0x1  }
0x15: {  	[smem:$0x3FA7] =	sst s0;
	s0 =	simm.s32 @!p2 $0x0  }
0x16: {  	s3 =	sld [smem:$0x3FDB];
	s0 =	simm.s32 @p2 $0x1  }
0x17: {  	s4 =	simm.s32 $0x1BF5;
	[smem:$0x3FA9] =	sst s0  }
0x18: {  	s0 =	sld [smem:$0x3F8C];
	_ =	swait.ge [sflag:s4], $0x0  }
0x19: {  	s7 =	sld [smem:$0x3F8D]  }
0x1a: {  	s8 =	sadd.s32 $0xFFFFE003, lr  }
0x1b: {  	s9 =	sadd.s32 $0xFFFFFEF7, lr;
	s5 =	simm.s32 $0xFFFFFFFF;
	p2 =	slt.u32 s8, $0xFFFFF086  }
0x1c: {  	p1 =	slt.u32 s9, $0xF7A;
	s5 =	simm.s32 @!p2 $0x0  }
0x1d: {  	s5 =	simm.s32 @p1 $0x1;
	p0 =	seq.s32 s7, s2  }
0x1e: {  	s7 =	smul.u32 @!p0 $0xF7A, s2;
	p2 =	seq.s32 @!p0 s5, $0x0  }
0x1f: {  	s9 =	smul.u32 $0xF7A, s1;
	s8 =	simm.s32 @!p0 $0x1BF5;
	p2 =	por !p2, p0  }
0x20: {  	[sflag:s8] =	ssyncset.s32 @!p0 $0xFFFFF086;
	s6 =	sadd.s32 @!p0 s3, s7;
	s7 =	simm.s32 @!p0 $0x108  }
0x21: {  	s3 =	sadd.s32 s3, s9;
	s6 =	sadd.s32 @!p0 $0x88, s6;
	s7 =	simm.s32 @p2 $0x1082  }
0x22: {  	[simem:s7], [sflag:s8] =	dma.local @!p0 [hbm:s6], $0xF7A  }
0x23: {  	s9 =	sor.u32 $0xD0000000, s2;
	s6 =	simm.s32 $0x108;
	_ =	swait.ge @!p0 [sflag:s8], $0x0  }
0x24: {  	s3 =	sadd.s32 $0x88, s3;
	s6 =	simm.s32 @!p1 $0x1082;
	[sflag:s4] =	ssyncset.s32 $0xFFFFF086  }
0x25: {  	[simem:s6], [sflag:s4] =	dma.local [hbm:s3], $0xF7A  }
0x26: {  	[smem:$0x3F8D] =	sst s1;
	(tag) =	ssettag s2;
	_ =	strace s9  }
0x27: {  	s1 =	sld [smem:$0x3F9D]  }
0x28: {  	s2 =	sld [smem:$0x3F9E]  }
0x29: {  	s4 =	sld [smem:$0x3FA0]  }
0x2a: {  	p0 =	seq.s32 s5, $0x0;
	s5 =	sld [smem:$0x3FA1]  }
0x2b: {  	s6 =	sld [smem:$0x3FA2]  }
0x2c: {  	s7 =	sld [smem:$0x3FA3]  }
0x2d: {  	s3 =	simm.s32 $0x108;
	s8 =	sld [smem:$0x3FA4]  }
0x2e: {  	s3 =	simm.s32 @!p0 $0x1082;
	s9 =	sld [smem:$0x3FA5]  }
0x2f: {  	lr =	sadd.s32 s0, s3;
	s0 =	sld [smem:$0x3F9C]  }
0x30: {  	s3 =	sld [smem:$0x3F9F]  }
0x31: {  	[smem:$0x3FA8] =	sst s10  }
0x32: {  	s10 =	sld [smem:$0x3FA6];
	_ =	sdelay $0x3  }
0x33: {  	p0 =	seq.s32 s10, $0x1;
	s10 =	sld [smem:$0x3FA8];
	_ =	sdelay $0x3  }
0x34: {  	[smem:$0x3FA8] =	sst s10  }
0x35: {  	s10 =	sld [smem:$0x3FA7];
	_ =	sdelay $0x3  }
0x36: {  	p1 =	seq.s32 s10, $0x1;
	s10 =	sld [smem:$0x3FA8];
	_ =	sdelay $0x3  }
0x37: {  	[smem:$0x3FA8] =	sst s10  }
0x38: {  	s10 =	sld [smem:$0x3FA9]  }
0x39: {  	_ = 	snop;
	(pc) =	sbr.ind lr, $3  }
0x3a: {  	_ = 	snop  }
0x3b: {  	_ = 	snop  }
0x3c: {  	p2 =	seq.s32 s10, $0x1;
	s10 =	sld [smem:$0x3FA8]  }
0x3d: {  	_ =	shalt  }
0x3e: {  	_ =	shalt  }
0x3f: {  	_ =	shalt  }
0x40: {  	_ =	shalt  }
0x41: {  	_ =	shalt  }
0x42: {  	_ =	shalt  }
0x43: {  	_ =	shalt  }
0x44: {  	_ =	shalt  }
0x45: {  	_ =	shalt  }
0x46: {  	_ =	shalt  }
0x47: {  	_ =	shalt  }
0x48: {  	_ =	shalt  }
0x49: {  	_ =	shalt  }
0x4a: {  	_ =	shalt  }
0x4b: {  	_ =	shalt  }
0x4c: {  	_ =	shalt  }
0x4d: {  	_ =	shalt  }
0x4e: {  	_ =	shalt  }
0x4f: {  	_ =	shalt  }
0x50: {  	_ =	shalt  }
0x51: {  	_ =	shalt  }
0x52: {  	_ =	shalt  }
0x53: {  	_ =	shalt  }
0x54: {  	_ =	shalt  }
0x55: {  	_ =	shalt  }
0x56: {  	_ =	shalt  }
0x57: {  	_ =	shalt  }
0x58: {  	_ =	shalt  }
0x59: {  	_ =	shalt  }
0x5a: {  	_ =	shalt  }
0x5b: {  	_ =	shalt  }
0x5c: {  	_ =	shalt  }
0x5d: {  	_ =	shalt  }
0x5e: {  	_ =	shalt  }
0x5f: {  	_ =	shalt  }
0x60: {  	_ =	shalt  }
0x61: {  	_ =	shalt  }
0x62: {  	_ =	shalt  }
0x63: {  	_ =	shalt  }
0x64: {  	_ =	shalt  }
0x65: {  	_ =	shalt  }
0x66: {  	_ =	shalt  }
0x67: {  	_ =	shalt  }
0x68: {  	_ =	shalt  }
0x69: {  	_ =	shalt  }
0x6a: {  	_ =	shalt  }
0x6b: {  	_ =	shalt  }
0x6c: {  	_ =	shalt  }
0x6d: {  	_ =	shalt  }
0x6e: {  	_ =	shalt  }
0x6f: {  	_ =	shalt  }
0x70: {  	_ =	shalt  }
0x71: {  	_ =	shalt  }
0x72: {  	_ =	shalt  }
0x73: {  	_ =	shalt  }
0x74: {  	_ =	shalt  }
0x75: {  	_ =	shalt  }
0x76: {  	_ =	shalt  }
0x77: {  	_ =	shalt  }
0x78: {  	_ =	shalt  }
0x79: {  	_ =	shalt  }
0x7a: {  	_ =	shalt  }
0x7b: {  	_ =	shalt  }
0x7c: {  	_ =	shalt  }
0x7d: {  	_ =	shalt  }
0x7e: {  	_ =	shalt  }
0x7f: {  	_ =	shalt  }
0x80: {  	_ =	shalt  }
0x81: {  	_ =	shalt  }
0x82: {  	_ =	shalt  }
0x83: {  	_ =	shalt  }
0x84: {  	_ =	shalt  }
0x85: {  	_ =	shalt  }
0x86: {  	_ =	shalt  }
0x87: {  	_ =	shalt  }
.Lfunc_end0:
.L_simem_size_0:
called_computation.1_lowered:
.L_overlay_start_0:
0x88: {  	s2 =	sld [smem:$0x3FD9]  }
0x89: {  	s3 =	sld [smem:$0x3FFE];
	_ =	sdelay $0x1  }
0x8a: {  	s1 =	srdreg.scid  }
0x8b: {  	s0 =	sand.u32 $0x1, s1  }
0x8c: {  	s16 =	sshll.u32 s0, $0xA;
	s2 =	sadd.s32 s3, s2  }
0x8d: {  	s2 =	sadd.s32 s2, s16  }
0x8e: {  	[smem:$0x3FB4] =	sst s2  }
0x8f: {  	_ = 	snop  }
0x90: {  	(tm) =	ssettm $0x1  }
0x91: {  	s17 =	sld [smem:$0x3FFB];
	_ =	sdelay $0x3  }
0x92: {  	_ =	strace s17  }
0x93: {  	s2 =	sld [smem:$0x3FFC];
	_ =	sdelay $0x3  }
0x94: {  	_ =	strace s2  }
0x95: {  	s2 =	sld [smem:$0x3FFD];
	_ =	sdelay $0x3  }
0x96: {  	_ =	strace s2  }
0x97: {  	_ =	strace $0x8FFFFFFF  }
0x98: {  	s18 =	sld [smem:$0x3FDB];
	_ =	sdelay $0x1  }
0x99: {  	s19 =	simm.s32 $_scs_section_size  }
0x9a: {  	s4 =	simm.s32 $_size__tile_overlayer_lowered;
	s5 =	simm.s32 $_tile_overlayer_lowered  }
0x9b: {  	s22 =	simm.s32 $0x1BFF;
	s21 =	sshll.u32 s5, $0x1;
	s2 =	sadd.s32 s19, s18  }
0x9c: {  	s6 =	simm.s32 $0x0;
	s20 =	sshll.u32 s4, $0x1;
	s4 =	sadd.s32 s21, s2  }
0x9d: {  	[timem:s6], [sflag:s22] =	dma.local [hbm:s4], s20  }
0x9e: {  	_ =	swait.ge [sflag:s22], s20  }
0x9f: {  	s3 =	ssub.s32 $0x0, s20;
	[sflag:s22] =	ssyncset.done $0x0  }
0xa0: {  	[sflag:s22] =	ssyncadd.s32 s3;
	_ =	sdelay $0x1  }
0xa1: {  	s23 =	simm.s32 $0x1B8B  }
0xa2: {  	_ =	swait.ge [sflag:s23], $0x1  }
0xa3: {  	[sflag:s23] =	ssyncset.done $0x0  }
0xa4: {  	s25 =	simm.s32 $0x1B8E;
	s24 =	sld [smem:$0x3FFE];
	[sflag:s23] =	ssyncadd.s32 $0xFFFFFFFF  }
0xa5: {  	s26 =	simm.s32 $execute0_lowered;
	[smem:$0x3FD2] =	sst s25  }
0xa6: {  	s4 =	sshll.u32 s26, $0x1;
	_ =	strace $0x80000049;
	[dreg:$0x1] =	wrdreg $0xFFFFFFFF  }
0xa7: {  	s28 =	simm.s32 $_size_execute0_lowered;
	s2 =	sadd.s32 s2, s4;
	[dreg:$0x0] =	wrdreg $0x0  }
0xa8: {  	s4 =	sshll.u32 s28, $0x1;
	[dreg:$0x2] =	wrdreg s2  }
0xa9: {  	[dreg:$0x3] =	wrdreg s4  }
0xaa: {  	[dreg:$0x4] =	wrdreg $0xC0  }
0xab: {  	_ =	task [dreg:s6], $0x5FFFF  }
0xac: {  	[dreg:$0x1] =	wrdreg $0xFFFFFFFF  }
0xad: {  	[dreg:$0x0] =	wrdreg $0x60  }
0xae: {  	[dreg:$0x2] =	wrdreg s24  }
0xaf: {  	[dreg:$0x3] =	wrdreg $0x9  }
0xb0: {  	_ =	task.clear_ibuf [dreg:s6], $0x4FFFF;
	_ =	strace $0x90000049  }
0xb1: {  	s29 =	simm.s32 $0x9;
	_ =	strace $0x8000004B  }
0xb2: {  	_ =	swait.ge [sflag:s29], $0x1  }
0xb3: {  	[sflag:s29] =	ssyncadd.s32 $0xFFFFFFFF  }
0xb4: {  	_ =	strace $0x9000004B  }
0xb5: {  	_ =	sfence  }
0xb6: {  	s30 =	sld [smem:$0x0];
	_ =	sdelay $0x2  }
0xb7: {  	s31 =	sshll.u32 s1, $0xD;
	s1 =	sshrl.u32 s1, $0x2  }
0xb8: {  	s3 =	sand.u32 $0x4000, s31;
	s1 =	sadd.s32 s1, s30  }
0xb9: {  	s0 =	sor.u32 s3, s0;
	s1 =	sshll.u32 s1, $0x11  }
0xba: {  	s0 =	sor.u32 s1, s0  }
0xbb: {  	s0 =	sadd.s32 $0x8F2B, s0  }
0xbc: {  	[sflag:s0] =	ssyncadd.remote.s32 $0x1  }
0xbd: {  	_ =	sfence.sel $0xFFFF  }
0xbe: {  	[dreg:$0x0] =	wrdreg $0xFFFFFFFF;
	(pc) =	sbr.abs _section_cstart, $3  }
0xbf: {  	[dreg:$0x1] =	wrdreg $0xFFFFFFFF  }
0xc0: {  	_ =	task.clear_ibuf [dreg:s6], $0x2FFFF;
	_ =	strace $0x9FFFFFFF  }
0xc1: {  	(tm) =	ssettm $0x7FFFFFFF  }
tec
execute0_lowered:
.L_overlay_start_1:
0x0: {  	(tag) =	ssettag $0x1  }
0x1: {  	s1 =	srdreg.scid  }
0x2: {  	s0 =	stileid.u32;
	s6 =	rddreg [dreg:$0x0];
	s2 =	simm.s32 $0x0  }
0x3: {  	s9 =	simm.s32 $0x1;
	s10 =	simm.s32 $0x13880;
	s11 =	simm.s32 $0x13A00  }
0x4: {  	s12 =	simm.s32 $0x13B80;
	s3 =	sand.u32 $0x1, s1;
	s4 =	smul.u32 $0x280, s0  }
0x5: {  	s13 =	simm.s32 $0x0;
	s1 =	rddreg [dreg:$0x1];
	s5 =	smul.u32 $0x140, s3  }
.Ltmp0:
0x6: {  	[smem:$0x7FF] =	sst s2;
	s30 =	ssub.s32 $0x2, s3;
	(pc) =	sbr.rel .LBB2_1-.Ltmp0, $4  }
0x7: {  	_ =	strace $0x8000004A;
	s31 =	sshrl.u32 s30, $0x1;
	s4 =	sadd.s32 s5, s4  }
0x8: {  	s3 =	sadd.s32 $0xDC00, s6;
	s5 =	ssub.s32 s30, s31;
	s4 =	sshrl.u32 s4, $0x3  }
0x9: {  	s5 =	smax.u32 s5, $0x1;
	s8 =	sadd.s32 s4, s6;
	s4 =	sshll.u32 s0, $0x1  }
0xa: {  	v0 =	vimm.f32 $0.0e+00;
	s6 =	sadd.s32 $0x10400, s8;
	s7 =	sadd.s32 $0x8C00, s8;
	s8 =	sadd.s32 $0x3C00, s8  }
.LBB2_6:
0xb: {  	s13 =	sadd.s32 $0x1, s13  }
0xc: {  	p0 =	sne.s32 s13, s5  }
.Ltmp1:
0xd: {  	_ = 	snop;
	(pc) =	sbr.rel @!p0 .LBB2_7-.Ltmp1, $1  }
0xe: {  	_ =	sdelay $0x3  }
.LBB2_1:
.Ltmp2:
0xf: {  	(pc) =	sbr.rel .LBB2_2-.Ltmp2, $4  }
0x10: {  	[tilespmem:s2], [sflag:$0x1] =	stream.linear.gather [hbm4b:s3+s2], $0x13880, $0x38;
	[tilespmem:$0x13D00] =	vst v63  }
0x11: {  	_ =	swait.ge [sflag:s9], $0x13880  }
0x12: {  	[sflag:s9] =	ssyncset.done $0x0  }
0x13: {  	s14 =	smov.u32 s4;
	s15 =	simm.s32 $0x0;
	[sflag:s9] =	ssyncadd.s32 $0xFFFEC780  }
.LBB2_4:
0x14: {  	[tilespmem:$0x13B80] =	vst v0  }
0x15: {  	[tilespmem:$0x13B90] =	vst v0  }
0x16: {  	[tilespmem:$0x13BA0] =	vst v0  }
0x17: {  	[tilespmem:$0x13BB0] =	vst v0  }
0x18: {  	[tilespmem:$0x13BC0] =	vst v0  }
0x19: {  	[tilespmem:$0x13BD0] =	vst v0  }
0x1a: {  	[tilespmem:$0x13BE0] =	vst v0  }
0x1b: {  	[tilespmem:$0x13BF0] =	vst v0  }
0x1c: {  	[tilespmem:$0x13C00] =	vst v0  }
0x1d: {  	[tilespmem:$0x13C10] =	vst v0  }
0x1e: {  	[tilespmem:$0x13C20] =	vst v0  }
0x1f: {  	[tilespmem:$0x13C30] =	vst v0  }
0x20: {  	[tilespmem:$0x13C40] =	vst v0  }
0x21: {  	[tilespmem:$0x13C50] =	vst v0  }
0x22: {  	[tilespmem:$0x13C60] =	vst v0  }
0x23: {  	[tilespmem:$0x13C70] =	vst v0  }
0x24: {  	[tilespmem:$0x13C80] =	vst v0  }
0x25: {  	[tilespmem:$0x13C90] =	vst v0  }
0x26: {  	[tilespmem:$0x13CA0] =	vst v0  }
0x27: {  	[tilespmem:$0x13CB0] =	vst v0;
	s16 =	simm.s32 $0x1  }
.LBB2_5:
0x28: {  	s17 =	sadd.s32 s15, s6;
	s15 =	sadd.s32 $0x500, s15  }
0x29: {  	p0 =	sne.s32 s15, $0x5000  }
.Ltmp3:
0x2a: {  	_ = 	snop;
	(pc) =	sbr.rel @!p0 .LBB2_6-.Ltmp3, $4  }
0x2b: {  	[hbm4b:s17+s2] =	stream.linear.scatter [tilespmem:s12], [sflag:s16], $0x140, $0x38;
	[tilespmem:$0x13D00] =	vst v63  }
0x2c: {  	_ =	swait.ge [sflag:s16], $0x140  }
0x2d: {  	[sflag:s16] =	ssyncset.done $0x0  }
0x2e: {  	s14 =	sadd.s32 $0x20, s14;
	[sflag:s16] =	ssyncadd.s32 $0xFFFFFEC0  }
.LBB2_2:
0x2f: {  	p0 =	sgt.u32 s14, $0x1F3  }
.Ltmp4:
0x30: {  	_ = 	snop;
	(pc) =	sbr.rel @p0 .LBB2_4-.Ltmp4, $1  }
0x31: {  	_ =	sdelay $0x3  }
0x32: {  	s16 =	sadd.s32 s15, s8  }
0x33: {  	[tilespmem:s10], [sflag:$0x2] =	stream.linear.gather [hbm4b:s16+s2], $0x140, $0x38;
	[tilespmem:$0x13D00] =	vst v63  }
0x34: {  	s16 =	simm.s32 $0x2  }
0x35: {  	_ =	swait.ge [sflag:s16], $0x140  }
0x36: {  	[sflag:s16] =	ssyncset.done $0x0  }
0x37: {  	s17 =	sadd.s32 s15, s7;
	[sflag:s16] =	ssyncadd.s32 $0xFFFFFEC0  }
0x38: {  	[tilespmem:s11], [sflag:$0x2] =	stream.linear.gather [hbm4b:s17+s2], $0x140, $0x38;
	[tilespmem:$0x13D00] =	vst v63  }
0x39: {  	_ =	swait.ge [sflag:s16], $0x140  }
0x3a: {  	[sflag:s16] =	ssyncset.done $0x0  }
0x3b: {  	[sflag:s16] =	ssyncadd.s32 $0xFFFFFEC0  }
0x3c: {  	v1 =	vld [tilespmem:$0x13880]  }
0x3d: {  	v2 =	vld [tilespmem:$0x13A00];
	_ =	sdelay $0x3  }
0x3e: {  	v1 =	vshll.u32 v1, $0x3  }
0x3f: {  	v1 =	vadd.s32 v2, v1;
	v2 =	vld [tilespmem:$0x13890]  }
0x40: {  	v3 =	vld [tilespmem:$0x13A10];
	_ =	sdelay $0x3  }
0x41: {  	v1 =	vld.idx.msk [tilespmem:v1+s2+$0x0], $0xffff;
	v2 =	vshll.u32 v2, $0x3  }
0x42: {  	v2 =	vadd.s32 v3, v2;
	v3 =	vld [tilespmem:$0x138A0]  }
0x43: {  	v4 =	vld [tilespmem:$0x13A20];
	_ =	sdelay $0x2  }
0x44: {  	[tilespmem:$0x13B80] =	vst v1  }
0x45: {  	v1 =	vld.idx.msk [tilespmem:v2+s2+$0x0], $0xffff;
	v2 =	vshll.u32 v3, $0x3  }
0x46: {  	v3 =	vld [tilespmem:$0x138B0];
	v2 =	vadd.s32 v4, v2  }
0x47: {  	v47 =	vld [tilespmem:$0x13A30];
	_ =	sdelay $0x2  }
0x48: {  	[tilespmem:$0x13B90] =	vst v1  }
0x49: {  	v1 =	vld.idx.msk [tilespmem:v2+s2+$0x0], $0xffff;
	v2 =	vshll.u32 v3, $0x3  }
0x4a: {  	v3 =	vld [tilespmem:$0x138C0];
	v2 =	vadd.s32 v47, v2  }
0x4b: {  	v48 =	vld [tilespmem:$0x13A40];
	_ =	sdelay $0x2  }
0x4c: {  	[tilespmem:$0x13BA0] =	vst v1  }
0x4d: {  	v1 =	vld.idx.msk [tilespmem:v2+s2+$0x0], $0xffff;
	v2 =	vshll.u32 v3, $0x3  }
0x4e: {  	v3 =	vld [tilespmem:$0x138D0];
	v2 =	vadd.s32 v48, v2  }
0x4f: {  	v49 =	vld [tilespmem:$0x13A50];
	_ =	sdelay $0x2  }
0x50: {  	[tilespmem:$0x13BB0] =	vst v1  }
0x51: {  	v1 =	vld.idx.msk [tilespmem:v2+s2+$0x0], $0xffff;
	v2 =	vshll.u32 v3, $0x3  }
0x52: {  	v3 =	vld [tilespmem:$0x138E0];
	v2 =	vadd.s32 v49, v2  }
0x53: {  	v50 =	vld [tilespmem:$0x13A60];
	_ =	sdelay $0x2  }
0x54: {  	[tilespmem:$0x13BC0] =	vst v1  }
0x55: {  	v1 =	vld.idx.msk [tilespmem:v2+s2+$0x0], $0xffff;
	v2 =	vshll.u32 v3, $0x3  }
0x56: {  	v3 =	vld [tilespmem:$0x138F0];
	v2 =	vadd.s32 v50, v2  }
0x57: {  	v51 =	vld [tilespmem:$0x13A70];
	_ =	sdelay $0x2  }
0x58: {  	[tilespmem:$0x13BD0] =	vst v1  }
0x59: {  	v1 =	vld.idx.msk [tilespmem:v2+s2+$0x0], $0xffff;
	v2 =	vshll.u32 v3, $0x3  }
0x5a: {  	v3 =	vld [tilespmem:$0x13900];
	v2 =	vadd.s32 v51, v2  }
0x5b: {  	v52 =	vld [tilespmem:$0x13A80];
	_ =	sdelay $0x2  }
0x5c: {  	[tilespmem:$0x13BE0] =	vst v1  }
0x5d: {  	v1 =	vld.idx.msk [tilespmem:v2+s2+$0x0], $0xffff;
	v2 =	vshll.u32 v3, $0x3  }
0x5e: {  	v3 =	vld [tilespmem:$0x13910];
	v2 =	vadd.s32 v52, v2  }
0x5f: {  	v53 =	vld [tilespmem:$0x13A90];
	_ =	sdelay $0x2  }
0x60: {  	[tilespmem:$0x13BF0] =	vst v1  }
0x61: {  	v1 =	vld.idx.msk [tilespmem:v2+s2+$0x0], $0xffff;
	v2 =	vshll.u32 v3, $0x3  }
0x62: {  	v3 =	vld [tilespmem:$0x13920];
	v2 =	vadd.s32 v53, v2  }
0x63: {  	v54 =	vld [tilespmem:$0x13AA0];
	_ =	sdelay $0x2  }
0x64: {  	[tilespmem:$0x13C00] =	vst v1  }
0x65: {  	v1 =	vld.idx.msk [tilespmem:v2+s2+$0x0], $0xffff;
	v2 =	vshll.u32 v3, $0x3  }
0x66: {  	v3 =	vld [tilespmem:$0x13930];
	v2 =	vadd.s32 v54, v2  }
0x67: {  	v55 =	vld [tilespmem:$0x13AB0];
	_ =	sdelay $0x2  }
0x68: {  	[tilespmem:$0x13C10] =	vst v1  }
0x69: {  	v1 =	vld.idx.msk [tilespmem:v2+s2+$0x0], $0xffff;
	v2 =	vshll.u32 v3, $0x3  }
0x6a: {  	v3 =	vld [tilespmem:$0x13940];
	v2 =	vadd.s32 v55, v2  }
0x6b: {  	v56 =	vld [tilespmem:$0x13AC0];
	_ =	sdelay $0x2  }
0x6c: {  	[tilespmem:$0x13C20] =	vst v1  }
0x6d: {  	v1 =	vld.idx.msk [tilespmem:v2+s2+$0x0], $0xffff;
	v2 =	vshll.u32 v3, $0x3  }
0x6e: {  	v3 =	vld [tilespmem:$0x13950];
	v2 =	vadd.s32 v56, v2  }
0x6f: {  	v57 =	vld [tilespmem:$0x13AD0];
	_ =	sdelay $0x2  }
0x70: {  	[tilespmem:$0x13C30] =	vst v1  }
0x71: {  	v1 =	vld.idx.msk [tilespmem:v2+s2+$0x0], $0xffff;
	v2 =	vshll.u32 v3, $0x3  }
0x72: {  	v3 =	vld [tilespmem:$0x13960];
	v2 =	vadd.s32 v57, v2  }
0x73: {  	v58 =	vld [tilespmem:$0x13AE0];
	_ =	sdelay $0x2  }
0x74: {  	[tilespmem:$0x13C40] =	vst v1  }
0x75: {  	v1 =	vld.idx.msk [tilespmem:v2+s2+$0x0], $0xffff;
	v2 =	vshll.u32 v3, $0x3  }
0x76: {  	v3 =	vld [tilespmem:$0x13970];
	v2 =	vadd.s32 v58, v2  }
0x77: {  	v59 =	vld [tilespmem:$0x13AF0];
	_ =	sdelay $0x2  }
0x78: {  	[tilespmem:$0x13C50] =	vst v1  }
0x79: {  	v1 =	vld.idx.msk [tilespmem:v2+s2+$0x0], $0xffff;
	v2 =	vshll.u32 v3, $0x3  }
0x7a: {  	v3 =	vld [tilespmem:$0x13980];
	v2 =	vadd.s32 v59, v2  }
0x7b: {  	v60 =	vld [tilespmem:$0x13B00];
	_ =	sdelay $0x2  }
0x7c: {  	[tilespmem:$0x13C60] =	vst v1  }
0x7d: {  	v1 =	vld.idx.msk [tilespmem:v2+s2+$0x0], $0xffff;
	v2 =	vshll.u32 v3, $0x3  }
0x7e: {  	v3 =	vld [tilespmem:$0x13990];
	v2 =	vadd.s32 v60, v2  }
0x7f: {  	v61 =	vld [tilespmem:$0x13B10];
	_ =	sdelay $0x2  }
0x80: {  	[tilespmem:$0x13C70] =	vst v1  }
0x81: {  	v1 =	vld.idx.msk [tilespmem:v2+s2+$0x0], $0xffff;
	v2 =	vshll.u32 v3, $0x3  }
0x82: {  	v3 =	vld [tilespmem:$0x139A0];
	v2 =	vadd.s32 v61, v2  }
0x83: {  	v62 =	vld [tilespmem:$0x13B20];
	_ =	sdelay $0x2  }
0x84: {  	[tilespmem:$0x13C80] =	vst v1  }
0x85: {  	v1 =	vld.idx.msk [tilespmem:v2+s2+$0x0], $0xffff;
	v2 =	vshll.u32 v3, $0x3  }
0x86: {  	v3 =	vld [tilespmem:$0x139B0];
	v2 =	vadd.s32 v62, v2  }
0x87: {  	v63 =	vld [tilespmem:$0x13B30];
	_ =	sdelay $0x2  }
0x88: {  	[tilespmem:$0x13C90] =	vst v1  }
0x89: {  	v1 =	vld.idx.msk [tilespmem:v2+s2+$0x0], $0xffff;
	v2 =	vshll.u32 v3, $0x3  }
0x8a: {  	v2 =	vadd.s32 v63, v2;
	_ =	sdelay $0x3  }
0x8b: {  	[tilespmem:$0x13CA0] =	vst v1  }
0x8c: {  	v1 =	vld.idx.msk [tilespmem:v2+s2+$0x0], $0xffff  }
.Ltmp5:
0x8d: {  	_ = 	snop;
	(pc) =	sbr.rel .LBB2_5-.Ltmp5, $2  }
0x8e: {  	_ =	sdelay $0x2  }
0x8f: {  	[tilespmem:$0x13CB0] =	vst v1  }
.LBB2_7:
0x90: {  	_ =	sfence.sel $0x180000  }
0x91: {  	[bflag:$0x0] =	sbarrier.arrive $0xFFFF  }
0x92: {  	p0 =	sne.s32 s0, $0x0;
	_ =	strace $0x9000004A  }
0x93: {  	s0 =	sadd.s32 @!p0 $0x100000, s1;
	[bflag:$0x2] =	sbarrier.arrive $0xFFFF  }
0x94: {  	[sflag:s0] =	ssyncadd.tile.s32 @!p0 $0x1;
	_ =	shalt  }
.Lfunc_end2:
_tile_overlayer_lowered:
.L_overlay_start_2:
0x95: {  	(tag) =	ssettag $0x2  }
0x96: {  	s0 =	rddreg [dreg:$0x0];
	s2 =	stileid.u32  }
0x97: {  	s1 =	rddreg [dreg:$0x1];
	p0 =	sne.s32 s2, $0x0  }
0x98: {  	s3 =	rddreg [dreg:$0x2];
	[bflag:$0x3] =	sbarrier.arrive $0xFFFF;
	s2 =	simm.s32 @!p0 $0x1C01  }
0x99: {  	[timem:s3], [sflag:s2] =	dma.local @!p0 [hbm:s0], s1  }
0x9a: {  	s0 =	simm.s32 @!p0 $0x1  }
0x9b: {  	_ =	swait.ge @!p0 [sflag:s0], s1  }
0x9c: {  	s1 =	ssub.s32 @!p0 $0x0, s1;
	[sflag:s0] =	ssyncset.done @!p0 $0x0  }
0x9d: {  	[sflag:s0] =	ssyncadd.s32 @!p0 s1  }
0x9e: {  	[bflag:$0x3] =	sbarrier.arrive $0xFFFF  }
0x9f: {  	_ =	shalt  }

// kernel: kernel.15.cloned.1.call-start
scs
__scs_entry_jumppad:
0x0: {  	(pc) =	sbr.rel $0x88, $3  }
0x1: {  	(tag) =	ssettag $0x0;
	lr =	simm.s32 $0x1  }
0x2: {  	[smem:$0x3F8D] =	sst lr;
	_ =	strace $0xD0000000  }
0x3: {  	_ = 	snop  }
0x4: {  	_ = 	snop  }
0x5: {  	_ = 	snop  }
0x6: {  	_ = 	snop  }
0x7: {  	_ = 	snop  }
__scs_overlays_trampoline_lowered:
0x8: {  	[smem:$0x3F9C] =	sst s0  }
0x9: {  	[smem:$0x3F9D] =	sst s1  }
0xa: {  	[smem:$0x3F9E] =	sst s2  }
0xb: {  	[smem:$0x3F9F] =	sst s3  }
0xc: {  	[smem:$0x3FA0] =	sst s4  }
0xd: {  	[smem:$0x3FA1] =	sst s5  }
0xe: {  	[smem:$0x3FA2] =	sst s6  }
0xf: {  	[smem:$0x3FA3] =	sst s7  }
0x10: {  	[smem:$0x3FA4] =	sst s8  }
0x11: {  	[smem:$0x3FA5] =	sst s9;
	s0 =	simm.s32 @!p0 $0x0  }
0x12: {  	s1 =	sld [smem:$0x3F8B];
	s0 =	simm.s32 @p0 $0x1  }
0x13: {  	[smem:$0x3FA6] =	sst s0;
	s0 =	simm.s32 @!p1 $0x0  }
0x14: {  	s2 =	sld [smem:$0x3F8A];
	s0 =	simm.s32 @p1 $0x1  }
0x15: {  	[smem:$0x3FA7] =	sst s0;
	s0 =	simm.s32 @!p2 $0x0  }
0x16: {  	s3 =	sld [smem:$0x3FDB];
	s0 =	simm.s32 @p2 $0x1  }
0x17: {  	s4 =	simm.s32 $0x1BF5;
	[smem:$0x3FA9] =	sst s0  }
0x18: {  	s0 =	sld [smem:$0x3F8C];
	_ =	swait.ge [sflag:s4], $0x0  }
0x19: {  	s7 =	sld [smem:$0x3F8D]  }
0x1a: {  	s8 =	sadd.s32 $0xFFFFE003, lr  }
0x1b: {  	s9 =	sadd.s32 $0xFFFFFEF7, lr;
	s5 =	simm.s32 $0xFFFFFFFF;
	p2 =	slt.u32 s8, $0xFFFFF086  }
0x1c: {  	p1 =	slt.u32 s9, $0xF7A;
	s5 =	simm.s32 @!p2 $0x0  }
0x1d: {  	s5 =	simm.s32 @p1 $0x1;
	p0 =	seq.s32 s7, s2  }
0x1e: {  	s7 =	smul.u32 @!p0 $0xF7A, s2;
	p2 =	seq.s32 @!p0 s5, $0x0  }
0x1f: {  	s9 =	smul.u32 $0xF7A, s1;
	s8 =	simm.s32 @!p0 $0x1BF5;
	p2 =	por !p2, p0  }
0x20: {  	[sflag:s8] =	ssyncset.s32 @!p0 $0xFFFFF086;
	s6 =	sadd.s32 @!p0 s3, s7;
	s7 =	simm.s32 @!p0 $0x108  }
0x21: {  	s3 =	sadd.s32 s3, s9;
	s6 =	sadd.s32 @!p0 $0x88, s6;
	s7 =	simm.s32 @p2 $0x1082  }
0x22: {  	[simem:s7], [sflag:s8] =	dma.local @!p0 [hbm:s6], $0xF7A  }
0x23: {  	s9 =	sor.u32 $0xD0000000, s2;
	s6 =	simm.s32 $0x108;
	_ =	swait.ge @!p0 [sflag:s8], $0x0  }
0x24: {  	s3 =	sadd.s32 $0x88, s3;
	s6 =	simm.s32 @!p1 $0x1082;
	[sflag:s4] =	ssyncset.s32 $0xFFFFF086  }
0x25: {  	[simem:s6], [sflag:s4] =	dma.local [hbm:s3], $0xF7A  }
0x26: {  	[smem:$0x3F8D] =	sst s1;
	(tag) =	ssettag s2;
	_ =	strace s9  }
0x27: {  	s1 =	sld [smem:$0x3F9D]  }
0x28: {  	s2 =	sld [smem:$0x3F9E]  }
0x29: {  	s4 =	sld [smem:$0x3FA0]  }
0x2a: {  	p0 =	seq.s32 s5, $0x0;
	s5 =	sld [smem:$0x3FA1]  }
0x2b: {  	s6 =	sld [smem:$0x3FA2]  }
0x2c: {  	s7 =	sld [smem:$0x3FA3]  }
0x2d: {  	s3 =	simm.s32 $0x108;
	s8 =	sld [smem:$0x3FA4]  }
0x2e: {  	s3 =	simm.s32 @!p0 $0x1082;
	s9 =	sld [smem:$0x3FA5]  }
0x2f: {  	lr =	sadd.s32 s0, s3;
	s0 =	sld [smem:$0x3F9C]  }
0x30: {  	s3 =	sld [smem:$0x3F9F]  }
0x31: {  	[smem:$0x3FA8] =	sst s10  }
0x32: {  	s10 =	sld [smem:$0x3FA6];
	_ =	sdelay $0x3  }
0x33: {  	p0 =	seq.s32 s10, $0x1;
	s10 =	sld [smem:$0x3FA8];
	_ =	sdelay $0x3  }
0x34: {  	[smem:$0x3FA8] =	sst s10  }
0x35: {  	s10 =	sld [smem:$0x3FA7];
	_ =	sdelay $0x3  }
0x36: {  	p1 =	seq.s32 s10, $0x1;
	s10 =	sld [smem:$0x3FA8];
	_ =	sdelay $0x3  }
0x37: {  	[smem:$0x3FA8] =	sst s10  }
0x38: {  	s10 =	sld [smem:$0x3FA9]  }
0x39: {  	_ = 	snop;
	(pc) =	sbr.ind lr, $3  }
0x3a: {  	_ = 	snop  }
0x3b: {  	_ = 	snop  }
0x3c: {  	p2 =	seq.s32 s10, $0x1;
	s10 =	sld [smem:$0x3FA8]  }
0x3d: {  	_ =	shalt  }
0x3e: {  	_ =	shalt  }
0x3f: {  	_ =	shalt  }
0x40: {  	_ =	shalt  }
0x41: {  	_ =	shalt  }
0x42: {  	_ =	shalt  }
0x43: {  	_ =	shalt  }
0x44: {  	_ =	shalt  }
0x45: {  	_ =	shalt  }
0x46: {  	_ =	shalt  }
0x47: {  	_ =	shalt  }
0x48: {  	_ =	shalt  }
0x49: {  	_ =	shalt  }
0x4a: {  	_ =	shalt  }
0x4b: {  	_ =	shalt  }
0x4c: {  	_ =	shalt  }
0x4d: {  	_ =	shalt  }
0x4e: {  	_ =	shalt  }
0x4f: {  	_ =	shalt  }
0x50: {  	_ =	shalt  }
0x51: {  	_ =	shalt  }
0x52: {  	_ =	shalt  }
0x53: {  	_ =	shalt  }
0x54: {  	_ =	shalt  }
0x55: {  	_ =	shalt  }
0x56: {  	_ =	shalt  }
0x57: {  	_ =	shalt  }
0x58: {  	_ =	shalt  }
0x59: {  	_ =	shalt  }
0x5a: {  	_ =	shalt  }
0x5b: {  	_ =	shalt  }
0x5c: {  	_ =	shalt  }
0x5d: {  	_ =	shalt  }
0x5e: {  	_ =	shalt  }
0x5f: {  	_ =	shalt  }
0x60: {  	_ =	shalt  }
0x61: {  	_ =	shalt  }
0x62: {  	_ =	shalt  }
0x63: {  	_ =	shalt  }
0x64: {  	_ =	shalt  }
0x65: {  	_ =	shalt  }
0x66: {  	_ =	shalt  }
0x67: {  	_ =	shalt  }
0x68: {  	_ =	shalt  }
0x69: {  	_ =	shalt  }
0x6a: {  	_ =	shalt  }
0x6b: {  	_ =	shalt  }
0x6c: {  	_ =	shalt  }
0x6d: {  	_ =	shalt  }
0x6e: {  	_ =	shalt  }
0x6f: {  	_ =	shalt  }
0x70: {  	_ =	shalt  }
0x71: {  	_ =	shalt  }
0x72: {  	_ =	shalt  }
0x73: {  	_ =	shalt  }
0x74: {  	_ =	shalt  }
0x75: {  	_ =	shalt  }
0x76: {  	_ =	shalt  }
0x77: {  	_ =	shalt  }
0x78: {  	_ =	shalt  }
0x79: {  	_ =	shalt  }
0x7a: {  	_ =	shalt  }
0x7b: {  	_ =	shalt  }
0x7c: {  	_ =	shalt  }
0x7d: {  	_ =	shalt  }
0x7e: {  	_ =	shalt  }
0x7f: {  	_ =	shalt  }
0x80: {  	_ =	shalt  }
0x81: {  	_ =	shalt  }
0x82: {  	_ =	shalt  }
0x83: {  	_ =	shalt  }
0x84: {  	_ =	shalt  }
0x85: {  	_ =	shalt  }
0x86: {  	_ =	shalt  }
0x87: {  	_ =	shalt  }
.Lfunc_end0:
.L_simem_size_0:
called_computation.2_lowered:
.L_overlay_start_0:
0x88: {  	s2 =	sld [smem:$0x3FD9]  }
0x89: {  	s3 =	sld [smem:$0x3FFE];
	_ =	sdelay $0x1  }
0x8a: {  	s1 =	srdreg.scid  }
0x8b: {  	s0 =	sand.u32 $0x1, s1  }
0x8c: {  	s17 =	sshll.u32 s0, $0xA;
	s2 =	sadd.s32 s3, s2  }
0x8d: {  	s2 =	sadd.s32 s2, s17  }
0x8e: {  	[smem:$0x3FB4] =	sst s2  }
0x8f: {  	_ = 	snop  }
0x90: {  	s2 =	sld [smem:$0x3FD0];
	(tm) =	ssettm $0x1  }
0x91: {  	s18 =	sld [smem:$0x3FFB];
	_ =	sdelay $0x3  }
0x92: {  	_ =	strace s18  }
0x93: {  	s3 =	sld [smem:$0x3FFC];
	_ =	sdelay $0x3  }
0x94: {  	_ =	strace s3  }
0x95: {  	s3 =	sld [smem:$0x3FFD];
	_ =	sdelay $0x3  }
0x96: {  	_ =	strace s3  }
0x97: {  	_ =	strace $0x8FFFFFFF  }
0x98: {  	s19 =	sld [smem:$0x3FDB];
	_ =	sdelay $0x1  }
0x99: {  	s4 =	simm.s32 $_scs_section_size  }
0x9a: {  	s5 =	simm.s32 $_size__tile_overlayer_lowered;
	s6 =	simm.s32 $_tile_overlayer_lowered  }
0x9b: {  	s22 =	simm.s32 $0x1BFF;
	s21 =	sshll.u32 s6, $0x1;
	s3 =	sadd.s32 s4, s19  }
0x9c: {  	s7 =	simm.s32 $0x0;
	s20 =	sshll.u32 s5, $0x1;
	s5 =	sadd.s32 s21, s3  }
0x9d: {  	[timem:s7], [sflag:s22] =	dma.local [hbm:s5], s20  }
0x9e: {  	_ =	swait.ge [sflag:s22], s20  }
0x9f: {  	s4 =	ssub.s32 $0x0, s20;
	[sflag:s22] =	ssyncset.done $0x0  }
0xa0: {  	[sflag:s22] =	ssyncadd.s32 s4;
	_ =	sdelay $0x1  }
0xa1: {  	s23 =	simm.s32 $0x1B8B  }
0xa2: {  	_ =	swait.ge [sflag:s23], $0x1  }
0xa3: {  	[sflag:s23] =	ssyncset.done $0x0  }
0xa4: {  	s25 =	simm.s32 $0x1B8E;
	s24 =	sld [smem:$0x3FFE];
	[sflag:s23] =	ssyncadd.s32 $0xFFFFFFFF  }
0xa5: {  	s26 =	simm.s32 $execute0_lowered;
	[smem:$0x3FD2] =	sst s25  }
0xa6: {  	s5 =	sshll.u32 s26, $0x1;
	_ =	strace $0x8000004C;
	[dreg:$0x1] =	wrdreg $0xFFFFFFFF  }
0xa7: {  	s28 =	simm.s32 $_size_execute0_lowered;
	s3 =	sadd.s32 s3, s5;
	[dreg:$0x0] =	wrdreg $0x0  }
0xa8: {  	s5 =	sshll.u32 s28, $0x1;
	[dreg:$0x2] =	wrdreg s3  }
0xa9: {  	[dreg:$0x3] =	wrdreg s5  }
0xaa: {  	[dreg:$0x4] =	wrdreg $0xC0  }
0xab: {  	_ =	task [dreg:s7], $0x5FFFF  }
0xac: {  	[dreg:$0x1] =	wrdreg $0xFFFFFFFF  }
0xad: {  	[dreg:$0x0] =	wrdreg $0x60  }
0xae: {  	[dreg:$0x2] =	wrdreg s24  }
0xaf: {  	[dreg:$0x3] =	wrdreg s2  }
0xb0: {  	[dreg:$0x4] =	wrdreg $0xAA000  }
0xb1: {  	[dreg:$0x5] =	wrdreg $0x9  }
0xb2: {  	_ =	task.clear_ibuf [dreg:s7], $0x6FFFF;
	_ =	strace $0x9000004C  }
0xb3: {  	s29 =	simm.s32 $0x9;
	_ =	strace $0x8000004E  }
0xb4: {  	_ =	swait.ge [sflag:s29], $0x1  }
0xb5: {  	[sflag:s29] =	ssyncadd.s32 $0xFFFFFFFF  }
0xb6: {  	_ =	strace $0x9000004E  }
0xb7: {  	_ =	sfence  }
0xb8: {  	s30 =	sld [smem:$0x0];
	_ =	sdelay $0x2  }
0xb9: {  	s31 =	sshll.u32 s1, $0xD;
	s1 =	sshrl.u32 s1, $0x2  }
0xba: {  	s3 =	sand.u32 $0x4000, s31;
	s1 =	sadd.s32 s1, s30  }
0xbb: {  	s0 =	sor.u32 s3, s0;
	s1 =	sshll.u32 s1, $0x11  }
0xbc: {  	s0 =	sor.u32 s1, s0  }
0xbd: {  	s0 =	sadd.s32 $0x8F2B, s0  }
0xbe: {  	[sflag:s0] =	ssyncadd.remote.s32 $0x1  }
0xbf: {  	_ =	sfence.sel $0xFFFF  }
0xc0: {  	[dreg:$0x0] =	wrdreg $0xFFFFFFFF;
	(pc) =	sbr.abs _section_cstart, $3  }
0xc1: {  	[dreg:$0x1] =	wrdreg $0xFFFFFFFF  }
0xc2: {  	_ =	task.clear_ibuf [dreg:s7], $0x2FFFF;
	_ =	strace $0x9FFFFFFF  }
0xc3: {  	(tm) =	ssettm $0x7FFFFFFF  }
tec
execute0_lowered:
.L_overlay_start_1:
0x0: {  	(tag) =	ssettag $0x1  }
0x1: {  	s0 =	rddreg [dreg:$0x0]  }
0x2: {  	s2 =	rddreg [dreg:$0x2];
	s3 =	simm.s32 $0x0  }
0x3: {  	s1 =	srdreg.scid;
	s13 =	stileid.u32;
	s28 =	simm.s32 $0x480  }
0x4: {  	s29 =	simm.s32 $0x500;
	s30 =	simm.s32 $0x3200;
	s31 =	simm.s32 $0x580  }
0x5: {  	s15 =	simm.s32 $0x700;
	s16 =	simm.s32 $0x780;
	[smem:$0x7FF] =	sst s3  }
0x6: {  	s5 =	sadd.s32 $0x15400, s0;
	s6 =	sadd.s32 $0x3C00, s0;
	s7 =	sand.u32 $0x1, s1  }
0x7: {  	s17 =	smul.u32 $0x4E000, s13;
	s8 =	sadd.s32 $0x8C00, s0;
	s9 =	sadd.s32 $0x10400, s0  }
0x8: {  	s0 =	sadd.s32 $0x14DC00, s0;
	s18 =	smul.u32 $0x2700, s13;
	s11 =	sshll.u32 s13, $0x1  }
0x9: {  	s20 =	sadd.s32 $0x138000, s2;
	p0 =	sne.s32 s13, $0xF;
	s13 =	simm.s32 $0x1  }
0xa: {  	_ =	strace $0x8000004D;
	s4 =	ssub.s32 $0x2, s7;
	s1 =	sshrl.u32 s17, $0x2  }
0xb: {  	s21 =	smul.u32 $0x138800, s7;
	[dreg:$0xa] =	wrdreg s20;
	s19 =	sadd.s32 s1, s2  }
0xc: {  	s23 =	smul.u32 $0x27100, s7;
	s1 =	sadd.s32 $0x3400, s19;
	[dreg:$0x4] =	wrdreg s19  }
0xd: {  	s10 =	sshrl.u32 s4, $0x1;
	s12 =	sadd.s32 $0x6800, s19;
	[dreg:$0x5] =	wrdreg s1  }
0xe: {  	s17 =	simm.s32 $0x0;
	s22 =	sadd.s32 $0x9C00, s19;
	[dreg:$0x6] =	wrdreg s12  }
0xf: {  	s4 =	ssub.s32 s4, s10;
	s14 =	sadd.s32 $0xD000, s19;
	[dreg:$0x7] =	wrdreg s22  }
0x10: {  	s10 =	sadd.s32 s18, s23;
	s24 =	sadd.s32 $0x10400, s19;
	[dreg:$0x8] =	wrdreg s14  }
0x11: {  	s18 =	simm.s32 $0x800;
	s26 =	smax.u32 s4, $0x1;
	[dreg:$0x9] =	wrdreg s24  }
0x12: {  	s4 =	simm.s32 $0x600;
	s1 =	sshrl.u32 s21, $0x3;
	[dreg:$0xd] =	wrdreg s26  }
0x13: {  	s21 =	simm.s32 $0xA00;
	s22 =	simm.s32 $0x3;
	s26 =	simm.s32 $0x50  }
0x14: {  	s12 =	simm.s32 $0x8200;
	s1 =	sadd.s32 s0, s1;
	s0 =	sadd.s32 s0, s10  }
0x15: {  	s14 =	simm.s32 $0x680;
	[dreg:$0xb] =	wrdreg s0;
	s25 =	sadd.s32 $0x27000, s1  }
0x16: {  	v0 =	vimm.f32 $0.0e+00;
	s0 =	simm.s32 $0x5A00;
	[dreg:$0xc] =	wrdreg s25;
	s25 =	simm.s32 $0x880  }
.LBB2_1:
0x17: {  	[dreg:$0xe] =	wrdreg s17;
	s10 =	simm.s32 $0x0;
	s17 =	simm.s32 $0x200  }
.LBB2_2:
0x18: {  	p1 =	sne.s32 s17, $0xCE00;
	[tilespmem:s10+$0xA70] =	vst v0  }
0x19: {  	[tilespmem:s10+$0xA00] =	vst v0  }
0x1a: {  	[tilespmem:s10+$0xA10] =	vst v0  }
.Ltmp0:
0x1b: {  	[tilespmem:s10+$0xA20] =	vst v0;
	(pc) =	sbr.rel @p1 .LBB2_2-.Ltmp0, $4  }
0x1c: {  	[tilespmem:s10+$0xA30] =	vst v0  }
0x1d: {  	[tilespmem:s10+$0xA40] =	vst v0  }
0x1e: {  	[tilespmem:s10+$0xA50] =	vst v0  }
0x1f: {  	[tilespmem:s10+$0xA60] =	vst v0;
	s10 =	sshra.s32 s17, $0x2;
	s17 =	sadd.s32 $0x200, s17  }
0x20: {  	[tilespmem:s10+$0xA70] =	vst v0  }
0x21: {  	[tilespmem:s10+$0xA00] =	vst v0  }
0x22: {  	[tilespmem:s10+$0xA10] =	vst v0  }
0x23: {  	[tilespmem:s10+$0xA20] =	vst v0  }
0x24: {  	[tilespmem:s10+$0xA30] =	vst v0  }
0x25: {  	[tilespmem:s10+$0xA40] =	vst v0  }
0x26: {  	[tilespmem:s10+$0xA50] =	vst v0  }
0x27: {  	[tilespmem:s10+$0xA60] =	vst v0  }
0x28: {  	[spmem:s19] =	stream.linear.scatter [tilespmem:s21], [sflag:$0x3], $0x3400, $0x38;
	[tilespmem:$0x1E280] =	vst v63  }
0x29: {  	_ =	swait.ge [sflag:s22], $0x3400  }
0x2a: {  	[sflag:s22] =	ssyncset.done $0x0  }
0x2b: {  	s1 =	rddreg [dreg:$0x5];
	[sflag:s22] =	ssyncadd.s32 $0xFFFFCC00  }
0x2c: {  	[spmem:s1] =	stream.linear.scatter [tilespmem:s21], [sflag:$0x3], $0x3400, $0x38;
	[tilespmem:$0x1E280] =	vst v63  }
0x2d: {  	_ =	swait.ge [sflag:s22], $0x3400  }
0x2e: {  	[sflag:s22] =	ssyncset.done $0x0  }
0x2f: {  	s17 =	rddreg [dreg:$0x6];
	[sflag:s22] =	ssyncadd.s32 $0xFFFFCC00  }
0x30: {  	[spmem:s17] =	stream.linear.scatter [tilespmem:s21], [sflag:$0x3], $0x3400, $0x38;
	[tilespmem:$0x1E280] =	vst v63  }
0x31: {  	_ =	swait.ge [sflag:s22], $0x3400  }
0x32: {  	[sflag:s22] =	ssyncset.done $0x0  }
0x33: {  	s19 =	rddreg [dreg:$0x7];
	[sflag:s22] =	ssyncadd.s32 $0xFFFFCC00  }
0x34: {  	[spmem:s19] =	stream.linear.scatter [tilespmem:s21], [sflag:$0x3], $0x3400, $0x38;
	[tilespmem:$0x1E280] =	vst v63  }
0x35: {  	_ =	swait.ge [sflag:s22], $0x3400  }
0x36: {  	[sflag:s22] =	ssyncset.done $0x0  }
0x37: {  	s23 =	rddreg [dreg:$0x8];
	[sflag:s22] =	ssyncadd.s32 $0xFFFFCC00  }
0x38: {  	[spmem:s23] =	stream.linear.scatter [tilespmem:s21], [sflag:$0x3], $0x3400, $0x38;
	[tilespmem:$0x1E280] =	vst v63  }
0x39: {  	_ =	swait.ge [sflag:s22], $0x3400  }
0x3a: {  	[sflag:s22] =	ssyncset.done $0x0  }
0x3b: {  	s24 =	rddreg [dreg:$0x9];
	[sflag:s22] =	ssyncadd.s32 $0xFFFFCC00  }
0x3c: {  	[spmem:s24] =	stream.linear.scatter [tilespmem:s21], [sflag:$0x3], $0x3400, $0x38;
	[tilespmem:$0x1E280] =	vst v63  }
0x3d: {  	_ =	swait.ge [sflag:s22], $0x3400  }
0x3e: {  	[sflag:s22] =	ssyncset.done $0x0  }
0x3f: {  	s1 =	simm.s32 @!p0 $0xA00;
	[sflag:s22] =	ssyncadd.s32 $0xFFFFCC00  }
0x40: {  	[spmem:s20] =	stream.linear.scatter @!p0 [tilespmem:s1], [sflag:$0x3], $0x800, $0x38;
	[tilespmem:$0x1E280] =	vst v63  }
0x41: {  	s1 =	simm.s32 @!p0 $0x3  }
0x42: {  	_ =	swait.ge @!p0 [sflag:s1], $0x800  }
0x43: {  	[sflag:s1] =	ssyncset.done @!p0 $0x0  }
0x44: {  	[sflag:s1] =	ssyncadd.s32 @!p0 $0xFFFFF800  }
0x45: {  	s10 =	simm.s32 $0x0;
	s17 =	simm.s32 $0x0;
	[bflag:$0x0] =	sbarrier.arrive $0xFFFF  }
.LBB2_4:
0x46: {  	s1 =	sshll.u32 s10, $0x5  }
0x47: {  	s1 =	sor.u32 s1, s11  }
0x48: {  	s1 =	sor.u32 s7, s1  }
0x49: {  	s1 =	smul.u32 $0x28, s1  }
0x4a: {  	s19 =	rddreg [dreg:$0x1]  }
0x4b: {  	s19 =	sadd.s32 s19, s1  }
0x4c: {  	[tilespmem:s3], [sflag:$0x3] =	stream.linear.gather [hbm4b:s19+s3], $0x140, $0x38;
	[tilespmem:$0x1E280] =	vst v63  }
0x4d: {  	_ =	swait.ge [sflag:s22], $0x140  }
0x4e: {  	[sflag:s22] =	ssyncset.done $0x0  }
0x4f: {  	s20 =	simm.s32 $0x180;
	s24 =	sadd.s32 s6, s1;
	[sflag:s22] =	ssyncadd.s32 $0xFFFFFEC0  }
0x50: {  	[tilespmem:s20], [sflag:$0x3] =	stream.linear.gather [hbm4b:s24+s3], $0x140, $0x38;
	[tilespmem:$0x1E280] =	vst v63  }
0x51: {  	_ =	swait.ge [sflag:s22], $0x140  }
0x52: {  	[sflag:s22] =	ssyncset.done $0x0  }
0x53: {  	s23 =	sadd.s32 s8, s1;
	s24 =	simm.s32 $0x300;
	[sflag:s22] =	ssyncadd.s32 $0xFFFFFEC0  }
0x54: {  	[tilespmem:s24], [sflag:$0x3] =	stream.linear.gather [hbm4b:s23+s3], $0x140, $0x38;
	[tilespmem:$0x1E280] =	vst v63  }
0x55: {  	_ =	swait.ge [sflag:s22], $0x140  }
0x56: {  	[sflag:s22] =	ssyncset.done $0x0  }
0x57: {  	s1 =	sadd.s32 s9, s1;
	[sflag:s22] =	ssyncadd.s32 $0xFFFFFEC0  }
0x58: {  	[tilespmem:s25], [sflag:$0x3] =	stream.linear.gather [hbm4b:s1+s3], $0x140, $0x38;
	[tilespmem:$0x1E280] =	vst v63  }
0x59: {  	_ =	swait.ge [sflag:s22], $0x140  }
0x5a: {  	p1 =	seq.s32 s10, $0x0;
	[sflag:s22] =	ssyncset.done $0x0  }
0x5b: {  	s1 =	simm.s32 @!p1 $0x2;
	[sflag:s22] =	ssyncadd.s32 $0xFFFFFEC0  }
0x5c: {  	_ =	swait.ge @!p1 [sflag:s1], $0x2800  }
0x5d: {  	[sflag:s1] =	ssyncset.done @!p1 $0x0  }
0x5e: {  	[sflag:s1] =	ssyncadd.s32 @!p1 $0xFFFFD800  }
0x5f: {  	_ =	swait.ge @!p1 [sflag:s1], $0x2800  }
0x60: {  	[sflag:s1] =	ssyncset.done @!p1 $0x0  }
0x61: {  	[sflag:s1] =	ssyncadd.s32 @!p1 $0xFFFFD800  }
0x62: {  	_ =	swait.ge @!p1 [sflag:s1], $0x2800  }
0x63: {  	[sflag:s1] =	ssyncset.done @!p1 $0x0  }
0x64: {  	[sflag:s1] =	ssyncadd.s32 @!p1 $0xFFFFD800  }
0x65: {  	_ =	swait.ge @!p1 [sflag:s1], $0x2800  }
0x66: {  	[sflag:s1] =	ssyncset.done @!p1 $0x0  }
0x67: {  	[sflag:s1] =	ssyncadd.s32 @!p1 $0xFFFFD800  }
0x68: {  	v1 =	vld [tilespmem:$0x0]  }
0x69: {  	v2 =	vld [tilespmem:$0x300]  }
0x6a: {  	v3 =	vld [tilespmem:$0x180]  }
0x6b: {  	v4 =	vld [tilespmem:$0x10]  }
0x6c: {  	v5 =	vld [tilespmem:$0x310]  }
0x6d: {  	v6 =	vld [tilespmem:$0x190]  }
0x6e: {  	v7 =	vld [tilespmem:$0x20]  }
0x6f: {  	v8 =	vld [tilespmem:$0x320]  }
0x70: {  	v9 =	vld [tilespmem:$0x1A0]  }
0x71: {  	v10 =	vld [tilespmem:$0x30]  }
0x72: {  	v11 =	vld [tilespmem:$0x330]  }
0x73: {  	v12 =	vld [tilespmem:$0x1B0]  }
0x74: {  	v13 =	vld [tilespmem:$0x40]  }
0x75: {  	v14 =	vld [tilespmem:$0x340]  }
0x76: {  	v15 =	vld [tilespmem:$0x1C0]  }
0x77: {  	v16 =	vld [tilespmem:$0x50]  }
0x78: {  	v17 =	vld [tilespmem:$0x350]  }
0x79: {  	v18 =	vld [tilespmem:$0x1D0]  }
0x7a: {  	v19 =	vld [tilespmem:$0x60]  }
0x7b: {  	v20 =	vld [tilespmem:$0x360]  }
0x7c: {  	v21 =	vld [tilespmem:$0x1E0]  }
0x7d: {  	v22 =	vld [tilespmem:$0x70]  }
0x7e: {  	v23 =	vld [tilespmem:$0x370]  }
0x7f: {  	v24 =	vld [tilespmem:$0x1F0];
	[tilespmem:$0x680] =	vst v3  }
0x80: {  	v25 =	vld [tilespmem:$0x80];
	v1 =	vshll.u32 v1, $0x3;
	[tilespmem:$0x690] =	vst v6  }
0x81: {  	v3 =	vld [tilespmem:$0x90];
	[tilespmem:$0x6A0] =	vst v9;
	v1 =	vadd.s32 v2, v1  }
0x82: {  	v6 =	vld [tilespmem:$0x210];
	[tilespmem:$0x480] =	vst v1;
	v1 =	vshll.u32 v4, $0x3  }
0x83: {  	v9 =	vld [tilespmem:$0x220];
	[tilespmem:$0x6B0] =	vst v12;
	v1 =	vadd.s32 v5, v1  }
0x84: {  	v12 =	vld [tilespmem:$0x230];
	[tilespmem:$0x490] =	vst v1;
	v1 =	vshll.u32 v7, $0x3  }
0x85: {  	[tilespmem:$0x6C0] =	vst v15;
	v15 =	vld [tilespmem:$0x240];
	v1 =	vadd.s32 v8, v1  }
0x86: {  	v2 =	vld [tilespmem:$0x380];
	[tilespmem:$0x4A0] =	vst v1;
	v1 =	vshll.u32 v10, $0x3  }
0x87: {  	v4 =	vld [tilespmem:$0x200];
	v1 =	vadd.s32 v11, v1  }
0x88: {  	v5 =	vld [tilespmem:$0x390];
	[tilespmem:$0x4B0] =	vst v1;
	v1 =	vshll.u32 v13, $0x3  }
0x89: {  	v7 =	vld [tilespmem:$0xA0];
	[tilespmem:$0x740] =	vst v6;
	v1 =	vadd.s32 v14, v1  }
0x8a: {  	v8 =	vld [tilespmem:$0x3A0];
	[tilespmem:$0x4C0] =	vst v1;
	v1 =	vshll.u32 v16, $0x3  }
0x8b: {  	v6 =	vld [tilespmem:$0xF0];
	[tilespmem:$0x780] =	vst v9;
	v1 =	vadd.s32 v17, v1  }
0x8c: {  	v9 =	vld [tilespmem:$0x100];
	[tilespmem:$0x500] =	vst v1;
	v1 =	vshll.u32 v19, $0x3  }
0x8d: {  	[tilespmem:$0x790] =	vst v12;
	v12 =	vld [tilespmem:$0x110];
	v1 =	vadd.s32 v20, v1  }
0x8e: {  	v10 =	vld [tilespmem:$0xB0];
	[tilespmem:$0x510] =	vst v1;
	v1 =	vshll.u32 v22, $0x3  }
0x8f: {  	v11 =	vld [tilespmem:$0x3B0];
	[tilespmem:$0x730] =	vst v4;
	v1 =	vadd.s32 v23, v1  }
0x90: {  	v4 =	vld [tilespmem:$0x3E0];
	[tilespmem:$0x520] =	vst v1;
	v1 =	vshll.u32 v25, $0x3  }
0x91: {  	v13 =	vld [tilespmem:$0xC0];
	v1 =	vadd.s32 v2, v1  }
0x92: {  	v14 =	vld [tilespmem:$0x3C0];
	[tilespmem:$0x530] =	vst v1;
	v1 =	vshll.u32 v3, $0x3  }
0x93: {  	v16 =	vld [tilespmem:$0xD0];
	v1 =	vadd.s32 v5, v1  }
0x94: {  	v17 =	vld [tilespmem:$0x3D0];
	[tilespmem:$0x540] =	vst v1;
	v1 =	vshll.u32 v7, $0x3  }
0x95: {  	[tilespmem:$0x700] =	vst v18;
	v2 =	vld [tilespmem:$0x250];
	v1 =	vadd.s32 v8, v1  }
0x96: {  	v3 =	vld [tilespmem:$0xE0];
	[tilespmem:$0x580] =	vst v1;
	v1 =	vshll.u32 v10, $0x3  }
0x97: {  	[tilespmem:$0x710] =	vst v21;
	v5 =	vld [tilespmem:$0x260];
	v1 =	vadd.s32 v11, v1  }
0x98: {  	v7 =	vld [tilespmem:$0x3F0];
	[tilespmem:$0x590] =	vst v1;
	v1 =	vshll.u32 v13, $0x3  }
0x99: {  	[tilespmem:$0x720] =	vst v24;
	v8 =	vld [tilespmem:$0x270];
	v1 =	vadd.s32 v14, v1  }
0x9a: {  	v10 =	vld [tilespmem:$0x400];
	[tilespmem:$0x5A0] =	vst v1;
	v1 =	vshll.u32 v16, $0x3  }
0x9b: {  	[tilespmem:$0x7B0] =	vst v2;
	v2 =	vld [tilespmem:$0x290];
	v1 =	vadd.s32 v17, v1  }
0x9c: {  	v11 =	vld [tilespmem:$0x280];
	[tilespmem:$0x5B0] =	vst v1;
	v1 =	vshll.u32 v3, $0x3  }
0x9d: {  	[tilespmem:$0x7C0] =	vst v5;
	v5 =	vld [tilespmem:$0x420];
	v1 =	vadd.s32 v4, v1  }
0x9e: {  	v3 =	vld [tilespmem:$0x410];
	[tilespmem:$0x5C0] =	vst v1;
	v1 =	vshll.u32 v6, $0x3  }
0x9f: {  	[tilespmem:$0x800] =	vst v8;
	v4 =	vld [tilespmem:$0x120];
	v1 =	vadd.s32 v7, v1  }
0xa0: {  	v8 =	vld [tilespmem:$0x430];
	[tilespmem:$0x600] =	vst v1;
	v1 =	vshll.u32 v9, $0x3  }
0xa1: {  	[tilespmem:$0x7A0] =	vst v15;
	v7 =	vld [tilespmem:$0x130];
	v1 =	vadd.s32 v10, v1  }
0xa2: {  	v6 =	vld [tilespmem:$0x2A0];
	[tilespmem:$0x610] =	vst v1;
	v1 =	vshll.u32 v12, $0x3  }
0xa3: {  	[tilespmem:$0x820] =	vst v2;
	v1 =	vadd.s32 v3, v1  }
0xa4: {  	v3 =	vld [tilespmem:$0x2B0];
	[tilespmem:$0x620] =	vst v1;
	v1 =	vshll.u32 v4, $0x3  }
0xa5: {  	[tilespmem:$0x810] =	vst v11;
	v1 =	vadd.s32 v5, v1  }
0xa6: {  	[tilespmem:$0x630] =	vst v1;
	v1 =	vshll.u32 v7, $0x3  }
0xa7: {  	[tilespmem:$0x830] =	vst v6;
	v1 =	vadd.s32 v8, v1  }
0xa8: {  	[tilespmem:$0x640] =	vst v1  }
0xa9: {  	[tilespmem:$0x840] =	vst v3  }
0xaa: {  	[tilespmem:s21], [sflag:$0x1] =	stream.indirect.gather [hbm4b:s5+s26], $0x80, s28, s26, $0xb8;
	[tilespmem:$0x1E280] =	vst v63  }
0xab: {  	_ = 	snop  }
0xac: {  	[tilespmem:s30], [sflag:$0x1] =	stream.indirect.gather [hbm4b:s5+s26], $0x80, s29, s26, $0xb8;
	[tilespmem:$0x1E280] =	vst v63  }
0xad: {  	_ = 	snop  }
0xae: {  	[tilespmem:s0], [sflag:$0x1] =	stream.indirect.gather [hbm4b:s5+s26], $0x80, s31, s26, $0xb8;
	[tilespmem:$0x1E280] =	vst v63  }
0xaf: {  	_ = 	snop  }
0xb0: {  	[tilespmem:s12], [sflag:$0x1] =	stream.indirect.gather [hbm4b:s5+s26], $0x80, s4, s26, $0xb8;
	[tilespmem:$0x1E280] =	vst v63  }
0xb1: {  	_ =	swait.ge [sflag:s13], $0x2800  }
0xb2: {  	[sflag:s13] =	ssyncset.done $0x0  }
0xb3: {  	[sflag:s13] =	ssyncadd.s32 $0xFFFFD800  }
0xb4: {  	_ =	swait.ge [sflag:s13], $0x2800  }
0xb5: {  	s23 =	simm.s32 $0x6;
	v1 =	vmov s17;
	[sflag:s13] =	ssyncset.done $0x0  }
0xb6: {  	v2 =	vmov s23;
	v1 =	vand.u32 $0xFFFFFFF8, v1;
	[sflag:s13] =	ssyncadd.s32 $0xFFFFD800  }
0xb7: {  	v2 =	vand.u32 $0xFFFFFFFE, v2;
	v1 =	vbroadcast v1, $0x0;
	_ =	swait.ge [sflag:s13], $0x2800  }
0xb8: {  	v2 =	vbroadcast v2, $0x0;
	[sflag:s13] =	ssyncset.done $0x0  }
0xb9: {  	[sflag:s13] =	ssyncadd.s32 $0xFFFFD800  }
0xba: {  	_ =	swait.ge [sflag:s13], $0x2800  }
0xbb: {  	[sflag:s13] =	ssyncset.done $0x0  }
0xbc: {  	[sflag:s13] =	ssyncadd.s32 $0xFFFFD800  }
0xbd: {  	v1 =	vld.idx.msk [tilespmem:v1+s25+$0x0], $0xffff  }
0xbe: {  	s19 =	simm.s32 $0xC00;
	s24 =	simm.s32 $0x1;
	v2 =	vld.idx.msk [tilespmem:v2+s25+$0x0], $0xffff  }
0xbf: {  	v3 =	vmov s24;
	v4 =	vld [tilespmem:s19+$0x170]  }
0xc0: {  	v3 =	vand.u32 $0xFFFFFFF9, v3;
	v5 =	vld [tilespmem:s19+$0xFFFFFE00]  }
0xc1: {  	v3 =	vbroadcast v3, $0x0;
	v6 =	vld [tilespmem:s19+$0xFFFFFE10]  }
0xc2: {  	v7 =	vld [tilespmem:s19+$0xFFFFFE20]  }
0xc3: {  	v8 =	vld [tilespmem:s19+$0xFFFFFE30]  }
0xc4: {  	v9 =	vld [tilespmem:s19+$0xFFFFFE40]  }
0xc5: {  	v10 =	vld [tilespmem:s19+$0xFFFFFE50]  }
0xc6: {  	v11 =	vld [tilespmem:s19+$0xFFFFFE60]  }
0xc7: {  	v3 =	vld.idx.msk [tilespmem:v3+s25+$0x0], $0xffff  }
0xc8: {  	v12 =	vld [tilespmem:s19+$0xFFFFFE70]  }
0xc9: {  	v13 =	vld [tilespmem:s19+$0xFFFFFE80];
	v5 =	vmul.f32 v5, v1  }
0xca: {  	v14 =	vld [tilespmem:s19+$0xFFFFFE90];
	v4 =	vmul.f32 v4, v2  }
0xcb: {  	v15 =	vld [tilespmem:s19+$0xFFFFFEA0];
	v6 =	vmul.f32 v6, v1;
	[tilespmem:s19+$0xFFFFFE00] =	vst v5  }
0xcc: {  	s20 =	simm.s32 $0x2;
	v16 =	vld [tilespmem:s19+$0xFFFFFEB0];
	v8 =	vmul.f32 v8, v1;
	[tilespmem:s19+$0x170] =	vst v4  }
0xcd: {  	v9 =	vmul.f32 v9, v1;
	v5 =	vmov s20;
	v4 =	vmul.f32 v7, v1;
	v7 =	vld [tilespmem:s19+$0xFFFFFEC0];
	[tilespmem:s19+$0xFFFFFE10] =	vst v6  }
0xce: {  	v6 =	vmul.f32 v13, v3;
	v13 =	vld [tilespmem:s19+$0xFFFFFED0];
	[tilespmem:s19+$0xFFFFFE30] =	vst v8;
	v5 =	vand.u32 $0xFFFFFFFA, v5  }
0xcf: {  	v8 =	vmul.f32 v10, v1;
	v10 =	vld [tilespmem:s19+$0xFFFFFEF0];
	[tilespmem:s19+$0xFFFFFE40] =	vst v9;
	v5 =	vbroadcast v5, $0x0  }
0xd0: {  	v9 =	vmul.f32 v11, v1;
	v11 =	vld [tilespmem:s19+$0xFFFFFF00];
	[tilespmem:s19+$0xFFFFFE20] =	vst v4  }
0xd1: {  	v1 =	vmul.f32 v12, v1;
	v12 =	vld [tilespmem:s19+$0xFFFFFF20];
	[tilespmem:s19+$0xFFFFFE80] =	vst v6  }
0xd2: {  	s23 =	simm.s32 $0x3;
	v4 =	vld [tilespmem:s19+$0xFFFFFEE0];
	[tilespmem:s19+$0xFFFFFE50] =	vst v8  }
0xd3: {  	v6 =	vmov s23;
	v8 =	vld [tilespmem:s19+$0xFFFFFF10];
	[tilespmem:s19+$0xFFFFFE60] =	vst v9;
	v9 =	vmul.f32 v14, v3  }
0xd4: {  	[tilespmem:s19+$0xFFFFFE70] =	vst v1;
	v1 =	vmul.f32 v15, v3;
	v14 =	vld [tilespmem:s19+$0xFFFFFF30];
	v6 =	vand.u32 $0xFFFFFFFB, v6  }
0xd5: {  	v6 =	vbroadcast v6, $0x0;
	[tilespmem:s19+$0xFFFFFE90] =	vst v9;
	v9 =	vmul.f32 v16, v3;
	v5 =	vld.idx.msk [tilespmem:v5+s25+$0x0], $0xffff  }
0xd6: {  	v15 =	vld [tilespmem:s19+$0xFFFFFF40];
	[tilespmem:s19+$0xFFFFFEA0] =	vst v1;
	v7 =	vmul.f32 v7, v3  }
0xd7: {  	v13 =	vmul.f32 v13, v3;
	[tilespmem:s19+$0xFFFFFEB0] =	vst v9;
	v9 =	vld [tilespmem:s19+$0xFFFFFF60]  }
0xd8: {  	[tilespmem:s19+$0xFFFFFEC0] =	vst v7;
	v4 =	vmul.f32 v4, v3;
	v7 =	vld [tilespmem:s19+$0xFFFFFF70]  }
0xd9: {  	[tilespmem:s19+$0xFFFFFED0] =	vst v13;
	v3 =	vmul.f32 v10, v3;
	v10 =	vld [tilespmem:s19+$0xFFFFFF80]  }
0xda: {  	v13 =	vld [tilespmem:s19+$0xFFFFFFB0];
	[tilespmem:s19+$0xFFFFFEE0] =	vst v4;
	v1 =	vmul.f32 v11, v5  }
0xdb: {  	[tilespmem:s19+$0xFFFFFEF0] =	vst v3;
	v6 =	vld.idx.msk [tilespmem:v6+s25+$0x0], $0xffff;
	v4 =	vmul.f32 v8, v5  }
0xdc: {  	s24 =	simm.s32 $0x4;
	v11 =	vld [tilespmem:s19+$0xFFFFFF50];
	v3 =	vmul.f32 v12, v5;
	[tilespmem:s19+$0xFFFFFF00] =	vst v1  }
0xdd: {  	v8 =	vld [tilespmem:s19+$0xFFFFFF90];
	v9 =	vmul.f32 v9, v5;
	v1 =	vmov s24;
	[tilespmem:s19+$0xFFFFFF10] =	vst v4  }
0xde: {  	v12 =	vld [tilespmem:s19+$0xFFFFFFA0];
	v4 =	vmul.f32 v14, v5;
	[tilespmem:s19+$0xFFFFFF20] =	vst v3;
	v1 =	vand.u32 $0xFFFFFFFC, v1  }
0xdf: {  	v3 =	vmul.f32 v15, v5;
	v14 =	vld [tilespmem:s19+$0xFFFFFFC0];
	[tilespmem:s19+$0xFFFFFF60] =	vst v9;
	v1 =	vbroadcast v1, $0x0  }
0xe0: {  	v9 =	vld [tilespmem:s19+$0x0];
	[tilespmem:s19+$0xFFFFFF30] =	vst v4;
	v4 =	vmul.f32 v10, v6  }
0xe1: {  	s20 =	simm.s32 $0x5;
	v10 =	vld [tilespmem:s19+$0xFFFFFFD0];
	[tilespmem:s19+$0xFFFFFF40] =	vst v3;
	v11 =	vmul.f32 v11, v5  }
0xe2: {  	v3 =	vld [tilespmem:s19+$0xFFFFFFE0];
	v5 =	vmul.f32 v7, v5;
	[tilespmem:s19+$0xFFFFFF80] =	vst v4;
	v4 =	vmov s20  }
0xe3: {  	v7 =	vld [tilespmem:s19+$0xFFFFFFF0];
	v8 =	vmul.f32 v8, v6;
	[tilespmem:s19+$0xFFFFFF50] =	vst v11;
	v4 =	vand.u32 $0xFFFFFFFD, v4  }
0xe4: {  	[tilespmem:s19+$0xFFFFFF70] =	vst v5;
	v5 =	vmul.f32 v12, v6;
	v11 =	vld [tilespmem:s19+$0x10];
	v4 =	vbroadcast v4, $0x0  }
0xe5: {  	[tilespmem:s19+$0xFFFFFF90] =	vst v8;
	v8 =	vmul.f32 v13, v6;
	v1 =	vld.idx.msk [tilespmem:v1+s25+$0x0], $0xffff  }
0xe6: {  	v12 =	vld [tilespmem:s19+$0x20];
	[tilespmem:s19+$0xFFFFFFA0] =	vst v5;
	v5 =	vmul.f32 v14, v6  }
0xe7: {  	v13 =	vld [tilespmem:s19+$0x30];
	[tilespmem:s19+$0xFFFFFFB0] =	vst v8;
	v8 =	vmul.f32 v10, v6  }
0xe8: {  	v10 =	vld [tilespmem:s19+$0x40];
	v3 =	vmul.f32 v3, v6;
	[tilespmem:s19+$0xFFFFFFC0] =	vst v5  }
0xe9: {  	v6 =	vmul.f32 v7, v6;
	[tilespmem:s19+$0xFFFFFFD0] =	vst v8;
	v8 =	vld [tilespmem:s19+$0x60]  }
0xea: {  	[tilespmem:s19+$0xFFFFFFE0] =	vst v3;
	v4 =	vld.idx.msk [tilespmem:v4+s25+$0x0], $0xffff;
	v5 =	vmul.f32 v9, v1  }
0xeb: {  	[tilespmem:s19+$0xFFFFFFF0] =	vst v6;
	v9 =	vld [tilespmem:s19+$0x50];
	v6 =	vmul.f32 v12, v1  }
0xec: {  	v3 =	vmul.f32 v11, v1;
	v11 =	vld [tilespmem:s19+$0x90];
	[tilespmem:s19+$0x0] =	vst v5  }
0xed: {  	v7 =	vld [tilespmem:s19+$0x80];
	[tilespmem:s19+$0x20] =	vst v6;
	v6 =	vmul.f32 v10, v1  }
0xee: {  	v5 =	vld [tilespmem:s19+$0x70];
	[tilespmem:s19+$0x10] =	vst v3;
	v3 =	vmul.f32 v13, v1  }
0xef: {  	v10 =	vld [tilespmem:s19+$0xA0];
	[tilespmem:s19+$0x40] =	vst v6;
	v6 =	vmul.f32 v8, v1  }
0xf0: {  	[tilespmem:s19+$0x30] =	vst v3;
	v8 =	vld [tilespmem:s19+$0xC0];
	v3 =	vmul.f32 v9, v1  }
0xf1: {  	v9 =	vld [tilespmem:s19+$0xB0];
	v11 =	vmul.f32 v11, v4;
	[tilespmem:s19+$0x60] =	vst v6  }
0xf2: {  	s23 =	simm.s32 $0x7;
	v6 =	vld [tilespmem:s19+$0xE0];
	[tilespmem:s19+$0x50] =	vst v3;
	v3 =	vmul.f32 v7, v4  }
0xf3: {  	v12 =	vmov s23;
	v7 =	vld [tilespmem:s19+$0xD0];
	v5 =	vmul.f32 v5, v1;
	[tilespmem:s19+$0x90] =	vst v11  }
0xf4: {  	v11 =	vld [tilespmem:s19+$0x150];
	[tilespmem:s19+$0x80] =	vst v3  }
0xf5: {  	[tilespmem:s19+$0x70] =	vst v5;
	v3 =	vmul.f32 v10, v4;
	v5 =	vld [tilespmem:s19+$0xF0]  }
0xf6: {  	v10 =	vld [tilespmem:s19+$0x100];
	v9 =	vmul.f32 v9, v4  }
0xf7: {  	[tilespmem:s19+$0xA0] =	vst v3;
	v3 =	vmul.f32 v8, v4;
	v8 =	vld [tilespmem:s19+$0x110]  }
0xf8: {  	v1 =	vld.idx.msk [tilespmem:v12+s25+$0x0], $0xffff;
	[tilespmem:s19+$0xB0] =	vst v9;
	v7 =	vmul.f32 v7, v4  }
0xf9: {  	v9 =	vld [tilespmem:s19+$0x120];
	v11 =	vmul.f32 v11, v2;
	[tilespmem:s19+$0xC0] =	vst v3  }
0xfa: {  	s23 =	simm.s32 $0x9;
	v3 =	vmul.f32 v6, v4;
	v6 =	vld [tilespmem:s19+$0x130];
	[tilespmem:s19+$0xD0] =	vst v7;
	v4 =	vmul.f32 v5, v4  }
0xfb: {  	s24 =	simm.s32 $0x8;
	v12 =	vmov s23;
	v5 =	vld [tilespmem:s19+$0x140];
	[tilespmem:s19+$0x150] =	vst v11  }
0xfc: {  	s20 =	simm.s32 $0xF;
	s23 =	simm.s32 $0xC;
	v7 =	vmov s24;
	v10 =	vmul.f32 v10, v2;
	[tilespmem:s19+$0xF0] =	vst v4;
	v4 =	vmul.f32 v8, v2;
	v8 =	vld [tilespmem:s19+$0x160]  }
0xfd: {  	v14 =	vld [tilespmem:s19+$0x180];
	v15 =	vmov s23;
	s24 =	simm.s32 $0xA;
	[tilespmem:s19+$0xE0] =	vst v3;
	v7 =	vand.u32 $0xFFFFFFF8, v7;
	v3 =	vmov s20;
	s20 =	simm.s32 $0xB  }
0xfe: {  	v17 =	vld [tilespmem:s19+$0x190];
	v13 =	vmov s24;
	s24 =	simm.s32 $0xD;
	[tilespmem:s19+$0x100] =	vst v10;
	v10 =	vmov s20;
	v9 =	vmul.f32 v9, v2  }
0xff: {  	v63 =	vmov s24;
	[tilespmem:s19+$0x110] =	vst v4;
	v16 =	vmul.f32 v6, v2;
	v4 =	vbroadcast v7, $0x0;
	v6 =	vld [tilespmem:s19+$0x1A0]  }
0x100: {  	v7 =	vld [tilespmem:s19+$0x1B0];
	[tilespmem:s19+$0x120] =	vst v9;
	v9 =	vmul.f32 v5, v2;
	v5 =	vand.u32 $0xFFFFFFF9, v12;
	v12 =	vand.u32 $0xFFFFFFFA, v13  }
0x101: {  	v13 =	vand.u32 $0xFFFFFFFB, v10;
	[tilespmem:s19+$0x130] =	vst v16;
	v5 =	vbroadcast v5, $0x0;
	v16 =	vmul.f32 v8, v2;
	v8 =	vld [tilespmem:s19+$0x1C0]  }
0x102: {  	v10 =	vbroadcast v12, $0x0;
	[tilespmem:s19+$0x140] =	vst v9;
	v2 =	vand.u32 $0xFFFFFFFC, v15;
	v15 =	vmul.f32 v14, v1;
	v9 =	vld [tilespmem:s19+$0x1D0]  }
0x103: {  	s1 =	simm.s32 $0xE;
	v11 =	vld [tilespmem:s19+$0x1E0];
	s20 =	simm.s32 $0x10;
	v12 =	vbroadcast v13, $0x0;
	v13 =	vmul.f32 v17, v1;
	v14 =	vand.u32 $0xFFFFFFFD, v63;
	[tilespmem:s19+$0x160] =	vst v16  }
.LBB2_5:
0x104: {  	p1 =	slt.u32 s20, $0x138;
	v2 =	vbroadcast v2, $0x0;
	v16 =	vmov s1;
	[tilespmem:s19+$0x180] =	vst v15;
	v6 =	vmul.f32 v6, v1;
	v15 =	vld [tilespmem:s19+$0x1F0]  }
0x105: {  	v14 =	vbroadcast v14, $0x0;
	v16 =	vand.u32 $0xFFFFFFFE, v16;
	v17 =	vld.idx.msk [tilespmem:v3+s25+$0x0], $0xffff;
	[tilespmem:s19+$0x190] =	vst v13;
	v3 =	vmul.f32 v7, v1  }
0x106: {  	v7 =	vld.idx.msk [tilespmem:v4+s25+$0x0], $0xffff;
	v13 =	vbroadcast v16, $0x0;
	[tilespmem:s19+$0x1A0] =	vst v6;
	v4 =	vmul.f32 v8, v1  }
0x107: {  	v6 =	vld.idx.msk [tilespmem:v5+s25+$0x0], $0xffff;
	[tilespmem:s19+$0x1B0] =	vst v3;
	v3 =	vmul.f32 v9, v1  }
0x108: {  	v8 =	vld.idx.msk [tilespmem:v10+s25+$0x0], $0xffff;
	[tilespmem:s19+$0x1C0] =	vst v4;
	v9 =	vmul.f32 v11, v1  }
0x109: {  	v5 =	vld.idx.msk [tilespmem:v12+s25+$0x0], $0xffff;
	[tilespmem:s19+$0x1D0] =	vst v3;
	v10 =	vmul.f32 v15, v1  }
0x10a: {  	v4 =	vld.idx.msk [tilespmem:v2+s25+$0x0], $0xffff;
	[tilespmem:s19+$0x1E0] =	vst v9  }
0x10b: {  	v1 =	vmov v17;
	v3 =	vld.idx.msk [tilespmem:v14+s25+$0x0], $0xffff;
	[tilespmem:s19+$0x1F0] =	vst v10  }
0x10c: {  	s19 =	sadd.s32 $0x400, s19;
	v2 =	vld.idx.msk [tilespmem:v13+s25+$0x0], $0xffff  }
0x10d: {  	v9 =	vld [tilespmem:s19+$0x170]  }
0x10e: {  	v10 =	vld [tilespmem:s19+$0xFFFFFE00]  }
0x10f: {  	v11 =	vld [tilespmem:s19+$0xFFFFFE10]  }
0x110: {  	v12 =	vld [tilespmem:s19+$0xFFFFFE20]  }
0x111: {  	v13 =	vld [tilespmem:s19+$0xFFFFFE30]  }
0x112: {  	v14 =	vld [tilespmem:s19+$0xFFFFFE40];
	v9 =	vmul.f32 v9, v2  }
0x113: {  	v10 =	vmul.f32 v10, v7;
	v15 =	vld [tilespmem:s19+$0xFFFFFE50]  }
0x114: {  	v11 =	vmul.f32 v11, v7;
	v16 =	vld [tilespmem:s19+$0xFFFFFE60];
	[tilespmem:s19+$0x170] =	vst v9  }
0x115: {  	[tilespmem:s19+$0xFFFFFE00] =	vst v10;
	v9 =	vmul.f32 v12, v7;
	v10 =	vld [tilespmem:s19+$0xFFFFFE70]  }
0x116: {  	[tilespmem:s19+$0xFFFFFE10] =	vst v11;
	v11 =	vmul.f32 v13, v7;
	v12 =	vld [tilespmem:s19+$0xFFFFFE80]  }
0x117: {  	[tilespmem:s19+$0xFFFFFE20] =	vst v9;
	v9 =	vmul.f32 v14, v7;
	v13 =	vld [tilespmem:s19+$0xFFFFFE90]  }
0x118: {  	[tilespmem:s19+$0xFFFFFE30] =	vst v11;
	v11 =	vmul.f32 v15, v7;
	v14 =	vld [tilespmem:s19+$0xFFFFFEA0]  }
0x119: {  	[tilespmem:s19+$0xFFFFFE40] =	vst v9;
	v9 =	vmul.f32 v16, v7;
	v15 =	vld [tilespmem:s19+$0xFFFFFEB0]  }
0x11a: {  	[tilespmem:s19+$0xFFFFFE50] =	vst v11;
	v7 =	vmul.f32 v10, v7;
	v10 =	vld [tilespmem:s19+$0xFFFFFEC0]  }
0x11b: {  	[tilespmem:s19+$0xFFFFFE60] =	vst v9;
	v9 =	vmul.f32 v12, v6;
	v11 =	vld [tilespmem:s19+$0xFFFFFED0]  }
0x11c: {  	[tilespmem:s19+$0xFFFFFE70] =	vst v7;
	v7 =	vmul.f32 v13, v6;
	v12 =	vld [tilespmem:s19+$0xFFFFFEE0]  }
0x11d: {  	[tilespmem:s19+$0xFFFFFE80] =	vst v9;
	v9 =	vmul.f32 v14, v6;
	v13 =	vld [tilespmem:s19+$0xFFFFFEF0]  }
0x11e: {  	[tilespmem:s19+$0xFFFFFE90] =	vst v7;
	v7 =	vmul.f32 v15, v6;
	v14 =	vld [tilespmem:s19+$0xFFFFFF00]  }
0x11f: {  	[tilespmem:s19+$0xFFFFFEA0] =	vst v9;
	v9 =	vmul.f32 v10, v6;
	v10 =	vld [tilespmem:s19+$0xFFFFFF10]  }
0x120: {  	[tilespmem:s19+$0xFFFFFEB0] =	vst v7;
	v7 =	vmul.f32 v11, v6;
	v11 =	vld [tilespmem:s19+$0xFFFFFF20]  }
0x121: {  	[tilespmem:s19+$0xFFFFFEC0] =	vst v9;
	v9 =	vmul.f32 v12, v6;
	v12 =	vld [tilespmem:s19+$0xFFFFFF30]  }
0x122: {  	[tilespmem:s19+$0xFFFFFED0] =	vst v7;
	v6 =	vmul.f32 v13, v6;
	v7 =	vld [tilespmem:s19+$0xFFFFFF40]  }
0x123: {  	[tilespmem:s19+$0xFFFFFEE0] =	vst v9;
	v9 =	vmul.f32 v14, v8;
	v13 =	vld [tilespmem:s19+$0xFFFFFF50]  }
0x124: {  	[tilespmem:s19+$0xFFFFFEF0] =	vst v6;
	v6 =	vmul.f32 v10, v8;
	v10 =	vld [tilespmem:s19+$0xFFFFFF60]  }
0x125: {  	[tilespmem:s19+$0xFFFFFF00] =	vst v9;
	v9 =	vmul.f32 v11, v8;
	v11 =	vld [tilespmem:s19+$0xFFFFFF70]  }
0x126: {  	[tilespmem:s19+$0xFFFFFF10] =	vst v6;
	v6 =	vmul.f32 v12, v8;
	v12 =	vld [tilespmem:s19+$0xFFFFFF80]  }
0x127: {  	[tilespmem:s19+$0xFFFFFF20] =	vst v9;
	v7 =	vmul.f32 v7, v8;
	v9 =	vld [tilespmem:s19+$0xFFFFFF90]  }
0x128: {  	[tilespmem:s19+$0xFFFFFF30] =	vst v6;
	v6 =	vmul.f32 v13, v8;
	v13 =	vld [tilespmem:s19+$0xFFFFFFA0]  }
0x129: {  	[tilespmem:s19+$0xFFFFFF40] =	vst v7;
	v7 =	vmul.f32 v10, v8;
	v10 =	vld [tilespmem:s19+$0xFFFFFFB0]  }
0x12a: {  	[tilespmem:s19+$0xFFFFFF50] =	vst v6;
	v6 =	vmul.f32 v11, v8;
	v8 =	vld [tilespmem:s19+$0xFFFFFFC0]  }
0x12b: {  	[tilespmem:s19+$0xFFFFFF60] =	vst v7;
	v7 =	vmul.f32 v12, v5;
	v11 =	vld [tilespmem:s19+$0xFFFFFFD0]  }
0x12c: {  	[tilespmem:s19+$0xFFFFFF70] =	vst v6;
	v6 =	vmul.f32 v9, v5;
	v9 =	vld [tilespmem:s19+$0xFFFFFFE0]  }
0x12d: {  	[tilespmem:s19+$0xFFFFFF80] =	vst v7;
	v7 =	vmul.f32 v13, v5;
	v12 =	vld [tilespmem:s19+$0xFFFFFFF0]  }
0x12e: {  	[tilespmem:s19+$0xFFFFFF90] =	vst v6;
	v6 =	vmul.f32 v10, v5;
	v10 =	vld [tilespmem:s19+$0x0]  }
0x12f: {  	[tilespmem:s19+$0xFFFFFFA0] =	vst v7;
	v7 =	vmul.f32 v8, v5;
	v8 =	vld [tilespmem:s19+$0x10]  }
0x130: {  	[tilespmem:s19+$0xFFFFFFB0] =	vst v6;
	v6 =	vmul.f32 v11, v5;
	v11 =	vld [tilespmem:s19+$0x20]  }
0x131: {  	[tilespmem:s19+$0xFFFFFFC0] =	vst v7;
	v7 =	vmul.f32 v9, v5;
	v9 =	vld [tilespmem:s19+$0x30]  }
0x132: {  	[tilespmem:s19+$0xFFFFFFD0] =	vst v6;
	v5 =	vmul.f32 v12, v5;
	v6 =	vld [tilespmem:s19+$0x40]  }
0x133: {  	[tilespmem:s19+$0xFFFFFFE0] =	vst v7;
	v7 =	vmul.f32 v10, v4;
	v10 =	vld [tilespmem:s19+$0x50]  }
0x134: {  	[tilespmem:s19+$0xFFFFFFF0] =	vst v5;
	v5 =	vmul.f32 v8, v4;
	v8 =	vld [tilespmem:s19+$0x60]  }
0x135: {  	[tilespmem:s19+$0x0] =	vst v7;
	v7 =	vmul.f32 v11, v4;
	v11 =	vld [tilespmem:s19+$0x70]  }
0x136: {  	[tilespmem:s19+$0x10] =	vst v5;
	v5 =	vmul.f32 v9, v4;
	v9 =	vld [tilespmem:s19+$0x80]  }
0x137: {  	[tilespmem:s19+$0x20] =	vst v7;
	v6 =	vmul.f32 v6, v4;
	v7 =	vld [tilespmem:s19+$0x90]  }
0x138: {  	[tilespmem:s19+$0x30] =	vst v5;
	v5 =	vmul.f32 v10, v4;
	v10 =	vld [tilespmem:s19+$0xA0]  }
0x139: {  	[tilespmem:s19+$0x40] =	vst v6;
	v6 =	vmul.f32 v8, v4;
	v8 =	vld [tilespmem:s19+$0xB0]  }
0x13a: {  	[tilespmem:s19+$0x50] =	vst v5;
	v4 =	vmul.f32 v11, v4;
	v5 =	vld [tilespmem:s19+$0xC0]  }
0x13b: {  	[tilespmem:s19+$0x60] =	vst v6;
	v6 =	vmul.f32 v9, v3;
	v9 =	vld [tilespmem:s19+$0xD0]  }
0x13c: {  	[tilespmem:s19+$0x70] =	vst v4;
	v4 =	vmul.f32 v7, v3;
	v7 =	vld [tilespmem:s19+$0xE0]  }
0x13d: {  	[tilespmem:s19+$0x80] =	vst v6;
	v6 =	vmul.f32 v10, v3;
	v10 =	vld [tilespmem:s19+$0xF0]  }
0x13e: {  	[tilespmem:s19+$0x90] =	vst v4;
	v4 =	vmul.f32 v8, v3;
	v8 =	vld [tilespmem:s19+$0x100]  }
0x13f: {  	[tilespmem:s19+$0xA0] =	vst v6;
	v5 =	vmul.f32 v5, v3;
	v6 =	vld [tilespmem:s19+$0x110]  }
0x140: {  	[tilespmem:s19+$0xB0] =	vst v4;
	v4 =	vmul.f32 v9, v3;
	v9 =	vld [tilespmem:s19+$0x120]  }
0x141: {  	[tilespmem:s19+$0xC0] =	vst v5;
	v5 =	vmul.f32 v7, v3;
	v7 =	vld [tilespmem:s19+$0x130]  }
0x142: {  	[tilespmem:s19+$0xD0] =	vst v4;
	v4 =	vmul.f32 v10, v3;
	v10 =	vld [tilespmem:s19+$0x140]  }
0x143: {  	s1 =	sadd.s32 $0x7, s20;
	v3 =	vmov s20;
	[tilespmem:s19+$0xE0] =	vst v5;
	v5 =	vmul.f32 v8, v2;
	v8 =	vld [tilespmem:s19+$0x150]  }
0x144: {  	s23 =	sadd.s32 $0x1, s20;
	s24 =	sadd.s32 $0x2, s20;
	v11 =	vand.u32 $0xFFFFFFF8, v3;
	v3 =	vmov s1;
	[tilespmem:s19+$0xF0] =	vst v4;
	v4 =	vmul.f32 v6, v2;
	v12 =	vld [tilespmem:s19+$0x160]  }
0x145: {  	v14 =	vmov s24;
	v13 =	vmov s23;
	s23 =	sadd.s32 $0x4, s20;
	s1 =	sadd.s32 $0x3, s20;
	[tilespmem:s19+$0x100] =	vst v5;
	v5 =	vmul.f32 v9, v2;
	v9 =	vld [tilespmem:s19+$0x180]  }
0x146: {  	v16 =	vmov s23;
	v15 =	vmov s1;
	s1 =	sadd.s32 $0x5, s20;
	[tilespmem:s19+$0x110] =	vst v4;
	v7 =	vmul.f32 v7, v2;
	v17 =	vld [tilespmem:s19+$0x190]  }
.Ltmp1:
0x147: {  	v4 =	vbroadcast v11, $0x0;
	v11 =	vmov s1;
	[tilespmem:s19+$0x120] =	vst v5;
	v10 =	vmul.f32 v10, v2;
	v6 =	vld [tilespmem:s19+$0x1A0];
	(pc) =	sbr.rel @p1 .LBB2_5-.Ltmp1, $4  }
0x148: {  	v5 =	vand.u32 $0xFFFFFFF9, v13;
	v13 =	vand.u32 $0xFFFFFFFA, v14;
	[tilespmem:s19+$0x130] =	vst v7;
	v14 =	vmul.f32 v8, v2;
	v7 =	vld [tilespmem:s19+$0x1B0]  }
0x149: {  	v18 =	vand.u32 $0xFFFFFFFB, v15;
	v5 =	vbroadcast v5, $0x0;
	[tilespmem:s19+$0x140] =	vst v10;
	v19 =	vmul.f32 v12, v2;
	v8 =	vld [tilespmem:s19+$0x1C0]  }
0x14a: {  	v10 =	vbroadcast v13, $0x0;
	v2 =	vand.u32 $0xFFFFFFFC, v16;
	[tilespmem:s19+$0x150] =	vst v14;
	v15 =	vmul.f32 v9, v1;
	v9 =	vld [tilespmem:s19+$0x1D0]  }
0x14b: {  	s1 =	sadd.s32 $0x6, s20;
	s20 =	sadd.s32 $0x8, s20;
	v12 =	vbroadcast v18, $0x0;
	v14 =	vand.u32 $0xFFFFFFFD, v11;
	[tilespmem:s19+$0x160] =	vst v19;
	v13 =	vmul.f32 v17, v1;
	v11 =	vld [tilespmem:s19+$0x1E0]  }
0x14c: {  	_ =	sdelay $0x2  }
0x14d: {  	v16 =	vld [tilespmem:s19+$0x1F0]  }
0x14e: {  	v18 =	vld.idx.msk [tilespmem:v4+s25+$0x0], $0xffff  }
0x14f: {  	v23 =	vld.idx.msk [tilespmem:v5+s25+$0x0], $0xffff  }
0x150: {  	v22 =	vbroadcast v2, $0x0;
	v2 =	vmov s1;
	v10 =	vld.idx.msk [tilespmem:v10+s25+$0x0], $0xffff  }
0x151: {  	v17 =	vand.u32 $0xFFFFFFFE, v2;
	v2 =	vld.idx.msk [tilespmem:v3+s25+$0x0], $0xffff  }
0x152: {  	s20 =	sadd.s32 $0x400, s19;
	v12 =	vld.idx.msk [tilespmem:v12+s25+$0x0], $0xffff  }
0x153: {  	v24 =	vld [tilespmem:s20+$0x170]  }
0x154: {  	v26 =	vld [tilespmem:s20+$0xFFFFFE00]  }
0x155: {  	v28 =	vld [tilespmem:s20+$0xFFFFFE10]  }
0x156: {  	[tilespmem:s19+$0x180] =	vst v15;
	v6 =	vmul.f32 v6, v1;
	v30 =	vld [tilespmem:s20+$0xFFFFFE20]  }
0x157: {  	[tilespmem:s19+$0x190] =	vst v13;
	v7 =	vmul.f32 v7, v1;
	v31 =	vld [tilespmem:s20+$0xFFFFFE30]  }
0x158: {  	v32 =	vld [tilespmem:s20+$0xFFFFFE40];
	[tilespmem:s19+$0x1A0] =	vst v6;
	v25 =	vmul.f32 v8, v1  }
0x159: {  	v33 =	vld [tilespmem:s20+$0xFFFFFE50];
	[tilespmem:s19+$0x1B0] =	vst v7;
	v27 =	vmul.f32 v9, v1  }
0x15a: {  	v34 =	vld [tilespmem:s20+$0xFFFFFE60];
	[tilespmem:s19+$0x1C0] =	vst v25;
	v29 =	vmul.f32 v11, v1  }
0x15b: {  	v35 =	vld [tilespmem:s20+$0xFFFFFE70];
	[tilespmem:s19+$0x1D0] =	vst v27;
	v1 =	vmul.f32 v16, v1  }
0x15c: {  	v36 =	vld [tilespmem:s20+$0xFFFFFE80];
	[tilespmem:s19+$0x1E0] =	vst v29;
	v9 =	vmul.f32 v28, v18  }
0x15d: {  	v37 =	vld [tilespmem:s20+$0xFFFFFE90];
	[tilespmem:s19+$0x1F0] =	vst v1;
	v1 =	vmul.f32 v26, v18  }
0x15e: {  	v39 =	vld [tilespmem:s20+$0xFFFFFEA0];
	v7 =	vmul.f32 v31, v18;
	[tilespmem:s20+$0xFFFFFE10] =	vst v9  }
0x15f: {  	v40 =	vld [tilespmem:s20+$0xFFFFFEB0];
	[tilespmem:s20+$0xFFFFFE00] =	vst v1;
	v1 =	vmul.f32 v30, v18  }
0x160: {  	v42 =	vld [tilespmem:s20+$0xFFFFFEC0];
	v38 =	vmul.f32 v33, v18;
	[tilespmem:s20+$0xFFFFFE30] =	vst v7  }
0x161: {  	v43 =	vld [tilespmem:s20+$0xFFFFFED0];
	[tilespmem:s20+$0xFFFFFE20] =	vst v1;
	v1 =	vmul.f32 v32, v18  }
0x162: {  	v44 =	vld [tilespmem:s20+$0xFFFFFEE0];
	v41 =	vmul.f32 v35, v18;
	[tilespmem:s20+$0xFFFFFE50] =	vst v38  }
0x163: {  	v45 =	vld [tilespmem:s20+$0xFFFFFEF0];
	[tilespmem:s20+$0xFFFFFE40] =	vst v1;
	v1 =	vmul.f32 v34, v18  }
0x164: {  	v47 =	vld [tilespmem:s20+$0xFFFFFF00];
	v6 =	vmul.f32 v37, v23;
	[tilespmem:s20+$0xFFFFFE70] =	vst v41  }
0x165: {  	v48 =	vld [tilespmem:s20+$0xFFFFFF10];
	[tilespmem:s20+$0xFFFFFE60] =	vst v1;
	v1 =	vmul.f32 v36, v23  }
0x166: {  	v50 =	vld [tilespmem:s20+$0xFFFFFF20];
	v46 =	vmul.f32 v40, v23;
	[tilespmem:s20+$0xFFFFFE90] =	vst v6  }
0x167: {  	v51 =	vld [tilespmem:s20+$0xFFFFFF30];
	[tilespmem:s20+$0xFFFFFE80] =	vst v1;
	v1 =	vmul.f32 v39, v23  }
0x168: {  	v53 =	vld [tilespmem:s20+$0xFFFFFF40];
	v49 =	vmul.f32 v43, v23;
	[tilespmem:s20+$0xFFFFFEB0] =	vst v46  }
0x169: {  	v54 =	vld [tilespmem:s20+$0xFFFFFF50];
	[tilespmem:s20+$0xFFFFFEA0] =	vst v1;
	v1 =	vmul.f32 v42, v23  }
0x16a: {  	v56 =	vld [tilespmem:s20+$0xFFFFFF60];
	v52 =	vmul.f32 v45, v23;
	[tilespmem:s20+$0xFFFFFED0] =	vst v49  }
0x16b: {  	v57 =	vld [tilespmem:s20+$0xFFFFFF70];
	[tilespmem:s20+$0xFFFFFEC0] =	vst v1;
	v1 =	vmul.f32 v44, v23  }
0x16c: {  	v14 =	vbroadcast v14, $0x0;
	v59 =	vld [tilespmem:s20+$0xFFFFFF80];
	v55 =	vmul.f32 v48, v10;
	[tilespmem:s20+$0xFFFFFEF0] =	vst v52  }
0x16d: {  	v60 =	vld [tilespmem:s20+$0xFFFFFF90];
	[tilespmem:s20+$0xFFFFFEE0] =	vst v1;
	v1 =	vmul.f32 v47, v10  }
0x16e: {  	v62 =	vld [tilespmem:s20+$0xFFFFFFA0];
	v58 =	vmul.f32 v51, v10;
	[tilespmem:s20+$0xFFFFFF10] =	vst v55  }
0x16f: {  	v63 =	vld [tilespmem:s20+$0xFFFFFFB0];
	v3 =	vbroadcast v17, $0x0;
	[tilespmem:s20+$0xFFFFFF00] =	vst v1;
	v1 =	vmul.f32 v50, v10  }
0x170: {  	v15 =	vld [tilespmem:s20+$0xFFFFFFC0];
	v61 =	vmul.f32 v54, v10;
	[tilespmem:s20+$0xFFFFFF30] =	vst v58  }
0x171: {  	v19 =	vld [tilespmem:s20+$0xFFFFFFF0];
	[tilespmem:s20+$0xFFFFFF20] =	vst v1;
	v1 =	vmul.f32 v53, v10  }
0x172: {  	v4 =	vld.idx.msk [tilespmem:v14+s25+$0x0], $0xffff;
	v14 =	vmul.f32 v57, v10;
	[tilespmem:s20+$0xFFFFFF50] =	vst v61  }
0x173: {  	v5 =	vld.idx.msk [tilespmem:v22+s25+$0x0], $0xffff;
	[tilespmem:s20+$0xFFFFFF40] =	vst v1;
	v1 =	vmul.f32 v56, v10  }
0x174: {  	v17 =	vmul.f32 v60, v12;
	v22 =	vld [tilespmem:s20+$0x10];
	[tilespmem:s20+$0xFFFFFF70] =	vst v14  }
0x175: {  	v3 =	vld.idx.msk [tilespmem:v3+s25+$0x0], $0xffff;
	[tilespmem:s20+$0xFFFFFF60] =	vst v1;
	v1 =	vmul.f32 v59, v12  }
0x176: {  	v20 =	vmul.f32 v63, v12;
	[tilespmem:s20+$0xFFFFFF90] =	vst v17;
	v18 =	vld [tilespmem:s20+$0xFFFFFFE0]  }
0x177: {  	v25 =	vld [tilespmem:s20+$0x30];
	[tilespmem:s20+$0xFFFFFF80] =	vst v1;
	v1 =	vmul.f32 v62, v12  }
0x178: {  	v21 =	vld [tilespmem:s20+$0x0];
	v26 =	vmul.f32 v19, v12;
	[tilespmem:s20+$0xFFFFFFB0] =	vst v20  }
0x179: {  	v28 =	vld [tilespmem:s20+$0x50];
	[tilespmem:s20+$0xFFFFFFA0] =	vst v1;
	v1 =	vmul.f32 v15, v12  }
0x17a: {  	[tilespmem:s20+$0xFFFFFFF0] =	vst v26;
	v29 =	vmul.f32 v22, v5;
	v13 =	vmul.f32 v24, v3;
	v24 =	vld [tilespmem:s20+$0x20]  }
0x17b: {  	v37 =	vld [tilespmem:s20+$0xB0];
	[tilespmem:s20+$0xFFFFFFC0] =	vst v1;
	v1 =	vmul.f32 v18, v12  }
0x17c: {  	v27 =	vld [tilespmem:s20+$0x40];
	v32 =	vmul.f32 v25, v5;
	[tilespmem:s20+$0x10] =	vst v29  }
0x17d: {  	[tilespmem:s20+$0xFFFFFFE0] =	vst v1;
	v1 =	vmul.f32 v21, v5  }
0x17e: {  	v30 =	vld [tilespmem:s20+$0x60];
	v35 =	vmul.f32 v28, v5;
	[tilespmem:s20+$0x30] =	vst v32  }
0x17f: {  	v45 =	vld [tilespmem:s20+$0x110];
	[tilespmem:s20+$0x0] =	vst v1;
	v1 =	vmul.f32 v24, v5  }
0x180: {  	v33 =	vld [tilespmem:s20+$0x80];
	v43 =	vmul.f32 v37, v4;
	[tilespmem:s20+$0x50] =	vst v35  }
0x181: {  	v48 =	vld [tilespmem:s20+$0x130];
	[tilespmem:s20+$0x20] =	vst v1;
	v1 =	vmul.f32 v27, v5  }
0x182: {  	[tilespmem:s20+$0xB0] =	vst v43;
	v36 =	vld [tilespmem:s20+$0xA0]  }
0x183: {  	v34 =	vld [tilespmem:s20+$0x90];
	[tilespmem:s20+$0x40] =	vst v1;
	v1 =	vmul.f32 v30, v5  }
0x184: {  	v38 =	vld [tilespmem:s20+$0xC0];
	v51 =	vmul.f32 v45, v3;
	[tilespmem:s20+$0x170] =	vst v13  }
0x185: {  	v16 =	vld [tilespmem:s20+$0xFFFFFFD0];
	[tilespmem:s20+$0x60] =	vst v1;
	v1 =	vmul.f32 v33, v4  }
0x186: {  	v41 =	vld [tilespmem:s20+$0xE0];
	v54 =	vmul.f32 v48, v3;
	[tilespmem:s20+$0x110] =	vst v51  }
0x187: {  	v39 =	vld [tilespmem:s20+$0xD0];
	[tilespmem:s20+$0x80] =	vst v1;
	v1 =	vmul.f32 v36, v4  }
0x188: {  	[tilespmem:s20+$0x130] =	vst v54;
	v40 =	vmul.f32 v34, v4;
	v44 =	vld [tilespmem:s20+$0x100]  }
0x189: {  	v50 =	vld [tilespmem:s20+$0x150];
	[tilespmem:s20+$0xA0] =	vst v1;
	v1 =	vmul.f32 v38, v4  }
0x18a: {  	[tilespmem:s20+$0x90] =	vst v40;
	v23 =	vmul.f32 v16, v12;
	v47 =	vld [tilespmem:s20+$0x120]  }
0x18b: {  	v53 =	vld [tilespmem:s20+$0x180];
	[tilespmem:s20+$0xC0] =	vst v1;
	v1 =	vmul.f32 v41, v4  }
0x18c: {  	v49 =	vld [tilespmem:s20+$0x140];
	v46 =	vmul.f32 v39, v4;
	[tilespmem:s20+$0xFFFFFFD0] =	vst v23  }
0x18d: {  	v56 =	vld [tilespmem:s20+$0x1A0];
	[tilespmem:s20+$0xE0] =	vst v1;
	v1 =	vmul.f32 v44, v3  }
0x18e: {  	v52 =	vld [tilespmem:s20+$0x160];
	[tilespmem:s20+$0xD0] =	vst v46;
	v57 =	vmul.f32 v50, v3  }
0x18f: {  	v31 =	vld [tilespmem:s20+$0x70];
	[tilespmem:s20+$0x100] =	vst v1;
	v1 =	vmul.f32 v47, v3  }
0x190: {  	v55 =	vld [tilespmem:s20+$0x190];
	[tilespmem:s20+$0x150] =	vst v57;
	v59 =	vmul.f32 v53, v2  }
0x191: {  	v42 =	vld [tilespmem:s20+$0xF0];
	[tilespmem:s20+$0x120] =	vst v1;
	v1 =	vmul.f32 v49, v3  }
0x192: {  	v58 =	vld [tilespmem:s20+$0x1B0];
	[tilespmem:s20+$0x180] =	vst v59;
	v62 =	vmul.f32 v56, v2  }
0x193: {  	[tilespmem:s20+$0x140] =	vst v1;
	v1 =	vmul.f32 v52, v3;
	v3 =	vld [tilespmem:s20+$0x1C0]  }
0x194: {  	v60 =	vld [tilespmem:s20+$0x1D0];
	[tilespmem:s20+$0x1A0] =	vst v62;
	v5 =	vmul.f32 v31, v5  }
0x195: {  	v61 =	vld [tilespmem:s20+$0x1E0];
	[tilespmem:s20+$0x160] =	vst v1;
	v1 =	vmul.f32 v55, v2  }
0x196: {  	v63 =	vld [tilespmem:s20+$0x1F0];
	[tilespmem:s20+$0x70] =	vst v5;
	v4 =	vmul.f32 v42, v4  }
0x197: {  	[tilespmem:s20+$0x190] =	vst v1;
	v1 =	vmul.f32 v58, v2  }
0x198: {  	[tilespmem:s20+$0xF0] =	vst v4;
	v3 =	vmul.f32 v3, v2  }
0x199: {  	[tilespmem:s20+$0x1B0] =	vst v1;
	v1 =	vmul.f32 v60, v2  }
0x19a: {  	[tilespmem:s20+$0x1C0] =	vst v3;
	v3 =	vmul.f32 v61, v2  }
0x19b: {  	[tilespmem:s20+$0x1D0] =	vst v1;
	v1 =	vmul.f32 v63, v2  }
0x19c: {  	[tilespmem:s20+$0x1E0] =	vst v3  }
0x19d: {  	s10 =	sadd.s32 $0x1, s10;
	[tilespmem:s20+$0x1F0] =	vst v1  }
0x19e: {  	[spmem:s2] =	stream.indirect.scatter.add.f32 [tilespmem:s21], [sflag:$0x2], $0x80, s14, s26, $0xb8;
	[tilespmem:$0x1E280] =	vst v63  }
0x19f: {  	p1 =	sne.s32 s10, $0x10  }
0x1a0: {  	[spmem:s2] =	stream.indirect.scatter.add.f32 [tilespmem:s30], [sflag:$0x2], $0x80, s15, s26, $0xb8;
	[tilespmem:$0x1E280] =	vst v63  }
.Ltmp2:
0x1a1: {  	_ = 	snop;
	(pc) =	sbr.rel @p1 .LBB2_4-.Ltmp2, $4  }
0x1a2: {  	_ = 	snop  }
0x1a3: {  	[spmem:s2] =	stream.indirect.scatter.add.f32 [tilespmem:s0], [sflag:$0x2], $0x80, s16, s26, $0xb8;
	[tilespmem:$0x1E280] =	vst v63  }
0x1a4: {  	_ = 	snop  }
0x1a5: {  	[spmem:s2] =	stream.indirect.scatter.add.f32 [tilespmem:s12], [sflag:$0x2], $0x80, s18, s26, $0xb8;
	[tilespmem:$0x1E280] =	vst v63  }
0x1a6: {  	s1 =	simm.s32 $0x2  }
0x1a7: {  	_ =	swait.ge [sflag:s1], $0x2800  }
0x1a8: {  	[sflag:s1] =	ssyncset.done $0x0  }
0x1a9: {  	[sflag:s1] =	ssyncadd.s32 $0xFFFFD800  }
0x1aa: {  	_ =	swait.ge [sflag:s1], $0x2800  }
0x1ab: {  	[sflag:s1] =	ssyncset.done $0x0  }
0x1ac: {  	[sflag:s1] =	ssyncadd.s32 $0xFFFFD800  }
0x1ad: {  	_ =	swait.ge [sflag:s1], $0x2800  }
0x1ae: {  	[sflag:s1] =	ssyncset.done $0x0  }
0x1af: {  	[sflag:s1] =	ssyncadd.s32 $0xFFFFD800  }
0x1b0: {  	_ =	swait.ge [sflag:s1], $0x2800  }
0x1b1: {  	[sflag:s1] =	ssyncset.done $0x0  }
0x1b2: {  	[sflag:s1] =	ssyncadd.s32 $0xFFFFD800  }
0x1b3: {  	s20 =	stileid.u32;
	[bflag:$0x0] =	sbarrier.arrive $0xFFFF  }
0x1b4: {  	s1 =	sshll.u32 s20, $0x6;
	s19 =	rddreg [dreg:$0x4]  }
0x1b5: {  	s1 =	sor.u32 $0x1C03, s1;
	s17 =	rddreg [dreg:$0xb];
	s10 =	sshrl.u32 s19, $0x3  }
0x1b6: {  	[hbm:s17], [sflag:s1] =	dma.local [spmem:s10], $0x2700  }
0x1b7: {  	_ =	swait.ge [sflag:s22], $0x2700  }
0x1b8: {  	[sflag:s22] =	ssyncset.done $0x0;
	s20 =	rddreg [dreg:$0xa]  }
0x1b9: {  	s17 =	rddreg [dreg:$0xc];
	[sflag:s22] =	ssyncadd.s32 $0xFFFFD900;
	s10 =	sshrl.u32 @!p0 s20, $0x3  }
0x1ba: {  	[hbm:s17], [sflag:s1] =	dma.local @!p0 [spmem:s10], $0x100  }
0x1bb: {  	s1 =	simm.s32 @!p0 $0x3  }
0x1bc: {  	_ =	swait.ge @!p0 [sflag:s1], $0x100  }
0x1bd: {  	s23 =	rddreg [dreg:$0xe]  }
0x1be: {  	s24 =	rddreg [dreg:$0xd];
	s17 =	sadd.s32 $0x1, s23  }
0x1bf: {  	p1 =	sne.s32 s17, s24  }
.Ltmp3:
0x1c0: {  	_ = 	snop;
	(pc) =	sbr.rel @p1 .LBB2_1-.Ltmp3, $3  }
0x1c1: {  	_ =	sdelay $0x1  }
0x1c2: {  	[sflag:s1] =	ssyncset.done @!p0 $0x0  }
0x1c3: {  	[sflag:s1] =	ssyncadd.s32 @!p0 $0xFFFFFF00  }
0x1c4: {  	_ =	sfence.sel $0x180000  }
0x1c5: {  	[bflag:$0x0] =	sbarrier.arrive $0xFFFF  }
0x1c6: {  	_ =	strace $0x9000004D  }
0x1c7: {  	s0 =	stileid.u32;
	[bflag:$0x2] =	sbarrier.arrive $0xFFFF  }
0x1c8: {  	p0 =	sne.s32 s0, $0x0;
	s0 =	rddreg [dreg:$0x3]  }
0x1c9: {  	s0 =	sadd.s32 @!p0 $0x100000, s0  }
0x1ca: {  	[sflag:s0] =	ssyncadd.tile.s32 @!p0 $0x1;
	_ =	shalt  }
.Lfunc_end2:
_tile_overlayer_lowered:
.L_overlay_start_2:
0x1cb: {  	(tag) =	ssettag $0x2  }
0x1cc: {  	s0 =	rddreg [dreg:$0x0];
	s2 =	stileid.u32  }
0x1cd: {  	s1 =	rddreg [dreg:$0x1];
	p0 =	sne.s32 s2, $0x0  }
0x1ce: {  	s3 =	rddreg [dreg:$0x2];
	[bflag:$0x3] =	sbarrier.arrive $0xFFFF;
	s2 =	simm.s32 @!p0 $0x1C03  }
0x1cf: {  	[timem:s3], [sflag:s2] =	dma.local @!p0 [hbm:s0], s1  }
0x1d0: {  	s0 =	simm.s32 @!p0 $0x3  }
0x1d1: {  	_ =	swait.ge @!p0 [sflag:s0], s1  }
0x1d2: {  	s1 =	ssub.s32 @!p0 $0x0, s1;
	[sflag:s0] =	ssyncset.done @!p0 $0x0  }
0x1d3: {  	[sflag:s0] =	ssyncadd.s32 @!p0 s1  }
0x1d4: {  	[bflag:$0x3] =	sbarrier.arrive $0xFFFF  }
0x1d5: {  	_ =	shalt  }

// kernel: kernel.18.cloned.1.call-start
scs
__scs_entry_jumppad:
0x0: {  	(pc) =	sbr.rel $0x88, $3  }
0x1: {  	(tag) =	ssettag $0x0;
	lr =	simm.s32 $0x1  }
0x2: {  	[smem:$0x3F8D] =	sst lr;
	_ =	strace $0xD0000000  }
0x3: {  	_ = 	snop  }
0x4: {  	_ = 	snop  }
0x5: {  	_ = 	snop  }
0x6: {  	_ = 	snop  }
0x7: {  	_ = 	snop  }
__scs_overlays_trampoline_lowered:
0x8: {  	[smem:$0x3F9C] =	sst s0  }
0x9: {  	[smem:$0x3F9D] =	sst s1  }
0xa: {  	[smem:$0x3F9E] =	sst s2  }
0xb: {  	[smem:$0x3F9F] =	sst s3  }
0xc: {  	[smem:$0x3FA0] =	sst s4  }
0xd: {  	[smem:$0x3FA1] =	sst s5  }
0xe: {  	[smem:$0x3FA2] =	sst s6  }
0xf: {  	[smem:$0x3FA3] =	sst s7  }
0x10: {  	[smem:$0x3FA4] =	sst s8  }
0x11: {  	[smem:$0x3FA5] =	sst s9;
	s0 =	simm.s32 @!p0 $0x0  }
0x12: {  	s1 =	sld [smem:$0x3F8B];
	s0 =	simm.s32 @p0 $0x1  }
0x13: {  	[smem:$0x3FA6] =	sst s0;
	s0 =	simm.s32 @!p1 $0x0  }
0x14: {  	s2 =	sld [smem:$0x3F8A];
	s0 =	simm.s32 @p1 $0x1  }
0x15: {  	[smem:$0x3FA7] =	sst s0;
	s0 =	simm.s32 @!p2 $0x0  }
0x16: {  	s3 =	sld [smem:$0x3FDB];
	s0 =	simm.s32 @p2 $0x1  }
0x17: {  	s4 =	simm.s32 $0x1BF5;
	[smem:$0x3FA9] =	sst s0  }
0x18: {  	s0 =	sld [smem:$0x3F8C];
	_ =	swait.ge [sflag:s4], $0x0  }
0x19: {  	s7 =	sld [smem:$0x3F8D]  }
0x1a: {  	s8 =	sadd.s32 $0xFFFFE003, lr  }
0x1b: {  	s9 =	sadd.s32 $0xFFFFFEF7, lr;
	s5 =	simm.s32 $0xFFFFFFFF;
	p2 =	slt.u32 s8, $0xFFFFF086  }
0x1c: {  	p1 =	slt.u32 s9, $0xF7A;
	s5 =	simm.s32 @!p2 $0x0  }
0x1d: {  	s5 =	simm.s32 @p1 $0x1;
	p0 =	seq.s32 s7, s2  }
0x1e: {  	s7 =	smul.u32 @!p0 $0xF7A, s2;
	p2 =	seq.s32 @!p0 s5, $0x0  }
0x1f: {  	s9 =	smul.u32 $0xF7A, s1;
	s8 =	simm.s32 @!p0 $0x1BF5;
	p2 =	por !p2, p0  }
0x20: {  	[sflag:s8] =	ssyncset.s32 @!p0 $0xFFFFF086;
	s6 =	sadd.s32 @!p0 s3, s7;
	s7 =	simm.s32 @!p0 $0x108  }
0x21: {  	s3 =	sadd.s32 s3, s9;
	s6 =	sadd.s32 @!p0 $0x88, s6;
	s7 =	simm.s32 @p2 $0x1082  }
0x22: {  	[simem:s7], [sflag:s8] =	dma.local @!p0 [hbm:s6], $0xF7A  }
0x23: {  	s9 =	sor.u32 $0xD0000000, s2;
	s6 =	simm.s32 $0x108;
	_ =	swait.ge @!p0 [sflag:s8], $0x0  }
0x24: {  	s3 =	sadd.s32 $0x88, s3;
	s6 =	simm.s32 @!p1 $0x1082;
	[sflag:s4] =	ssyncset.s32 $0xFFFFF086  }
0x25: {  	[simem:s6], [sflag:s4] =	dma.local [hbm:s3], $0xF7A  }
0x26: {  	[smem:$0x3F8D] =	sst s1;
	(tag) =	ssettag s2;
	_ =	strace s9  }
0x27: {  	s1 =	sld [smem:$0x3F9D]  }
0x28: {  	s2 =	sld [smem:$0x3F9E]  }
0x29: {  	s4 =	sld [smem:$0x3FA0]  }
0x2a: {  	p0 =	seq.s32 s5, $0x0;
	s5 =	sld [smem:$0x3FA1]  }
0x2b: {  	s6 =	sld [smem:$0x3FA2]  }
0x2c: {  	s7 =	sld [smem:$0x3FA3]  }
0x2d: {  	s3 =	simm.s32 $0x108;
	s8 =	sld [smem:$0x3FA4]  }
0x2e: {  	s3 =	simm.s32 @!p0 $0x1082;
	s9 =	sld [smem:$0x3FA5]  }
0x2f: {  	lr =	sadd.s32 s0, s3;
	s0 =	sld [smem:$0x3F9C]  }
0x30: {  	s3 =	sld [smem:$0x3F9F]  }
0x31: {  	[smem:$0x3FA8] =	sst s10  }
0x32: {  	s10 =	sld [smem:$0x3FA6];
	_ =	sdelay $0x3  }
0x33: {  	p0 =	seq.s32 s10, $0x1;
	s10 =	sld [smem:$0x3FA8];
	_ =	sdelay $0x3  }
0x34: {  	[smem:$0x3FA8] =	sst s10  }
0x35: {  	s10 =	sld [smem:$0x3FA7];
	_ =	sdelay $0x3  }
0x36: {  	p1 =	seq.s32 s10, $0x1;
	s10 =	sld [smem:$0x3FA8];
	_ =	sdelay $0x3  }
0x37: {  	[smem:$0x3FA8] =	sst s10  }
0x38: {  	s10 =	sld [smem:$0x3FA9]  }
0x39: {  	_ = 	snop;
	(pc) =	sbr.ind lr, $3  }
0x3a: {  	_ = 	snop  }
0x3b: {  	_ = 	snop  }
0x3c: {  	p2 =	seq.s32 s10, $0x1;
	s10 =	sld [smem:$0x3FA8]  }
0x3d: {  	_ =	shalt  }
0x3e: {  	_ =	shalt  }
0x3f: {  	_ =	shalt  }
0x40: {  	_ =	shalt  }
0x41: {  	_ =	shalt  }
0x42: {  	_ =	shalt  }
0x43: {  	_ =	shalt  }
0x44: {  	_ =	shalt  }
0x45: {  	_ =	shalt  }
0x46: {  	_ =	shalt  }
0x47: {  	_ =	shalt  }
0x48: {  	_ =	shalt  }
0x49: {  	_ =	shalt  }
0x4a: {  	_ =	shalt  }
0x4b: {  	_ =	shalt  }
0x4c: {  	_ =	shalt  }
0x4d: {  	_ =	shalt  }
0x4e: {  	_ =	shalt  }
0x4f: {  	_ =	shalt  }
0x50: {  	_ =	shalt  }
0x51: {  	_ =	shalt  }
0x52: {  	_ =	shalt  }
0x53: {  	_ =	shalt  }
0x54: {  	_ =	shalt  }
0x55: {  	_ =	shalt  }
0x56: {  	_ =	shalt  }
0x57: {  	_ =	shalt  }
0x58: {  	_ =	shalt  }
0x59: {  	_ =	shalt  }
0x5a: {  	_ =	shalt  }
0x5b: {  	_ =	shalt  }
0x5c: {  	_ =	shalt  }
0x5d: {  	_ =	shalt  }
0x5e: {  	_ =	shalt  }
0x5f: {  	_ =	shalt  }
0x60: {  	_ =	shalt  }
0x61: {  	_ =	shalt  }
0x62: {  	_ =	shalt  }
0x63: {  	_ =	shalt  }
0x64: {  	_ =	shalt  }
0x65: {  	_ =	shalt  }
0x66: {  	_ =	shalt  }
0x67: {  	_ =	shalt  }
0x68: {  	_ =	shalt  }
0x69: {  	_ =	shalt  }
0x6a: {  	_ =	shalt  }
0x6b: {  	_ =	shalt  }
0x6c: {  	_ =	shalt  }
0x6d: {  	_ =	shalt  }
0x6e: {  	_ =	shalt  }
0x6f: {  	_ =	shalt  }
0x70: {  	_ =	shalt  }
0x71: {  	_ =	shalt  }
0x72: {  	_ =	shalt  }
0x73: {  	_ =	shalt  }
0x74: {  	_ =	shalt  }
0x75: {  	_ =	shalt  }
0x76: {  	_ =	shalt  }
0x77: {  	_ =	shalt  }
0x78: {  	_ =	shalt  }
0x79: {  	_ =	shalt  }
0x7a: {  	_ =	shalt  }
0x7b: {  	_ =	shalt  }
0x7c: {  	_ =	shalt  }
0x7d: {  	_ =	shalt  }
0x7e: {  	_ =	shalt  }
0x7f: {  	_ =	shalt  }
0x80: {  	_ =	shalt  }
0x81: {  	_ =	shalt  }
0x82: {  	_ =	shalt  }
0x83: {  	_ =	shalt  }
0x84: {  	_ =	shalt  }
0x85: {  	_ =	shalt  }
0x86: {  	_ =	shalt  }
0x87: {  	_ =	shalt  }
.Lfunc_end0:
.L_simem_size_0:
called_computation.3_lowered:
.L_overlay_start_0:
0x88: {  	s2 =	sld [smem:$0x3FD9]  }
0x89: {  	s3 =	sld [smem:$0x3FFE];
	_ =	sdelay $0x1  }
0x8a: {  	s1 =	srdreg.scid  }
0x8b: {  	s0 =	sand.u32 $0x1, s1  }
0x8c: {  	s17 =	sshll.u32 s0, $0xA;
	s2 =	sadd.s32 s3, s2  }
0x8d: {  	s2 =	sadd.s32 s2, s17  }
0x8e: {  	[smem:$0x3FB4] =	sst s2  }
0x8f: {  	_ = 	snop  }
0x90: {  	s2 =	sld [smem:$0x3FD0];
	(tm) =	ssettm $0x1  }
0x91: {  	s18 =	sld [smem:$0x3FFB];
	_ =	sdelay $0x3  }
0x92: {  	_ =	strace s18  }
0x93: {  	s3 =	sld [smem:$0x3FFC];
	_ =	sdelay $0x3  }
0x94: {  	_ =	strace s3  }
0x95: {  	s3 =	sld [smem:$0x3FFD];
	_ =	sdelay $0x3  }
0x96: {  	_ =	strace s3  }
0x97: {  	_ =	strace $0x8FFFFFFF  }
0x98: {  	s19 =	sld [smem:$0x3FDB];
	_ =	sdelay $0x1  }
0x99: {  	s4 =	simm.s32 $_scs_section_size  }
0x9a: {  	s5 =	simm.s32 $_size__tile_overlayer_lowered;
	s6 =	simm.s32 $_tile_overlayer_lowered  }
0x9b: {  	s22 =	simm.s32 $0x1BFF;
	s21 =	sshll.u32 s6, $0x1;
	s3 =	sadd.s32 s4, s19  }
0x9c: {  	s7 =	simm.s32 $0x0;
	s20 =	sshll.u32 s5, $0x1;
	s5 =	sadd.s32 s21, s3  }
0x9d: {  	[timem:s7], [sflag:s22] =	dma.local [hbm:s5], s20  }
0x9e: {  	_ =	swait.ge [sflag:s22], s20  }
0x9f: {  	s4 =	ssub.s32 $0x0, s20;
	[sflag:s22] =	ssyncset.done $0x0  }
0xa0: {  	[sflag:s22] =	ssyncadd.s32 s4;
	_ =	sdelay $0x1  }
0xa1: {  	s23 =	simm.s32 $0x1B8B  }
0xa2: {  	_ =	swait.ge [sflag:s23], $0x1  }
0xa3: {  	[sflag:s23] =	ssyncset.done $0x0  }
0xa4: {  	s25 =	simm.s32 $0x1B8E;
	s24 =	sld [smem:$0x3FFE];
	[sflag:s23] =	ssyncadd.s32 $0xFFFFFFFF  }
0xa5: {  	s26 =	simm.s32 $execute0_lowered;
	[smem:$0x3FD2] =	sst s25  }
0xa6: {  	s5 =	sshll.u32 s26, $0x1;
	_ =	strace $0x8000004F;
	[dreg:$0x1] =	wrdreg $0xFFFFFFFF  }
0xa7: {  	s28 =	simm.s32 $_size_execute0_lowered;
	s3 =	sadd.s32 s3, s5;
	[dreg:$0x0] =	wrdreg $0x0  }
0xa8: {  	s5 =	sshll.u32 s28, $0x1;
	[dreg:$0x2] =	wrdreg s3  }
0xa9: {  	[dreg:$0x3] =	wrdreg s5  }
0xaa: {  	[dreg:$0x4] =	wrdreg $0xC0  }
0xab: {  	_ =	task [dreg:s7], $0x5FFFF  }
0xac: {  	[dreg:$0x1] =	wrdreg $0xFFFFFFFF  }
0xad: {  	[dreg:$0x0] =	wrdreg $0x60  }
0xae: {  	[dreg:$0x2] =	wrdreg s24  }
0xaf: {  	[dreg:$0x3] =	wrdreg s2  }
0xb0: {  	[dreg:$0x4] =	wrdreg $0xAA000  }
0xb1: {  	[dreg:$0x5] =	wrdreg $0x9  }
0xb2: {  	_ =	task.clear_ibuf [dreg:s7], $0x6FFFF;
	_ =	strace $0x9000004F  }
0xb3: {  	s29 =	simm.s32 $0x9;
	_ =	strace $0x80000051  }
0xb4: {  	_ =	swait.ge [sflag:s29], $0x1  }
0xb5: {  	[sflag:s29] =	ssyncadd.s32 $0xFFFFFFFF  }
0xb6: {  	_ =	strace $0x90000051  }
0xb7: {  	_ =	sfence  }
0xb8: {  	s30 =	sld [smem:$0x0];
	_ =	sdelay $0x2  }
0xb9: {  	s31 =	sshll.u32 s1, $0xD;
	s1 =	sshrl.u32 s1, $0x2  }
0xba: {  	s3 =	sand.u32 $0x4000, s31;
	s1 =	sadd.s32 s1, s30  }
0xbb: {  	s0 =	sor.u32 s3, s0;
	s1 =	sshll.u32 s1, $0x11  }
0xbc: {  	s0 =	sor.u32 s1, s0  }
0xbd: {  	s0 =	sadd.s32 $0x8F2B, s0  }
0xbe: {  	[sflag:s0] =	ssyncadd.remote.s32 $0x1  }
0xbf: {  	_ =	sfence.sel $0xFFFF  }
0xc0: {  	[dreg:$0x0] =	wrdreg $0xFFFFFFFF;
	(pc) =	sbr.abs _section_cstart, $3  }
0xc1: {  	[dreg:$0x1] =	wrdreg $0xFFFFFFFF  }
0xc2: {  	_ =	task.clear_ibuf [dreg:s7], $0x2FFFF;
	_ =	strace $0x9FFFFFFF  }
0xc3: {  	(tm) =	ssettm $0x7FFFFFFF  }
tec
execute0_lowered:
.L_overlay_start_1:
0x0: {  	(tag) =	ssettag $0x1  }
0x1: {  	s0 =	rddreg [dreg:$0x0]  }
0x2: {  	s2 =	rddreg [dreg:$0x2];
	s3 =	simm.s32 $0x0  }
0x3: {  	s1 =	srdreg.scid;
	s13 =	stileid.u32;
	s28 =	simm.s32 $0x480  }
0x4: {  	s29 =	simm.s32 $0x500;
	s30 =	simm.s32 $0x3200;
	s31 =	simm.s32 $0x580  }
0x5: {  	s15 =	simm.s32 $0x700;
	s16 =	simm.s32 $0x780;
	[smem:$0x7FF] =	sst s3  }
0x6: {  	s5 =	sadd.s32 $0x14DC00, s0;
	s6 =	sadd.s32 $0x3C00, s0;
	s7 =	sand.u32 $0x1, s1  }
0x7: {  	s17 =	smul.u32 $0x4E000, s13;
	s8 =	sadd.s32 $0x8C00, s0;
	s9 =	sadd.s32 $0x10400, s0  }
0x8: {  	s0 =	sadd.s32 $0x15400, s0;
	s18 =	smul.u32 $0x2700, s13;
	s11 =	sshll.u32 s13, $0x1  }
0x9: {  	s20 =	sadd.s32 $0x138000, s2;
	p0 =	sne.s32 s13, $0xF;
	s13 =	simm.s32 $0x1  }
0xa: {  	_ =	strace $0x80000050;
	s4 =	ssub.s32 $0x2, s7;
	s1 =	sshrl.u32 s17, $0x2  }
0xb: {  	s21 =	smul.u32 $0x138800, s7;
	[dreg:$0xa] =	wrdreg s20;
	s19 =	sadd.s32 s1, s2  }
0xc: {  	s23 =	smul.u32 $0x27100, s7;
	s1 =	sadd.s32 $0x3400, s19;
	[dreg:$0x4] =	wrdreg s19  }
0xd: {  	s10 =	sshrl.u32 s4, $0x1;
	s12 =	sadd.s32 $0x6800, s19;
	[dreg:$0x5] =	wrdreg s1  }
0xe: {  	s17 =	simm.s32 $0x0;
	s22 =	sadd.s32 $0x9C00, s19;
	[dreg:$0x6] =	wrdreg s12  }
0xf: {  	s4 =	ssub.s32 s4, s10;
	s14 =	sadd.s32 $0xD000, s19;
	[dreg:$0x7] =	wrdreg s22  }
0x10: {  	s10 =	sadd.s32 s18, s23;
	s24 =	sadd.s32 $0x10400, s19;
	[dreg:$0x8] =	wrdreg s14  }
0x11: {  	s18 =	simm.s32 $0x800;
	s26 =	smax.u32 s4, $0x1;
	[dreg:$0x9] =	wrdreg s24  }
0x12: {  	s4 =	simm.s32 $0x600;
	s1 =	sshrl.u32 s21, $0x3;
	[dreg:$0xd] =	wrdreg s26  }
0x13: {  	s21 =	simm.s32 $0xA00;
	s22 =	simm.s32 $0x3;
	s26 =	simm.s32 $0x50  }
0x14: {  	s12 =	simm.s32 $0x8200;
	s1 =	sadd.s32 s0, s1;
	s0 =	sadd.s32 s0, s10  }
0x15: {  	s14 =	simm.s32 $0x680;
	[dreg:$0xb] =	wrdreg s0;
	s25 =	sadd.s32 $0x27000, s1  }
0x16: {  	v0 =	vimm.f32 $0.0e+00;
	s0 =	simm.s32 $0x5A00;
	[dreg:$0xc] =	wrdreg s25;
	s25 =	simm.s32 $0x880  }
.LBB2_1:
0x17: {  	[dreg:$0xe] =	wrdreg s17;
	s10 =	simm.s32 $0x0;
	s17 =	simm.s32 $0x200  }
.LBB2_2:
0x18: {  	p1 =	sne.s32 s17, $0xCE00;
	[tilespmem:s10+$0xA70] =	vst v0  }
0x19: {  	[tilespmem:s10+$0xA00] =	vst v0  }
0x1a: {  	[tilespmem:s10+$0xA10] =	vst v0  }
.Ltmp0:
0x1b: {  	[tilespmem:s10+$0xA20] =	vst v0;
	(pc) =	sbr.rel @p1 .LBB2_2-.Ltmp0, $4  }
0x1c: {  	[tilespmem:s10+$0xA30] =	vst v0  }
0x1d: {  	[tilespmem:s10+$0xA40] =	vst v0  }
0x1e: {  	[tilespmem:s10+$0xA50] =	vst v0  }
0x1f: {  	[tilespmem:s10+$0xA60] =	vst v0;
	s10 =	sshra.s32 s17, $0x2;
	s17 =	sadd.s32 $0x200, s17  }
0x20: {  	[tilespmem:s10+$0xA70] =	vst v0  }
0x21: {  	[tilespmem:s10+$0xA00] =	vst v0  }
0x22: {  	[tilespmem:s10+$0xA10] =	vst v0  }
0x23: {  	[tilespmem:s10+$0xA20] =	vst v0  }
0x24: {  	[tilespmem:s10+$0xA30] =	vst v0  }
0x25: {  	[tilespmem:s10+$0xA40] =	vst v0  }
0x26: {  	[tilespmem:s10+$0xA50] =	vst v0  }
0x27: {  	[tilespmem:s10+$0xA60] =	vst v0  }
0x28: {  	[spmem:s19] =	stream.linear.scatter [tilespmem:s21], [sflag:$0x3], $0x3400, $0x38;
	[tilespmem:$0x1E280] =	vst v63  }
0x29: {  	_ =	swait.ge [sflag:s22], $0x3400  }
0x2a: {  	[sflag:s22] =	ssyncset.done $0x0  }
0x2b: {  	s1 =	rddreg [dreg:$0x5];
	[sflag:s22] =	ssyncadd.s32 $0xFFFFCC00  }
0x2c: {  	[spmem:s1] =	stream.linear.scatter [tilespmem:s21], [sflag:$0x3], $0x3400, $0x38;
	[tilespmem:$0x1E280] =	vst v63  }
0x2d: {  	_ =	swait.ge [sflag:s22], $0x3400  }
0x2e: {  	[sflag:s22] =	ssyncset.done $0x0  }
0x2f: {  	s17 =	rddreg [dreg:$0x6];
	[sflag:s22] =	ssyncadd.s32 $0xFFFFCC00  }
0x30: {  	[spmem:s17] =	stream.linear.scatter [tilespmem:s21], [sflag:$0x3], $0x3400, $0x38;
	[tilespmem:$0x1E280] =	vst v63  }
0x31: {  	_ =	swait.ge [sflag:s22], $0x3400  }
0x32: {  	[sflag:s22] =	ssyncset.done $0x0  }
0x33: {  	s19 =	rddreg [dreg:$0x7];
	[sflag:s22] =	ssyncadd.s32 $0xFFFFCC00  }
0x34: {  	[spmem:s19] =	stream.linear.scatter [tilespmem:s21], [sflag:$0x3], $0x3400, $0x38;
	[tilespmem:$0x1E280] =	vst v63  }
0x35: {  	_ =	swait.ge [sflag:s22], $0x3400  }
0x36: {  	[sflag:s22] =	ssyncset.done $0x0  }
0x37: {  	s23 =	rddreg [dreg:$0x8];
	[sflag:s22] =	ssyncadd.s32 $0xFFFFCC00  }
0x38: {  	[spmem:s23] =	stream.linear.scatter [tilespmem:s21], [sflag:$0x3], $0x3400, $0x38;
	[tilespmem:$0x1E280] =	vst v63  }
0x39: {  	_ =	swait.ge [sflag:s22], $0x3400  }
0x3a: {  	[sflag:s22] =	ssyncset.done $0x0  }
0x3b: {  	s24 =	rddreg [dreg:$0x9];
	[sflag:s22] =	ssyncadd.s32 $0xFFFFCC00  }
0x3c: {  	[spmem:s24] =	stream.linear.scatter [tilespmem:s21], [sflag:$0x3], $0x3400, $0x38;
	[tilespmem:$0x1E280] =	vst v63  }
0x3d: {  	_ =	swait.ge [sflag:s22], $0x3400  }
0x3e: {  	[sflag:s22] =	ssyncset.done $0x0  }
0x3f: {  	s1 =	simm.s32 @!p0 $0xA00;
	[sflag:s22] =	ssyncadd.s32 $0xFFFFCC00  }
0x40: {  	[spmem:s20] =	stream.linear.scatter @!p0 [tilespmem:s1], [sflag:$0x3], $0x800, $0x38;
	[tilespmem:$0x1E280] =	vst v63  }
0x41: {  	s1 =	simm.s32 @!p0 $0x3  }
0x42: {  	_ =	swait.ge @!p0 [sflag:s1], $0x800  }
0x43: {  	[sflag:s1] =	ssyncset.done @!p0 $0x0  }
0x44: {  	[sflag:s1] =	ssyncadd.s32 @!p0 $0xFFFFF800  }
0x45: {  	s10 =	simm.s32 $0x0;
	s17 =	simm.s32 $0x0;
	[bflag:$0x0] =	sbarrier.arrive $0xFFFF  }
.LBB2_4:
0x46: {  	s1 =	sshll.u32 s10, $0x5  }
0x47: {  	s1 =	sor.u32 s1, s11  }
0x48: {  	s1 =	sor.u32 s7, s1  }
0x49: {  	s1 =	smul.u32 $0x28, s1  }
0x4a: {  	s19 =	rddreg [dreg:$0x1]  }
0x4b: {  	s19 =	sadd.s32 s19, s1  }
0x4c: {  	[tilespmem:s3], [sflag:$0x3] =	stream.linear.gather [hbm4b:s19+s3], $0x140, $0x38;
	[tilespmem:$0x1E280] =	vst v63  }
0x4d: {  	_ =	swait.ge [sflag:s22], $0x140  }
0x4e: {  	[sflag:s22] =	ssyncset.done $0x0  }
0x4f: {  	s20 =	simm.s32 $0x180;
	s24 =	sadd.s32 s6, s1;
	[sflag:s22] =	ssyncadd.s32 $0xFFFFFEC0  }
0x50: {  	[tilespmem:s20], [sflag:$0x3] =	stream.linear.gather [hbm4b:s24+s3], $0x140, $0x38;
	[tilespmem:$0x1E280] =	vst v63  }
0x51: {  	_ =	swait.ge [sflag:s22], $0x140  }
0x52: {  	[sflag:s22] =	ssyncset.done $0x0  }
0x53: {  	s23 =	sadd.s32 s8, s1;
	s24 =	simm.s32 $0x300;
	[sflag:s22] =	ssyncadd.s32 $0xFFFFFEC0  }
0x54: {  	[tilespmem:s24], [sflag:$0x3] =	stream.linear.gather [hbm4b:s23+s3], $0x140, $0x38;
	[tilespmem:$0x1E280] =	vst v63  }
0x55: {  	_ =	swait.ge [sflag:s22], $0x140  }
0x56: {  	[sflag:s22] =	ssyncset.done $0x0  }
0x57: {  	s1 =	sadd.s32 s9, s1;
	[sflag:s22] =	ssyncadd.s32 $0xFFFFFEC0  }
0x58: {  	[tilespmem:s25], [sflag:$0x3] =	stream.linear.gather [hbm4b:s1+s3], $0x140, $0x38;
	[tilespmem:$0x1E280] =	vst v63  }
0x59: {  	_ =	swait.ge [sflag:s22], $0x140  }
0x5a: {  	p1 =	seq.s32 s10, $0x0;
	[sflag:s22] =	ssyncset.done $0x0  }
0x5b: {  	s1 =	simm.s32 @!p1 $0x2;
	[sflag:s22] =	ssyncadd.s32 $0xFFFFFEC0  }
0x5c: {  	_ =	swait.ge @!p1 [sflag:s1], $0x2800  }
0x5d: {  	[sflag:s1] =	ssyncset.done @!p1 $0x0  }
0x5e: {  	[sflag:s1] =	ssyncadd.s32 @!p1 $0xFFFFD800  }
0x5f: {  	_ =	swait.ge @!p1 [sflag:s1], $0x2800  }
0x60: {  	[sflag:s1] =	ssyncset.done @!p1 $0x0  }
0x61: {  	[sflag:s1] =	ssyncadd.s32 @!p1 $0xFFFFD800  }
0x62: {  	_ =	swait.ge @!p1 [sflag:s1], $0x2800  }
0x63: {  	[sflag:s1] =	ssyncset.done @!p1 $0x0  }
0x64: {  	[sflag:s1] =	ssyncadd.s32 @!p1 $0xFFFFD800  }
0x65: {  	_ =	swait.ge @!p1 [sflag:s1], $0x2800  }
0x66: {  	[sflag:s1] =	ssyncset.done @!p1 $0x0  }
0x67: {  	[sflag:s1] =	ssyncadd.s32 @!p1 $0xFFFFD800  }
0x68: {  	v1 =	vld [tilespmem:$0x0]  }
0x69: {  	v2 =	vld [tilespmem:$0x300]  }
0x6a: {  	v3 =	vld [tilespmem:$0x180]  }
0x6b: {  	v4 =	vld [tilespmem:$0x10]  }
0x6c: {  	v5 =	vld [tilespmem:$0x310]  }
0x6d: {  	v6 =	vld [tilespmem:$0x190]  }
0x6e: {  	v7 =	vld [tilespmem:$0x20]  }
0x6f: {  	v8 =	vld [tilespmem:$0x320]  }
0x70: {  	v9 =	vld [tilespmem:$0x1A0]  }
0x71: {  	v10 =	vld [tilespmem:$0x30]  }
0x72: {  	v11 =	vld [tilespmem:$0x330]  }
0x73: {  	v12 =	vld [tilespmem:$0x1B0]  }
0x74: {  	v13 =	vld [tilespmem:$0x40]  }
0x75: {  	v14 =	vld [tilespmem:$0x340]  }
0x76: {  	v15 =	vld [tilespmem:$0x1C0]  }
0x77: {  	v16 =	vld [tilespmem:$0x50]  }
0x78: {  	v17 =	vld [tilespmem:$0x350]  }
0x79: {  	v18 =	vld [tilespmem:$0x1D0]  }
0x7a: {  	v19 =	vld [tilespmem:$0x60]  }
0x7b: {  	v20 =	vld [tilespmem:$0x360]  }
0x7c: {  	v21 =	vld [tilespmem:$0x1E0]  }
0x7d: {  	v22 =	vld [tilespmem:$0x70]  }
0x7e: {  	v23 =	vld [tilespmem:$0x370]  }
0x7f: {  	v24 =	vld [tilespmem:$0x1F0];
	[tilespmem:$0x680] =	vst v3  }
0x80: {  	v25 =	vld [tilespmem:$0x80];
	v1 =	vshll.u32 v1, $0x3;
	[tilespmem:$0x690] =	vst v6  }
0x81: {  	v3 =	vld [tilespmem:$0x90];
	[tilespmem:$0x6A0] =	vst v9;
	v1 =	vadd.s32 v2, v1  }
0x82: {  	v6 =	vld [tilespmem:$0x210];
	[tilespmem:$0x480] =	vst v1;
	v1 =	vshll.u32 v4, $0x3  }
0x83: {  	v9 =	vld [tilespmem:$0x220];
	[tilespmem:$0x6B0] =	vst v12;
	v1 =	vadd.s32 v5, v1  }
0x84: {  	v12 =	vld [tilespmem:$0x230];
	[tilespmem:$0x490] =	vst v1;
	v1 =	vshll.u32 v7, $0x3  }
0x85: {  	[tilespmem:$0x6C0] =	vst v15;
	v15 =	vld [tilespmem:$0x240];
	v1 =	vadd.s32 v8, v1  }
0x86: {  	v2 =	vld [tilespmem:$0x380];
	[tilespmem:$0x4A0] =	vst v1;
	v1 =	vshll.u32 v10, $0x3  }
0x87: {  	v4 =	vld [tilespmem:$0x200];
	v1 =	vadd.s32 v11, v1  }
0x88: {  	v5 =	vld [tilespmem:$0x390];
	[tilespmem:$0x4B0] =	vst v1;
	v1 =	vshll.u32 v13, $0x3  }
0x89: {  	v7 =	vld [tilespmem:$0xA0];
	[tilespmem:$0x740] =	vst v6;
	v1 =	vadd.s32 v14, v1  }
0x8a: {  	v8 =	vld [tilespmem:$0x3A0];
	[tilespmem:$0x4C0] =	vst v1;
	v1 =	vshll.u32 v16, $0x3  }
0x8b: {  	v6 =	vld [tilespmem:$0xF0];
	[tilespmem:$0x780] =	vst v9;
	v1 =	vadd.s32 v17, v1  }
0x8c: {  	v9 =	vld [tilespmem:$0x100];
	[tilespmem:$0x500] =	vst v1;
	v1 =	vshll.u32 v19, $0x3  }
0x8d: {  	[tilespmem:$0x790] =	vst v12;
	v12 =	vld [tilespmem:$0x110];
	v1 =	vadd.s32 v20, v1  }
0x8e: {  	v10 =	vld [tilespmem:$0xB0];
	[tilespmem:$0x510] =	vst v1;
	v1 =	vshll.u32 v22, $0x3  }
0x8f: {  	v11 =	vld [tilespmem:$0x3B0];
	[tilespmem:$0x730] =	vst v4;
	v1 =	vadd.s32 v23, v1  }
0x90: {  	v4 =	vld [tilespmem:$0x3E0];
	[tilespmem:$0x520] =	vst v1;
	v1 =	vshll.u32 v25, $0x3  }
0x91: {  	v13 =	vld [tilespmem:$0xC0];
	v1 =	vadd.s32 v2, v1  }
0x92: {  	v14 =	vld [tilespmem:$0x3C0];
	[tilespmem:$0x530] =	vst v1;
	v1 =	vshll.u32 v3, $0x3  }
0x93: {  	v16 =	vld [tilespmem:$0xD0];
	v1 =	vadd.s32 v5, v1  }
0x94: {  	v17 =	vld [tilespmem:$0x3D0];
	[tilespmem:$0x540] =	vst v1;
	v1 =	vshll.u32 v7, $0x3  }
0x95: {  	[tilespmem:$0x700] =	vst v18;
	v2 =	vld [tilespmem:$0x250];
	v1 =	vadd.s32 v8, v1  }
0x96: {  	v3 =	vld [tilespmem:$0xE0];
	[tilespmem:$0x580] =	vst v1;
	v1 =	vshll.u32 v10, $0x3  }
0x97: {  	[tilespmem:$0x710] =	vst v21;
	v5 =	vld [tilespmem:$0x260];
	v1 =	vadd.s32 v11, v1  }
0x98: {  	v7 =	vld [tilespmem:$0x3F0];
	[tilespmem:$0x590] =	vst v1;
	v1 =	vshll.u32 v13, $0x3  }
0x99: {  	[tilespmem:$0x720] =	vst v24;
	v8 =	vld [tilespmem:$0x270];
	v1 =	vadd.s32 v14, v1  }
0x9a: {  	v10 =	vld [tilespmem:$0x400];
	[tilespmem:$0x5A0] =	vst v1;
	v1 =	vshll.u32 v16, $0x3  }
0x9b: {  	[tilespmem:$0x7B0] =	vst v2;
	v2 =	vld [tilespmem:$0x290];
	v1 =	vadd.s32 v17, v1  }
0x9c: {  	v11 =	vld [tilespmem:$0x280];
	[tilespmem:$0x5B0] =	vst v1;
	v1 =	vshll.u32 v3, $0x3  }
0x9d: {  	[tilespmem:$0x7C0] =	vst v5;
	v5 =	vld [tilespmem:$0x420];
	v1 =	vadd.s32 v4, v1  }
0x9e: {  	v3 =	vld [tilespmem:$0x410];
	[tilespmem:$0x5C0] =	vst v1;
	v1 =	vshll.u32 v6, $0x3  }
0x9f: {  	[tilespmem:$0x800] =	vst v8;
	v4 =	vld [tilespmem:$0x120];
	v1 =	vadd.s32 v7, v1  }
0xa0: {  	v8 =	vld [tilespmem:$0x430];
	[tilespmem:$0x600] =	vst v1;
	v1 =	vshll.u32 v9, $0x3  }
0xa1: {  	[tilespmem:$0x7A0] =	vst v15;
	v7 =	vld [tilespmem:$0x130];
	v1 =	vadd.s32 v10, v1  }
0xa2: {  	v6 =	vld [tilespmem:$0x2A0];
	[tilespmem:$0x610] =	vst v1;
	v1 =	vshll.u32 v12, $0x3  }
0xa3: {  	[tilespmem:$0x820] =	vst v2;
	v1 =	vadd.s32 v3, v1  }
0xa4: {  	v3 =	vld [tilespmem:$0x2B0];
	[tilespmem:$0x620] =	vst v1;
	v1 =	vshll.u32 v4, $0x3  }
0xa5: {  	[tilespmem:$0x810] =	vst v11;
	v1 =	vadd.s32 v5, v1  }
0xa6: {  	[tilespmem:$0x630] =	vst v1;
	v1 =	vshll.u32 v7, $0x3  }
0xa7: {  	[tilespmem:$0x830] =	vst v6;
	v1 =	vadd.s32 v8, v1  }
0xa8: {  	[tilespmem:$0x640] =	vst v1  }
0xa9: {  	[tilespmem:$0x840] =	vst v3  }
0xaa: {  	[tilespmem:s21], [sflag:$0x1] =	stream.indirect.gather [hbm4b:s5+s26], $0x80, s28, s26, $0xb8;
	[tilespmem:$0x1E280] =	vst v63  }
0xab: {  	_ = 	snop  }
0xac: {  	[tilespmem:s30], [sflag:$0x1] =	stream.indirect.gather [hbm4b:s5+s26], $0x80, s29, s26, $0xb8;
	[tilespmem:$0x1E280] =	vst v63  }
0xad: {  	_ = 	snop  }
0xae: {  	[tilespmem:s0], [sflag:$0x1] =	stream.indirect.gather [hbm4b:s5+s26], $0x80, s31, s26, $0xb8;
	[tilespmem:$0x1E280] =	vst v63  }
0xaf: {  	_ = 	snop  }
0xb0: {  	[tilespmem:s12], [sflag:$0x1] =	stream.indirect.gather [hbm4b:s5+s26], $0x80, s4, s26, $0xb8;
	[tilespmem:$0x1E280] =	vst v63  }
0xb1: {  	_ =	swait.ge [sflag:s13], $0x2800  }
0xb2: {  	[sflag:s13] =	ssyncset.done $0x0  }
0xb3: {  	[sflag:s13] =	ssyncadd.s32 $0xFFFFD800  }
0xb4: {  	_ =	swait.ge [sflag:s13], $0x2800  }
0xb5: {  	s23 =	simm.s32 $0x6;
	v1 =	vmov s17;
	[sflag:s13] =	ssyncset.done $0x0  }
0xb6: {  	v2 =	vmov s23;
	v1 =	vand.u32 $0xFFFFFFF8, v1;
	[sflag:s13] =	ssyncadd.s32 $0xFFFFD800  }
0xb7: {  	v2 =	vand.u32 $0xFFFFFFFE, v2;
	v1 =	vbroadcast v1, $0x0;
	_ =	swait.ge [sflag:s13], $0x2800  }
0xb8: {  	v2 =	vbroadcast v2, $0x0;
	[sflag:s13] =	ssyncset.done $0x0  }
0xb9: {  	[sflag:s13] =	ssyncadd.s32 $0xFFFFD800  }
0xba: {  	_ =	swait.ge [sflag:s13], $0x2800  }
0xbb: {  	[sflag:s13] =	ssyncset.done $0x0  }
0xbc: {  	[sflag:s13] =	ssyncadd.s32 $0xFFFFD800  }
0xbd: {  	v1 =	vld.idx.msk [tilespmem:v1+s25+$0x0], $0xffff  }
0xbe: {  	s19 =	simm.s32 $0xC00;
	s24 =	simm.s32 $0x1;
	v2 =	vld.idx.msk [tilespmem:v2+s25+$0x0], $0xffff  }
0xbf: {  	v3 =	vmov s24;
	v4 =	vld [tilespmem:s19+$0x170]  }
0xc0: {  	v3 =	vand.u32 $0xFFFFFFF9, v3;
	v5 =	vld [tilespmem:s19+$0xFFFFFE00]  }
0xc1: {  	v3 =	vbroadcast v3, $0x0;
	v6 =	vld [tilespmem:s19+$0xFFFFFE10]  }
0xc2: {  	v7 =	vld [tilespmem:s19+$0xFFFFFE20]  }
0xc3: {  	v8 =	vld [tilespmem:s19+$0xFFFFFE30]  }
0xc4: {  	v9 =	vld [tilespmem:s19+$0xFFFFFE40]  }
0xc5: {  	v10 =	vld [tilespmem:s19+$0xFFFFFE50]  }
0xc6: {  	v11 =	vld [tilespmem:s19+$0xFFFFFE60]  }
0xc7: {  	v3 =	vld.idx.msk [tilespmem:v3+s25+$0x0], $0xffff  }
0xc8: {  	v12 =	vld [tilespmem:s19+$0xFFFFFE70]  }
0xc9: {  	v13 =	vld [tilespmem:s19+$0xFFFFFE80];
	v5 =	vmul.f32 v5, v1  }
0xca: {  	v14 =	vld [tilespmem:s19+$0xFFFFFE90];
	v4 =	vmul.f32 v4, v2  }
0xcb: {  	v15 =	vld [tilespmem:s19+$0xFFFFFEA0];
	v6 =	vmul.f32 v6, v1;
	[tilespmem:s19+$0xFFFFFE00] =	vst v5  }
0xcc: {  	s20 =	simm.s32 $0x2;
	v16 =	vld [tilespmem:s19+$0xFFFFFEB0];
	v8 =	vmul.f32 v8, v1;
	[tilespmem:s19+$0x170] =	vst v4  }
0xcd: {  	v9 =	vmul.f32 v9, v1;
	v5 =	vmov s20;
	v4 =	vmul.f32 v7, v1;
	v7 =	vld [tilespmem:s19+$0xFFFFFEC0];
	[tilespmem:s19+$0xFFFFFE10] =	vst v6  }
0xce: {  	v6 =	vmul.f32 v13, v3;
	v13 =	vld [tilespmem:s19+$0xFFFFFED0];
	[tilespmem:s19+$0xFFFFFE30] =	vst v8;
	v5 =	vand.u32 $0xFFFFFFFA, v5  }
0xcf: {  	v8 =	vmul.f32 v10, v1;
	v10 =	vld [tilespmem:s19+$0xFFFFFEF0];
	[tilespmem:s19+$0xFFFFFE40] =	vst v9;
	v5 =	vbroadcast v5, $0x0  }
0xd0: {  	v9 =	vmul.f32 v11, v1;
	v11 =	vld [tilespmem:s19+$0xFFFFFF00];
	[tilespmem:s19+$0xFFFFFE20] =	vst v4  }
0xd1: {  	v1 =	vmul.f32 v12, v1;
	v12 =	vld [tilespmem:s19+$0xFFFFFF20];
	[tilespmem:s19+$0xFFFFFE80] =	vst v6  }
0xd2: {  	s23 =	simm.s32 $0x3;
	v4 =	vld [tilespmem:s19+$0xFFFFFEE0];
	[tilespmem:s19+$0xFFFFFE50] =	vst v8  }
0xd3: {  	v6 =	vmov s23;
	v8 =	vld [tilespmem:s19+$0xFFFFFF10];
	[tilespmem:s19+$0xFFFFFE60] =	vst v9;
	v9 =	vmul.f32 v14, v3  }
0xd4: {  	[tilespmem:s19+$0xFFFFFE70] =	vst v1;
	v1 =	vmul.f32 v15, v3;
	v14 =	vld [tilespmem:s19+$0xFFFFFF30];
	v6 =	vand.u32 $0xFFFFFFFB, v6  }
0xd5: {  	v6 =	vbroadcast v6, $0x0;
	[tilespmem:s19+$0xFFFFFE90] =	vst v9;
	v9 =	vmul.f32 v16, v3;
	v5 =	vld.idx.msk [tilespmem:v5+s25+$0x0], $0xffff  }
0xd6: {  	v15 =	vld [tilespmem:s19+$0xFFFFFF40];
	[tilespmem:s19+$0xFFFFFEA0] =	vst v1;
	v7 =	vmul.f32 v7, v3  }
0xd7: {  	v13 =	vmul.f32 v13, v3;
	[tilespmem:s19+$0xFFFFFEB0] =	vst v9;
	v9 =	vld [tilespmem:s19+$0xFFFFFF60]  }
0xd8: {  	[tilespmem:s19+$0xFFFFFEC0] =	vst v7;
	v4 =	vmul.f32 v4, v3;
	v7 =	vld [tilespmem:s19+$0xFFFFFF70]  }
0xd9: {  	[tilespmem:s19+$0xFFFFFED0] =	vst v13;
	v3 =	vmul.f32 v10, v3;
	v10 =	vld [tilespmem:s19+$0xFFFFFF80]  }
0xda: {  	v13 =	vld [tilespmem:s19+$0xFFFFFFB0];
	[tilespmem:s19+$0xFFFFFEE0] =	vst v4;
	v1 =	vmul.f32 v11, v5  }
0xdb: {  	[tilespmem:s19+$0xFFFFFEF0] =	vst v3;
	v6 =	vld.idx.msk [tilespmem:v6+s25+$0x0], $0xffff;
	v4 =	vmul.f32 v8, v5  }
0xdc: {  	s24 =	simm.s32 $0x4;
	v11 =	vld [tilespmem:s19+$0xFFFFFF50];
	v3 =	vmul.f32 v12, v5;
	[tilespmem:s19+$0xFFFFFF00] =	vst v1  }
0xdd: {  	v8 =	vld [tilespmem:s19+$0xFFFFFF90];
	v9 =	vmul.f32 v9, v5;
	v1 =	vmov s24;
	[tilespmem:s19+$0xFFFFFF10] =	vst v4  }
0xde: {  	v12 =	vld [tilespmem:s19+$0xFFFFFFA0];
	v4 =	vmul.f32 v14, v5;
	[tilespmem:s19+$0xFFFFFF20] =	vst v3;
	v1 =	vand.u32 $0xFFFFFFFC, v1  }
0xdf: {  	v3 =	vmul.f32 v15, v5;
	v14 =	vld [tilespmem:s19+$0xFFFFFFC0];
	[tilespmem:s19+$0xFFFFFF60] =	vst v9;
	v1 =	vbroadcast v1, $0x0  }
0xe0: {  	v9 =	vld [tilespmem:s19+$0x0];
	[tilespmem:s19+$0xFFFFFF30] =	vst v4;
	v4 =	vmul.f32 v10, v6  }
0xe1: {  	s20 =	simm.s32 $0x5;
	v10 =	vld [tilespmem:s19+$0xFFFFFFD0];
	[tilespmem:s19+$0xFFFFFF40] =	vst v3;
	v11 =	vmul.f32 v11, v5  }
0xe2: {  	v3 =	vld [tilespmem:s19+$0xFFFFFFE0];
	v5 =	vmul.f32 v7, v5;
	[tilespmem:s19+$0xFFFFFF80] =	vst v4;
	v4 =	vmov s20  }
0xe3: {  	v7 =	vld [tilespmem:s19+$0xFFFFFFF0];
	v8 =	vmul.f32 v8, v6;
	[tilespmem:s19+$0xFFFFFF50] =	vst v11;
	v4 =	vand.u32 $0xFFFFFFFD, v4  }
0xe4: {  	[tilespmem:s19+$0xFFFFFF70] =	vst v5;
	v5 =	vmul.f32 v12, v6;
	v11 =	vld [tilespmem:s19+$0x10];
	v4 =	vbroadcast v4, $0x0  }
0xe5: {  	[tilespmem:s19+$0xFFFFFF90] =	vst v8;
	v8 =	vmul.f32 v13, v6;
	v1 =	vld.idx.msk [tilespmem:v1+s25+$0x0], $0xffff  }
0xe6: {  	v12 =	vld [tilespmem:s19+$0x20];
	[tilespmem:s19+$0xFFFFFFA0] =	vst v5;
	v5 =	vmul.f32 v14, v6  }
0xe7: {  	v13 =	vld [tilespmem:s19+$0x30];
	[tilespmem:s19+$0xFFFFFFB0] =	vst v8;
	v8 =	vmul.f32 v10, v6  }
0xe8: {  	v10 =	vld [tilespmem:s19+$0x40];
	v3 =	vmul.f32 v3, v6;
	[tilespmem:s19+$0xFFFFFFC0] =	vst v5  }
0xe9: {  	v6 =	vmul.f32 v7, v6;
	[tilespmem:s19+$0xFFFFFFD0] =	vst v8;
	v8 =	vld [tilespmem:s19+$0x60]  }
0xea: {  	[tilespmem:s19+$0xFFFFFFE0] =	vst v3;
	v4 =	vld.idx.msk [tilespmem:v4+s25+$0x0], $0xffff;
	v5 =	vmul.f32 v9, v1  }
0xeb: {  	[tilespmem:s19+$0xFFFFFFF0] =	vst v6;
	v9 =	vld [tilespmem:s19+$0x50];
	v6 =	vmul.f32 v12, v1  }
0xec: {  	v3 =	vmul.f32 v11, v1;
	v11 =	vld [tilespmem:s19+$0x90];
	[tilespmem:s19+$0x0] =	vst v5  }
0xed: {  	v7 =	vld [tilespmem:s19+$0x80];
	[tilespmem:s19+$0x20] =	vst v6;
	v6 =	vmul.f32 v10, v1  }
0xee: {  	v5 =	vld [tilespmem:s19+$0x70];
	[tilespmem:s19+$0x10] =	vst v3;
	v3 =	vmul.f32 v13, v1  }
0xef: {  	v10 =	vld [tilespmem:s19+$0xA0];
	[tilespmem:s19+$0x40] =	vst v6;
	v6 =	vmul.f32 v8, v1  }
0xf0: {  	[tilespmem:s19+$0x30] =	vst v3;
	v8 =	vld [tilespmem:s19+$0xC0];
	v3 =	vmul.f32 v9, v1  }
0xf1: {  	v9 =	vld [tilespmem:s19+$0xB0];
	v11 =	vmul.f32 v11, v4;
	[tilespmem:s19+$0x60] =	vst v6  }
0xf2: {  	s23 =	simm.s32 $0x7;
	v6 =	vld [tilespmem:s19+$0xE0];
	[tilespmem:s19+$0x50] =	vst v3;
	v3 =	vmul.f32 v7, v4  }
0xf3: {  	v12 =	vmov s23;
	v7 =	vld [tilespmem:s19+$0xD0];
	v5 =	vmul.f32 v5, v1;
	[tilespmem:s19+$0x90] =	vst v11  }
0xf4: {  	v11 =	vld [tilespmem:s19+$0x150];
	[tilespmem:s19+$0x80] =	vst v3  }
0xf5: {  	[tilespmem:s19+$0x70] =	vst v5;
	v3 =	vmul.f32 v10, v4;
	v5 =	vld [tilespmem:s19+$0xF0]  }
0xf6: {  	v10 =	vld [tilespmem:s19+$0x100];
	v9 =	vmul.f32 v9, v4  }
0xf7: {  	[tilespmem:s19+$0xA0] =	vst v3;
	v3 =	vmul.f32 v8, v4;
	v8 =	vld [tilespmem:s19+$0x110]  }
0xf8: {  	v1 =	vld.idx.msk [tilespmem:v12+s25+$0x0], $0xffff;
	[tilespmem:s19+$0xB0] =	vst v9;
	v7 =	vmul.f32 v7, v4  }
0xf9: {  	v9 =	vld [tilespmem:s19+$0x120];
	v11 =	vmul.f32 v11, v2;
	[tilespmem:s19+$0xC0] =	vst v3  }
0xfa: {  	s23 =	simm.s32 $0x9;
	v3 =	vmul.f32 v6, v4;
	v6 =	vld [tilespmem:s19+$0x130];
	[tilespmem:s19+$0xD0] =	vst v7;
	v4 =	vmul.f32 v5, v4  }
0xfb: {  	s24 =	simm.s32 $0x8;
	v12 =	vmov s23;
	v5 =	vld [tilespmem:s19+$0x140];
	[tilespmem:s19+$0x150] =	vst v11  }
0xfc: {  	s20 =	simm.s32 $0xF;
	s23 =	simm.s32 $0xC;
	v7 =	vmov s24;
	v10 =	vmul.f32 v10, v2;
	[tilespmem:s19+$0xF0] =	vst v4;
	v4 =	vmul.f32 v8, v2;
	v8 =	vld [tilespmem:s19+$0x160]  }
0xfd: {  	v14 =	vld [tilespmem:s19+$0x180];
	v15 =	vmov s23;
	s24 =	simm.s32 $0xA;
	[tilespmem:s19+$0xE0] =	vst v3;
	v7 =	vand.u32 $0xFFFFFFF8, v7;
	v3 =	vmov s20;
	s20 =	simm.s32 $0xB  }
0xfe: {  	v17 =	vld [tilespmem:s19+$0x190];
	v13 =	vmov s24;
	s24 =	simm.s32 $0xD;
	[tilespmem:s19+$0x100] =	vst v10;
	v10 =	vmov s20;
	v9 =	vmul.f32 v9, v2  }
0xff: {  	v63 =	vmov s24;
	[tilespmem:s19+$0x110] =	vst v4;
	v16 =	vmul.f32 v6, v2;
	v4 =	vbroadcast v7, $0x0;
	v6 =	vld [tilespmem:s19+$0x1A0]  }
0x100: {  	v7 =	vld [tilespmem:s19+$0x1B0];
	[tilespmem:s19+$0x120] =	vst v9;
	v9 =	vmul.f32 v5, v2;
	v5 =	vand.u32 $0xFFFFFFF9, v12;
	v12 =	vand.u32 $0xFFFFFFFA, v13  }
0x101: {  	v13 =	vand.u32 $0xFFFFFFFB, v10;
	[tilespmem:s19+$0x130] =	vst v16;
	v5 =	vbroadcast v5, $0x0;
	v16 =	vmul.f32 v8, v2;
	v8 =	vld [tilespmem:s19+$0x1C0]  }
0x102: {  	v10 =	vbroadcast v12, $0x0;
	[tilespmem:s19+$0x140] =	vst v9;
	v2 =	vand.u32 $0xFFFFFFFC, v15;
	v15 =	vmul.f32 v14, v1;
	v9 =	vld [tilespmem:s19+$0x1D0]  }
0x103: {  	s1 =	simm.s32 $0xE;
	v11 =	vld [tilespmem:s19+$0x1E0];
	s20 =	simm.s32 $0x10;
	v12 =	vbroadcast v13, $0x0;
	v13 =	vmul.f32 v17, v1;
	v14 =	vand.u32 $0xFFFFFFFD, v63;
	[tilespmem:s19+$0x160] =	vst v16  }
.LBB2_5:
0x104: {  	p1 =	slt.u32 s20, $0x138;
	v2 =	vbroadcast v2, $0x0;
	v16 =	vmov s1;
	[tilespmem:s19+$0x180] =	vst v15;
	v6 =	vmul.f32 v6, v1;
	v15 =	vld [tilespmem:s19+$0x1F0]  }
0x105: {  	v14 =	vbroadcast v14, $0x0;
	v16 =	vand.u32 $0xFFFFFFFE, v16;
	v17 =	vld.idx.msk [tilespmem:v3+s25+$0x0], $0xffff;
	[tilespmem:s19+$0x190] =	vst v13;
	v3 =	vmul.f32 v7, v1  }
0x106: {  	v7 =	vld.idx.msk [tilespmem:v4+s25+$0x0], $0xffff;
	v13 =	vbroadcast v16, $0x0;
	[tilespmem:s19+$0x1A0] =	vst v6;
	v4 =	vmul.f32 v8, v1  }
0x107: {  	v6 =	vld.idx.msk [tilespmem:v5+s25+$0x0], $0xffff;
	[tilespmem:s19+$0x1B0] =	vst v3;
	v3 =	vmul.f32 v9, v1  }
0x108: {  	v8 =	vld.idx.msk [tilespmem:v10+s25+$0x0], $0xffff;
	[tilespmem:s19+$0x1C0] =	vst v4;
	v9 =	vmul.f32 v11, v1  }
0x109: {  	v5 =	vld.idx.msk [tilespmem:v12+s25+$0x0], $0xffff;
	[tilespmem:s19+$0x1D0] =	vst v3;
	v10 =	vmul.f32 v15, v1  }
0x10a: {  	v4 =	vld.idx.msk [tilespmem:v2+s25+$0x0], $0xffff;
	[tilespmem:s19+$0x1E0] =	vst v9  }
0x10b: {  	v1 =	vmov v17;
	v3 =	vld.idx.msk [tilespmem:v14+s25+$0x0], $0xffff;
	[tilespmem:s19+$0x1F0] =	vst v10  }
0x10c: {  	s19 =	sadd.s32 $0x400, s19;
	v2 =	vld.idx.msk [tilespmem:v13+s25+$0x0], $0xffff  }
0x10d: {  	v9 =	vld [tilespmem:s19+$0x170]  }
0x10e: {  	v10 =	vld [tilespmem:s19+$0xFFFFFE00]  }
0x10f: {  	v11 =	vld [tilespmem:s19+$0xFFFFFE10]  }
0x110: {  	v12 =	vld [tilespmem:s19+$0xFFFFFE20]  }
0x111: {  	v13 =	vld [tilespmem:s19+$0xFFFFFE30]  }
0x112: {  	v14 =	vld [tilespmem:s19+$0xFFFFFE40];
	v9 =	vmul.f32 v9, v2  }
0x113: {  	v10 =	vmul.f32 v10, v7;
	v15 =	vld [tilespmem:s19+$0xFFFFFE50]  }
0x114: {  	v11 =	vmul.f32 v11, v7;
	v16 =	vld [tilespmem:s19+$0xFFFFFE60];
	[tilespmem:s19+$0x170] =	vst v9  }
0x115: {  	[tilespmem:s19+$0xFFFFFE00] =	vst v10;
	v9 =	vmul.f32 v12, v7;
	v10 =	vld [tilespmem:s19+$0xFFFFFE70]  }
0x116: {  	[tilespmem:s19+$0xFFFFFE10] =	vst v11;
	v11 =	vmul.f32 v13, v7;
	v12 =	vld [tilespmem:s19+$0xFFFFFE80]  }
0x117: {  	[tilespmem:s19+$0xFFFFFE20] =	vst v9;
	v9 =	vmul.f32 v14, v7;
	v13 =	vld [tilespmem:s19+$0xFFFFFE90]  }
0x118: {  	[tilespmem:s19+$0xFFFFFE30] =	vst v11;
	v11 =	vmul.f32 v15, v7;
	v14 =	vld [tilespmem:s19+$0xFFFFFEA0]  }
0x119: {  	[tilespmem:s19+$0xFFFFFE40] =	vst v9;
	v9 =	vmul.f32 v16, v7;
	v15 =	vld [tilespmem:s19+$0xFFFFFEB0]  }
0x11a: {  	[tilespmem:s19+$0xFFFFFE50] =	vst v11;
	v7 =	vmul.f32 v10, v7;
	v10 =	vld [tilespmem:s19+$0xFFFFFEC0]  }
0x11b: {  	[tilespmem:s19+$0xFFFFFE60] =	vst v9;
	v9 =	vmul.f32 v12, v6;
	v11 =	vld [tilespmem:s19+$0xFFFFFED0]  }
0x11c: {  	[tilespmem:s19+$0xFFFFFE70] =	vst v7;
	v7 =	vmul.f32 v13, v6;
	v12 =	vld [tilespmem:s19+$0xFFFFFEE0]  }
0x11d: {  	[tilespmem:s19+$0xFFFFFE80] =	vst v9;
	v9 =	vmul.f32 v14, v6;
	v13 =	vld [tilespmem:s19+$0xFFFFFEF0]  }
0x11e: {  	[tilespmem:s19+$0xFFFFFE90] =	vst v7;
	v7 =	vmul.f32 v15, v6;
	v14 =	vld [tilespmem:s19+$0xFFFFFF00]  }
0x11f: {  	[tilespmem:s19+$0xFFFFFEA0] =	vst v9;
	v9 =	vmul.f32 v10, v6;
	v10 =	vld [tilespmem:s19+$0xFFFFFF10]  }
0x120: {  	[tilespmem:s19+$0xFFFFFEB0] =	vst v7;
	v7 =	vmul.f32 v11, v6;
	v11 =	vld [tilespmem:s19+$0xFFFFFF20]  }
0x121: {  	[tilespmem:s19+$0xFFFFFEC0] =	vst v9;
	v9 =	vmul.f32 v12, v6;
	v12 =	vld [tilespmem:s19+$0xFFFFFF30]  }
0x122: {  	[tilespmem:s19+$0xFFFFFED0] =	vst v7;
	v6 =	vmul.f32 v13, v6;
	v7 =	vld [tilespmem:s19+$0xFFFFFF40]  }
0x123: {  	[tilespmem:s19+$0xFFFFFEE0] =	vst v9;
	v9 =	vmul.f32 v14, v8;
	v13 =	vld [tilespmem:s19+$0xFFFFFF50]  }
0x124: {  	[tilespmem:s19+$0xFFFFFEF0] =	vst v6;
	v6 =	vmul.f32 v10, v8;
	v10 =	vld [tilespmem:s19+$0xFFFFFF60]  }
0x125: {  	[tilespmem:s19+$0xFFFFFF00] =	vst v9;
	v9 =	vmul.f32 v11, v8;
	v11 =	vld [tilespmem:s19+$0xFFFFFF70]  }
0x126: {  	[tilespmem:s19+$0xFFFFFF10] =	vst v6;
	v6 =	vmul.f32 v12, v8;
	v12 =	vld [tilespmem:s19+$0xFFFFFF80]  }
0x127: {  	[tilespmem:s19+$0xFFFFFF20] =	vst v9;
	v7 =	vmul.f32 v7, v8;
	v9 =	vld [tilespmem:s19+$0xFFFFFF90]  }
0x128: {  	[tilespmem:s19+$0xFFFFFF30] =	vst v6;
	v6 =	vmul.f32 v13, v8;
	v13 =	vld [tilespmem:s19+$0xFFFFFFA0]  }
0x129: {  	[tilespmem:s19+$0xFFFFFF40] =	vst v7;
	v7 =	vmul.f32 v10, v8;
	v10 =	vld [tilespmem:s19+$0xFFFFFFB0]  }
0x12a: {  	[tilespmem:s19+$0xFFFFFF50] =	vst v6;
	v6 =	vmul.f32 v11, v8;
	v8 =	vld [tilespmem:s19+$0xFFFFFFC0]  }
0x12b: {  	[tilespmem:s19+$0xFFFFFF60] =	vst v7;
	v7 =	vmul.f32 v12, v5;
	v11 =	vld [tilespmem:s19+$0xFFFFFFD0]  }
0x12c: {  	[tilespmem:s19+$0xFFFFFF70] =	vst v6;
	v6 =	vmul.f32 v9, v5;
	v9 =	vld [tilespmem:s19+$0xFFFFFFE0]  }
0x12d: {  	[tilespmem:s19+$0xFFFFFF80] =	vst v7;
	v7 =	vmul.f32 v13, v5;
	v12 =	vld [tilespmem:s19+$0xFFFFFFF0]  }
0x12e: {  	[tilespmem:s19+$0xFFFFFF90] =	vst v6;
	v6 =	vmul.f32 v10, v5;
	v10 =	vld [tilespmem:s19+$0x0]  }
0x12f: {  	[tilespmem:s19+$0xFFFFFFA0] =	vst v7;
	v7 =	vmul.f32 v8, v5;
	v8 =	vld [tilespmem:s19+$0x10]  }
0x130: {  	[tilespmem:s19+$0xFFFFFFB0] =	vst v6;
	v6 =	vmul.f32 v11, v5;
	v11 =	vld [tilespmem:s19+$0x20]  }
0x131: {  	[tilespmem:s19+$0xFFFFFFC0] =	vst v7;
	v7 =	vmul.f32 v9, v5;
	v9 =	vld [tilespmem:s19+$0x30]  }
0x132: {  	[tilespmem:s19+$0xFFFFFFD0] =	vst v6;
	v5 =	vmul.f32 v12, v5;
	v6 =	vld [tilespmem:s19+$0x40]  }
0x133: {  	[tilespmem:s19+$0xFFFFFFE0] =	vst v7;
	v7 =	vmul.f32 v10, v4;
	v10 =	vld [tilespmem:s19+$0x50]  }
0x134: {  	[tilespmem:s19+$0xFFFFFFF0] =	vst v5;
	v5 =	vmul.f32 v8, v4;
	v8 =	vld [tilespmem:s19+$0x60]  }
0x135: {  	[tilespmem:s19+$0x0] =	vst v7;
	v7 =	vmul.f32 v11, v4;
	v11 =	vld [tilespmem:s19+$0x70]  }
0x136: {  	[tilespmem:s19+$0x10] =	vst v5;
	v5 =	vmul.f32 v9, v4;
	v9 =	vld [tilespmem:s19+$0x80]  }
0x137: {  	[tilespmem:s19+$0x20] =	vst v7;
	v6 =	vmul.f32 v6, v4;
	v7 =	vld [tilespmem:s19+$0x90]  }
0x138: {  	[tilespmem:s19+$0x30] =	vst v5;
	v5 =	vmul.f32 v10, v4;
	v10 =	vld [tilespmem:s19+$0xA0]  }
0x139: {  	[tilespmem:s19+$0x40] =	vst v6;
	v6 =	vmul.f32 v8, v4;
	v8 =	vld [tilespmem:s19+$0xB0]  }
0x13a: {  	[tilespmem:s19+$0x50] =	vst v5;
	v4 =	vmul.f32 v11, v4;
	v5 =	vld [tilespmem:s19+$0xC0]  }
0x13b: {  	[tilespmem:s19+$0x60] =	vst v6;
	v6 =	vmul.f32 v9, v3;
	v9 =	vld [tilespmem:s19+$0xD0]  }
0x13c: {  	[tilespmem:s19+$0x70] =	vst v4;
	v4 =	vmul.f32 v7, v3;
	v7 =	vld [tilespmem:s19+$0xE0]  }
0x13d: {  	[tilespmem:s19+$0x80] =	vst v6;
	v6 =	vmul.f32 v10, v3;
	v10 =	vld [tilespmem:s19+$0xF0]  }
0x13e: {  	[tilespmem:s19+$0x90] =	vst v4;
	v4 =	vmul.f32 v8, v3;
	v8 =	vld [tilespmem:s19+$0x100]  }
0x13f: {  	[tilespmem:s19+$0xA0] =	vst v6;
	v5 =	vmul.f32 v5, v3;
	v6 =	vld [tilespmem:s19+$0x110]  }
0x140: {  	[tilespmem:s19+$0xB0] =	vst v4;
	v4 =	vmul.f32 v9, v3;
	v9 =	vld [tilespmem:s19+$0x120]  }
0x141: {  	[tilespmem:s19+$0xC0] =	vst v5;
	v5 =	vmul.f32 v7, v3;
	v7 =	vld [tilespmem:s19+$0x130]  }
0x142: {  	[tilespmem:s19+$0xD0] =	vst v4;
	v4 =	vmul.f32 v10, v3;
	v10 =	vld [tilespmem:s19+$0x140]  }
0x143: {  	s1 =	sadd.s32 $0x7, s20;
	v3 =	vmov s20;
	[tilespmem:s19+$0xE0] =	vst v5;
	v5 =	vmul.f32 v8, v2;
	v8 =	vld [tilespmem:s19+$0x150]  }
0x144: {  	s23 =	sadd.s32 $0x1, s20;
	s24 =	sadd.s32 $0x2, s20;
	v11 =	vand.u32 $0xFFFFFFF8, v3;
	v3 =	vmov s1;
	[tilespmem:s19+$0xF0] =	vst v4;
	v4 =	vmul.f32 v6, v2;
	v12 =	vld [tilespmem:s19+$0x160]  }
0x145: {  	v14 =	vmov s24;
	v13 =	vmov s23;
	s23 =	sadd.s32 $0x4, s20;
	s1 =	sadd.s32 $0x3, s20;
	[tilespmem:s19+$0x100] =	vst v5;
	v5 =	vmul.f32 v9, v2;
	v9 =	vld [tilespmem:s19+$0x180]  }
0x146: {  	v16 =	vmov s23;
	v15 =	vmov s1;
	s1 =	sadd.s32 $0x5, s20;
	[tilespmem:s19+$0x110] =	vst v4;
	v7 =	vmul.f32 v7, v2;
	v17 =	vld [tilespmem:s19+$0x190]  }
.Ltmp1:
0x147: {  	v4 =	vbroadcast v11, $0x0;
	v11 =	vmov s1;
	[tilespmem:s19+$0x120] =	vst v5;
	v10 =	vmul.f32 v10, v2;
	v6 =	vld [tilespmem:s19+$0x1A0];
	(pc) =	sbr.rel @p1 .LBB2_5-.Ltmp1, $4  }
0x148: {  	v5 =	vand.u32 $0xFFFFFFF9, v13;
	v13 =	vand.u32 $0xFFFFFFFA, v14;
	[tilespmem:s19+$0x130] =	vst v7;
	v14 =	vmul.f32 v8, v2;
	v7 =	vld [tilespmem:s19+$0x1B0]  }
0x149: {  	v18 =	vand.u32 $0xFFFFFFFB, v15;
	v5 =	vbroadcast v5, $0x0;
	[tilespmem:s19+$0x140] =	vst v10;
	v19 =	vmul.f32 v12, v2;
	v8 =	vld [tilespmem:s19+$0x1C0]  }
0x14a: {  	v10 =	vbroadcast v13, $0x0;
	v2 =	vand.u32 $0xFFFFFFFC, v16;
	[tilespmem:s19+$0x150] =	vst v14;
	v15 =	vmul.f32 v9, v1;
	v9 =	vld [tilespmem:s19+$0x1D0]  }
0x14b: {  	s1 =	sadd.s32 $0x6, s20;
	s20 =	sadd.s32 $0x8, s20;
	v12 =	vbroadcast v18, $0x0;
	v14 =	vand.u32 $0xFFFFFFFD, v11;
	[tilespmem:s19+$0x160] =	vst v19;
	v13 =	vmul.f32 v17, v1;
	v11 =	vld [tilespmem:s19+$0x1E0]  }
0x14c: {  	_ =	sdelay $0x2  }
0x14d: {  	v16 =	vld [tilespmem:s19+$0x1F0]  }
0x14e: {  	v18 =	vld.idx.msk [tilespmem:v4+s25+$0x0], $0xffff  }
0x14f: {  	v23 =	vld.idx.msk [tilespmem:v5+s25+$0x0], $0xffff  }
0x150: {  	v22 =	vbroadcast v2, $0x0;
	v2 =	vmov s1;
	v10 =	vld.idx.msk [tilespmem:v10+s25+$0x0], $0xffff  }
0x151: {  	v17 =	vand.u32 $0xFFFFFFFE, v2;
	v2 =	vld.idx.msk [tilespmem:v3+s25+$0x0], $0xffff  }
0x152: {  	s20 =	sadd.s32 $0x400, s19;
	v12 =	vld.idx.msk [tilespmem:v12+s25+$0x0], $0xffff  }
0x153: {  	v24 =	vld [tilespmem:s20+$0x170]  }
0x154: {  	v26 =	vld [tilespmem:s20+$0xFFFFFE00]  }
0x155: {  	v28 =	vld [tilespmem:s20+$0xFFFFFE10]  }
0x156: {  	[tilespmem:s19+$0x180] =	vst v15;
	v6 =	vmul.f32 v6, v1;
	v30 =	vld [tilespmem:s20+$0xFFFFFE20]  }
0x157: {  	[tilespmem:s19+$0x190] =	vst v13;
	v7 =	vmul.f32 v7, v1;
	v31 =	vld [tilespmem:s20+$0xFFFFFE30]  }
0x158: {  	v32 =	vld [tilespmem:s20+$0xFFFFFE40];
	[tilespmem:s19+$0x1A0] =	vst v6;
	v25 =	vmul.f32 v8, v1  }
0x159: {  	v33 =	vld [tilespmem:s20+$0xFFFFFE50];
	[tilespmem:s19+$0x1B0] =	vst v7;
	v27 =	vmul.f32 v9, v1  }
0x15a: {  	v34 =	vld [tilespmem:s20+$0xFFFFFE60];
	[tilespmem:s19+$0x1C0] =	vst v25;
	v29 =	vmul.f32 v11, v1  }
0x15b: {  	v35 =	vld [tilespmem:s20+$0xFFFFFE70];
	[tilespmem:s19+$0x1D0] =	vst v27;
	v1 =	vmul.f32 v16, v1  }
0x15c: {  	v36 =	vld [tilespmem:s20+$0xFFFFFE80];
	[tilespmem:s19+$0x1E0] =	vst v29;
	v9 =	vmul.f32 v28, v18  }
0x15d: {  	v37 =	vld [tilespmem:s20+$0xFFFFFE90];
	[tilespmem:s19+$0x1F0] =	vst v1;
	v1 =	vmul.f32 v26, v18  }
0x15e: {  	v39 =	vld [tilespmem:s20+$0xFFFFFEA0];
	v7 =	vmul.f32 v31, v18;
	[tilespmem:s20+$0xFFFFFE10] =	vst v9  }
0x15f: {  	v40 =	vld [tilespmem:s20+$0xFFFFFEB0];
	[tilespmem:s20+$0xFFFFFE00] =	vst v1;
	v1 =	vmul.f32 v30, v18  }
0x160: {  	v42 =	vld [tilespmem:s20+$0xFFFFFEC0];
	v38 =	vmul.f32 v33, v18;
	[tilespmem:s20+$0xFFFFFE30] =	vst v7  }
0x161: {  	v43 =	vld [tilespmem:s20+$0xFFFFFED0];
	[tilespmem:s20+$0xFFFFFE20] =	vst v1;
	v1 =	vmul.f32 v32, v18  }
0x162: {  	v44 =	vld [tilespmem:s20+$0xFFFFFEE0];
	v41 =	vmul.f32 v35, v18;
	[tilespmem:s20+$0xFFFFFE50] =	vst v38  }
0x163: {  	v45 =	vld [tilespmem:s20+$0xFFFFFEF0];
	[tilespmem:s20+$0xFFFFFE40] =	vst v1;
	v1 =	vmul.f32 v34, v18  }
0x164: {  	v47 =	vld [tilespmem:s20+$0xFFFFFF00];
	v6 =	vmul.f32 v37, v23;
	[tilespmem:s20+$0xFFFFFE70] =	vst v41  }
0x165: {  	v48 =	vld [tilespmem:s20+$0xFFFFFF10];
	[tilespmem:s20+$0xFFFFFE60] =	vst v1;
	v1 =	vmul.f32 v36, v23  }
0x166: {  	v50 =	vld [tilespmem:s20+$0xFFFFFF20];
	v46 =	vmul.f32 v40, v23;
	[tilespmem:s20+$0xFFFFFE90] =	vst v6  }
0x167: {  	v51 =	vld [tilespmem:s20+$0xFFFFFF30];
	[tilespmem:s20+$0xFFFFFE80] =	vst v1;
	v1 =	vmul.f32 v39, v23  }
0x168: {  	v53 =	vld [tilespmem:s20+$0xFFFFFF40];
	v49 =	vmul.f32 v43, v23;
	[tilespmem:s20+$0xFFFFFEB0] =	vst v46  }
0x169: {  	v54 =	vld [tilespmem:s20+$0xFFFFFF50];
	[tilespmem:s20+$0xFFFFFEA0] =	vst v1;
	v1 =	vmul.f32 v42, v23  }
0x16a: {  	v56 =	vld [tilespmem:s20+$0xFFFFFF60];
	v52 =	vmul.f32 v45, v23;
	[tilespmem:s20+$0xFFFFFED0] =	vst v49  }
0x16b: {  	v57 =	vld [tilespmem:s20+$0xFFFFFF70];
	[tilespmem:s20+$0xFFFFFEC0] =	vst v1;
	v1 =	vmul.f32 v44, v23  }
0x16c: {  	v14 =	vbroadcast v14, $0x0;
	v59 =	vld [tilespmem:s20+$0xFFFFFF80];
	v55 =	vmul.f32 v48, v10;
	[tilespmem:s20+$0xFFFFFEF0] =	vst v52  }
0x16d: {  	v60 =	vld [tilespmem:s20+$0xFFFFFF90];
	[tilespmem:s20+$0xFFFFFEE0] =	vst v1;
	v1 =	vmul.f32 v47, v10  }
0x16e: {  	v62 =	vld [tilespmem:s20+$0xFFFFFFA0];
	v58 =	vmul.f32 v51, v10;
	[tilespmem:s20+$0xFFFFFF10] =	vst v55  }
0x16f: {  	v63 =	vld [tilespmem:s20+$0xFFFFFFB0];
	v3 =	vbroadcast v17, $0x0;
	[tilespmem:s20+$0xFFFFFF00] =	vst v1;
	v1 =	vmul.f32 v50, v10  }
0x170: {  	v15 =	vld [tilespmem:s20+$0xFFFFFFC0];
	v61 =	vmul.f32 v54, v10;
	[tilespmem:s20+$0xFFFFFF30] =	vst v58  }
0x171: {  	v19 =	vld [tilespmem:s20+$0xFFFFFFF0];
	[tilespmem:s20+$0xFFFFFF20] =	vst v1;
	v1 =	vmul.f32 v53, v10  }
0x172: {  	v4 =	vld.idx.msk [tilespmem:v14+s25+$0x0], $0xffff;
	v14 =	vmul.f32 v57, v10;
	[tilespmem:s20+$0xFFFFFF50] =	vst v61  }
0x173: {  	v5 =	vld.idx.msk [tilespmem:v22+s25+$0x0], $0xffff;
	[tilespmem:s20+$0xFFFFFF40] =	vst v1;
	v1 =	vmul.f32 v56, v10  }
0x174: {  	v17 =	vmul.f32 v60, v12;
	v22 =	vld [tilespmem:s20+$0x10];
	[tilespmem:s20+$0xFFFFFF70] =	vst v14  }
0x175: {  	v3 =	vld.idx.msk [tilespmem:v3+s25+$0x0], $0xffff;
	[tilespmem:s20+$0xFFFFFF60] =	vst v1;
	v1 =	vmul.f32 v59, v12  }
0x176: {  	v20 =	vmul.f32 v63, v12;
	[tilespmem:s20+$0xFFFFFF90] =	vst v17;
	v18 =	vld [tilespmem:s20+$0xFFFFFFE0]  }
0x177: {  	v25 =	vld [tilespmem:s20+$0x30];
	[tilespmem:s20+$0xFFFFFF80] =	vst v1;
	v1 =	vmul.f32 v62, v12  }
0x178: {  	v21 =	vld [tilespmem:s20+$0x0];
	v26 =	vmul.f32 v19, v12;
	[tilespmem:s20+$0xFFFFFFB0] =	vst v20  }
0x179: {  	v28 =	vld [tilespmem:s20+$0x50];
	[tilespmem:s20+$0xFFFFFFA0] =	vst v1;
	v1 =	vmul.f32 v15, v12  }
0x17a: {  	[tilespmem:s20+$0xFFFFFFF0] =	vst v26;
	v29 =	vmul.f32 v22, v5;
	v13 =	vmul.f32 v24, v3;
	v24 =	vld [tilespmem:s20+$0x20]  }
0x17b: {  	v37 =	vld [tilespmem:s20+$0xB0];
	[tilespmem:s20+$0xFFFFFFC0] =	vst v1;
	v1 =	vmul.f32 v18, v12  }
0x17c: {  	v27 =	vld [tilespmem:s20+$0x40];
	v32 =	vmul.f32 v25, v5;
	[tilespmem:s20+$0x10] =	vst v29  }
0x17d: {  	[tilespmem:s20+$0xFFFFFFE0] =	vst v1;
	v1 =	vmul.f32 v21, v5  }
0x17e: {  	v30 =	vld [tilespmem:s20+$0x60];
	v35 =	vmul.f32 v28, v5;
	[tilespmem:s20+$0x30] =	vst v32  }
0x17f: {  	v45 =	vld [tilespmem:s20+$0x110];
	[tilespmem:s20+$0x0] =	vst v1;
	v1 =	vmul.f32 v24, v5  }
0x180: {  	v33 =	vld [tilespmem:s20+$0x80];
	v43 =	vmul.f32 v37, v4;
	[tilespmem:s20+$0x50] =	vst v35  }
0x181: {  	v48 =	vld [tilespmem:s20+$0x130];
	[tilespmem:s20+$0x20] =	vst v1;
	v1 =	vmul.f32 v27, v5  }
0x182: {  	[tilespmem:s20+$0xB0] =	vst v43;
	v36 =	vld [tilespmem:s20+$0xA0]  }
0x183: {  	v34 =	vld [tilespmem:s20+$0x90];
	[tilespmem:s20+$0x40] =	vst v1;
	v1 =	vmul.f32 v30, v5  }
0x184: {  	v38 =	vld [tilespmem:s20+$0xC0];
	v51 =	vmul.f32 v45, v3;
	[tilespmem:s20+$0x170] =	vst v13  }
0x185: {  	v16 =	vld [tilespmem:s20+$0xFFFFFFD0];
	[tilespmem:s20+$0x60] =	vst v1;
	v1 =	vmul.f32 v33, v4  }
0x186: {  	v41 =	vld [tilespmem:s20+$0xE0];
	v54 =	vmul.f32 v48, v3;
	[tilespmem:s20+$0x110] =	vst v51  }
0x187: {  	v39 =	vld [tilespmem:s20+$0xD0];
	[tilespmem:s20+$0x80] =	vst v1;
	v1 =	vmul.f32 v36, v4  }
0x188: {  	[tilespmem:s20+$0x130] =	vst v54;
	v40 =	vmul.f32 v34, v4;
	v44 =	vld [tilespmem:s20+$0x100]  }
0x189: {  	v50 =	vld [tilespmem:s20+$0x150];
	[tilespmem:s20+$0xA0] =	vst v1;
	v1 =	vmul.f32 v38, v4  }
0x18a: {  	[tilespmem:s20+$0x90] =	vst v40;
	v23 =	vmul.f32 v16, v12;
	v47 =	vld [tilespmem:s20+$0x120]  }
0x18b: {  	v53 =	vld [tilespmem:s20+$0x180];
	[tilespmem:s20+$0xC0] =	vst v1;
	v1 =	vmul.f32 v41, v4  }
0x18c: {  	v49 =	vld [tilespmem:s20+$0x140];
	v46 =	vmul.f32 v39, v4;
	[tilespmem:s20+$0xFFFFFFD0] =	vst v23  }
0x18d: {  	v56 =	vld [tilespmem:s20+$0x1A0];
	[tilespmem:s20+$0xE0] =	vst v1;
	v1 =	vmul.f32 v44, v3  }
0x18e: {  	v52 =	vld [tilespmem:s20+$0x160];
	[tilespmem:s20+$0xD0] =	vst v46;
	v57 =	vmul.f32 v50, v3  }
0x18f: {  	v31 =	vld [tilespmem:s20+$0x70];
	[tilespmem:s20+$0x100] =	vst v1;
	v1 =	vmul.f32 v47, v3  }
0x190: {  	v55 =	vld [tilespmem:s20+$0x190];
	[tilespmem:s20+$0x150] =	vst v57;
	v59 =	vmul.f32 v53, v2  }
0x191: {  	v42 =	vld [tilespmem:s20+$0xF0];
	[tilespmem:s20+$0x120] =	vst v1;
	v1 =	vmul.f32 v49, v3  }
0x192: {  	v58 =	vld [tilespmem:s20+$0x1B0];
	[tilespmem:s20+$0x180] =	vst v59;
	v62 =	vmul.f32 v56, v2  }
0x193: {  	[tilespmem:s20+$0x140] =	vst v1;
	v1 =	vmul.f32 v52, v3;
	v3 =	vld [tilespmem:s20+$0x1C0]  }
0x194: {  	v60 =	vld [tilespmem:s20+$0x1D0];
	[tilespmem:s20+$0x1A0] =	vst v62;
	v5 =	vmul.f32 v31, v5  }
0x195: {  	v61 =	vld [tilespmem:s20+$0x1E0];
	[tilespmem:s20+$0x160] =	vst v1;
	v1 =	vmul.f32 v55, v2  }
0x196: {  	v63 =	vld [tilespmem:s20+$0x1F0];
	[tilespmem:s20+$0x70] =	vst v5;
	v4 =	vmul.f32 v42, v4  }
0x197: {  	[tilespmem:s20+$0x190] =	vst v1;
	v1 =	vmul.f32 v58, v2  }
0x198: {  	[tilespmem:s20+$0xF0] =	vst v4;
	v3 =	vmul.f32 v3, v2  }
0x199: {  	[tilespmem:s20+$0x1B0] =	vst v1;
	v1 =	vmul.f32 v60, v2  }
0x19a: {  	[tilespmem:s20+$0x1C0] =	vst v3;
	v3 =	vmul.f32 v61, v2  }
0x19b: {  	[tilespmem:s20+$0x1D0] =	vst v1;
	v1 =	vmul.f32 v63, v2  }
0x19c: {  	[tilespmem:s20+$0x1E0] =	vst v3  }
0x19d: {  	s10 =	sadd.s32 $0x1, s10;
	[tilespmem:s20+$0x1F0] =	vst v1  }
0x19e: {  	[spmem:s2] =	stream.indirect.scatter.add.f32 [tilespmem:s21], [sflag:$0x2], $0x80, s14, s26, $0xb8;
	[tilespmem:$0x1E280] =	vst v63  }
0x19f: {  	p1 =	sne.s32 s10, $0x10  }
0x1a0: {  	[spmem:s2] =	stream.indirect.scatter.add.f32 [tilespmem:s30], [sflag:$0x2], $0x80, s15, s26, $0xb8;
	[tilespmem:$0x1E280] =	vst v63  }
.Ltmp2:
0x1a1: {  	_ = 	snop;
	(pc) =	sbr.rel @p1 .LBB2_4-.Ltmp2, $4  }
0x1a2: {  	_ = 	snop  }
0x1a3: {  	[spmem:s2] =	stream.indirect.scatter.add.f32 [tilespmem:s0], [sflag:$0x2], $0x80, s16, s26, $0xb8;
	[tilespmem:$0x1E280] =	vst v63  }
0x1a4: {  	_ = 	snop  }
0x1a5: {  	[spmem:s2] =	stream.indirect.scatter.add.f32 [tilespmem:s12], [sflag:$0x2], $0x80, s18, s26, $0xb8;
	[tilespmem:$0x1E280] =	vst v63  }
0x1a6: {  	s1 =	simm.s32 $0x2  }
0x1a7: {  	_ =	swait.ge [sflag:s1], $0x2800  }
0x1a8: {  	[sflag:s1] =	ssyncset.done $0x0  }
0x1a9: {  	[sflag:s1] =	ssyncadd.s32 $0xFFFFD800  }
0x1aa: {  	_ =	swait.ge [sflag:s1], $0x2800  }
0x1ab: {  	[sflag:s1] =	ssyncset.done $0x0  }
0x1ac: {  	[sflag:s1] =	ssyncadd.s32 $0xFFFFD800  }
0x1ad: {  	_ =	swait.ge [sflag:s1], $0x2800  }
0x1ae: {  	[sflag:s1] =	ssyncset.done $0x0  }
0x1af: {  	[sflag:s1] =	ssyncadd.s32 $0xFFFFD800  }
0x1b0: {  	_ =	swait.ge [sflag:s1], $0x2800  }
0x1b1: {  	[sflag:s1] =	ssyncset.done $0x0  }
0x1b2: {  	[sflag:s1] =	ssyncadd.s32 $0xFFFFD800  }
0x1b3: {  	s20 =	stileid.u32;
	[bflag:$0x0] =	sbarrier.arrive $0xFFFF  }
0x1b4: {  	s1 =	sshll.u32 s20, $0x6;
	s19 =	rddreg [dreg:$0x4]  }
0x1b5: {  	s1 =	sor.u32 $0x1C03, s1;
	s17 =	rddreg [dreg:$0xb];
	s10 =	sshrl.u32 s19, $0x3  }
0x1b6: {  	[hbm:s17], [sflag:s1] =	dma.local [spmem:s10], $0x2700  }
0x1b7: {  	_ =	swait.ge [sflag:s22], $0x2700  }
0x1b8: {  	[sflag:s22] =	ssyncset.done $0x0;
	s20 =	rddreg [dreg:$0xa]  }
0x1b9: {  	s17 =	rddreg [dreg:$0xc];
	[sflag:s22] =	ssyncadd.s32 $0xFFFFD900;
	s10 =	sshrl.u32 @!p0 s20, $0x3  }
0x1ba: {  	[hbm:s17], [sflag:s1] =	dma.local @!p0 [spmem:s10], $0x100  }
0x1bb: {  	s1 =	simm.s32 @!p0 $0x3  }
0x1bc: {  	_ =	swait.ge @!p0 [sflag:s1], $0x100  }
0x1bd: {  	s23 =	rddreg [dreg:$0xe]  }
0x1be: {  	s24 =	rddreg [dreg:$0xd];
	s17 =	sadd.s32 $0x1, s23  }
0x1bf: {  	p1 =	sne.s32 s17, s24  }
.Ltmp3:
0x1c0: {  	_ = 	snop;
	(pc) =	sbr.rel @p1 .LBB2_1-.Ltmp3, $3  }
0x1c1: {  	_ =	sdelay $0x1  }
0x1c2: {  	[sflag:s1] =	ssyncset.done @!p0 $0x0  }
0x1c3: {  	[sflag:s1] =	ssyncadd.s32 @!p0 $0xFFFFFF00  }
0x1c4: {  	_ =	sfence.sel $0x180000  }
0x1c5: {  	[bflag:$0x0] =	sbarrier.arrive $0xFFFF  }
0x1c6: {  	_ =	strace $0x90000050  }
0x1c7: {  	s0 =	stileid.u32;
	[bflag:$0x2] =	sbarrier.arrive $0xFFFF  }
0x1c8: {  	p0 =	sne.s32 s0, $0x0;
	s0 =	rddreg [dreg:$0x3]  }
0x1c9: {  	s0 =	sadd.s32 @!p0 $0x100000, s0  }
0x1ca: {  	[sflag:s0] =	ssyncadd.tile.s32 @!p0 $0x1;
	_ =	shalt  }
.Lfunc_end2:
_tile_overlayer_lowered:
.L_overlay_start_2:
0x1cb: {  	(tag) =	ssettag $0x2  }
0x1cc: {  	s0 =	rddreg [dreg:$0x0];
	s2 =	stileid.u32  }
0x1cd: {  	s1 =	rddreg [dreg:$0x1];
	p0 =	sne.s32 s2, $0x0  }
0x1ce: {  	s3 =	rddreg [dreg:$0x2];
	[bflag:$0x3] =	sbarrier.arrive $0xFFFF;
	s2 =	simm.s32 @!p0 $0x1C03  }
0x1cf: {  	[timem:s3], [sflag:s2] =	dma.local @!p0 [hbm:s0], s1  }
0x1d0: {  	s0 =	simm.s32 @!p0 $0x3  }
0x1d1: {  	_ =	swait.ge @!p0 [sflag:s0], s1  }
0x1d2: {  	s1 =	ssub.s32 @!p0 $0x0, s1;
	[sflag:s0] =	ssyncset.done @!p0 $0x0  }
0x1d3: {  	[sflag:s0] =	ssyncadd.s32 @!p0 s1  }
0x1d4: {  	[bflag:$0x3] =	sbarrier.arrive $0xFFFF  }
0x1d5: {  	_ =	shalt  }

// kernel: kernel.9.cloned.1.call-start
scs
__scs_entry_jumppad:
0x0: {  	(pc) =	sbr.rel $0x88, $3  }
0x1: {  	(tag) =	ssettag $0x0;
	lr =	simm.s32 $0x1  }
0x2: {  	[smem:$0x3F8D] =	sst lr;
	_ =	strace $0xD0000000  }
0x3: {  	_ = 	snop  }
0x4: {  	_ = 	snop  }
0x5: {  	_ = 	snop  }
0x6: {  	_ = 	snop  }
0x7: {  	_ = 	snop  }
__scs_overlays_trampoline_lowered:
0x8: {  	[smem:$0x3F9C] =	sst s0  }
0x9: {  	[smem:$0x3F9D] =	sst s1  }
0xa: {  	[smem:$0x3F9E] =	sst s2  }
0xb: {  	[smem:$0x3F9F] =	sst s3  }
0xc: {  	[smem:$0x3FA0] =	sst s4  }
0xd: {  	[smem:$0x3FA1] =	sst s5  }
0xe: {  	[smem:$0x3FA2] =	sst s6  }
0xf: {  	[smem:$0x3FA3] =	sst s7  }
0x10: {  	[smem:$0x3FA4] =	sst s8  }
0x11: {  	[smem:$0x3FA5] =	sst s9;
	s0 =	simm.s32 @!p0 $0x0  }
0x12: {  	s1 =	sld [smem:$0x3F8B];
	s0 =	simm.s32 @p0 $0x1  }
0x13: {  	[smem:$0x3FA6] =	sst s0;
	s0 =	simm.s32 @!p1 $0x0  }
0x14: {  	s2 =	sld [smem:$0x3F8A];
	s0 =	simm.s32 @p1 $0x1  }
0x15: {  	[smem:$0x3FA7] =	sst s0;
	s0 =	simm.s32 @!p2 $0x0  }
0x16: {  	s3 =	sld [smem:$0x3FDB];
	s0 =	simm.s32 @p2 $0x1  }
0x17: {  	s4 =	simm.s32 $0x1BF5;
	[smem:$0x3FA9] =	sst s0  }
0x18: {  	s0 =	sld [smem:$0x3F8C];
	_ =	swait.ge [sflag:s4], $0x0  }
0x19: {  	s7 =	sld [smem:$0x3F8D]  }
0x1a: {  	s8 =	sadd.s32 $0xFFFFE003, lr  }
0x1b: {  	s9 =	sadd.s32 $0xFFFFFEF7, lr;
	s5 =	simm.s32 $0xFFFFFFFF;
	p2 =	slt.u32 s8, $0xFFFFF086  }
0x1c: {  	p1 =	slt.u32 s9, $0xF7A;
	s5 =	simm.s32 @!p2 $0x0  }
0x1d: {  	s5 =	simm.s32 @p1 $0x1;
	p0 =	seq.s32 s7, s2  }
0x1e: {  	s7 =	smul.u32 @!p0 $0xF7A, s2;
	p2 =	seq.s32 @!p0 s5, $0x0  }
0x1f: {  	s9 =	smul.u32 $0xF7A, s1;
	s8 =	simm.s32 @!p0 $0x1BF5;
	p2 =	por !p2, p0  }
0x20: {  	[sflag:s8] =	ssyncset.s32 @!p0 $0xFFFFF086;
	s6 =	sadd.s32 @!p0 s3, s7;
	s7 =	simm.s32 @!p0 $0x108  }
0x21: {  	s3 =	sadd.s32 s3, s9;
	s6 =	sadd.s32 @!p0 $0x88, s6;
	s7 =	simm.s32 @p2 $0x1082  }
0x22: {  	[simem:s7], [sflag:s8] =	dma.local @!p0 [hbm:s6], $0xF7A  }
0x23: {  	s9 =	sor.u32 $0xD0000000, s2;
	s6 =	simm.s32 $0x108;
	_ =	swait.ge @!p0 [sflag:s8], $0x0  }
0x24: {  	s3 =	sadd.s32 $0x88, s3;
	s6 =	simm.s32 @!p1 $0x1082;
	[sflag:s4] =	ssyncset.s32 $0xFFFFF086  }
0x25: {  	[simem:s6], [sflag:s4] =	dma.local [hbm:s3], $0xF7A  }
0x26: {  	[smem:$0x3F8D] =	sst s1;
	(tag) =	ssettag s2;
	_ =	strace s9  }
0x27: {  	s1 =	sld [smem:$0x3F9D]  }
0x28: {  	s2 =	sld [smem:$0x3F9E]  }
0x29: {  	s4 =	sld [smem:$0x3FA0]  }
0x2a: {  	p0 =	seq.s32 s5, $0x0;
	s5 =	sld [smem:$0x3FA1]  }
0x2b: {  	s6 =	sld [smem:$0x3FA2]  }
0x2c: {  	s7 =	sld [smem:$0x3FA3]  }
0x2d: {  	s3 =	simm.s32 $0x108;
	s8 =	sld [smem:$0x3FA4]  }
0x2e: {  	s3 =	simm.s32 @!p0 $0x1082;
	s9 =	sld [smem:$0x3FA5]  }
0x2f: {  	lr =	sadd.s32 s0, s3;
	s0 =	sld [smem:$0x3F9C]  }
0x30: {  	s3 =	sld [smem:$0x3F9F]  }
0x31: {  	[smem:$0x3FA8] =	sst s10  }
0x32: {  	s10 =	sld [smem:$0x3FA6];
	_ =	sdelay $0x3  }
0x33: {  	p0 =	seq.s32 s10, $0x1;
	s10 =	sld [smem:$0x3FA8];
	_ =	sdelay $0x3  }
0x34: {  	[smem:$0x3FA8] =	sst s10  }
0x35: {  	s10 =	sld [smem:$0x3FA7];
	_ =	sdelay $0x3  }
0x36: {  	p1 =	seq.s32 s10, $0x1;
	s10 =	sld [smem:$0x3FA8];
	_ =	sdelay $0x3  }
0x37: {  	[smem:$0x3FA8] =	sst s10  }
0x38: {  	s10 =	sld [smem:$0x3FA9]  }
0x39: {  	_ = 	snop;
	(pc) =	sbr.ind lr, $3  }
0x3a: {  	_ = 	snop  }
0x3b: {  	_ = 	snop  }
0x3c: {  	p2 =	seq.s32 s10, $0x1;
	s10 =	sld [smem:$0x3FA8]  }
0x3d: {  	_ =	shalt  }
0x3e: {  	_ =	shalt  }
0x3f: {  	_ =	shalt  }
0x40: {  	_ =	shalt  }
0x41: {  	_ =	shalt  }
0x42: {  	_ =	shalt  }
0x43: {  	_ =	shalt  }
0x44: {  	_ =	shalt  }
0x45: {  	_ =	shalt  }
0x46: {  	_ =	shalt  }
0x47: {  	_ =	shalt  }
0x48: {  	_ =	shalt  }
0x49: {  	_ =	shalt  }
0x4a: {  	_ =	shalt  }
0x4b: {  	_ =	shalt  }
0x4c: {  	_ =	shalt  }
0x4d: {  	_ =	shalt  }
0x4e: {  	_ =	shalt  }
0x4f: {  	_ =	shalt  }
0x50: {  	_ =	shalt  }
0x51: {  	_ =	shalt  }
0x52: {  	_ =	shalt  }
0x53: {  	_ =	shalt  }
0x54: {  	_ =	shalt  }
0x55: {  	_ =	shalt  }
0x56: {  	_ =	shalt  }
0x57: {  	_ =	shalt  }
0x58: {  	_ =	shalt  }
0x59: {  	_ =	shalt  }
0x5a: {  	_ =	shalt  }
0x5b: {  	_ =	shalt  }
0x5c: {  	_ =	shalt  }
0x5d: {  	_ =	shalt  }
0x5e: {  	_ =	shalt  }
0x5f: {  	_ =	shalt  }
0x60: {  	_ =	shalt  }
0x61: {  	_ =	shalt  }
0x62: {  	_ =	shalt  }
0x63: {  	_ =	shalt  }
0x64: {  	_ =	shalt  }
0x65: {  	_ =	shalt  }
0x66: {  	_ =	shalt  }
0x67: {  	_ =	shalt  }
0x68: {  	_ =	shalt  }
0x69: {  	_ =	shalt  }
0x6a: {  	_ =	shalt  }
0x6b: {  	_ =	shalt  }
0x6c: {  	_ =	shalt  }
0x6d: {  	_ =	shalt  }
0x6e: {  	_ =	shalt  }
0x6f: {  	_ =	shalt  }
0x70: {  	_ =	shalt  }
0x71: {  	_ =	shalt  }
0x72: {  	_ =	shalt  }
0x73: {  	_ =	shalt  }
0x74: {  	_ =	shalt  }
0x75: {  	_ =	shalt  }
0x76: {  	_ =	shalt  }
0x77: {  	_ =	shalt  }
0x78: {  	_ =	shalt  }
0x79: {  	_ =	shalt  }
0x7a: {  	_ =	shalt  }
0x7b: {  	_ =	shalt  }
0x7c: {  	_ =	shalt  }
0x7d: {  	_ =	shalt  }
0x7e: {  	_ =	shalt  }
0x7f: {  	_ =	shalt  }
0x80: {  	_ =	shalt  }
0x81: {  	_ =	shalt  }
0x82: {  	_ =	shalt  }
0x83: {  	_ =	shalt  }
0x84: {  	_ =	shalt  }
0x85: {  	_ =	shalt  }
0x86: {  	_ =	shalt  }
0x87: {  	_ =	shalt  }
.Lfunc_end0:
.L_simem_size_0:
called_computation_lowered:
.L_overlay_start_0:
0x88: {  	s2 =	sld [smem:$0x3FD9]  }
0x89: {  	s3 =	sld [smem:$0x3FFE];
	_ =	sdelay $0x1  }
0x8a: {  	s1 =	srdreg.scid  }
0x8b: {  	s0 =	sand.u32 $0x1, s1  }
0x8c: {  	s16 =	sshll.u32 s0, $0xA;
	s2 =	sadd.s32 s3, s2  }
0x8d: {  	s2 =	sadd.s32 s2, s16  }
0x8e: {  	[smem:$0x3FB4] =	sst s2  }
0x8f: {  	_ = 	snop  }
0x90: {  	(tm) =	ssettm $0x1  }
0x91: {  	s17 =	sld [smem:$0x3FFB];
	_ =	sdelay $0x3  }
0x92: {  	_ =	strace s17  }
0x93: {  	s2 =	sld [smem:$0x3FFC];
	_ =	sdelay $0x3  }
0x94: {  	_ =	strace s2  }
0x95: {  	s2 =	sld [smem:$0x3FFD];
	_ =	sdelay $0x3  }
0x96: {  	_ =	strace s2  }
0x97: {  	_ =	strace $0x8FFFFFFF  }
0x98: {  	s18 =	sld [smem:$0x3FDB];
	_ =	sdelay $0x1  }
0x99: {  	s19 =	simm.s32 $_scs_section_size  }
0x9a: {  	s4 =	simm.s32 $_size__tile_overlayer_lowered;
	s5 =	simm.s32 $_tile_overlayer_lowered  }
0x9b: {  	s22 =	simm.s32 $0x1BFF;
	s21 =	sshll.u32 s5, $0x1;
	s2 =	sadd.s32 s19, s18  }
0x9c: {  	s6 =	simm.s32 $0x0;
	s20 =	sshll.u32 s4, $0x1;
	s4 =	sadd.s32 s21, s2  }
0x9d: {  	[timem:s6], [sflag:s22] =	dma.local [hbm:s4], s20  }
0x9e: {  	_ =	swait.ge [sflag:s22], s20  }
0x9f: {  	s3 =	ssub.s32 $0x0, s20;
	[sflag:s22] =	ssyncset.done $0x0  }
0xa0: {  	[sflag:s22] =	ssyncadd.s32 s3;
	_ =	sdelay $0x1  }
0xa1: {  	s23 =	simm.s32 $0x1B8B  }
0xa2: {  	_ =	swait.ge [sflag:s23], $0x1  }
0xa3: {  	[sflag:s23] =	ssyncset.done $0x0  }
0xa4: {  	s25 =	simm.s32 $0x1B8E;
	s24 =	sld [smem:$0x3FFE];
	[sflag:s23] =	ssyncadd.s32 $0xFFFFFFFF  }
0xa5: {  	s26 =	simm.s32 $execute0_lowered;
	[smem:$0x3FD2] =	sst s25  }
0xa6: {  	s4 =	sshll.u32 s26, $0x1;
	_ =	strace $0x80000046;
	[dreg:$0x1] =	wrdreg $0xFFFFFFFF  }
0xa7: {  	s28 =	simm.s32 $_size_execute0_lowered;
	s2 =	sadd.s32 s2, s4;
	[dreg:$0x0] =	wrdreg $0x0  }
0xa8: {  	s4 =	sshll.u32 s28, $0x1;
	[dreg:$0x2] =	wrdreg s2  }
0xa9: {  	[dreg:$0x3] =	wrdreg s4  }
0xaa: {  	[dreg:$0x4] =	wrdreg $0xC0  }
0xab: {  	_ =	task [dreg:s6], $0x5FFFF  }
0xac: {  	[dreg:$0x1] =	wrdreg $0xFFFFFFFF  }
0xad: {  	[dreg:$0x0] =	wrdreg $0x60  }
0xae: {  	[dreg:$0x2] =	wrdreg s24  }
0xaf: {  	[dreg:$0x3] =	wrdreg $0x9  }
0xb0: {  	_ =	task.clear_ibuf [dreg:s6], $0x4FFFF;
	_ =	strace $0x90000046  }
0xb1: {  	s29 =	simm.s32 $0x9;
	_ =	strace $0x80000048  }
0xb2: {  	_ =	swait.ge [sflag:s29], $0x1  }
0xb3: {  	[sflag:s29] =	ssyncadd.s32 $0xFFFFFFFF  }
0xb4: {  	_ =	strace $0x90000048  }
0xb5: {  	_ =	sfence  }
0xb6: {  	s30 =	sld [smem:$0x0];
	_ =	sdelay $0x2  }
0xb7: {  	s31 =	sshll.u32 s1, $0xD;
	s1 =	sshrl.u32 s1, $0x2  }
0xb8: {  	s3 =	sand.u32 $0x4000, s31;
	s1 =	sadd.s32 s1, s30  }
0xb9: {  	s0 =	sor.u32 s3, s0;
	s1 =	sshll.u32 s1, $0x11  }
0xba: {  	s0 =	sor.u32 s1, s0  }
0xbb: {  	s0 =	sadd.s32 $0x8F2B, s0  }
0xbc: {  	[sflag:s0] =	ssyncadd.remote.s32 $0x1  }
0xbd: {  	_ =	sfence.sel $0xFFFF  }
0xbe: {  	[dreg:$0x0] =	wrdreg $0xFFFFFFFF;
	(pc) =	sbr.abs _section_cstart, $3  }
0xbf: {  	[dreg:$0x1] =	wrdreg $0xFFFFFFFF  }
0xc0: {  	_ =	task.clear_ibuf [dreg:s6], $0x2FFFF;
	_ =	strace $0x9FFFFFFF  }
0xc1: {  	(tm) =	ssettm $0x7FFFFFFF  }
tec
execute0_lowered:
.L_overlay_start_1:
0x0: {  	(tag) =	ssettag $0x1  }
0x1: {  	s4 =	rddreg [dreg:$0x0];
	s1 =	stileid.u32  }
0x2: {  	s2 =	srdreg.scid;
	s0 =	rddreg [dreg:$0x1]  }
0x3: {  	s5 =	sand.u32 $0x1, s2;
	s3 =	sshll.u32 s1, $0x1;
	s6 =	smul.u32 $0x50, s1  }
0x4: {  	s11 =	simm.s32 $0x0;
	s3 =	sor.u32 s5, s3;
	s10 =	smul.u32 $0x28, s5  }
0x5: {  	s2 =	simm.s32 $0x0;
	s8 =	ssub.s32 $0x2, s5;
	s7 =	smul.u32 $0x2710, s3  }
.Ltmp0:
0x6: {  	[smem:$0x7FF] =	sst s2;
	s9 =	sshrl.u32 s8, $0x1;
	(pc) =	sbr.rel .LBB2_1-.Ltmp0, $4  }
0x7: {  	_ =	strace $0x80000047;
	s6 =	sadd.s32 s6, s4;
	s30 =	ssub.s32 s8, s9  }
0x8: {  	s31 =	sadd.s32 s10, s6;
	s8 =	simm.s32 $0x13880;
	s9 =	simm.s32 $0x1  }
0x9: {  	s10 =	simm.s32 $0x13A00;
	s4 =	sadd.s32 s7, s4;
	s5 =	smax.u32 s30, $0x1  }
0xa: {  	v0 =	vimm.f32 $0.0e+00;
	v1 =	vimm.f32 $1.000000000e+00;
	s6 =	sadd.s32 $0x3C00, s31;
	s7 =	sadd.s32 $0x8C00, s31;
	s4 =	sadd.s32 $0xDC00, s4  }
.LBB2_7:
0xb: {  	s11 =	sadd.s32 $0x1, s11  }
0xc: {  	p0 =	sne.s32 s11, s5  }
.Ltmp1:
0xd: {  	_ = 	snop;
	(pc) =	sbr.rel @!p0 .LBB2_8-.Ltmp1, $4  }
0xe: {  	[hbm4b:s4+s2] =	stream.linear.scatter [tilespmem:s2], [sflag:$0x1], $0x13880, $0x38;
	[tilespmem:$0x13B80] =	vst v63  }
0xf: {  	_ =	swait.ge [sflag:s9], $0x13880  }
0x10: {  	[sflag:s9] =	ssyncset.done $0x0  }
0x11: {  	[sflag:s9] =	ssyncadd.s32 $0xFFFEC780  }
.LBB2_1:
0x12: {  	s12 =	simm.s32 $0x0  }
.LBB2_2:
0x13: {  	p0 =	sne.s32 s12, $0x4E1C0  }
.Ltmp2:
0x14: {  	_ = 	snop;
	(pc) =	sbr.rel @p0 .LBB2_2-.Ltmp2, $3  }
0x15: {  	_ =	sdelay $0x1  }
0x16: {  	s13 =	sshra.s32 s12, $0x2  }
0x17: {  	s12 =	sadd.s32 $0x40, s12;
	[tilespmem:s13+$0x0] =	vst v0  }
.Ltmp3:
0x18: {  	(pc) =	sbr.rel .LBB2_4-.Ltmp3, $2  }
0x19: {  	_ =	sdelay $0x2  }
0x1a: {  	s12 =	simm.s32 $0x0;
	s13 =	smov.u32 s3  }
.LBB2_6:
0x1b: {  	s12 =	sadd.s32 $0x500, s12  }
0x1c: {  	p0 =	sne.s32 s12, $0x5000  }
.Ltmp4:
0x1d: {  	_ = 	snop;
	(pc) =	sbr.rel @!p0 .LBB2_7-.Ltmp4, $2  }
0x1e: {  	_ =	sdelay $0x2  }
0x1f: {  	s13 =	sadd.s32 $0x20, s13  }
.LBB2_4:
0x20: {  	p0 =	sgt.u32 s13, $0x1F3  }
.Ltmp5:
0x21: {  	_ = 	snop;
	(pc) =	sbr.rel @p0 .LBB2_6-.Ltmp5, $1  }
0x22: {  	_ =	sdelay $0x3  }
0x23: {  	s14 =	sadd.s32 s12, s6  }
0x24: {  	[tilespmem:s8], [sflag:$0x1] =	stream.linear.gather [hbm4b:s14+s2], $0x140, $0x38;
	[tilespmem:$0x13B80] =	vst v63  }
0x25: {  	_ =	swait.ge [sflag:s9], $0x140  }
0x26: {  	[sflag:s9] =	ssyncset.done $0x0  }
0x27: {  	s31 =	sadd.s32 s12, s7;
	[sflag:s9] =	ssyncadd.s32 $0xFFFFFEC0  }
0x28: {  	[tilespmem:s10], [sflag:$0x1] =	stream.linear.gather [hbm4b:s31+s2], $0x140, $0x38;
	[tilespmem:$0x13B80] =	vst v63  }
0x29: {  	_ =	swait.ge [sflag:s9], $0x140  }
0x2a: {  	[sflag:s9] =	ssyncset.done $0x0  }
0x2b: {  	[sflag:s9] =	ssyncadd.s32 $0xFFFFFEC0  }
0x2c: {  	v2 =	vld [tilespmem:$0x13880]  }
0x2d: {  	v3 =	vld [tilespmem:$0x13A00];
	_ =	sdelay $0x3  }
0x2e: {  	v2 =	vshll.u32 v2, $0x3  }
0x2f: {  	v2 =	vadd.s32 v3, v2;
	_ =	sdelay $0x4  }
0x30: {  	[tilespmem:v2+s2+$0x0] =	vst.idx.add.f32.msk $0xffff, v1  }
0x31: {  	v2 =	vld [tilespmem:$0x13890]  }
0x32: {  	v3 =	vld [tilespmem:$0x13A10];
	_ =	sdelay $0x3  }
0x33: {  	v2 =	vshll.u32 v2, $0x3  }
0x34: {  	v2 =	vadd.s32 v3, v2;
	_ =	sdelay $0x4  }
0x35: {  	[tilespmem:v2+s2+$0x0] =	vst.idx.add.f32.msk $0xffff, v1  }
0x36: {  	v2 =	vld [tilespmem:$0x138A0]  }
0x37: {  	v3 =	vld [tilespmem:$0x13A20];
	_ =	sdelay $0x3  }
0x38: {  	v2 =	vshll.u32 v2, $0x3  }
0x39: {  	v2 =	vadd.s32 v3, v2;
	_ =	sdelay $0x4  }
0x3a: {  	[tilespmem:v2+s2+$0x0] =	vst.idx.add.f32.msk $0xffff, v1  }
0x3b: {  	v2 =	vld [tilespmem:$0x138B0]  }
0x3c: {  	v3 =	vld [tilespmem:$0x13A30];
	_ =	sdelay $0x3  }
0x3d: {  	v2 =	vshll.u32 v2, $0x3  }
0x3e: {  	v2 =	vadd.s32 v3, v2;
	_ =	sdelay $0x4  }
0x3f: {  	[tilespmem:v2+s2+$0x0] =	vst.idx.add.f32.msk $0xffff, v1  }
0x40: {  	v2 =	vld [tilespmem:$0x138C0]  }
0x41: {  	v3 =	vld [tilespmem:$0x13A40];
	_ =	sdelay $0x3  }
0x42: {  	v2 =	vshll.u32 v2, $0x3  }
0x43: {  	v2 =	vadd.s32 v3, v2;
	_ =	sdelay $0x4  }
0x44: {  	[tilespmem:v2+s2+$0x0] =	vst.idx.add.f32.msk $0xffff, v1  }
0x45: {  	v2 =	vld [tilespmem:$0x138D0]  }
0x46: {  	v3 =	vld [tilespmem:$0x13A50];
	_ =	sdelay $0x3  }
0x47: {  	v2 =	vshll.u32 v2, $0x3  }
0x48: {  	v2 =	vadd.s32 v3, v2;
	_ =	sdelay $0x4  }
0x49: {  	[tilespmem:v2+s2+$0x0] =	vst.idx.add.f32.msk $0xffff, v1  }
0x4a: {  	v2 =	vld [tilespmem:$0x138E0]  }
0x4b: {  	v3 =	vld [tilespmem:$0x13A60];
	_ =	sdelay $0x3  }
0x4c: {  	v2 =	vshll.u32 v2, $0x3  }
0x4d: {  	v2 =	vadd.s32 v3, v2;
	_ =	sdelay $0x4  }
0x4e: {  	[tilespmem:v2+s2+$0x0] =	vst.idx.add.f32.msk $0xffff, v1  }
0x4f: {  	v2 =	vld [tilespmem:$0x138F0]  }
0x50: {  	v3 =	vld [tilespmem:$0x13A70];
	_ =	sdelay $0x3  }
0x51: {  	v2 =	vshll.u32 v2, $0x3  }
0x52: {  	v2 =	vadd.s32 v3, v2;
	_ =	sdelay $0x4  }
0x53: {  	[tilespmem:v2+s2+$0x0] =	vst.idx.add.f32.msk $0xffff, v1  }
0x54: {  	v2 =	vld [tilespmem:$0x13900]  }
0x55: {  	v3 =	vld [tilespmem:$0x13A80];
	_ =	sdelay $0x3  }
0x56: {  	v2 =	vshll.u32 v2, $0x3  }
0x57: {  	v2 =	vadd.s32 v3, v2;
	_ =	sdelay $0x4  }
0x58: {  	[tilespmem:v2+s2+$0x0] =	vst.idx.add.f32.msk $0xffff, v1  }
0x59: {  	v2 =	vld [tilespmem:$0x13910]  }
0x5a: {  	v3 =	vld [tilespmem:$0x13A90];
	_ =	sdelay $0x3  }
0x5b: {  	v2 =	vshll.u32 v2, $0x3  }
0x5c: {  	v2 =	vadd.s32 v3, v2;
	_ =	sdelay $0x4  }
0x5d: {  	[tilespmem:v2+s2+$0x0] =	vst.idx.add.f32.msk $0xffff, v1  }
0x5e: {  	v2 =	vld [tilespmem:$0x13920]  }
0x5f: {  	v3 =	vld [tilespmem:$0x13AA0];
	_ =	sdelay $0x3  }
0x60: {  	v2 =	vshll.u32 v2, $0x3  }
0x61: {  	v2 =	vadd.s32 v3, v2;
	_ =	sdelay $0x4  }
0x62: {  	[tilespmem:v2+s2+$0x0] =	vst.idx.add.f32.msk $0xffff, v1  }
0x63: {  	v2 =	vld [tilespmem:$0x13930]  }
0x64: {  	v3 =	vld [tilespmem:$0x13AB0];
	_ =	sdelay $0x3  }
0x65: {  	v2 =	vshll.u32 v2, $0x3  }
0x66: {  	v2 =	vadd.s32 v3, v2;
	_ =	sdelay $0x4  }
0x67: {  	[tilespmem:v2+s2+$0x0] =	vst.idx.add.f32.msk $0xffff, v1  }
0x68: {  	v2 =	vld [tilespmem:$0x13940]  }
0x69: {  	v3 =	vld [tilespmem:$0x13AC0];
	_ =	sdelay $0x3  }
0x6a: {  	v2 =	vshll.u32 v2, $0x3  }
0x6b: {  	v2 =	vadd.s32 v3, v2;
	_ =	sdelay $0x4  }
0x6c: {  	[tilespmem:v2+s2+$0x0] =	vst.idx.add.f32.msk $0xffff, v1  }
0x6d: {  	v2 =	vld [tilespmem:$0x13950]  }
0x6e: {  	v3 =	vld [tilespmem:$0x13AD0];
	_ =	sdelay $0x3  }
0x6f: {  	v2 =	vshll.u32 v2, $0x3  }
0x70: {  	v2 =	vadd.s32 v3, v2;
	_ =	sdelay $0x4  }
0x71: {  	[tilespmem:v2+s2+$0x0] =	vst.idx.add.f32.msk $0xffff, v1  }
0x72: {  	v2 =	vld [tilespmem:$0x13960]  }
0x73: {  	v3 =	vld [tilespmem:$0x13AE0];
	_ =	sdelay $0x3  }
0x74: {  	v2 =	vshll.u32 v2, $0x3  }
0x75: {  	v2 =	vadd.s32 v3, v2;
	_ =	sdelay $0x4  }
0x76: {  	[tilespmem:v2+s2+$0x0] =	vst.idx.add.f32.msk $0xffff, v1  }
0x77: {  	v2 =	vld [tilespmem:$0x13970]  }
0x78: {  	v3 =	vld [tilespmem:$0x13AF0];
	_ =	sdelay $0x3  }
0x79: {  	v2 =	vshll.u32 v2, $0x3  }
0x7a: {  	v2 =	vadd.s32 v3, v2;
	_ =	sdelay $0x4  }
0x7b: {  	[tilespmem:v2+s2+$0x0] =	vst.idx.add.f32.msk $0xffff, v1  }
0x7c: {  	v2 =	vld [tilespmem:$0x13980]  }
0x7d: {  	v3 =	vld [tilespmem:$0x13B00];
	_ =	sdelay $0x3  }
0x7e: {  	v2 =	vshll.u32 v2, $0x3  }
0x7f: {  	v2 =	vadd.s32 v3, v2;
	_ =	sdelay $0x4  }
0x80: {  	[tilespmem:v2+s2+$0x0] =	vst.idx.add.f32.msk $0xffff, v1  }
0x81: {  	v2 =	vld [tilespmem:$0x13990]  }
0x82: {  	v3 =	vld [tilespmem:$0x13B10];
	_ =	sdelay $0x3  }
0x83: {  	v2 =	vshll.u32 v2, $0x3  }
0x84: {  	v2 =	vadd.s32 v3, v2;
	_ =	sdelay $0x4  }
0x85: {  	[tilespmem:v2+s2+$0x0] =	vst.idx.add.f32.msk $0xffff, v1  }
0x86: {  	v2 =	vld [tilespmem:$0x139A0]  }
0x87: {  	v3 =	vld [tilespmem:$0x13B20];
	_ =	sdelay $0x3  }
0x88: {  	v2 =	vshll.u32 v2, $0x3  }
0x89: {  	v2 =	vadd.s32 v3, v2;
	_ =	sdelay $0x4  }
0x8a: {  	[tilespmem:v2+s2+$0x0] =	vst.idx.add.f32.msk $0xffff, v1  }
0x8b: {  	v2 =	vld [tilespmem:$0x139B0]  }
0x8c: {  	v3 =	vld [tilespmem:$0x13B30];
	_ =	sdelay $0x3  }
0x8d: {  	v2 =	vshll.u32 v2, $0x3  }
0x8e: {  	v2 =	vadd.s32 v3, v2  }
.Ltmp6:
0x8f: {  	_ = 	snop;
	(pc) =	sbr.rel .LBB2_6-.Ltmp6, $2  }
0x90: {  	_ =	sdelay $0x2  }
0x91: {  	[tilespmem:v2+s2+$0x0] =	vst.idx.add.f32.msk $0xffff, v1  }
.LBB2_8:
0x92: {  	_ =	sfence.sel $0x180000  }
0x93: {  	[bflag:$0x0] =	sbarrier.arrive $0xFFFF  }
0x94: {  	p0 =	sne.s32 s1, $0x0;
	_ =	strace $0x90000047  }
0x95: {  	s0 =	sadd.s32 @!p0 $0x100000, s0;
	[bflag:$0x2] =	sbarrier.arrive $0xFFFF  }
0x96: {  	[sflag:s0] =	ssyncadd.tile.s32 @!p0 $0x1;
	_ =	shalt  }
.Lfunc_end2:
_tile_overlayer_lowered:
.L_overlay_start_2:
0x97: {  	(tag) =	ssettag $0x2  }
0x98: {  	s0 =	rddreg [dreg:$0x0];
	s2 =	stileid.u32  }
0x99: {  	s1 =	rddreg [dreg:$0x1];
	p0 =	sne.s32 s2, $0x0  }
0x9a: {  	s3 =	rddreg [dreg:$0x2];
	[bflag:$0x3] =	sbarrier.arrive $0xFFFF;
	s2 =	simm.s32 @!p0 $0x1C01  }
0x9b: {  	[timem:s3], [sflag:s2] =	dma.local @!p0 [hbm:s0], s1  }
0x9c: {  	s0 =	simm.s32 @!p0 $0x1  }
0x9d: {  	_ =	swait.ge @!p0 [sflag:s0], s1  }
0x9e: {  	s1 =	ssub.s32 @!p0 $0x0, s1;
	[sflag:s0] =	ssyncset.done @!p0 $0x0  }
0x9f: {  	[sflag:s0] =	ssyncadd.s32 @!p0 s1  }
0xa0: {  	[bflag:$0x3] =	sbarrier.arrive $0xFFFF  }
0xa1: {  	_ =	shalt  }

</sc_bundles>
